<compile_context>
chip_gen: v7x
topology: tpu7x:2x2x1
jax: 0.10.2.dev20260603
libtpu: 0.0.44.dev20260713+nightly
codegen_flags: <defaults>
</compile_context>

<pallas_src>
import functools

import jax
import jax.numpy as jnp
from jax import lax
from jax.experimental import pallas as pl
from jax.experimental.pallas import tpu as pltpu
from jax.experimental.pallas import tpu_sc as plsc

NUM_LANGUAGES = 100000
EMBED_DIM = 64
BATCH = 16384

NC = 2
NS = 16
NW = NC * NS
B_PER_W = BATCH // NW
CH = 128
NCHUNK = B_PER_W // CH
L = 16
CGROUPS = CH // L
ROW_PAD = 2 * EMBED_DIM


def _rsqrt_newton(x):
    i = plsc.bitcast(x, jnp.int32)
    i = jnp.int32(0x5F3759DF) - (i >> 1)
    y = plsc.bitcast(i, jnp.float32)
    half_x = x * 0.5
    for _ in range(3):
        y = y * (1.5 - half_x * y * y)
    return y


def _make_sc_kernel():
    mesh = plsc.VectorSubcoreMesh(core_axis_name="c", subcore_axis_name="s")

    @functools.partial(
        pl.kernel,
        mesh=mesh,
        out_type=jax.ShapeDtypeStruct((BATCH,), jnp.float32),
        compiler_params=pltpu.CompilerParams(needs_layout_passes=False),
        scratch_types=[
            pltpu.VMEM((NCHUNK, CH), jnp.int32),
            pltpu.VMEM((NCHUNK, CH), jnp.int32),
            pltpu.VMEM((CH, ROW_PAD), jnp.float32),
            pltpu.VMEM((CH, ROW_PAD), jnp.float32),
            pltpu.VMEM((B_PER_W,), jnp.float32),
            pltpu.SemaphoreType.DMA,
        ],
    )
    def sc_kernel(src_idx_hbm, tgt_idx_hbm, table_hbm, drain_hbm, out_hbm,
                  idx_s, idx_t, rows_s, rows_t, out_v, sem_a):
        wid = lax.axis_index("s") * NC + lax.axis_index("c")
        base = wid * B_PER_W

        pltpu.sync_copy(src_idx_hbm.at[pl.ds(wid * NCHUNK, NCHUNK)], idx_s)
        pltpu.sync_copy(tgt_idx_hbm.at[pl.ds(wid * NCHUNK, NCHUNK)], idx_t)

        eps = jnp.float32(1e-8)
        lanes = jnp.arange(L, dtype=jnp.int32)
        zeros = jnp.zeros((L,), jnp.float32)

        def fetch(ci, sem):
            def fetch_body(g, _):
                vs = idx_s[ci, pl.ds(g * L, L)]
                vt = idx_t[ci, pl.ds(g * L, L)]
                for j in range(L):
                    k = g * L + j
                    pltpu.async_copy(table_hbm.at[vs[j]],
                                     rows_s.at[k, pl.ds(0, EMBED_DIM)],
                                     sem)
                    pltpu.async_copy(table_hbm.at[vt[j]],
                                     rows_t.at[k, pl.ds(0, EMBED_DIM)],
                                     sem)
                return _

            lax.fori_loop(0, CGROUPS, fetch_body, None)

        def drain(sem):
            pltpu.make_async_copy(
                drain_hbm, rows_s.at[pl.ds(0, CH // 2)], sem
            ).wait()
            pltpu.make_async_copy(
                drain_hbm, rows_t.at[pl.ds(0, CH // 2)], sem
            ).wait()

        def compute(ci):
            def grp_body(g, _):
                acc_d = zeros
                acc_a = zeros
                acc_b = zeros
                for j in range(L):
                    i = g * L + j
                    sv0 = rows_s[i, pl.ds(0, L)]
                    tv0 = rows_t[i, pl.ds(0, L)]
                    dot_p = sv0 * tv0
                    n1_p = sv0 * sv0
                    n2_p = tv0 * tv0
                    for c in range(1, EMBED_DIM // L):
                        sv = rows_s[i, pl.ds(c * L, L)]
                        tv = rows_t[i, pl.ds(c * L, L)]
                        dot_p = dot_p + sv * tv
                        n1_p = n1_p + sv * sv
                        n2_p = n2_p + tv * tv
                    mask = lanes == j
                    acc_d = jnp.where(mask, jnp.sum(dot_p), acc_d)
                    acc_a = jnp.where(mask, jnp.sum(n1_p), acc_a)
                    acc_b = jnp.where(mask, jnp.sum(n2_p), acc_b)
                na = acc_a * _rsqrt_newton(acc_a)
                nb = acc_b * _rsqrt_newton(acc_b)
                denom = jnp.maximum(na, eps) * jnp.maximum(nb, eps)
                sim = acc_d / denom
                out_v[pl.ds(ci * CH + g * L, L)] = sim * 0.5 + 0.5
                return _

            lax.fori_loop(0, CGROUPS, grp_body, None)

        def chunk_body(ci, _):
            fetch(ci, sem_a)
            drain(sem_a)
            compute(ci)
            return _

        lax.fori_loop(0, NCHUNK, chunk_body, None)

        pltpu.sync_copy(out_v, out_hbm.at[pl.ds(base, B_PER_W)])

    return sc_kernel


_SC_KERNEL = _make_sc_kernel()


@jax.jit
def kernel(source_lang_id, target_lang_id, table):
    src = source_lang_id.astype(jnp.int32).reshape(BATCH // CH, CH)
    tgt = target_lang_id.astype(jnp.int32).reshape(BATCH // CH, CH)
    drain_src = jnp.zeros((CH // 2, ROW_PAD), jnp.float32)
    return _SC_KERNEL(src, tgt, table, drain_src)

# --- scband reference (transcript-rebuilt; emitter-appended) ---
"""Pipeline reference for scband-phonetic-similarity-matrix-81982335746325 (READ-ONLY COPY).

The authoritative reference and input builder live on the scoring server;
editing this copy changes nothing except your own understanding.
"""

import jax, jax.numpy as jnp
import numpy as np

NUM_LANGUAGES = 100000
EMBED_DIM = 64
BATCH = 16384

def setup_inputs(seed: int = 0) -> dict:
    key = jax.random.key(seed)
    k1, k2, k3 = jax.random.split(key, 3)
    source_lang_id = jax.random.randint(k1, (BATCH,), 0, NUM_LANGUAGES, dtype=jnp.int64 if jax.config.read('jax_enable_x64') else jnp.int32)
    target_lang_id = jax.random.randint(k2, (BATCH,), 0, NUM_LANGUAGES, dtype=jnp.int64 if jax.config.read('jax_enable_x64') else jnp.int32)
    # learned embedding table, init normal(0, 0.1) per module init
    table = jax.random.normal(k3, (NUM_LANGUAGES, EMBED_DIM), dtype=jnp.float32) * 0.1
    return {"source_lang_id": source_lang_id, "target_lang_id": target_lang_id, "table": table}

def reference(source_lang_id, target_lang_id, table):
    # embedding lookups (gather)
    source_emb = jnp.take(table, source_lang_id, axis=0)  # [B, D]
    target_emb = jnp.take(table, target_lang_id, axis=0)  # [B, D]
    # cosine similarity along last dim, matching torch.nn.functional.cosine_similarity (eps=1e-8)
    eps = 1e-8
    dot = jnp.sum(source_emb * target_emb, axis=-1)
    n1 = jnp.sqrt(jnp.sum(source_emb * source_emb, axis=-1))
    n2 = jnp.sqrt(jnp.sum(target_emb * target_emb, axis=-1))
    similarity = dot / (jnp.maximum(n1, eps) * jnp.maximum(n2, eps))
    similarity = (similarity + 1.0) / 2.0
    return similarity

if __name__ == "__main__":
    import jax
    _d = setup_inputs()
    print(jax.jit(kernel)(*tuple(_d.values())))

</pallas_src>

<mosaic_0001>
#map = affine_map<(d0, d1) -> (0, 0)>
#map1 = affine_map<(d0, d1) -> (0)>
module attributes {stable_mosaic.version = 14 : i64} {
  func.func @sc_kernel(%arg0: i32, %arg1: i32, %arg2: memref<128x128xi32, #tpu.memory_space<hbm>>, %arg3: memref<128x128xi32, #tpu.memory_space<hbm>>, %arg4: memref<100000x64xf32, #tpu.memory_space<hbm>>, %arg5: memref<64x128xf32, #tpu.memory_space<hbm>>, %arg6: memref<16384xf32, #tpu.memory_space<hbm>>, %arg7: memref<4x128xi32, #tpu.memory_space<vmem>>, %arg8: memref<4x128xi32, #tpu.memory_space<vmem>>, %arg9: memref<128x128xf32, #tpu.memory_space<vmem>>, %arg10: memref<128x128xf32, #tpu.memory_space<vmem>>, %arg11: memref<512xf32, #tpu.memory_space<vmem>>, %arg12: memref<!tpu.dma_semaphore, #tpu.memory_space<semaphore_mem>>) attributes {dimension_semantics = [#tpu.dimension_semantics<core_parallel>, #tpu.dimension_semantics<subcore_parallel>], iteration_bounds = array<i64: 2, 16>, scalar_prefetch = 0 : i64, scratch_operands = 6 : i64, tpu.core_type = #tpu.core_type<sc_vector_subcore>, window_params = [{transform_indices = #map}, {transform_indices = #map}, {transform_indices = #map}, {transform_indices = #map}, {transform_indices = #map1}]} {
    %mul3A = arith.constant 2 : i32
    %mul3A_0 = arith.muli %arg1, %mul3A : i32
    %add3A = arith.addi %mul3A_0, %arg0 : i32
    %mul3A_1 = arith.constant 512 : i32
    %mul3A_2 = arith.muli %add3A, %mul3A_1 : i32
    %mul3A_3 = arith.constant 4 : i32
    %mul3A_4 = arith.muli %add3A, %mul3A_3 : i32
    "tpu.region"() ({
      %run_scoped3A = tpu.sem_alloc : memref<!tpu.dma_semaphore, #tpu.memory_space<semaphore_mem>>
      %dma_start3A = arith.constant 0 : i32
      %dma_start3A_13 = tpu.memref_slice %arg2[%mul3A_4, %dma_start3A] : memref<128x128xi32, #tpu.memory_space<hbm>> -> memref<4x128xi32, #tpu.memory_space<hbm>>
      %dma_start3A_14 = arith.constant 0 : i32
      %dma_start3A_15 = tpu.memref_slice %arg2[%mul3A_4, %dma_start3A_14] : memref<128x128xi32, #tpu.memory_space<hbm>> -> memref<4x128xi32, #tpu.memory_space<hbm>>
      tpu.enqueue_dma source(%dma_start3A_15 : memref<4x128xi32, #tpu.memory_space<hbm>>) target(%arg7 : memref<4x128xi32, #tpu.memory_space<vmem>>) target_semaphore(%run_scoped3A : memref<!tpu.dma_semaphore, #tpu.memory_space<semaphore_mem>>)
      %dma_wait3A = arith.constant 0 : i32
      %dma_wait3A_16 = tpu.memref_slice %arg2[%mul3A_4, %dma_wait3A] : memref<128x128xi32, #tpu.memory_space<hbm>> -> memref<4x128xi32, #tpu.memory_space<hbm>>
      %dma_wait3A_17 = arith.constant 0 : i32
      %dma_wait3A_18 = tpu.memref_slice %arg2[%mul3A_4, %dma_wait3A_17] : memref<128x128xi32, #tpu.memory_space<hbm>> -> memref<4x128xi32, #tpu.memory_space<hbm>>
      tpu.wait_dma2 semaphore(%run_scoped3A : memref<!tpu.dma_semaphore, #tpu.memory_space<semaphore_mem>>) src(%dma_wait3A_18 : memref<4x128xi32, #tpu.memory_space<hbm>>) dst(%arg7 : memref<4x128xi32, #tpu.memory_space<vmem>>)
      tpu.yield
    }) : () -> ()
    %mul3A_5 = arith.constant 4 : i32
    %mul3A_6 = arith.muli %add3A, %mul3A_5 : i32
    "tpu.region"() ({
      %run_scoped3A = tpu.sem_alloc : memref<!tpu.dma_semaphore, #tpu.memory_space<semaphore_mem>>
      %dma_start3A = arith.constant 0 : i32
      %dma_start3A_13 = tpu.memref_slice %arg3[%mul3A_6, %dma_start3A] : memref<128x128xi32, #tpu.memory_space<hbm>> -> memref<4x128xi32, #tpu.memory_space<hbm>>
      %dma_start3A_14 = arith.constant 0 : i32
      %dma_start3A_15 = tpu.memref_slice %arg3[%mul3A_6, %dma_start3A_14] : memref<128x128xi32, #tpu.memory_space<hbm>> -> memref<4x128xi32, #tpu.memory_space<hbm>>
      tpu.enqueue_dma source(%dma_start3A_15 : memref<4x128xi32, #tpu.memory_space<hbm>>) target(%arg8 : memref<4x128xi32, #tpu.memory_space<vmem>>) target_semaphore(%run_scoped3A : memref<!tpu.dma_semaphore, #tpu.memory_space<semaphore_mem>>)
      %dma_wait3A = arith.constant 0 : i32
      %dma_wait3A_16 = tpu.memref_slice %arg3[%mul3A_6, %dma_wait3A] : memref<128x128xi32, #tpu.memory_space<hbm>> -> memref<4x128xi32, #tpu.memory_space<hbm>>
      %dma_wait3A_17 = arith.constant 0 : i32
      %dma_wait3A_18 = tpu.memref_slice %arg3[%mul3A_6, %dma_wait3A_17] : memref<128x128xi32, #tpu.memory_space<hbm>> -> memref<4x128xi32, #tpu.memory_space<hbm>>
      tpu.wait_dma2 semaphore(%run_scoped3A : memref<!tpu.dma_semaphore, #tpu.memory_space<semaphore_mem>>) src(%dma_wait3A_18 : memref<4x128xi32, #tpu.memory_space<hbm>>) dst(%arg8 : memref<4x128xi32, #tpu.memory_space<vmem>>)
      tpu.yield
    }) : () -> ()
    %iota3A = tpu.iota {dimensions = array<i32: 0>} : vector<16xi32>
    %broadcast_in_dim3A = arith.constant 0.000000e+00 : f32
    %broadcast_in_dim3A_7 = vector.broadcast %broadcast_in_dim3A : f32 to vector<16xf32>
    %scan3A = arith.constant 9.99999993E-9 : f32
    %scan3A_8 = arith.constant 0 : i32
    %scan3A_9 = arith.constant 4 : i32
    %scan3A_10 = arith.addi %scan3A_8, %scan3A_9 : i32
    %scan3A_11 = arith.constant 1 : i32
    scf.for %scan3A_13 = %scan3A_8 to %scan3A_10 step %scan3A_11  : i32 {
      %scan3A_14 = arith.constant 0 : i32
      %scan3A_15 = arith.constant 8 : i32
      %scan3A_16 = arith.addi %scan3A_14, %scan3A_15 : i32
      %scan3A_17 = arith.constant 1 : i32
      scf.for %scan3A_35 = %scan3A_14 to %scan3A_16 step %scan3A_17  : i32 {
        %mul3A_36 = arith.constant 16 : i32
        %mul3A_37 = arith.muli %scan3A_35, %mul3A_36 : i32
        %get3A = arith.index_cast %scan3A_13 : i32 to index
        %get3A_38 = arith.index_cast %mul3A_37 : i32 to index
        %get3A_39 = tpu.vector_load %arg7[%get3A, %get3A_38] {strides = array<i32>} : memref<4x128xi32, #tpu.memory_space<vmem>>, vector<16xi32>,
        %mul3A_40 = arith.constant 16 : i32
        %mul3A_41 = arith.muli %scan3A_35, %mul3A_40 : i32
        %get3A_42 = arith.index_cast %scan3A_13 : i32 to index
        %get3A_43 = arith.index_cast %mul3A_41 : i32 to index
        %get3A_44 = tpu.vector_load %arg8[%get3A_42, %get3A_43] {strides = array<i32>} : memref<4x128xi32, #tpu.memory_space<vmem>>, vector<16xi32>,
        %mul3A_45 = arith.constant 16 : i32
        %mul3A_46 = arith.muli %scan3A_35, %mul3A_45 : i32
        %add3A_47 = arith.constant 0 : i32
        %add3A_48 = arith.addi %mul3A_46, %add3A_47 : i32
        %slice3A = vector.extract_strided_slice %get3A_39 {offsets = [0], sizes = [1], strides = [1]} : vector<16xi32> to vector<1xi32>
        %squeeze3A = vector.extract %slice3A[0] : i32 from vector<1xi32>
        %dma_start3A = arith.constant 0 : i32
        %dma_start3A_49 = tpu.memref_slice %arg9[%add3A_48, %dma_start3A] : memref<128x128xf32, #tpu.memory_space<vmem>> -> memref<1x64xf32, #tpu.memory_space<vmem>>
        %dma_start3A_50 = tpu.memref_squeeze %dma_start3A_49 : memref<1x64xf32, #tpu.memory_space<vmem>> -> memref<64xf32, #tpu.memory_space<vmem>>
        %dma_start3A_51 = arith.constant 0 : i32
        %dma_start3A_52 = tpu.memref_slice %arg4[%squeeze3A, %dma_start3A_51] : memref<100000x64xf32, #tpu.memory_space<hbm>> -> memref<1x64xf32, #tpu.memory_space<hbm>>
        %dma_start3A_53 = tpu.memref_squeeze %dma_start3A_52 : memref<1x64xf32, #tpu.memory_space<hbm>> -> memref<64xf32, #tpu.memory_space<hbm>>
        %dma_start3A_54 = arith.constant 0 : i32
        %dma_start3A_55 = tpu.memref_slice %arg9[%add3A_48, %dma_start3A_54] : memref<128x128xf32, #tpu.memory_space<vmem>> -> memref<1x64xf32, #tpu.memory_space<vmem>>
        %dma_start3A_56 = tpu.memref_squeeze %dma_start3A_55 : memref<1x64xf32, #tpu.memory_space<vmem>> -> memref<64xf32, #tpu.memory_space<vmem>>
        %dma_start3A_57 = arith.constant 0 : i32
        %dma_start3A_58 = tpu.memref_slice %arg4[%squeeze3A, %dma_start3A_57] : memref<100000x64xf32, #tpu.memory_space<hbm>> -> memref<1x64xf32, #tpu.memory_space<hbm>>
        %dma_start3A_59 = tpu.memref_squeeze %dma_start3A_58 : memref<1x64xf32, #tpu.memory_space<hbm>> -> memref<64xf32, #tpu.memory_space<hbm>>
        tpu.enqueue_dma source(%dma_start3A_59 : memref<64xf32, #tpu.memory_space<hbm>>) target(%dma_start3A_56 : memref<64xf32, #tpu.memory_space<vmem>>) target_semaphore(%arg12 : memref<!tpu.dma_semaphore, #tpu.memory_space<semaphore_mem>>)
        %slice3A_60 = vector.extract_strided_slice %get3A_44 {offsets = [0], sizes = [1], strides = [1]} : vector<16xi32> to vector<1xi32>
        %squeeze3A_61 = vector.extract %slice3A_60[0] : i32 from vector<1xi32>
        %dma_start3A_62 = arith.constant 0 : i32
        %dma_start3A_63 = tpu.memref_slice %arg10[%add3A_48, %dma_start3A_62] : memref<128x128xf32, #tpu.memory_space<vmem>> -> memref<1x64xf32, #tpu.memory_space<vmem>>
        %dma_start3A_64 = tpu.memref_squeeze %dma_start3A_63 : memref<1x64xf32, #tpu.memory_space<vmem>> -> memref<64xf32, #tpu.memory_space<vmem>>
        %dma_start3A_65 = arith.constant 0 : i32
        %dma_start3A_66 = tpu.memref_slice %arg4[%squeeze3A_61, %dma_start3A_65] : memref<100000x64xf32, #tpu.memory_space<hbm>> -> memref<1x64xf32, #tpu.memory_space<hbm>>
        %dma_start3A_67 = tpu.memref_squeeze %dma_start3A_66 : memref<1x64xf32, #tpu.memory_space<hbm>> -> memref<64xf32, #tpu.memory_space<hbm>>
        %dma_start3A_68 = arith.constant 0 : i32
        %dma_start3A_69 = tpu.memref_slice %arg10[%add3A_48, %dma_start3A_68] : memref<128x128xf32, #tpu.memory_space<vmem>> -> memref<1x64xf32, #tpu.memory_space<vmem>>
        %dma_start3A_70 = tpu.memref_squeeze %dma_start3A_69 : memref<1x64xf32, #tpu.memory_space<vmem>> -> memref<64xf32, #tpu.memory_space<vmem>>
        %dma_start3A_71 = arith.constant 0 : i32
        %dma_start3A_72 = tpu.memref_slice %arg4[%squeeze3A_61, %dma_start3A_71] : memref<100000x64xf32, #tpu.memory_space<hbm>> -> memref<1x64xf32, #tpu.memory_space<hbm>>
        %dma_start3A_73 = tpu.memref_squeeze %dma_start3A_72 : memref<1x64xf32, #tpu.memory_space<hbm>> -> memref<64xf32, #tpu.memory_space<hbm>>
        tpu.enqueue_dma source(%dma_start3A_73 : memref<64xf32, #tpu.memory_space<hbm>>) target(%dma_start3A_70 : memref<64xf32, #tpu.memory_space<vmem>>) target_semaphore(%arg12 : memref<!tpu.dma_semaphore, #tpu.memory_space<semaphore_mem>>)
        %mul3A_74 = arith.constant 16 : i32
        %mul3A_75 = arith.muli %scan3A_35, %mul3A_74 : i32
        %add3A_76 = arith.constant 1 : i32
        %add3A_77 = arith.addi %mul3A_75, %add3A_76 : i32
        %slice3A_78 = vector.extract_strided_slice %get3A_39 {offsets = [1], sizes = [1], strides = [1]} : vector<16xi32> to vector<1xi32>
        %squeeze3A_79 = vector.extract %slice3A_78[0] : i32 from vector<1xi32>
        %dma_start3A_80 = arith.constant 0 : i32
        %dma_start3A_81 = tpu.memref_slice %arg9[%add3A_77, %dma_start3A_80] : memref<128x128xf32, #tpu.memory_space<vmem>> -> memref<1x64xf32, #tpu.memory_space<vmem>>
        %dma_start3A_82 = tpu.memref_squeeze %dma_start3A_81 : memref<1x64xf32, #tpu.memory_space<vmem>> -> memref<64xf32, #tpu.memory_space<vmem>>
        %dma_start3A_83 = arith.constant 0 : i32
        %dma_start3A_84 = tpu.memref_slice %arg4[%squeeze3A_79, %dma_start3A_83] : memref<100000x64xf32, #tpu.memory_space<hbm>> -> memref<1x64xf32, #tpu.memory_space<hbm>>
        %dma_start3A_85 = tpu.memref_squeeze %dma_start3A_84 : memref<1x64xf32, #tpu.memory_space<hbm>> -> memref<64xf32, #tpu.memory_space<hbm>>
        %dma_start3A_86 = arith.constant 0 : i32
        %dma_start3A_87 = tpu.memref_slice %arg9[%add3A_77, %dma_start3A_86] : memref<128x128xf32, #tpu.memory_space<vmem>> -> memref<1x64xf32, #tpu.memory_space<vmem>>
        %dma_start3A_88 = tpu.memref_squeeze %dma_start3A_87 : memref<1x64xf32, #tpu.memory_space<vmem>> -> memref<64xf32, #tpu.memory_space<vmem>>
        %dma_start3A_89 = arith.constant 0 : i32
        %dma_start3A_90 = tpu.memref_slice %arg4[%squeeze3A_79, %dma_start3A_89] : memref<100000x64xf32, #tpu.memory_space<hbm>> -> memref<1x64xf32, #tpu.memory_space<hbm>>
        %dma_start3A_91 = tpu.memref_squeeze %dma_start3A_90 : memref<1x64xf32, #tpu.memory_space<hbm>> -> memref<64xf32, #tpu.memory_space<hbm>>
        tpu.enqueue_dma source(%dma_start3A_91 : memref<64xf32, #tpu.memory_space<hbm>>) target(%dma_start3A_88 : memref<64xf32, #tpu.memory_space<vmem>>) target_semaphore(%arg12 : memref<!tpu.dma_semaphore, #tpu.memory_space<semaphore_mem>>)
        %slice3A_92 = vector.extract_strided_slice %get3A_44 {offsets = [1], sizes = [1], strides = [1]} : vector<16xi32> to vector<1xi32>
        %squeeze3A_93 = vector.extract %slice3A_92[0] : i32 from vector<1xi32>
        %dma_start3A_94 = arith.constant 0 : i32
        %dma_start3A_95 = tpu.memref_slice %arg10[%add3A_77, %dma_start3A_94] : memref<128x128xf32, #tpu.memory_space<vmem>> -> memref<1x64xf32, #tpu.memory_space<vmem>>
        %dma_start3A_96 = tpu.memref_squeeze %dma_start3A_95 : memref<1x64xf32, #tpu.memory_space<vmem>> -> memref<64xf32, #tpu.memory_space<vmem>>
        %dma_start3A_97 = arith.constant 0 : i32
        %dma_start3A_98 = tpu.memref_slice %arg4[%squeeze3A_93, %dma_start3A_97] : memref<100000x64xf32, #tpu.memory_space<hbm>> -> memref<1x64xf32, #tpu.memory_space<hbm>>
        %dma_start3A_99 = tpu.memref_squeeze %dma_start3A_98 : memref<1x64xf32, #tpu.memory_space<hbm>> -> memref<64xf32, #tpu.memory_space<hbm>>
        %dma_start3A_100 = arith.constant 0 : i32
        %dma_start3A_101 = tpu.memref_slice %arg10[%add3A_77, %dma_start3A_100] : memref<128x128xf32, #tpu.memory_space<vmem>> -> memref<1x64xf32, #tpu.memory_space<vmem>>
        %dma_start3A_102 = tpu.memref_squeeze %dma_start3A_101 : memref<1x64xf32, #tpu.memory_space<vmem>> -> memref<64xf32, #tpu.memory_space<vmem>>
        %dma_start3A_103 = arith.constant 0 : i32
        %dma_start3A_104 = tpu.memref_slice %arg4[%squeeze3A_93, %dma_start3A_103] : memref<100000x64xf32, #tpu.memory_space<hbm>> -> memref<1x64xf32, #tpu.memory_space<hbm>>
        %dma_start3A_105 = tpu.memref_squeeze %dma_start3A_104 : memref<1x64xf32, #tpu.memory_space<hbm>> -> memref<64xf32, #tpu.memory_space<hbm>>
        tpu.enqueue_dma source(%dma_start3A_105 : memref<64xf32, #tpu.memory_space<hbm>>) target(%dma_start3A_102 : memref<64xf32, #tpu.memory_space<vmem>>) target_semaphore(%arg12 : memref<!tpu.dma_semaphore, #tpu.memory_space<semaphore_mem>>)
        %mul3A_106 = arith.constant 16 : i32
        %mul3A_107 = arith.muli %scan3A_35, %mul3A_106 : i32
        %add3A_108 = arith.constant 2 : i32
        %add3A_109 = arith.addi %mul3A_107, %add3A_108 : i32
        %slice3A_110 = vector.extract_strided_slice %get3A_39 {offsets = [2], sizes = [1], strides = [1]} : vector<16xi32> to vector<1xi32>
        %squeeze3A_111 = vector.extract %slice3A_110[0] : i32 from vector<1xi32>
        %dma_start3A_112 = arith.constant 0 : i32
        %dma_start3A_113 = tpu.memref_slice %arg9[%add3A_109, %dma_start3A_112] : memref<128x128xf32, #tpu.memory_space<vmem>> -> memref<1x64xf32, #tpu.memory_space<vmem>>
        %dma_start3A_114 = tpu.memref_squeeze %dma_start3A_113 : memref<1x64xf32, #tpu.memory_space<vmem>> -> memref<64xf32, #tpu.memory_space<vmem>>
        %dma_start3A_115 = arith.constant 0 : i32
        %dma_start3A_116 = tpu.memref_slice %arg4[%squeeze3A_111, %dma_start3A_115] : memref<100000x64xf32, #tpu.memory_space<hbm>> -> memref<1x64xf32, #tpu.memory_space<hbm>>
        %dma_start3A_117 = tpu.memref_squeeze %dma_start3A_116 : memref<1x64xf32, #tpu.memory_space<hbm>> -> memref<64xf32, #tpu.memory_space<hbm>>
        %dma_start3A_118 = arith.constant 0 : i32
        %dma_start3A_119 = tpu.memref_slice %arg9[%add3A_109, %dma_start3A_118] : memref<128x128xf32, #tpu.memory_space<vmem>> -> memref<1x64xf32, #tpu.memory_space<vmem>>
        %dma_start3A_120 = tpu.memref_squeeze %dma_start3A_119 : memref<1x64xf32, #tpu.memory_space<vmem>> -> memref<64xf32, #tpu.memory_space<vmem>>
        %dma_start3A_121 = arith.constant 0 : i32
        %dma_start3A_122 = tpu.memref_slice %arg4[%squeeze3A_111, %dma_start3A_121] : memref<100000x64xf32, #tpu.memory_space<hbm>> -> memref<1x64xf32, #tpu.memory_space<hbm>>
        %dma_start3A_123 = tpu.memref_squeeze %dma_start3A_122 : memref<1x64xf32, #tpu.memory_space<hbm>> -> memref<64xf32, #tpu.memory_space<hbm>>
        tpu.enqueue_dma source(%dma_start3A_123 : memref<64xf32, #tpu.memory_space<hbm>>) target(%dma_start3A_120 : memref<64xf32, #tpu.memory_space<vmem>>) target_semaphore(%arg12 : memref<!tpu.dma_semaphore, #tpu.memory_space<semaphore_mem>>)
        %slice3A_124 = vector.extract_strided_slice %get3A_44 {offsets = [2], sizes = [1], strides = [1]} : vector<16xi32> to vector<1xi32>
        %squeeze3A_125 = vector.extract %slice3A_124[0] : i32 from vector<1xi32>
        %dma_start3A_126 = arith.constant 0 : i32
        %dma_start3A_127 = tpu.memref_slice %arg10[%add3A_109, %dma_start3A_126] : memref<128x128xf32, #tpu.memory_space<vmem>> -> memref<1x64xf32, #tpu.memory_space<vmem>>
        %dma_start3A_128 = tpu.memref_squeeze %dma_start3A_127 : memref<1x64xf32, #tpu.memory_space<vmem>> -> memref<64xf32, #tpu.memory_space<vmem>>
        %dma_start3A_129 = arith.constant 0 : i32
        %dma_start3A_130 = tpu.memref_slice %arg4[%squeeze3A_125, %dma_start3A_129] : memref<100000x64xf32, #tpu.memory_space<hbm>> -> memref<1x64xf32, #tpu.memory_space<hbm>>
        %dma_start3A_131 = tpu.memref_squeeze %dma_start3A_130 : memref<1x64xf32, #tpu.memory_space<hbm>> -> memref<64xf32, #tpu.memory_space<hbm>>
        %dma_start3A_132 = arith.constant 0 : i32
        %dma_start3A_133 = tpu.memref_slice %arg10[%add3A_109, %dma_start3A_132] : memref<128x128xf32, #tpu.memory_space<vmem>> -> memref<1x64xf32, #tpu.memory_space<vmem>>
        %dma_start3A_134 = tpu.memref_squeeze %dma_start3A_133 : memref<1x64xf32, #tpu.memory_space<vmem>> -> memref<64xf32, #tpu.memory_space<vmem>>
        %dma_start3A_135 = arith.constant 0 : i32
        %dma_start3A_136 = tpu.memref_slice %arg4[%squeeze3A_125, %dma_start3A_135] : memref<100000x64xf32, #tpu.memory_space<hbm>> -> memref<1x64xf32, #tpu.memory_space<hbm>>
        %dma_start3A_137 = tpu.memref_squeeze %dma_start3A_136 : memref<1x64xf32, #tpu.memory_space<hbm>> -> memref<64xf32, #tpu.memory_space<hbm>>
        tpu.enqueue_dma source(%dma_start3A_137 : memref<64xf32, #tpu.memory_space<hbm>>) target(%dma_start3A_134 : memref<64xf32, #tpu.memory_space<vmem>>) target_semaphore(%arg12 : memref<!tpu.dma_semaphore, #tpu.memory_space<semaphore_mem>>)
        %mul3A_138 = arith.constant 16 : i32
        %mul3A_139 = arith.muli %scan3A_35, %mul3A_138 : i32
        %add3A_140 = arith.constant 3 : i32
        %add3A_141 = arith.addi %mul3A_139, %add3A_140 : i32
        %slice3A_142 = vector.extract_strided_slice %get3A_39 {offsets = [3], sizes = [1], strides = [1]} : vector<16xi32> to vector<1xi32>
        %squeeze3A_143 = vector.extract %slice3A_142[0] : i32 from vector<1xi32>
        %dma_start3A_144 = arith.constant 0 : i32
        %dma_start3A_145 = tpu.memref_slice %arg9[%add3A_141, %dma_start3A_144] : memref<128x128xf32, #tpu.memory_space<vmem>> -> memref<1x64xf32, #tpu.memory_space<vmem>>
        %dma_start3A_146 = tpu.memref_squeeze %dma_start3A_145 : memref<1x64xf32, #tpu.memory_space<vmem>> -> memref<64xf32, #tpu.memory_space<vmem>>
        %dma_start3A_147 = arith.constant 0 : i32
        %dma_start3A_148 = tpu.memref_slice %arg4[%squeeze3A_143, %dma_start3A_147] : memref<100000x64xf32, #tpu.memory_space<hbm>> -> memref<1x64xf32, #tpu.memory_space<hbm>>
        %dma_start3A_149 = tpu.memref_squeeze %dma_start3A_148 : memref<1x64xf32, #tpu.memory_space<hbm>> -> memref<64xf32, #tpu.memory_space<hbm>>
        %dma_start3A_150 = arith.constant 0 : i32
        %dma_start3A_151 = tpu.memref_slice %arg9[%add3A_141, %dma_start3A_150] : memref<128x128xf32, #tpu.memory_space<vmem>> -> memref<1x64xf32, #tpu.memory_space<vmem>>
        %dma_start3A_152 = tpu.memref_squeeze %dma_start3A_151 : memref<1x64xf32, #tpu.memory_space<vmem>> -> memref<64xf32, #tpu.memory_space<vmem>>
        %dma_start3A_153 = arith.constant 0 : i32
        %dma_start3A_154 = tpu.memref_slice %arg4[%squeeze3A_143, %dma_start3A_153] : memref<100000x64xf32, #tpu.memory_space<hbm>> -> memref<1x64xf32, #tpu.memory_space<hbm>>
        %dma_start3A_155 = tpu.memref_squeeze %dma_start3A_154 : memref<1x64xf32, #tpu.memory_space<hbm>> -> memref<64xf32, #tpu.memory_space<hbm>>
        tpu.enqueue_dma source(%dma_start3A_155 : memref<64xf32, #tpu.memory_space<hbm>>) target(%dma_start3A_152 : memref<64xf32, #tpu.memory_space<vmem>>) target_semaphore(%arg12 : memref<!tpu.dma_semaphore, #tpu.memory_space<semaphore_mem>>)
        %slice3A_156 = vector.extract_strided_slice %get3A_44 {offsets = [3], sizes = [1], strides = [1]} : vector<16xi32> to vector<1xi32>
        %squeeze3A_157 = vector.extract %slice3A_156[0] : i32 from vector<1xi32>
        %dma_start3A_158 = arith.constant 0 : i32
        %dma_start3A_159 = tpu.memref_slice %arg10[%add3A_141, %dma_start3A_158] : memref<128x128xf32, #tpu.memory_space<vmem>> -> memref<1x64xf32, #tpu.memory_space<vmem>>
        %dma_start3A_160 = tpu.memref_squeeze %dma_start3A_159 : memref<1x64xf32, #tpu.memory_space<vmem>> -> memref<64xf32, #tpu.memory_space<vmem>>
        %dma_start3A_161 = arith.constant 0 : i32
        %dma_start3A_162 = tpu.memref_slice %arg4[%squeeze3A_157, %dma_start3A_161] : memref<100000x64xf32, #tpu.memory_space<hbm>> -> memref<1x64xf32, #tpu.memory_space<hbm>>
        %dma_start3A_163 = tpu.memref_squeeze %dma_start3A_162 : memref<1x64xf32, #tpu.memory_space<hbm>> -> memref<64xf32, #tpu.memory_space<hbm>>
        %dma_start3A_164 = arith.constant 0 : i32
        %dma_start3A_165 = tpu.memref_slice %arg10[%add3A_141, %dma_start3A_164] : memref<128x128xf32, #tpu.memory_space<vmem>> -> memref<1x64xf32, #tpu.memory_space<vmem>>
        %dma_start3A_166 = tpu.memref_squeeze %dma_start3A_165 : memref<1x64xf32, #tpu.memory_space<vmem>> -> memref<64xf32, #tpu.memory_space<vmem>>
        %dma_start3A_167 = arith.constant 0 : i32
        %dma_start3A_168 = tpu.memref_slice %arg4[%squeeze3A_157, %dma_start3A_167] : memref<100000x64xf32, #tpu.memory_space<hbm>> -> memref<1x64xf32, #tpu.memory_space<hbm>>
        %dma_start3A_169 = tpu.memref_squeeze %dma_start3A_168 : memref<1x64xf32, #tpu.memory_space<hbm>> -> memref<64xf32, #tpu.memory_space<hbm>>
        tpu.enqueue_dma source(%dma_start3A_169 : memref<64xf32, #tpu.memory_space<hbm>>) target(%dma_start3A_166 : memref<64xf32, #tpu.memory_space<vmem>>) target_semaphore(%arg12 : memref<!tpu.dma_semaphore, #tpu.memory_space<semaphore_mem>>)
        %mul3A_170 = arith.constant 16 : i32
        %mul3A_171 = arith.muli %scan3A_35, %mul3A_170 : i32
        %add3A_172 = arith.constant 4 : i32
        %add3A_173 = arith.addi %mul3A_171, %add3A_172 : i32
        %slice3A_174 = vector.extract_strided_slice %get3A_39 {offsets = [4], sizes = [1], strides = [1]} : vector<16xi32> to vector<1xi32>
        %squeeze3A_175 = vector.extract %slice3A_174[0] : i32 from vector<1xi32>
        %dma_start3A_176 = arith.constant 0 : i32
        %dma_start3A_177 = tpu.memref_slice %arg9[%add3A_173, %dma_start3A_176] : memref<128x128xf32, #tpu.memory_space<vmem>> -> memref<1x64xf32, #tpu.memory_space<vmem>>
        %dma_start3A_178 = tpu.memref_squeeze %dma_start3A_177 : memref<1x64xf32, #tpu.memory_space<vmem>> -> memref<64xf32, #tpu.memory_space<vmem>>
        %dma_start3A_179 = arith.constant 0 : i32
        %dma_start3A_180 = tpu.memref_slice %arg4[%squeeze3A_175, %dma_start3A_179] : memref<100000x64xf32, #tpu.memory_space<hbm>> -> memref<1x64xf32, #tpu.memory_space<hbm>>
        %dma_start3A_181 = tpu.memref_squeeze %dma_start3A_180 : memref<1x64xf32, #tpu.memory_space<hbm>> -> memref<64xf32, #tpu.memory_space<hbm>>
        %dma_start3A_182 = arith.constant 0 : i32
        %dma_start3A_183 = tpu.memref_slice %arg9[%add3A_173, %dma_start3A_182] : memref<128x128xf32, #tpu.memory_space<vmem>> -> memref<1x64xf32, #tpu.memory_space<vmem>>
        %dma_start3A_184 = tpu.memref_squeeze %dma_start3A_183 : memref<1x64xf32, #tpu.memory_space<vmem>> -> memref<64xf32, #tpu.memory_space<vmem>>
        %dma_start3A_185 = arith.constant 0 : i32
        %dma_start3A_186 = tpu.memref_slice %arg4[%squeeze3A_175, %dma_start3A_185] : memref<100000x64xf32, #tpu.memory_space<hbm>> -> memref<1x64xf32, #tpu.memory_space<hbm>>
        %dma_start3A_187 = tpu.memref_squeeze %dma_start3A_186 : memref<1x64xf32, #tpu.memory_space<hbm>> -> memref<64xf32, #tpu.memory_space<hbm>>
        tpu.enqueue_dma source(%dma_start3A_187 : memref<64xf32, #tpu.memory_space<hbm>>) target(%dma_start3A_184 : memref<64xf32, #tpu.memory_space<vmem>>) target_semaphore(%arg12 : memref<!tpu.dma_semaphore, #tpu.memory_space<semaphore_mem>>)
        %slice3A_188 = vector.extract_strided_slice %get3A_44 {offsets = [4], sizes = [1], strides = [1]} : vector<16xi32> to vector<1xi32>
        %squeeze3A_189 = vector.extract %slice3A_188[0] : i32 from vector<1xi32>
        %dma_start3A_190 = arith.constant 0 : i32
        %dma_start3A_191 = tpu.memref_slice %arg10[%add3A_173, %dma_start3A_190] : memref<128x128xf32, #tpu.memory_space<vmem>> -> memref<1x64xf32, #tpu.memory_space<vmem>>
        %dma_start3A_192 = tpu.memref_squeeze %dma_start3A_191 : memref<1x64xf32, #tpu.memory_space<vmem>> -> memref<64xf32, #tpu.memory_space<vmem>>
        %dma_start3A_193 = arith.constant 0 : i32
        %dma_start3A_194 = tpu.memref_slice %arg4[%squeeze3A_189, %dma_start3A_193] : memref<100000x64xf32, #tpu.memory_space<hbm>> -> memref<1x64xf32, #tpu.memory_space<hbm>>
        %dma_start3A_195 = tpu.memref_squeeze %dma_start3A_194 : memref<1x64xf32, #tpu.memory_space<hbm>> -> memref<64xf32, #tpu.memory_space<hbm>>
        %dma_start3A_196 = arith.constant 0 : i32
        %dma_start3A_197 = tpu.memref_slice %arg10[%add3A_173, %dma_start3A_196] : memref<128x128xf32, #tpu.memory_space<vmem>> -> memref<1x64xf32, #tpu.memory_space<vmem>>
        %dma_start3A_198 = tpu.memref_squeeze %dma_start3A_197 : memref<1x64xf32, #tpu.memory_space<vmem>> -> memref<64xf32, #tpu.memory_space<vmem>>
        %dma_start3A_199 = arith.constant 0 : i32
        %dma_start3A_200 = tpu.memref_slice %arg4[%squeeze3A_189, %dma_start3A_199] : memref<100000x64xf32, #tpu.memory_space<hbm>> -> memref<1x64xf32, #tpu.memory_space<hbm>>
        %dma_start3A_201 = tpu.memref_squeeze %dma_start3A_200 : memref<1x64xf32, #tpu.memory_space<hbm>> -> memref<64xf32, #tpu.memory_space<hbm>>
        tpu.enqueue_dma source(%dma_start3A_201 : memref<64xf32, #tpu.memory_space<hbm>>) target(%dma_start3A_198 : memref<64xf32, #tpu.memory_space<vmem>>) target_semaphore(%arg12 : memref<!tpu.dma_semaphore, #tpu.memory_space<semaphore_mem>>)
        %mul3A_202 = arith.constant 16 : i32
        %mul3A_203 = arith.muli %scan3A_35, %mul3A_202 : i32
        %add3A_204 = arith.constant 5 : i32
        %add3A_205 = arith.addi %mul3A_203, %add3A_204 : i32
        %slice3A_206 = vector.extract_strided_slice %get3A_39 {offsets = [5], sizes = [1], strides = [1]} : vector<16xi32> to vector<1xi32>
        %squeeze3A_207 = vector.extract %slice3A_206[0] : i32 from vector<1xi32>
        %dma_start3A_208 = arith.constant 0 : i32
        %dma_start3A_209 = tpu.memref_slice %arg9[%add3A_205, %dma_start3A_208] : memref<128x128xf32, #tpu.memory_space<vmem>> -> memref<1x64xf32, #tpu.memory_space<vmem>>
        %dma_start3A_210 = tpu.memref_squeeze %dma_start3A_209 : memref<1x64xf32, #tpu.memory_space<vmem>> -> memref<64xf32, #tpu.memory_space<vmem>>
        %dma_start3A_211 = arith.constant 0 : i32
        %dma_start3A_212 = tpu.memref_slice %arg4[%squeeze3A_207, %dma_start3A_211] : memref<100000x64xf32, #tpu.memory_space<hbm>> -> memref<1x64xf32, #tpu.memory_space<hbm>>
        %dma_start3A_213 = tpu.memref_squeeze %dma_start3A_212 : memref<1x64xf32, #tpu.memory_space<hbm>> -> memref<64xf32, #tpu.memory_space<hbm>>
        %dma_start3A_214 = arith.constant 0 : i32
        %dma_start3A_215 = tpu.memref_slice %arg9[%add3A_205, %dma_start3A_214] : memref<128x128xf32, #tpu.memory_space<vmem>> -> memref<1x64xf32, #tpu.memory_space<vmem>>
        %dma_start3A_216 = tpu.memref_squeeze %dma_start3A_215 : memref<1x64xf32, #tpu.memory_space<vmem>> -> memref<64xf32, #tpu.memory_space<vmem>>
        %dma_start3A_217 = arith.constant 0 : i32
        %dma_start3A_218 = tpu.memref_slice %arg4[%squeeze3A_207, %dma_start3A_217] : memref<100000x64xf32, #tpu.memory_space<hbm>> -> memref<1x64xf32, #tpu.memory_space<hbm>>
        %dma_start3A_219 = tpu.memref_squeeze %dma_start3A_218 : memref<1x64xf32, #tpu.memory_space<hbm>> -> memref<64xf32, #tpu.memory_space<hbm>>
        tpu.enqueue_dma source(%dma_start3A_219 : memref<64xf32, #tpu.memory_space<hbm>>) target(%dma_start3A_216 : memref<64xf32, #tpu.memory_space<vmem>>) target_semaphore(%arg12 : memref<!tpu.dma_semaphore, #tpu.memory_space<semaphore_mem>>)
        %slice3A_220 = vector.extract_strided_slice %get3A_44 {offsets = [5], sizes = [1], strides = [1]} : vector<16xi32> to vector<1xi32>
        %squeeze3A_221 = vector.extract %slice3A_220[0] : i32 from vector<1xi32>
        %dma_start3A_222 = arith.constant 0 : i32
        %dma_start3A_223 = tpu.memref_slice %arg10[%add3A_205, %dma_start3A_222] : memref<128x128xf32, #tpu.memory_space<vmem>> -> memref<1x64xf32, #tpu.memory_space<vmem>>
        %dma_start3A_224 = tpu.memref_squeeze %dma_start3A_223 : memref<1x64xf32, #tpu.memory_space<vmem>> -> memref<64xf32, #tpu.memory_space<vmem>>
        %dma_start3A_225 = arith.constant 0 : i32
        %dma_start3A_226 = tpu.memref_slice %arg4[%squeeze3A_221, %dma_start3A_225] : memref<100000x64xf32, #tpu.memory_space<hbm>> -> memref<1x64xf32, #tpu.memory_space<hbm>>
        %dma_start3A_227 = tpu.memref_squeeze %dma_start3A_226 : memref<1x64xf32, #tpu.memory_space<hbm>> -> memref<64xf32, #tpu.memory_space<hbm>>
        %dma_start3A_228 = arith.constant 0 : i32
        %dma_start3A_229 = tpu.memref_slice %arg10[%add3A_205, %dma_start3A_228] : memref<128x128xf32, #tpu.memory_space<vmem>> -> memref<1x64xf32, #tpu.memory_space<vmem>>
        %dma_start3A_230 = tpu.memref_squeeze %dma_start3A_229 : memref<1x64xf32, #tpu.memory_space<vmem>> -> memref<64xf32, #tpu.memory_space<vmem>>
        %dma_start3A_231 = arith.constant 0 : i32
        %dma_start3A_232 = tpu.memref_slice %arg4[%squeeze3A_221, %dma_start3A_231] : memref<100000x64xf32, #tpu.memory_space<hbm>> -> memref<1x64xf32, #tpu.memory_space<hbm>>
        %dma_start3A_233 = tpu.memref_squeeze %dma_start3A_232 : memref<1x64xf32, #tpu.memory_space<hbm>> -> memref<64xf32, #tpu.memory_space<hbm>>
        tpu.enqueue_dma source(%dma_start3A_233 : memref<64xf32, #tpu.memory_space<hbm>>) target(%dma_start3A_230 : memref<64xf32, #tpu.memory_space<vmem>>) target_semaphore(%arg12 : memref<!tpu.dma_semaphore, #tpu.memory_space<semaphore_mem>>)
        %mul3A_234 = arith.constant 16 : i32
        %mul3A_235 = arith.muli %scan3A_35, %mul3A_234 : i32
        %add3A_236 = arith.constant 6 : i32
        %add3A_237 = arith.addi %mul3A_235, %add3A_236 : i32
        %slice3A_238 = vector.extract_strided_slice %get3A_39 {offsets = [6], sizes = [1], strides = [1]} : vector<16xi32> to vector<1xi32>
        %squeeze3A_239 = vector.extract %slice3A_238[0] : i32 from vector<1xi32>
        %dma_start3A_240 = arith.constant 0 : i32
        %dma_start3A_241 = tpu.memref_slice %arg9[%add3A_237, %dma_start3A_240] : memref<128x128xf32, #tpu.memory_space<vmem>> -> memref<1x64xf32, #tpu.memory_space<vmem>>
        %dma_start3A_242 = tpu.memref_squeeze %dma_start3A_241 : memref<1x64xf32, #tpu.memory_space<vmem>> -> memref<64xf32, #tpu.memory_space<vmem>>
        %dma_start3A_243 = arith.constant 0 : i32
        %dma_start3A_244 = tpu.memref_slice %arg4[%squeeze3A_239, %dma_start3A_243] : memref<100000x64xf32, #tpu.memory_space<hbm>> -> memref<1x64xf32, #tpu.memory_space<hbm>>
        %dma_start3A_245 = tpu.memref_squeeze %dma_start3A_244 : memref<1x64xf32, #tpu.memory_space<hbm>> -> memref<64xf32, #tpu.memory_space<hbm>>
        %dma_start3A_246 = arith.constant 0 : i32
        %dma_start3A_247 = tpu.memref_slice %arg9[%add3A_237, %dma_start3A_246] : memref<128x128xf32, #tpu.memory_space<vmem>> -> memref<1x64xf32, #tpu.memory_space<vmem>>
        %dma_start3A_248 = tpu.memref_squeeze %dma_start3A_247 : memref<1x64xf32, #tpu.memory_space<vmem>> -> memref<64xf32, #tpu.memory_space<vmem>>
        %dma_start3A_249 = arith.constant 0 : i32
        %dma_start3A_250 = tpu.memref_slice %arg4[%squeeze3A_239, %dma_start3A_249] : memref<100000x64xf32, #tpu.memory_space<hbm>> -> memref<1x64xf32, #tpu.memory_space<hbm>>
        %dma_start3A_251 = tpu.memref_squeeze %dma_start3A_250 : memref<1x64xf32, #tpu.memory_space<hbm>> -> memref<64xf32, #tpu.memory_space<hbm>>
        tpu.enqueue_dma source(%dma_start3A_251 : memref<64xf32, #tpu.memory_space<hbm>>) target(%dma_start3A_248 : memref<64xf32, #tpu.memory_space<vmem>>) target_semaphore(%arg12 : memref<!tpu.dma_semaphore, #tpu.memory_space<semaphore_mem>>)
        %slice3A_252 = vector.extract_strided_slice %get3A_44 {offsets = [6], sizes = [1], strides = [1]} : vector<16xi32> to vector<1xi32>
        %squeeze3A_253 = vector.extract %slice3A_252[0] : i32 from vector<1xi32>
        %dma_start3A_254 = arith.constant 0 : i32
        %dma_start3A_255 = tpu.memref_slice %arg10[%add3A_237, %dma_start3A_254] : memref<128x128xf32, #tpu.memory_space<vmem>> -> memref<1x64xf32, #tpu.memory_space<vmem>>
        %dma_start3A_256 = tpu.memref_squeeze %dma_start3A_255 : memref<1x64xf32, #tpu.memory_space<vmem>> -> memref<64xf32, #tpu.memory_space<vmem>>
        %dma_start3A_257 = arith.constant 0 : i32
        %dma_start3A_258 = tpu.memref_slice %arg4[%squeeze3A_253, %dma_start3A_257] : memref<100000x64xf32, #tpu.memory_space<hbm>> -> memref<1x64xf32, #tpu.memory_space<hbm>>
        %dma_start3A_259 = tpu.memref_squeeze %dma_start3A_258 : memref<1x64xf32, #tpu.memory_space<hbm>> -> memref<64xf32, #tpu.memory_space<hbm>>
        %dma_start3A_260 = arith.constant 0 : i32
        %dma_start3A_261 = tpu.memref_slice %arg10[%add3A_237, %dma_start3A_260] : memref<128x128xf32, #tpu.memory_space<vmem>> -> memref<1x64xf32, #tpu.memory_space<vmem>>
        %dma_start3A_262 = tpu.memref_squeeze %dma_start3A_261 : memref<1x64xf32, #tpu.memory_space<vmem>> -> memref<64xf32, #tpu.memory_space<vmem>>
        %dma_start3A_263 = arith.constant 0 : i32
        %dma_start3A_264 = tpu.memref_slice %arg4[%squeeze3A_253, %dma_start3A_263] : memref<100000x64xf32, #tpu.memory_space<hbm>> -> memref<1x64xf32, #tpu.memory_space<hbm>>
        %dma_start3A_265 = tpu.memref_squeeze %dma_start3A_264 : memref<1x64xf32, #tpu.memory_space<hbm>> -> memref<64xf32, #tpu.memory_space<hbm>>
        tpu.enqueue_dma source(%dma_start3A_265 : memref<64xf32, #tpu.memory_space<hbm>>) target(%dma_start3A_262 : memref<64xf32, #tpu.memory_space<vmem>>) target_semaphore(%arg12 : memref<!tpu.dma_semaphore, #tpu.memory_space<semaphore_mem>>)
        %mul3A_266 = arith.constant 16 : i32
        %mul3A_267 = arith.muli %scan3A_35, %mul3A_266 : i32
        %add3A_268 = arith.constant 7 : i32
        %add3A_269 = arith.addi %mul3A_267, %add3A_268 : i32
        %slice3A_270 = vector.extract_strided_slice %get3A_39 {offsets = [7], sizes = [1], strides = [1]} : vector<16xi32> to vector<1xi32>
        %squeeze3A_271 = vector.extract %slice3A_270[0] : i32 from vector<1xi32>
        %dma_start3A_272 = arith.constant 0 : i32
        %dma_start3A_273 = tpu.memref_slice %arg9[%add3A_269, %dma_start3A_272] : memref<128x128xf32, #tpu.memory_space<vmem>> -> memref<1x64xf32, #tpu.memory_space<vmem>>
        %dma_start3A_274 = tpu.memref_squeeze %dma_start3A_273 : memref<1x64xf32, #tpu.memory_space<vmem>> -> memref<64xf32, #tpu.memory_space<vmem>>
        %dma_start3A_275 = arith.constant 0 : i32
        %dma_start3A_276 = tpu.memref_slice %arg4[%squeeze3A_271, %dma_start3A_275] : memref<100000x64xf32, #tpu.memory_space<hbm>> -> memref<1x64xf32, #tpu.memory_space<hbm>>
        %dma_start3A_277 = tpu.memref_squeeze %dma_start3A_276 : memref<1x64xf32, #tpu.memory_space<hbm>> -> memref<64xf32, #tpu.memory_space<hbm>>
        %dma_start3A_278 = arith.constant 0 : i32
        %dma_start3A_279 = tpu.memref_slice %arg9[%add3A_269, %dma_start3A_278] : memref<128x128xf32, #tpu.memory_space<vmem>> -> memref<1x64xf32, #tpu.memory_space<vmem>>
        %dma_start3A_280 = tpu.memref_squeeze %dma_start3A_279 : memref<1x64xf32, #tpu.memory_space<vmem>> -> memref<64xf32, #tpu.memory_space<vmem>>
        %dma_start3A_281 = arith.constant 0 : i32
        %dma_start3A_282 = tpu.memref_slice %arg4[%squeeze3A_271, %dma_start3A_281] : memref<100000x64xf32, #tpu.memory_space<hbm>> -> memref<1x64xf32, #tpu.memory_space<hbm>>
        %dma_start3A_283 = tpu.memref_squeeze %dma_start3A_282 : memref<1x64xf32, #tpu.memory_space<hbm>> -> memref<64xf32, #tpu.memory_space<hbm>>
        tpu.enqueue_dma source(%dma_start3A_283 : memref<64xf32, #tpu.memory_space<hbm>>) target(%dma_start3A_280 : memref<64xf32, #tpu.memory_space<vmem>>) target_semaphore(%arg12 : memref<!tpu.dma_semaphore, #tpu.memory_space<semaphore_mem>>)
        %slice3A_284 = vector.extract_strided_slice %get3A_44 {offsets = [7], sizes = [1], strides = [1]} : vector<16xi32> to vector<1xi32>
        %squeeze3A_285 = vector.extract %slice3A_284[0] : i32 from vector<1xi32>
        %dma_start3A_286 = arith.constant 0 : i32
        %dma_start3A_287 = tpu.memref_slice %arg10[%add3A_269, %dma_start3A_286] : memref<128x128xf32, #tpu.memory_space<vmem>> -> memref<1x64xf32, #tpu.memory_space<vmem>>
        %dma_start3A_288 = tpu.memref_squeeze %dma_start3A_287 : memref<1x64xf32, #tpu.memory_space<vmem>> -> memref<64xf32, #tpu.memory_space<vmem>>
        %dma_start3A_289 = arith.constant 0 : i32
        %dma_start3A_290 = tpu.memref_slice %arg4[%squeeze3A_285, %dma_start3A_289] : memref<100000x64xf32, #tpu.memory_space<hbm>> -> memref<1x64xf32, #tpu.memory_space<hbm>>
        %dma_start3A_291 = tpu.memref_squeeze %dma_start3A_290 : memref<1x64xf32, #tpu.memory_space<hbm>> -> memref<64xf32, #tpu.memory_space<hbm>>
        %dma_start3A_292 = arith.constant 0 : i32
        %dma_start3A_293 = tpu.memref_slice %arg10[%add3A_269, %dma_start3A_292] : memref<128x128xf32, #tpu.memory_space<vmem>> -> memref<1x64xf32, #tpu.memory_space<vmem>>
        %dma_start3A_294 = tpu.memref_squeeze %dma_start3A_293 : memref<1x64xf32, #tpu.memory_space<vmem>> -> memref<64xf32, #tpu.memory_space<vmem>>
        %dma_start3A_295 = arith.constant 0 : i32
        %dma_start3A_296 = tpu.memref_slice %arg4[%squeeze3A_285, %dma_start3A_295] : memref<100000x64xf32, #tpu.memory_space<hbm>> -> memref<1x64xf32, #tpu.memory_space<hbm>>
        %dma_start3A_297 = tpu.memref_squeeze %dma_start3A_296 : memref<1x64xf32, #tpu.memory_space<hbm>> -> memref<64xf32, #tpu.memory_space<hbm>>
        tpu.enqueue_dma source(%dma_start3A_297 : memref<64xf32, #tpu.memory_space<hbm>>) target(%dma_start3A_294 : memref<64xf32, #tpu.memory_space<vmem>>) target_semaphore(%arg12 : memref<!tpu.dma_semaphore, #tpu.memory_space<semaphore_mem>>)
        %mul3A_298 = arith.constant 16 : i32
        %mul3A_299 = arith.muli %scan3A_35, %mul3A_298 : i32
        %add3A_300 = arith.constant 8 : i32
        %add3A_301 = arith.addi %mul3A_299, %add3A_300 : i32
        %slice3A_302 = vector.extract_strided_slice %get3A_39 {offsets = [8], sizes = [1], strides = [1]} : vector<16xi32> to vector<1xi32>
        %squeeze3A_303 = vector.extract %slice3A_302[0] : i32 from vector<1xi32>
        %dma_start3A_304 = arith.constant 0 : i32
        %dma_start3A_305 = tpu.memref_slice %arg9[%add3A_301, %dma_start3A_304] : memref<128x128xf32, #tpu.memory_space<vmem>> -> memref<1x64xf32, #tpu.memory_space<vmem>>
        %dma_start3A_306 = tpu.memref_squeeze %dma_start3A_305 : memref<1x64xf32, #tpu.memory_space<vmem>> -> memref<64xf32, #tpu.memory_space<vmem>>
        %dma_start3A_307 = arith.constant 0 : i32
        %dma_start3A_308 = tpu.memref_slice %arg4[%squeeze3A_303, %dma_start3A_307] : memref<100000x64xf32, #tpu.memory_space<hbm>> -> memref<1x64xf32, #tpu.memory_space<hbm>>
        %dma_start3A_309 = tpu.memref_squeeze %dma_start3A_308 : memref<1x64xf32, #tpu.memory_space<hbm>> -> memref<64xf32, #tpu.memory_space<hbm>>
        %dma_start3A_310 = arith.constant 0 : i32
        %dma_start3A_311 = tpu.memref_slice %arg9[%add3A_301, %dma_start3A_310] : memref<128x128xf32, #tpu.memory_space<vmem>> -> memref<1x64xf32, #tpu.memory_space<vmem>>
        %dma_start3A_312 = tpu.memref_squeeze %dma_start3A_311 : memref<1x64xf32, #tpu.memory_space<vmem>> -> memref<64xf32, #tpu.memory_space<vmem>>
        %dma_start3A_313 = arith.constant 0 : i32
        %dma_start3A_314 = tpu.memref_slice %arg4[%squeeze3A_303, %dma_start3A_313] : memref<100000x64xf32, #tpu.memory_space<hbm>> -> memref<1x64xf32, #tpu.memory_space<hbm>>
        %dma_start3A_315 = tpu.memref_squeeze %dma_start3A_314 : memref<1x64xf32, #tpu.memory_space<hbm>> -> memref<64xf32, #tpu.memory_space<hbm>>
        tpu.enqueue_dma source(%dma_start3A_315 : memref<64xf32, #tpu.memory_space<hbm>>) target(%dma_start3A_312 : memref<64xf32, #tpu.memory_space<vmem>>) target_semaphore(%arg12 : memref<!tpu.dma_semaphore, #tpu.memory_space<semaphore_mem>>)
        %slice3A_316 = vector.extract_strided_slice %get3A_44 {offsets = [8], sizes = [1], strides = [1]} : vector<16xi32> to vector<1xi32>
        %squeeze3A_317 = vector.extract %slice3A_316[0] : i32 from vector<1xi32>
        %dma_start3A_318 = arith.constant 0 : i32
        %dma_start3A_319 = tpu.memref_slice %arg10[%add3A_301, %dma_start3A_318] : memref<128x128xf32, #tpu.memory_space<vmem>> -> memref<1x64xf32, #tpu.memory_space<vmem>>
        %dma_start3A_320 = tpu.memref_squeeze %dma_start3A_319 : memref<1x64xf32, #tpu.memory_space<vmem>> -> memref<64xf32, #tpu.memory_space<vmem>>
        %dma_start3A_321 = arith.constant 0 : i32
        %dma_start3A_322 = tpu.memref_slice %arg4[%squeeze3A_317, %dma_start3A_321] : memref<100000x64xf32, #tpu.memory_space<hbm>> -> memref<1x64xf32, #tpu.memory_space<hbm>>
        %dma_start3A_323 = tpu.memref_squeeze %dma_start3A_322 : memref<1x64xf32, #tpu.memory_space<hbm>> -> memref<64xf32, #tpu.memory_space<hbm>>
        %dma_start3A_324 = arith.constant 0 : i32
        %dma_start3A_325 = tpu.memref_slice %arg10[%add3A_301, %dma_start3A_324] : memref<128x128xf32, #tpu.memory_space<vmem>> -> memref<1x64xf32, #tpu.memory_space<vmem>>
        %dma_start3A_326 = tpu.memref_squeeze %dma_start3A_325 : memref<1x64xf32, #tpu.memory_space<vmem>> -> memref<64xf32, #tpu.memory_space<vmem>>
        %dma_start3A_327 = arith.constant 0 : i32
        %dma_start3A_328 = tpu.memref_slice %arg4[%squeeze3A_317, %dma_start3A_327] : memref<100000x64xf32, #tpu.memory_space<hbm>> -> memref<1x64xf32, #tpu.memory_space<hbm>>
        %dma_start3A_329 = tpu.memref_squeeze %dma_start3A_328 : memref<1x64xf32, #tpu.memory_space<hbm>> -> memref<64xf32, #tpu.memory_space<hbm>>
        tpu.enqueue_dma source(%dma_start3A_329 : memref<64xf32, #tpu.memory_space<hbm>>) target(%dma_start3A_326 : memref<64xf32, #tpu.memory_space<vmem>>) target_semaphore(%arg12 : memref<!tpu.dma_semaphore, #tpu.memory_space<semaphore_mem>>)
        %mul3A_330 = arith.constant 16 : i32
        %mul3A_331 = arith.muli %scan3A_35, %mul3A_330 : i32
        %add3A_332 = arith.constant 9 : i32
        %add3A_333 = arith.addi %mul3A_331, %add3A_332 : i32
        %slice3A_334 = vector.extract_strided_slice %get3A_39 {offsets = [9], sizes = [1], strides = [1]} : vector<16xi32> to vector<1xi32>
        %squeeze3A_335 = vector.extract %slice3A_334[0] : i32 from vector<1xi32>
        %dma_start3A_336 = arith.constant 0 : i32
        %dma_start3A_337 = tpu.memref_slice %arg9[%add3A_333, %dma_start3A_336] : memref<128x128xf32, #tpu.memory_space<vmem>> -> memref<1x64xf32, #tpu.memory_space<vmem>>
        %dma_start3A_338 = tpu.memref_squeeze %dma_start3A_337 : memref<1x64xf32, #tpu.memory_space<vmem>> -> memref<64xf32, #tpu.memory_space<vmem>>
        %dma_start3A_339 = arith.constant 0 : i32
        %dma_start3A_340 = tpu.memref_slice %arg4[%squeeze3A_335, %dma_start3A_339] : memref<100000x64xf32, #tpu.memory_space<hbm>> -> memref<1x64xf32, #tpu.memory_space<hbm>>
        %dma_start3A_341 = tpu.memref_squeeze %dma_start3A_340 : memref<1x64xf32, #tpu.memory_space<hbm>> -> memref<64xf32, #tpu.memory_space<hbm>>
        %dma_start3A_342 = arith.constant 0 : i32
        %dma_start3A_343 = tpu.memref_slice %arg9[%add3A_333, %dma_start3A_342] : memref<128x128xf32, #tpu.memory_space<vmem>> -> memref<1x64xf32, #tpu.memory_space<vmem>>
        %dma_start3A_344 = tpu.memref_squeeze %dma_start3A_343 : memref<1x64xf32, #tpu.memory_space<vmem>> -> memref<64xf32, #tpu.memory_space<vmem>>
        %dma_start3A_345 = arith.constant 0 : i32
        %dma_start3A_346 = tpu.memref_slice %arg4[%squeeze3A_335, %dma_start3A_345] : memref<100000x64xf32, #tpu.memory_space<hbm>> -> memref<1x64xf32, #tpu.memory_space<hbm>>
        %dma_start3A_347 = tpu.memref_squeeze %dma_start3A_346 : memref<1x64xf32, #tpu.memory_space<hbm>> -> memref<64xf32, #tpu.memory_space<hbm>>
        tpu.enqueue_dma source(%dma_start3A_347 : memref<64xf32, #tpu.memory_space<hbm>>) target(%dma_start3A_344 : memref<64xf32, #tpu.memory_space<vmem>>) target_semaphore(%arg12 : memref<!tpu.dma_semaphore, #tpu.memory_space<semaphore_mem>>)
        %slice3A_348 = vector.extract_strided_slice %get3A_44 {offsets = [9], sizes = [1], strides = [1]} : vector<16xi32> to vector<1xi32>
        %squeeze3A_349 = vector.extract %slice3A_348[0] : i32 from vector<1xi32>
        %dma_start3A_350 = arith.constant 0 : i32
        %dma_start3A_351 = tpu.memref_slice %arg10[%add3A_333, %dma_start3A_350] : memref<128x128xf32, #tpu.memory_space<vmem>> -> memref<1x64xf32, #tpu.memory_space<vmem>>
        %dma_start3A_352 = tpu.memref_squeeze %dma_start3A_351 : memref<1x64xf32, #tpu.memory_space<vmem>> -> memref<64xf32, #tpu.memory_space<vmem>>
        %dma_start3A_353 = arith.constant 0 : i32
        %dma_start3A_354 = tpu.memref_slice %arg4[%squeeze3A_349, %dma_start3A_353] : memref<100000x64xf32, #tpu.memory_space<hbm>> -> memref<1x64xf32, #tpu.memory_space<hbm>>
        %dma_start3A_355 = tpu.memref_squeeze %dma_start3A_354 : memref<1x64xf32, #tpu.memory_space<hbm>> -> memref<64xf32, #tpu.memory_space<hbm>>
        %dma_start3A_356 = arith.constant 0 : i32
        %dma_start3A_357 = tpu.memref_slice %arg10[%add3A_333, %dma_start3A_356] : memref<128x128xf32, #tpu.memory_space<vmem>> -> memref<1x64xf32, #tpu.memory_space<vmem>>
        %dma_start3A_358 = tpu.memref_squeeze %dma_start3A_357 : memref<1x64xf32, #tpu.memory_space<vmem>> -> memref<64xf32, #tpu.memory_space<vmem>>
        %dma_start3A_359 = arith.constant 0 : i32
        %dma_start3A_360 = tpu.memref_slice %arg4[%squeeze3A_349, %dma_start3A_359] : memref<100000x64xf32, #tpu.memory_space<hbm>> -> memref<1x64xf32, #tpu.memory_space<hbm>>
        %dma_start3A_361 = tpu.memref_squeeze %dma_start3A_360 : memref<1x64xf32, #tpu.memory_space<hbm>> -> memref<64xf32, #tpu.memory_space<hbm>>
        tpu.enqueue_dma source(%dma_start3A_361 : memref<64xf32, #tpu.memory_space<hbm>>) target(%dma_start3A_358 : memref<64xf32, #tpu.memory_space<vmem>>) target_semaphore(%arg12 : memref<!tpu.dma_semaphore, #tpu.memory_space<semaphore_mem>>)
        %mul3A_362 = arith.constant 16 : i32
        %mul3A_363 = arith.muli %scan3A_35, %mul3A_362 : i32
        %add3A_364 = arith.constant 10 : i32
        %add3A_365 = arith.addi %mul3A_363, %add3A_364 : i32
        %slice3A_366 = vector.extract_strided_slice %get3A_39 {offsets = [10], sizes = [1], strides = [1]} : vector<16xi32> to vector<1xi32>
        %squeeze3A_367 = vector.extract %slice3A_366[0] : i32 from vector<1xi32>
        %dma_start3A_368 = arith.constant 0 : i32
        %dma_start3A_369 = tpu.memref_slice %arg9[%add3A_365, %dma_start3A_368] : memref<128x128xf32, #tpu.memory_space<vmem>> -> memref<1x64xf32, #tpu.memory_space<vmem>>
        %dma_start3A_370 = tpu.memref_squeeze %dma_start3A_369 : memref<1x64xf32, #tpu.memory_space<vmem>> -> memref<64xf32, #tpu.memory_space<vmem>>
        %dma_start3A_371 = arith.constant 0 : i32
        %dma_start3A_372 = tpu.memref_slice %arg4[%squeeze3A_367, %dma_start3A_371] : memref<100000x64xf32, #tpu.memory_space<hbm>> -> memref<1x64xf32, #tpu.memory_space<hbm>>
        %dma_start3A_373 = tpu.memref_squeeze %dma_start3A_372 : memref<1x64xf32, #tpu.memory_space<hbm>> -> memref<64xf32, #tpu.memory_space<hbm>>
        %dma_start3A_374 = arith.constant 0 : i32
        %dma_start3A_375 = tpu.memref_slice %arg9[%add3A_365, %dma_start3A_374] : memref<128x128xf32, #tpu.memory_space<vmem>> -> memref<1x64xf32, #tpu.memory_space<vmem>>
        %dma_start3A_376 = tpu.memref_squeeze %dma_start3A_375 : memref<1x64xf32, #tpu.memory_space<vmem>> -> memref<64xf32, #tpu.memory_space<vmem>>
        %dma_start3A_377 = arith.constant 0 : i32
        %dma_start3A_378 = tpu.memref_slice %arg4[%squeeze3A_367, %dma_start3A_377] : memref<100000x64xf32, #tpu.memory_space<hbm>> -> memref<1x64xf32, #tpu.memory_space<hbm>>
        %dma_start3A_379 = tpu.memref_squeeze %dma_start3A_378 : memref<1x64xf32, #tpu.memory_space<hbm>> -> memref<64xf32, #tpu.memory_space<hbm>>
        tpu.enqueue_dma source(%dma_start3A_379 : memref<64xf32, #tpu.memory_space<hbm>>) target(%dma_start3A_376 : memref<64xf32, #tpu.memory_space<vmem>>) target_semaphore(%arg12 : memref<!tpu.dma_semaphore, #tpu.memory_space<semaphore_mem>>)
        %slice3A_380 = vector.extract_strided_slice %get3A_44 {offsets = [10], sizes = [1], strides = [1]} : vector<16xi32> to vector<1xi32>
        %squeeze3A_381 = vector.extract %slice3A_380[0] : i32 from vector<1xi32>
        %dma_start3A_382 = arith.constant 0 : i32
        %dma_start3A_383 = tpu.memref_slice %arg10[%add3A_365, %dma_start3A_382] : memref<128x128xf32, #tpu.memory_space<vmem>> -> memref<1x64xf32, #tpu.memory_space<vmem>>
        %dma_start3A_384 = tpu.memref_squeeze %dma_start3A_383 : memref<1x64xf32, #tpu.memory_space<vmem>> -> memref<64xf32, #tpu.memory_space<vmem>>
        %dma_start3A_385 = arith.constant 0 : i32
        %dma_start3A_386 = tpu.memref_slice %arg4[%squeeze3A_381, %dma_start3A_385] : memref<100000x64xf32, #tpu.memory_space<hbm>> -> memref<1x64xf32, #tpu.memory_space<hbm>>
        %dma_start3A_387 = tpu.memref_squeeze %dma_start3A_386 : memref<1x64xf32, #tpu.memory_space<hbm>> -> memref<64xf32, #tpu.memory_space<hbm>>
        %dma_start3A_388 = arith.constant 0 : i32
        %dma_start3A_389 = tpu.memref_slice %arg10[%add3A_365, %dma_start3A_388] : memref<128x128xf32, #tpu.memory_space<vmem>> -> memref<1x64xf32, #tpu.memory_space<vmem>>
        %dma_start3A_390 = tpu.memref_squeeze %dma_start3A_389 : memref<1x64xf32, #tpu.memory_space<vmem>> -> memref<64xf32, #tpu.memory_space<vmem>>
        %dma_start3A_391 = arith.constant 0 : i32
        %dma_start3A_392 = tpu.memref_slice %arg4[%squeeze3A_381, %dma_start3A_391] : memref<100000x64xf32, #tpu.memory_space<hbm>> -> memref<1x64xf32, #tpu.memory_space<hbm>>
        %dma_start3A_393 = tpu.memref_squeeze %dma_start3A_392 : memref<1x64xf32, #tpu.memory_space<hbm>> -> memref<64xf32, #tpu.memory_space<hbm>>
        tpu.enqueue_dma source(%dma_start3A_393 : memref<64xf32, #tpu.memory_space<hbm>>) target(%dma_start3A_390 : memref<64xf32, #tpu.memory_space<vmem>>) target_semaphore(%arg12 : memref<!tpu.dma_semaphore, #tpu.memory_space<semaphore_mem>>)
        %mul3A_394 = arith.constant 16 : i32
        %mul3A_395 = arith.muli %scan3A_35, %mul3A_394 : i32
        %add3A_396 = arith.constant 11 : i32
        %add3A_397 = arith.addi %mul3A_395, %add3A_396 : i32
        %slice3A_398 = vector.extract_strided_slice %get3A_39 {offsets = [11], sizes = [1], strides = [1]} : vector<16xi32> to vector<1xi32>
        %squeeze3A_399 = vector.extract %slice3A_398[0] : i32 from vector<1xi32>
        %dma_start3A_400 = arith.constant 0 : i32
        %dma_start3A_401 = tpu.memref_slice %arg9[%add3A_397, %dma_start3A_400] : memref<128x128xf32, #tpu.memory_space<vmem>> -> memref<1x64xf32, #tpu.memory_space<vmem>>
        %dma_start3A_402 = tpu.memref_squeeze %dma_start3A_401 : memref<1x64xf32, #tpu.memory_space<vmem>> -> memref<64xf32, #tpu.memory_space<vmem>>
        %dma_start3A_403 = arith.constant 0 : i32
        %dma_start3A_404 = tpu.memref_slice %arg4[%squeeze3A_399, %dma_start3A_403] : memref<100000x64xf32, #tpu.memory_space<hbm>> -> memref<1x64xf32, #tpu.memory_space<hbm>>
        %dma_start3A_405 = tpu.memref_squeeze %dma_start3A_404 : memref<1x64xf32, #tpu.memory_space<hbm>> -> memref<64xf32, #tpu.memory_space<hbm>>
        %dma_start3A_406 = arith.constant 0 : i32
        %dma_start3A_407 = tpu.memref_slice %arg9[%add3A_397, %dma_start3A_406] : memref<128x128xf32, #tpu.memory_space<vmem>> -> memref<1x64xf32, #tpu.memory_space<vmem>>
        %dma_start3A_408 = tpu.memref_squeeze %dma_start3A_407 : memref<1x64xf32, #tpu.memory_space<vmem>> -> memref<64xf32, #tpu.memory_space<vmem>>
        %dma_start3A_409 = arith.constant 0 : i32
        %dma_start3A_410 = tpu.memref_slice %arg4[%squeeze3A_399, %dma_start3A_409] : memref<100000x64xf32, #tpu.memory_space<hbm>> -> memref<1x64xf32, #tpu.memory_space<hbm>>
        %dma_start3A_411 = tpu.memref_squeeze %dma_start3A_410 : memref<1x64xf32, #tpu.memory_space<hbm>> -> memref<64xf32, #tpu.memory_space<hbm>>
        tpu.enqueue_dma source(%dma_start3A_411 : memref<64xf32, #tpu.memory_space<hbm>>) target(%dma_start3A_408 : memref<64xf32, #tpu.memory_space<vmem>>) target_semaphore(%arg12 : memref<!tpu.dma_semaphore, #tpu.memory_space<semaphore_mem>>)
        %slice3A_412 = vector.extract_strided_slice %get3A_44 {offsets = [11], sizes = [1], strides = [1]} : vector<16xi32> to vector<1xi32>
        %squeeze3A_413 = vector.extract %slice3A_412[0] : i32 from vector<1xi32>
        %dma_start3A_414 = arith.constant 0 : i32
        %dma_start3A_415 = tpu.memref_slice %arg10[%add3A_397, %dma_start3A_414] : memref<128x128xf32, #tpu.memory_space<vmem>> -> memref<1x64xf32, #tpu.memory_space<vmem>>
        %dma_start3A_416 = tpu.memref_squeeze %dma_start3A_415 : memref<1x64xf32, #tpu.memory_space<vmem>> -> memref<64xf32, #tpu.memory_space<vmem>>
        %dma_start3A_417 = arith.constant 0 : i32
        %dma_start3A_418 = tpu.memref_slice %arg4[%squeeze3A_413, %dma_start3A_417] : memref<100000x64xf32, #tpu.memory_space<hbm>> -> memref<1x64xf32, #tpu.memory_space<hbm>>
        %dma_start3A_419 = tpu.memref_squeeze %dma_start3A_418 : memref<1x64xf32, #tpu.memory_space<hbm>> -> memref<64xf32, #tpu.memory_space<hbm>>
        %dma_start3A_420 = arith.constant 0 : i32
        %dma_start3A_421 = tpu.memref_slice %arg10[%add3A_397, %dma_start3A_420] : memref<128x128xf32, #tpu.memory_space<vmem>> -> memref<1x64xf32, #tpu.memory_space<vmem>>
        %dma_start3A_422 = tpu.memref_squeeze %dma_start3A_421 : memref<1x64xf32, #tpu.memory_space<vmem>> -> memref<64xf32, #tpu.memory_space<vmem>>
        %dma_start3A_423 = arith.constant 0 : i32
        %dma_start3A_424 = tpu.memref_slice %arg4[%squeeze3A_413, %dma_start3A_423] : memref<100000x64xf32, #tpu.memory_space<hbm>> -> memref<1x64xf32, #tpu.memory_space<hbm>>
        %dma_start3A_425 = tpu.memref_squeeze %dma_start3A_424 : memref<1x64xf32, #tpu.memory_space<hbm>> -> memref<64xf32, #tpu.memory_space<hbm>>
        tpu.enqueue_dma source(%dma_start3A_425 : memref<64xf32, #tpu.memory_space<hbm>>) target(%dma_start3A_422 : memref<64xf32, #tpu.memory_space<vmem>>) target_semaphore(%arg12 : memref<!tpu.dma_semaphore, #tpu.memory_space<semaphore_mem>>)
        %mul3A_426 = arith.constant 16 : i32
        %mul3A_427 = arith.muli %scan3A_35, %mul3A_426 : i32
        %add3A_428 = arith.constant 12 : i32
        %add3A_429 = arith.addi %mul3A_427, %add3A_428 : i32
        %slice3A_430 = vector.extract_strided_slice %get3A_39 {offsets = [12], sizes = [1], strides = [1]} : vector<16xi32> to vector<1xi32>
        %squeeze3A_431 = vector.extract %slice3A_430[0] : i32 from vector<1xi32>
        %dma_start3A_432 = arith.constant 0 : i32
        %dma_start3A_433 = tpu.memref_slice %arg9[%add3A_429, %dma_start3A_432] : memref<128x128xf32, #tpu.memory_space<vmem>> -> memref<1x64xf32, #tpu.memory_space<vmem>>
        %dma_start3A_434 = tpu.memref_squeeze %dma_start3A_433 : memref<1x64xf32, #tpu.memory_space<vmem>> -> memref<64xf32, #tpu.memory_space<vmem>>
        %dma_start3A_435 = arith.constant 0 : i32
        %dma_start3A_436 = tpu.memref_slice %arg4[%squeeze3A_431, %dma_start3A_435] : memref<100000x64xf32, #tpu.memory_space<hbm>> -> memref<1x64xf32, #tpu.memory_space<hbm>>
        %dma_start3A_437 = tpu.memref_squeeze %dma_start3A_436 : memref<1x64xf32, #tpu.memory_space<hbm>> -> memref<64xf32, #tpu.memory_space<hbm>>
        %dma_start3A_438 = arith.constant 0 : i32
        %dma_start3A_439 = tpu.memref_slice %arg9[%add3A_429, %dma_start3A_438] : memref<128x128xf32, #tpu.memory_space<vmem>> -> memref<1x64xf32, #tpu.memory_space<vmem>>
        %dma_start3A_440 = tpu.memref_squeeze %dma_start3A_439 : memref<1x64xf32, #tpu.memory_space<vmem>> -> memref<64xf32, #tpu.memory_space<vmem>>
        %dma_start3A_441 = arith.constant 0 : i32
        %dma_start3A_442 = tpu.memref_slice %arg4[%squeeze3A_431, %dma_start3A_441] : memref<100000x64xf32, #tpu.memory_space<hbm>> -> memref<1x64xf32, #tpu.memory_space<hbm>>
        %dma_start3A_443 = tpu.memref_squeeze %dma_start3A_442 : memref<1x64xf32, #tpu.memory_space<hbm>> -> memref<64xf32, #tpu.memory_space<hbm>>
        tpu.enqueue_dma source(%dma_start3A_443 : memref<64xf32, #tpu.memory_space<hbm>>) target(%dma_start3A_440 : memref<64xf32, #tpu.memory_space<vmem>>) target_semaphore(%arg12 : memref<!tpu.dma_semaphore, #tpu.memory_space<semaphore_mem>>)
        %slice3A_444 = vector.extract_strided_slice %get3A_44 {offsets = [12], sizes = [1], strides = [1]} : vector<16xi32> to vector<1xi32>
        %squeeze3A_445 = vector.extract %slice3A_444[0] : i32 from vector<1xi32>
        %dma_start3A_446 = arith.constant 0 : i32
        %dma_start3A_447 = tpu.memref_slice %arg10[%add3A_429, %dma_start3A_446] : memref<128x128xf32, #tpu.memory_space<vmem>> -> memref<1x64xf32, #tpu.memory_space<vmem>>
        %dma_start3A_448 = tpu.memref_squeeze %dma_start3A_447 : memref<1x64xf32, #tpu.memory_space<vmem>> -> memref<64xf32, #tpu.memory_space<vmem>>
        %dma_start3A_449 = arith.constant 0 : i32
        %dma_start3A_450 = tpu.memref_slice %arg4[%squeeze3A_445, %dma_start3A_449] : memref<100000x64xf32, #tpu.memory_space<hbm>> -> memref<1x64xf32, #tpu.memory_space<hbm>>
        %dma_start3A_451 = tpu.memref_squeeze %dma_start3A_450 : memref<1x64xf32, #tpu.memory_space<hbm>> -> memref<64xf32, #tpu.memory_space<hbm>>
        %dma_start3A_452 = arith.constant 0 : i32
        %dma_start3A_453 = tpu.memref_slice %arg10[%add3A_429, %dma_start3A_452] : memref<128x128xf32, #tpu.memory_space<vmem>> -> memref<1x64xf32, #tpu.memory_space<vmem>>
        %dma_start3A_454 = tpu.memref_squeeze %dma_start3A_453 : memref<1x64xf32, #tpu.memory_space<vmem>> -> memref<64xf32, #tpu.memory_space<vmem>>
        %dma_start3A_455 = arith.constant 0 : i32
        %dma_start3A_456 = tpu.memref_slice %arg4[%squeeze3A_445, %dma_start3A_455] : memref<100000x64xf32, #tpu.memory_space<hbm>> -> memref<1x64xf32, #tpu.memory_space<hbm>>
        %dma_start3A_457 = tpu.memref_squeeze %dma_start3A_456 : memref<1x64xf32, #tpu.memory_space<hbm>> -> memref<64xf32, #tpu.memory_space<hbm>>
        tpu.enqueue_dma source(%dma_start3A_457 : memref<64xf32, #tpu.memory_space<hbm>>) target(%dma_start3A_454 : memref<64xf32, #tpu.memory_space<vmem>>) target_semaphore(%arg12 : memref<!tpu.dma_semaphore, #tpu.memory_space<semaphore_mem>>)
        %mul3A_458 = arith.constant 16 : i32
        %mul3A_459 = arith.muli %scan3A_35, %mul3A_458 : i32
        %add3A_460 = arith.constant 13 : i32
        %add3A_461 = arith.addi %mul3A_459, %add3A_460 : i32
        %slice3A_462 = vector.extract_strided_slice %get3A_39 {offsets = [13], sizes = [1], strides = [1]} : vector<16xi32> to vector<1xi32>
        %squeeze3A_463 = vector.extract %slice3A_462[0] : i32 from vector<1xi32>
        %dma_start3A_464 = arith.constant 0 : i32
        %dma_start3A_465 = tpu.memref_slice %arg9[%add3A_461, %dma_start3A_464] : memref<128x128xf32, #tpu.memory_space<vmem>> -> memref<1x64xf32, #tpu.memory_space<vmem>>
        %dma_start3A_466 = tpu.memref_squeeze %dma_start3A_465 : memref<1x64xf32, #tpu.memory_space<vmem>> -> memref<64xf32, #tpu.memory_space<vmem>>
        %dma_start3A_467 = arith.constant 0 : i32
        %dma_start3A_468 = tpu.memref_slice %arg4[%squeeze3A_463, %dma_start3A_467] : memref<100000x64xf32, #tpu.memory_space<hbm>> -> memref<1x64xf32, #tpu.memory_space<hbm>>
        %dma_start3A_469 = tpu.memref_squeeze %dma_start3A_468 : memref<1x64xf32, #tpu.memory_space<hbm>> -> memref<64xf32, #tpu.memory_space<hbm>>
        %dma_start3A_470 = arith.constant 0 : i32
        %dma_start3A_471 = tpu.memref_slice %arg9[%add3A_461, %dma_start3A_470] : memref<128x128xf32, #tpu.memory_space<vmem>> -> memref<1x64xf32, #tpu.memory_space<vmem>>
        %dma_start3A_472 = tpu.memref_squeeze %dma_start3A_471 : memref<1x64xf32, #tpu.memory_space<vmem>> -> memref<64xf32, #tpu.memory_space<vmem>>
        %dma_start3A_473 = arith.constant 0 : i32
        %dma_start3A_474 = tpu.memref_slice %arg4[%squeeze3A_463, %dma_start3A_473] : memref<100000x64xf32, #tpu.memory_space<hbm>> -> memref<1x64xf32, #tpu.memory_space<hbm>>
        %dma_start3A_475 = tpu.memref_squeeze %dma_start3A_474 : memref<1x64xf32, #tpu.memory_space<hbm>> -> memref<64xf32, #tpu.memory_space<hbm>>
        tpu.enqueue_dma source(%dma_start3A_475 : memref<64xf32, #tpu.memory_space<hbm>>) target(%dma_start3A_472 : memref<64xf32, #tpu.memory_space<vmem>>) target_semaphore(%arg12 : memref<!tpu.dma_semaphore, #tpu.memory_space<semaphore_mem>>)
        %slice3A_476 = vector.extract_strided_slice %get3A_44 {offsets = [13], sizes = [1], strides = [1]} : vector<16xi32> to vector<1xi32>
        %squeeze3A_477 = vector.extract %slice3A_476[0] : i32 from vector<1xi32>
        %dma_start3A_478 = arith.constant 0 : i32
        %dma_start3A_479 = tpu.memref_slice %arg10[%add3A_461, %dma_start3A_478] : memref<128x128xf32, #tpu.memory_space<vmem>> -> memref<1x64xf32, #tpu.memory_space<vmem>>
        %dma_start3A_480 = tpu.memref_squeeze %dma_start3A_479 : memref<1x64xf32, #tpu.memory_space<vmem>> -> memref<64xf32, #tpu.memory_space<vmem>>
        %dma_start3A_481 = arith.constant 0 : i32
        %dma_start3A_482 = tpu.memref_slice %arg4[%squeeze3A_477, %dma_start3A_481] : memref<100000x64xf32, #tpu.memory_space<hbm>> -> memref<1x64xf32, #tpu.memory_space<hbm>>
        %dma_start3A_483 = tpu.memref_squeeze %dma_start3A_482 : memref<1x64xf32, #tpu.memory_space<hbm>> -> memref<64xf32, #tpu.memory_space<hbm>>
        %dma_start3A_484 = arith.constant 0 : i32
        %dma_start3A_485 = tpu.memref_slice %arg10[%add3A_461, %dma_start3A_484] : memref<128x128xf32, #tpu.memory_space<vmem>> -> memref<1x64xf32, #tpu.memory_space<vmem>>
        %dma_start3A_486 = tpu.memref_squeeze %dma_start3A_485 : memref<1x64xf32, #tpu.memory_space<vmem>> -> memref<64xf32, #tpu.memory_space<vmem>>
        %dma_start3A_487 = arith.constant 0 : i32
        %dma_start3A_488 = tpu.memref_slice %arg4[%squeeze3A_477, %dma_start3A_487] : memref<100000x64xf32, #tpu.memory_space<hbm>> -> memref<1x64xf32, #tpu.memory_space<hbm>>
        %dma_start3A_489 = tpu.memref_squeeze %dma_start3A_488 : memref<1x64xf32, #tpu.memory_space<hbm>> -> memref<64xf32, #tpu.memory_space<hbm>>
        tpu.enqueue_dma source(%dma_start3A_489 : memref<64xf32, #tpu.memory_space<hbm>>) target(%dma_start3A_486 : memref<64xf32, #tpu.memory_space<vmem>>) target_semaphore(%arg12 : memref<!tpu.dma_semaphore, #tpu.memory_space<semaphore_mem>>)
        %mul3A_490 = arith.constant 16 : i32
        %mul3A_491 = arith.muli %scan3A_35, %mul3A_490 : i32
        %add3A_492 = arith.constant 14 : i32
        %add3A_493 = arith.addi %mul3A_491, %add3A_492 : i32
        %slice3A_494 = vector.extract_strided_slice %get3A_39 {offsets = [14], sizes = [1], strides = [1]} : vector<16xi32> to vector<1xi32>
        %squeeze3A_495 = vector.extract %slice3A_494[0] : i32 from vector<1xi32>
        %dma_start3A_496 = arith.constant 0 : i32
        %dma_start3A_497 = tpu.memref_slice %arg9[%add3A_493, %dma_start3A_496] : memref<128x128xf32, #tpu.memory_space<vmem>> -> memref<1x64xf32, #tpu.memory_space<vmem>>
        %dma_start3A_498 = tpu.memref_squeeze %dma_start3A_497 : memref<1x64xf32, #tpu.memory_space<vmem>> -> memref<64xf32, #tpu.memory_space<vmem>>
        %dma_start3A_499 = arith.constant 0 : i32
        %dma_start3A_500 = tpu.memref_slice %arg4[%squeeze3A_495, %dma_start3A_499] : memref<100000x64xf32, #tpu.memory_space<hbm>> -> memref<1x64xf32, #tpu.memory_space<hbm>>
        %dma_start3A_501 = tpu.memref_squeeze %dma_start3A_500 : memref<1x64xf32, #tpu.memory_space<hbm>> -> memref<64xf32, #tpu.memory_space<hbm>>
        %dma_start3A_502 = arith.constant 0 : i32
        %dma_start3A_503 = tpu.memref_slice %arg9[%add3A_493, %dma_start3A_502] : memref<128x128xf32, #tpu.memory_space<vmem>> -> memref<1x64xf32, #tpu.memory_space<vmem>>
        %dma_start3A_504 = tpu.memref_squeeze %dma_start3A_503 : memref<1x64xf32, #tpu.memory_space<vmem>> -> memref<64xf32, #tpu.memory_space<vmem>>
        %dma_start3A_505 = arith.constant 0 : i32
        %dma_start3A_506 = tpu.memref_slice %arg4[%squeeze3A_495, %dma_start3A_505] : memref<100000x64xf32, #tpu.memory_space<hbm>> -> memref<1x64xf32, #tpu.memory_space<hbm>>
        %dma_start3A_507 = tpu.memref_squeeze %dma_start3A_506 : memref<1x64xf32, #tpu.memory_space<hbm>> -> memref<64xf32, #tpu.memory_space<hbm>>
        tpu.enqueue_dma source(%dma_start3A_507 : memref<64xf32, #tpu.memory_space<hbm>>) target(%dma_start3A_504 : memref<64xf32, #tpu.memory_space<vmem>>) target_semaphore(%arg12 : memref<!tpu.dma_semaphore, #tpu.memory_space<semaphore_mem>>)
        %slice3A_508 = vector.extract_strided_slice %get3A_44 {offsets = [14], sizes = [1], strides = [1]} : vector<16xi32> to vector<1xi32>
        %squeeze3A_509 = vector.extract %slice3A_508[0] : i32 from vector<1xi32>
        %dma_start3A_510 = arith.constant 0 : i32
        %dma_start3A_511 = tpu.memref_slice %arg10[%add3A_493, %dma_start3A_510] : memref<128x128xf32, #tpu.memory_space<vmem>> -> memref<1x64xf32, #tpu.memory_space<vmem>>
        %dma_start3A_512 = tpu.memref_squeeze %dma_start3A_511 : memref<1x64xf32, #tpu.memory_space<vmem>> -> memref<64xf32, #tpu.memory_space<vmem>>
        %dma_start3A_513 = arith.constant 0 : i32
        %dma_start3A_514 = tpu.memref_slice %arg4[%squeeze3A_509, %dma_start3A_513] : memref<100000x64xf32, #tpu.memory_space<hbm>> -> memref<1x64xf32, #tpu.memory_space<hbm>>
        %dma_start3A_515 = tpu.memref_squeeze %dma_start3A_514 : memref<1x64xf32, #tpu.memory_space<hbm>> -> memref<64xf32, #tpu.memory_space<hbm>>
        %dma_start3A_516 = arith.constant 0 : i32
        %dma_start3A_517 = tpu.memref_slice %arg10[%add3A_493, %dma_start3A_516] : memref<128x128xf32, #tpu.memory_space<vmem>> -> memref<1x64xf32, #tpu.memory_space<vmem>>
        %dma_start3A_518 = tpu.memref_squeeze %dma_start3A_517 : memref<1x64xf32, #tpu.memory_space<vmem>> -> memref<64xf32, #tpu.memory_space<vmem>>
        %dma_start3A_519 = arith.constant 0 : i32
        %dma_start3A_520 = tpu.memref_slice %arg4[%squeeze3A_509, %dma_start3A_519] : memref<100000x64xf32, #tpu.memory_space<hbm>> -> memref<1x64xf32, #tpu.memory_space<hbm>>
        %dma_start3A_521 = tpu.memref_squeeze %dma_start3A_520 : memref<1x64xf32, #tpu.memory_space<hbm>> -> memref<64xf32, #tpu.memory_space<hbm>>
        tpu.enqueue_dma source(%dma_start3A_521 : memref<64xf32, #tpu.memory_space<hbm>>) target(%dma_start3A_518 : memref<64xf32, #tpu.memory_space<vmem>>) target_semaphore(%arg12 : memref<!tpu.dma_semaphore, #tpu.memory_space<semaphore_mem>>)
        %mul3A_522 = arith.constant 16 : i32
        %mul3A_523 = arith.muli %scan3A_35, %mul3A_522 : i32
        %add3A_524 = arith.constant 15 : i32
        %add3A_525 = arith.addi %mul3A_523, %add3A_524 : i32
        %slice3A_526 = vector.extract_strided_slice %get3A_39 {offsets = [15], sizes = [1], strides = [1]} : vector<16xi32> to vector<1xi32>
        %squeeze3A_527 = vector.extract %slice3A_526[0] : i32 from vector<1xi32>
        %dma_start3A_528 = arith.constant 0 : i32
        %dma_start3A_529 = tpu.memref_slice %arg9[%add3A_525, %dma_start3A_528] : memref<128x128xf32, #tpu.memory_space<vmem>> -> memref<1x64xf32, #tpu.memory_space<vmem>>
        %dma_start3A_530 = tpu.memref_squeeze %dma_start3A_529 : memref<1x64xf32, #tpu.memory_space<vmem>> -> memref<64xf32, #tpu.memory_space<vmem>>
        %dma_start3A_531 = arith.constant 0 : i32
        %dma_start3A_532 = tpu.memref_slice %arg4[%squeeze3A_527, %dma_start3A_531] : memref<100000x64xf32, #tpu.memory_space<hbm>> -> memref<1x64xf32, #tpu.memory_space<hbm>>
        %dma_start3A_533 = tpu.memref_squeeze %dma_start3A_532 : memref<1x64xf32, #tpu.memory_space<hbm>> -> memref<64xf32, #tpu.memory_space<hbm>>
        %dma_start3A_534 = arith.constant 0 : i32
        %dma_start3A_535 = tpu.memref_slice %arg9[%add3A_525, %dma_start3A_534] : memref<128x128xf32, #tpu.memory_space<vmem>> -> memref<1x64xf32, #tpu.memory_space<vmem>>
        %dma_start3A_536 = tpu.memref_squeeze %dma_start3A_535 : memref<1x64xf32, #tpu.memory_space<vmem>> -> memref<64xf32, #tpu.memory_space<vmem>>
        %dma_start3A_537 = arith.constant 0 : i32
        %dma_start3A_538 = tpu.memref_slice %arg4[%squeeze3A_527, %dma_start3A_537] : memref<100000x64xf32, #tpu.memory_space<hbm>> -> memref<1x64xf32, #tpu.memory_space<hbm>>
        %dma_start3A_539 = tpu.memref_squeeze %dma_start3A_538 : memref<1x64xf32, #tpu.memory_space<hbm>> -> memref<64xf32, #tpu.memory_space<hbm>>
        tpu.enqueue_dma source(%dma_start3A_539 : memref<64xf32, #tpu.memory_space<hbm>>) target(%dma_start3A_536 : memref<64xf32, #tpu.memory_space<vmem>>) target_semaphore(%arg12 : memref<!tpu.dma_semaphore, #tpu.memory_space<semaphore_mem>>)
        %slice3A_540 = vector.extract_strided_slice %get3A_44 {offsets = [15], sizes = [1], strides = [1]} : vector<16xi32> to vector<1xi32>
        %squeeze3A_541 = vector.extract %slice3A_540[0] : i32 from vector<1xi32>
        %dma_start3A_542 = arith.constant 0 : i32
        %dma_start3A_543 = tpu.memref_slice %arg10[%add3A_525, %dma_start3A_542] : memref<128x128xf32, #tpu.memory_space<vmem>> -> memref<1x64xf32, #tpu.memory_space<vmem>>
        %dma_start3A_544 = tpu.memref_squeeze %dma_start3A_543 : memref<1x64xf32, #tpu.memory_space<vmem>> -> memref<64xf32, #tpu.memory_space<vmem>>
        %dma_start3A_545 = arith.constant 0 : i32
        %dma_start3A_546 = tpu.memref_slice %arg4[%squeeze3A_541, %dma_start3A_545] : memref<100000x64xf32, #tpu.memory_space<hbm>> -> memref<1x64xf32, #tpu.memory_space<hbm>>
        %dma_start3A_547 = tpu.memref_squeeze %dma_start3A_546 : memref<1x64xf32, #tpu.memory_space<hbm>> -> memref<64xf32, #tpu.memory_space<hbm>>
        %dma_start3A_548 = arith.constant 0 : i32
        %dma_start3A_549 = tpu.memref_slice %arg10[%add3A_525, %dma_start3A_548] : memref<128x128xf32, #tpu.memory_space<vmem>> -> memref<1x64xf32, #tpu.memory_space<vmem>>
        %dma_start3A_550 = tpu.memref_squeeze %dma_start3A_549 : memref<1x64xf32, #tpu.memory_space<vmem>> -> memref<64xf32, #tpu.memory_space<vmem>>
        %dma_start3A_551 = arith.constant 0 : i32
        %dma_start3A_552 = tpu.memref_slice %arg4[%squeeze3A_541, %dma_start3A_551] : memref<100000x64xf32, #tpu.memory_space<hbm>> -> memref<1x64xf32, #tpu.memory_space<hbm>>
        %dma_start3A_553 = tpu.memref_squeeze %dma_start3A_552 : memref<1x64xf32, #tpu.memory_space<hbm>> -> memref<64xf32, #tpu.memory_space<hbm>>
        tpu.enqueue_dma source(%dma_start3A_553 : memref<64xf32, #tpu.memory_space<hbm>>) target(%dma_start3A_550 : memref<64xf32, #tpu.memory_space<vmem>>) target_semaphore(%arg12 : memref<!tpu.dma_semaphore, #tpu.memory_space<semaphore_mem>>)
      }
      %scan3A_18 = arith.constant 8 : i32
      %dma_wait3A = arith.constant 0 : i32
      %dma_wait3A_19 = arith.constant 0 : i32
      %dma_wait3A_20 = tpu.memref_slice %arg9[%dma_wait3A, %dma_wait3A_19] : memref<128x128xf32, #tpu.memory_space<vmem>> -> memref<64x128xf32, #tpu.memory_space<vmem>>
      %dma_wait3A_21 = arith.constant 0 : i32
      %dma_wait3A_22 = arith.constant 0 : i32
      %dma_wait3A_23 = tpu.memref_slice %arg9[%dma_wait3A_21, %dma_wait3A_22] : memref<128x128xf32, #tpu.memory_space<vmem>> -> memref<64x128xf32, #tpu.memory_space<vmem>>
      tpu.wait_dma2 semaphore(%arg12 : memref<!tpu.dma_semaphore, #tpu.memory_space<semaphore_mem>>) src(%arg5 : memref<64x128xf32, #tpu.memory_space<hbm>>) dst(%dma_wait3A_23 : memref<64x128xf32, #tpu.memory_space<vmem>>)
      %dma_wait3A_24 = arith.constant 0 : i32
      %dma_wait3A_25 = arith.constant 0 : i32
      %dma_wait3A_26 = tpu.memref_slice %arg10[%dma_wait3A_24, %dma_wait3A_25] : memref<128x128xf32, #tpu.memory_space<vmem>> -> memref<64x128xf32, #tpu.memory_space<vmem>>
      %dma_wait3A_27 = arith.constant 0 : i32
      %dma_wait3A_28 = arith.constant 0 : i32
      %dma_wait3A_29 = tpu.memref_slice %arg10[%dma_wait3A_27, %dma_wait3A_28] : memref<128x128xf32, #tpu.memory_space<vmem>> -> memref<64x128xf32, #tpu.memory_space<vmem>>
      tpu.wait_dma2 semaphore(%arg12 : memref<!tpu.dma_semaphore, #tpu.memory_space<semaphore_mem>>) src(%arg5 : memref<64x128xf32, #tpu.memory_space<hbm>>) dst(%dma_wait3A_29 : memref<64x128xf32, #tpu.memory_space<vmem>>)
      %scan3A_30 = arith.constant 0 : i32
      %scan3A_31 = arith.constant 8 : i32
      %scan3A_32 = arith.addi %scan3A_30, %scan3A_31 : i32
      %scan3A_33 = arith.constant 1 : i32
      scf.for %scan3A_35 = %scan3A_30 to %scan3A_32 step %scan3A_33  : i32 {
        %mul3A_36 = arith.constant 16 : i32
        %mul3A_37 = arith.muli %scan3A_35, %mul3A_36 : i32
        %add3A_38 = arith.constant 0 : i32
        %add3A_39 = arith.addi %mul3A_37, %add3A_38 : i32
        %get3A = arith.index_cast %add3A_39 : i32 to index
        %get3A_40 = arith.constant 0 : index
        %get3A_41 = tpu.vector_load %arg9[%get3A, %get3A_40] {strides = array<i32>} : memref<128x128xf32, #tpu.memory_space<vmem>>, vector<16xf32>,
        %get3A_42 = arith.index_cast %add3A_39 : i32 to index
        %get3A_43 = arith.constant 0 : index
        %get3A_44 = tpu.vector_load %arg10[%get3A_42, %get3A_43] {strides = array<i32>} : memref<128x128xf32, #tpu.memory_space<vmem>>, vector<16xf32>,
        %mul3A_45 = arith.mulf %get3A_41, %get3A_44 : vector<16xf32>
        %mul3A_46 = arith.mulf %get3A_41, %get3A_41 : vector<16xf32>
        %mul3A_47 = arith.mulf %get3A_44, %get3A_44 : vector<16xf32>
        %get3A_48 = arith.index_cast %add3A_39 : i32 to index
        %get3A_49 = arith.constant 16 : index
        %get3A_50 = tpu.vector_load %arg9[%get3A_48, %get3A_49] {strides = array<i32>} : memref<128x128xf32, #tpu.memory_space<vmem>>, vector<16xf32>,
        %get3A_51 = arith.index_cast %add3A_39 : i32 to index
        %get3A_52 = arith.constant 16 : index
        %get3A_53 = tpu.vector_load %arg10[%get3A_51, %get3A_52] {strides = array<i32>} : memref<128x128xf32, #tpu.memory_space<vmem>>, vector<16xf32>,
        %mul3A_54 = arith.mulf %get3A_50, %get3A_53 : vector<16xf32>
        %add3A_55 = arith.addf %mul3A_45, %mul3A_54 : vector<16xf32>
        %mul3A_56 = arith.mulf %get3A_50, %get3A_50 : vector<16xf32>
        %add3A_57 = arith.addf %mul3A_46, %mul3A_56 : vector<16xf32>
        %mul3A_58 = arith.mulf %get3A_53, %get3A_53 : vector<16xf32>
        %add3A_59 = arith.addf %mul3A_47, %mul3A_58 : vector<16xf32>
        %get3A_60 = arith.index_cast %add3A_39 : i32 to index
        %get3A_61 = arith.constant 32 : index
        %get3A_62 = tpu.vector_load %arg9[%get3A_60, %get3A_61] {strides = array<i32>} : memref<128x128xf32, #tpu.memory_space<vmem>>, vector<16xf32>,
        %get3A_63 = arith.index_cast %add3A_39 : i32 to index
        %get3A_64 = arith.constant 32 : index
        %get3A_65 = tpu.vector_load %arg10[%get3A_63, %get3A_64] {strides = array<i32>} : memref<128x128xf32, #tpu.memory_space<vmem>>, vector<16xf32>,
        %mul3A_66 = arith.mulf %get3A_62, %get3A_65 : vector<16xf32>
        %add3A_67 = arith.addf %add3A_55, %mul3A_66 : vector<16xf32>
        %mul3A_68 = arith.mulf %get3A_62, %get3A_62 : vector<16xf32>
        %add3A_69 = arith.addf %add3A_57, %mul3A_68 : vector<16xf32>
        %mul3A_70 = arith.mulf %get3A_65, %get3A_65 : vector<16xf32>
        %add3A_71 = arith.addf %add3A_59, %mul3A_70 : vector<16xf32>
        %get3A_72 = arith.index_cast %add3A_39 : i32 to index
        %get3A_73 = arith.constant 48 : index
        %get3A_74 = tpu.vector_load %arg9[%get3A_72, %get3A_73] {strides = array<i32>} : memref<128x128xf32, #tpu.memory_space<vmem>>, vector<16xf32>,
        %get3A_75 = arith.index_cast %add3A_39 : i32 to index
        %get3A_76 = arith.constant 48 : index
        %get3A_77 = tpu.vector_load %arg10[%get3A_75, %get3A_76] {strides = array<i32>} : memref<128x128xf32, #tpu.memory_space<vmem>>, vector<16xf32>,
        %mul3A_78 = arith.mulf %get3A_74, %get3A_77 : vector<16xf32>
        %add3A_79 = arith.addf %add3A_67, %mul3A_78 : vector<16xf32>
        %mul3A_80 = arith.mulf %get3A_74, %get3A_74 : vector<16xf32>
        %add3A_81 = arith.addf %add3A_69, %mul3A_80 : vector<16xf32>
        %mul3A_82 = arith.mulf %get3A_77, %get3A_77 : vector<16xf32>
        %add3A_83 = arith.addf %add3A_71, %mul3A_82 : vector<16xf32>
        %eq3A = arith.constant 0 : i32
        %eq3A_84 = vector.broadcast %eq3A : i32 to vector<16xi32>
        %eq3A_85 = arith.cmpi eq, %iota3A, %eq3A_84 : vector<16xi32>
        %reduce_sum3A = arith.constant true
        %reduce_sum3A_86 = vector.broadcast %reduce_sum3A : i1 to vector<16xi1>
        %reduce_sum3A_87 = tpu.scan <sum>, %add3A_79 masked %reduce_sum3A_86 : vector<16xf32>, vector<16xi1> -> vector<16xf32>
        %reduce_sum3A_88 = vector.extract %reduce_sum3A_87[15] : f32 from vector<16xf32>
        %broadcast_in_dim3A_89 = vector.broadcast %reduce_sum3A_88 : f32 to vector<16xf32>
        %select_n3A = arith.select %eq3A_85, %broadcast_in_dim3A_89, %broadcast_in_dim3A_7 : vector<16xi1>, vector<16xf32>
        %reduce_sum3A_90 = arith.constant true
        %reduce_sum3A_91 = vector.broadcast %reduce_sum3A_90 : i1 to vector<16xi1>
        %reduce_sum3A_92 = tpu.scan <sum>, %add3A_81 masked %reduce_sum3A_91 : vector<16xf32>, vector<16xi1> -> vector<16xf32>
        %reduce_sum3A_93 = vector.extract %reduce_sum3A_92[15] : f32 from vector<16xf32>
        %broadcast_in_dim3A_94 = vector.broadcast %reduce_sum3A_93 : f32 to vector<16xf32>
        %select_n3A_95 = arith.select %eq3A_85, %broadcast_in_dim3A_94, %broadcast_in_dim3A_7 : vector<16xi1>, vector<16xf32>
        %reduce_sum3A_96 = arith.constant true
        %reduce_sum3A_97 = vector.broadcast %reduce_sum3A_96 : i1 to vector<16xi1>
        %reduce_sum3A_98 = tpu.scan <sum>, %add3A_83 masked %reduce_sum3A_97 : vector<16xf32>, vector<16xi1> -> vector<16xf32>
        %reduce_sum3A_99 = vector.extract %reduce_sum3A_98[15] : f32 from vector<16xf32>
        %broadcast_in_dim3A_100 = vector.broadcast %reduce_sum3A_99 : f32 to vector<16xf32>
        %select_n3A_101 = arith.select %eq3A_85, %broadcast_in_dim3A_100, %broadcast_in_dim3A_7 : vector<16xi1>, vector<16xf32>
        %mul3A_102 = arith.constant 16 : i32
        %mul3A_103 = arith.muli %scan3A_35, %mul3A_102 : i32
        %add3A_104 = arith.constant 1 : i32
        %add3A_105 = arith.addi %mul3A_103, %add3A_104 : i32
        %get3A_106 = arith.index_cast %add3A_105 : i32 to index
        %get3A_107 = arith.constant 0 : index
        %get3A_108 = tpu.vector_load %arg9[%get3A_106, %get3A_107] {strides = array<i32>} : memref<128x128xf32, #tpu.memory_space<vmem>>, vector<16xf32>,
        %get3A_109 = arith.index_cast %add3A_105 : i32 to index
        %get3A_110 = arith.constant 0 : index
        %get3A_111 = tpu.vector_load %arg10[%get3A_109, %get3A_110] {strides = array<i32>} : memref<128x128xf32, #tpu.memory_space<vmem>>, vector<16xf32>,
        %mul3A_112 = arith.mulf %get3A_108, %get3A_111 : vector<16xf32>
        %mul3A_113 = arith.mulf %get3A_108, %get3A_108 : vector<16xf32>
        %mul3A_114 = arith.mulf %get3A_111, %get3A_111 : vector<16xf32>
        %get3A_115 = arith.index_cast %add3A_105 : i32 to index
        %get3A_116 = arith.constant 16 : index
        %get3A_117 = tpu.vector_load %arg9[%get3A_115, %get3A_116] {strides = array<i32>} : memref<128x128xf32, #tpu.memory_space<vmem>>, vector<16xf32>,
        %get3A_118 = arith.index_cast %add3A_105 : i32 to index
        %get3A_119 = arith.constant 16 : index
        %get3A_120 = tpu.vector_load %arg10[%get3A_118, %get3A_119] {strides = array<i32>} : memref<128x128xf32, #tpu.memory_space<vmem>>, vector<16xf32>,
        %mul3A_121 = arith.mulf %get3A_117, %get3A_120 : vector<16xf32>
        %add3A_122 = arith.addf %mul3A_112, %mul3A_121 : vector<16xf32>
        %mul3A_123 = arith.mulf %get3A_117, %get3A_117 : vector<16xf32>
        %add3A_124 = arith.addf %mul3A_113, %mul3A_123 : vector<16xf32>
        %mul3A_125 = arith.mulf %get3A_120, %get3A_120 : vector<16xf32>
        %add3A_126 = arith.addf %mul3A_114, %mul3A_125 : vector<16xf32>
        %get3A_127 = arith.index_cast %add3A_105 : i32 to index
        %get3A_128 = arith.constant 32 : index
        %get3A_129 = tpu.vector_load %arg9[%get3A_127, %get3A_128] {strides = array<i32>} : memref<128x128xf32, #tpu.memory_space<vmem>>, vector<16xf32>,
        %get3A_130 = arith.index_cast %add3A_105 : i32 to index
        %get3A_131 = arith.constant 32 : index
        %get3A_132 = tpu.vector_load %arg10[%get3A_130, %get3A_131] {strides = array<i32>} : memref<128x128xf32, #tpu.memory_space<vmem>>, vector<16xf32>,
        %mul3A_133 = arith.mulf %get3A_129, %get3A_132 : vector<16xf32>
        %add3A_134 = arith.addf %add3A_122, %mul3A_133 : vector<16xf32>
        %mul3A_135 = arith.mulf %get3A_129, %get3A_129 : vector<16xf32>
        %add3A_136 = arith.addf %add3A_124, %mul3A_135 : vector<16xf32>
        %mul3A_137 = arith.mulf %get3A_132, %get3A_132 : vector<16xf32>
        %add3A_138 = arith.addf %add3A_126, %mul3A_137 : vector<16xf32>
        %get3A_139 = arith.index_cast %add3A_105 : i32 to index
        %get3A_140 = arith.constant 48 : index
        %get3A_141 = tpu.vector_load %arg9[%get3A_139, %get3A_140] {strides = array<i32>} : memref<128x128xf32, #tpu.memory_space<vmem>>, vector<16xf32>,
        %get3A_142 = arith.index_cast %add3A_105 : i32 to index
        %get3A_143 = arith.constant 48 : index
        %get3A_144 = tpu.vector_load %arg10[%get3A_142, %get3A_143] {strides = array<i32>} : memref<128x128xf32, #tpu.memory_space<vmem>>, vector<16xf32>,
        %mul3A_145 = arith.mulf %get3A_141, %get3A_144 : vector<16xf32>
        %add3A_146 = arith.addf %add3A_134, %mul3A_145 : vector<16xf32>
        %mul3A_147 = arith.mulf %get3A_141, %get3A_141 : vector<16xf32>
        %add3A_148 = arith.addf %add3A_136, %mul3A_147 : vector<16xf32>
        %mul3A_149 = arith.mulf %get3A_144, %get3A_144 : vector<16xf32>
        %add3A_150 = arith.addf %add3A_138, %mul3A_149 : vector<16xf32>
        %eq3A_151 = arith.constant 1 : i32
        %eq3A_152 = vector.broadcast %eq3A_151 : i32 to vector<16xi32>
        %eq3A_153 = arith.cmpi eq, %iota3A, %eq3A_152 : vector<16xi32>
        %reduce_sum3A_154 = arith.constant true
        %reduce_sum3A_155 = vector.broadcast %reduce_sum3A_154 : i1 to vector<16xi1>
        %reduce_sum3A_156 = tpu.scan <sum>, %add3A_146 masked %reduce_sum3A_155 : vector<16xf32>, vector<16xi1> -> vector<16xf32>
        %reduce_sum3A_157 = vector.extract %reduce_sum3A_156[15] : f32 from vector<16xf32>
        %broadcast_in_dim3A_158 = vector.broadcast %reduce_sum3A_157 : f32 to vector<16xf32>
        %select_n3A_159 = arith.select %eq3A_153, %broadcast_in_dim3A_158, %select_n3A : vector<16xi1>, vector<16xf32>
        %reduce_sum3A_160 = arith.constant true
        %reduce_sum3A_161 = vector.broadcast %reduce_sum3A_160 : i1 to vector<16xi1>
        %reduce_sum3A_162 = tpu.scan <sum>, %add3A_148 masked %reduce_sum3A_161 : vector<16xf32>, vector<16xi1> -> vector<16xf32>
        %reduce_sum3A_163 = vector.extract %reduce_sum3A_162[15] : f32 from vector<16xf32>
        %broadcast_in_dim3A_164 = vector.broadcast %reduce_sum3A_163 : f32 to vector<16xf32>
        %select_n3A_165 = arith.select %eq3A_153, %broadcast_in_dim3A_164, %select_n3A_95 : vector<16xi1>, vector<16xf32>
        %reduce_sum3A_166 = arith.constant true
        %reduce_sum3A_167 = vector.broadcast %reduce_sum3A_166 : i1 to vector<16xi1>
        %reduce_sum3A_168 = tpu.scan <sum>, %add3A_150 masked %reduce_sum3A_167 : vector<16xf32>, vector<16xi1> -> vector<16xf32>
        %reduce_sum3A_169 = vector.extract %reduce_sum3A_168[15] : f32 from vector<16xf32>
        %broadcast_in_dim3A_170 = vector.broadcast %reduce_sum3A_169 : f32 to vector<16xf32>
        %select_n3A_171 = arith.select %eq3A_153, %broadcast_in_dim3A_170, %select_n3A_101 : vector<16xi1>, vector<16xf32>
        %mul3A_172 = arith.constant 16 : i32
        %mul3A_173 = arith.muli %scan3A_35, %mul3A_172 : i32
        %add3A_174 = arith.constant 2 : i32
        %add3A_175 = arith.addi %mul3A_173, %add3A_174 : i32
        %get3A_176 = arith.index_cast %add3A_175 : i32 to index
        %get3A_177 = arith.constant 0 : index
        %get3A_178 = tpu.vector_load %arg9[%get3A_176, %get3A_177] {strides = array<i32>} : memref<128x128xf32, #tpu.memory_space<vmem>>, vector<16xf32>,
        %get3A_179 = arith.index_cast %add3A_175 : i32 to index
        %get3A_180 = arith.constant 0 : index
        %get3A_181 = tpu.vector_load %arg10[%get3A_179, %get3A_180] {strides = array<i32>} : memref<128x128xf32, #tpu.memory_space<vmem>>, vector<16xf32>,
        %mul3A_182 = arith.mulf %get3A_178, %get3A_181 : vector<16xf32>
        %mul3A_183 = arith.mulf %get3A_178, %get3A_178 : vector<16xf32>
        %mul3A_184 = arith.mulf %get3A_181, %get3A_181 : vector<16xf32>
        %get3A_185 = arith.index_cast %add3A_175 : i32 to index
        %get3A_186 = arith.constant 16 : index
        %get3A_187 = tpu.vector_load %arg9[%get3A_185, %get3A_186] {strides = array<i32>} : memref<128x128xf32, #tpu.memory_space<vmem>>, vector<16xf32>,
        %get3A_188 = arith.index_cast %add3A_175 : i32 to index
        %get3A_189 = arith.constant 16 : index
        %get3A_190 = tpu.vector_load %arg10[%get3A_188, %get3A_189] {strides = array<i32>} : memref<128x128xf32, #tpu.memory_space<vmem>>, vector<16xf32>,
        %mul3A_191 = arith.mulf %get3A_187, %get3A_190 : vector<16xf32>
        %add3A_192 = arith.addf %mul3A_182, %mul3A_191 : vector<16xf32>
        %mul3A_193 = arith.mulf %get3A_187, %get3A_187 : vector<16xf32>
        %add3A_194 = arith.addf %mul3A_183, %mul3A_193 : vector<16xf32>
        %mul3A_195 = arith.mulf %get3A_190, %get3A_190 : vector<16xf32>
        %add3A_196 = arith.addf %mul3A_184, %mul3A_195 : vector<16xf32>
        %get3A_197 = arith.index_cast %add3A_175 : i32 to index
        %get3A_198 = arith.constant 32 : index
        %get3A_199 = tpu.vector_load %arg9[%get3A_197, %get3A_198] {strides = array<i32>} : memref<128x128xf32, #tpu.memory_space<vmem>>, vector<16xf32>,
        %get3A_200 = arith.index_cast %add3A_175 : i32 to index
        %get3A_201 = arith.constant 32 : index
        %get3A_202 = tpu.vector_load %arg10[%get3A_200, %get3A_201] {strides = array<i32>} : memref<128x128xf32, #tpu.memory_space<vmem>>, vector<16xf32>,
        %mul3A_203 = arith.mulf %get3A_199, %get3A_202 : vector<16xf32>
        %add3A_204 = arith.addf %add3A_192, %mul3A_203 : vector<16xf32>
        %mul3A_205 = arith.mulf %get3A_199, %get3A_199 : vector<16xf32>
        %add3A_206 = arith.addf %add3A_194, %mul3A_205 : vector<16xf32>
        %mul3A_207 = arith.mulf %get3A_202, %get3A_202 : vector<16xf32>
        %add3A_208 = arith.addf %add3A_196, %mul3A_207 : vector<16xf32>
        %get3A_209 = arith.index_cast %add3A_175 : i32 to index
        %get3A_210 = arith.constant 48 : index
        %get3A_211 = tpu.vector_load %arg9[%get3A_209, %get3A_210] {strides = array<i32>} : memref<128x128xf32, #tpu.memory_space<vmem>>, vector<16xf32>,
        %get3A_212 = arith.index_cast %add3A_175 : i32 to index
        %get3A_213 = arith.constant 48 : index
        %get3A_214 = tpu.vector_load %arg10[%get3A_212, %get3A_213] {strides = array<i32>} : memref<128x128xf32, #tpu.memory_space<vmem>>, vector<16xf32>,
        %mul3A_215 = arith.mulf %get3A_211, %get3A_214 : vector<16xf32>
        %add3A_216 = arith.addf %add3A_204, %mul3A_215 : vector<16xf32>
        %mul3A_217 = arith.mulf %get3A_211, %get3A_211 : vector<16xf32>
        %add3A_218 = arith.addf %add3A_206, %mul3A_217 : vector<16xf32>
        %mul3A_219 = arith.mulf %get3A_214, %get3A_214 : vector<16xf32>
        %add3A_220 = arith.addf %add3A_208, %mul3A_219 : vector<16xf32>
        %eq3A_221 = arith.constant 2 : i32
        %eq3A_222 = vector.broadcast %eq3A_221 : i32 to vector<16xi32>
        %eq3A_223 = arith.cmpi eq, %iota3A, %eq3A_222 : vector<16xi32>
        %reduce_sum3A_224 = arith.constant true
        %reduce_sum3A_225 = vector.broadcast %reduce_sum3A_224 : i1 to vector<16xi1>
        %reduce_sum3A_226 = tpu.scan <sum>, %add3A_216 masked %reduce_sum3A_225 : vector<16xf32>, vector<16xi1> -> vector<16xf32>
        %reduce_sum3A_227 = vector.extract %reduce_sum3A_226[15] : f32 from vector<16xf32>
        %broadcast_in_dim3A_228 = vector.broadcast %reduce_sum3A_227 : f32 to vector<16xf32>
        %select_n3A_229 = arith.select %eq3A_223, %broadcast_in_dim3A_228, %select_n3A_159 : vector<16xi1>, vector<16xf32>
        %reduce_sum3A_230 = arith.constant true
        %reduce_sum3A_231 = vector.broadcast %reduce_sum3A_230 : i1 to vector<16xi1>
        %reduce_sum3A_232 = tpu.scan <sum>, %add3A_218 masked %reduce_sum3A_231 : vector<16xf32>, vector<16xi1> -> vector<16xf32>
        %reduce_sum3A_233 = vector.extract %reduce_sum3A_232[15] : f32 from vector<16xf32>
        %broadcast_in_dim3A_234 = vector.broadcast %reduce_sum3A_233 : f32 to vector<16xf32>
        %select_n3A_235 = arith.select %eq3A_223, %broadcast_in_dim3A_234, %select_n3A_165 : vector<16xi1>, vector<16xf32>
        %reduce_sum3A_236 = arith.constant true
        %reduce_sum3A_237 = vector.broadcast %reduce_sum3A_236 : i1 to vector<16xi1>
        %reduce_sum3A_238 = tpu.scan <sum>, %add3A_220 masked %reduce_sum3A_237 : vector<16xf32>, vector<16xi1> -> vector<16xf32>
        %reduce_sum3A_239 = vector.extract %reduce_sum3A_238[15] : f32 from vector<16xf32>
        %broadcast_in_dim3A_240 = vector.broadcast %reduce_sum3A_239 : f32 to vector<16xf32>
        %select_n3A_241 = arith.select %eq3A_223, %broadcast_in_dim3A_240, %select_n3A_171 : vector<16xi1>, vector<16xf32>
        %mul3A_242 = arith.constant 16 : i32
        %mul3A_243 = arith.muli %scan3A_35, %mul3A_242 : i32
        %add3A_244 = arith.constant 3 : i32
        %add3A_245 = arith.addi %mul3A_243, %add3A_244 : i32
        %get3A_246 = arith.index_cast %add3A_245 : i32 to index
        %get3A_247 = arith.constant 0 : index
        %get3A_248 = tpu.vector_load %arg9[%get3A_246, %get3A_247] {strides = array<i32>} : memref<128x128xf32, #tpu.memory_space<vmem>>, vector<16xf32>,
        %get3A_249 = arith.index_cast %add3A_245 : i32 to index
        %get3A_250 = arith.constant 0 : index
        %get3A_251 = tpu.vector_load %arg10[%get3A_249, %get3A_250] {strides = array<i32>} : memref<128x128xf32, #tpu.memory_space<vmem>>, vector<16xf32>,
        %mul3A_252 = arith.mulf %get3A_248, %get3A_251 : vector<16xf32>
        %mul3A_253 = arith.mulf %get3A_248, %get3A_248 : vector<16xf32>
        %mul3A_254 = arith.mulf %get3A_251, %get3A_251 : vector<16xf32>
        %get3A_255 = arith.index_cast %add3A_245 : i32 to index
        %get3A_256 = arith.constant 16 : index
        %get3A_257 = tpu.vector_load %arg9[%get3A_255, %get3A_256] {strides = array<i32>} : memref<128x128xf32, #tpu.memory_space<vmem>>, vector<16xf32>,
        %get3A_258 = arith.index_cast %add3A_245 : i32 to index
        %get3A_259 = arith.constant 16 : index
        %get3A_260 = tpu.vector_load %arg10[%get3A_258, %get3A_259] {strides = array<i32>} : memref<128x128xf32, #tpu.memory_space<vmem>>, vector<16xf32>,
        %mul3A_261 = arith.mulf %get3A_257, %get3A_260 : vector<16xf32>
        %add3A_262 = arith.addf %mul3A_252, %mul3A_261 : vector<16xf32>
        %mul3A_263 = arith.mulf %get3A_257, %get3A_257 : vector<16xf32>
        %add3A_264 = arith.addf %mul3A_253, %mul3A_263 : vector<16xf32>
        %mul3A_265 = arith.mulf %get3A_260, %get3A_260 : vector<16xf32>
        %add3A_266 = arith.addf %mul3A_254, %mul3A_265 : vector<16xf32>
        %get3A_267 = arith.index_cast %add3A_245 : i32 to index
        %get3A_268 = arith.constant 32 : index
        %get3A_269 = tpu.vector_load %arg9[%get3A_267, %get3A_268] {strides = array<i32>} : memref<128x128xf32, #tpu.memory_space<vmem>>, vector<16xf32>,
        %get3A_270 = arith.index_cast %add3A_245 : i32 to index
        %get3A_271 = arith.constant 32 : index
        %get3A_272 = tpu.vector_load %arg10[%get3A_270, %get3A_271] {strides = array<i32>} : memref<128x128xf32, #tpu.memory_space<vmem>>, vector<16xf32>,
        %mul3A_273 = arith.mulf %get3A_269, %get3A_272 : vector<16xf32>
        %add3A_274 = arith.addf %add3A_262, %mul3A_273 : vector<16xf32>
        %mul3A_275 = arith.mulf %get3A_269, %get3A_269 : vector<16xf32>
        %add3A_276 = arith.addf %add3A_264, %mul3A_275 : vector<16xf32>
        %mul3A_277 = arith.mulf %get3A_272, %get3A_272 : vector<16xf32>
        %add3A_278 = arith.addf %add3A_266, %mul3A_277 : vector<16xf32>
        %get3A_279 = arith.index_cast %add3A_245 : i32 to index
        %get3A_280 = arith.constant 48 : index
        %get3A_281 = tpu.vector_load %arg9[%get3A_279, %get3A_280] {strides = array<i32>} : memref<128x128xf32, #tpu.memory_space<vmem>>, vector<16xf32>,
        %get3A_282 = arith.index_cast %add3A_245 : i32 to index
        %get3A_283 = arith.constant 48 : index
        %get3A_284 = tpu.vector_load %arg10[%get3A_282, %get3A_283] {strides = array<i32>} : memref<128x128xf32, #tpu.memory_space<vmem>>, vector<16xf32>,
        %mul3A_285 = arith.mulf %get3A_281, %get3A_284 : vector<16xf32>
        %add3A_286 = arith.addf %add3A_274, %mul3A_285 : vector<16xf32>
        %mul3A_287 = arith.mulf %get3A_281, %get3A_281 : vector<16xf32>
        %add3A_288 = arith.addf %add3A_276, %mul3A_287 : vector<16xf32>
        %mul3A_289 = arith.mulf %get3A_284, %get3A_284 : vector<16xf32>
        %add3A_290 = arith.addf %add3A_278, %mul3A_289 : vector<16xf32>
        %eq3A_291 = arith.constant 3 : i32
        %eq3A_292 = vector.broadcast %eq3A_291 : i32 to vector<16xi32>
        %eq3A_293 = arith.cmpi eq, %iota3A, %eq3A_292 : vector<16xi32>
        %reduce_sum3A_294 = arith.constant true
        %reduce_sum3A_295 = vector.broadcast %reduce_sum3A_294 : i1 to vector<16xi1>
        %reduce_sum3A_296 = tpu.scan <sum>, %add3A_286 masked %reduce_sum3A_295 : vector<16xf32>, vector<16xi1> -> vector<16xf32>
        %reduce_sum3A_297 = vector.extract %reduce_sum3A_296[15] : f32 from vector<16xf32>
        %broadcast_in_dim3A_298 = vector.broadcast %reduce_sum3A_297 : f32 to vector<16xf32>
        %select_n3A_299 = arith.select %eq3A_293, %broadcast_in_dim3A_298, %select_n3A_229 : vector<16xi1>, vector<16xf32>
        %reduce_sum3A_300 = arith.constant true
        %reduce_sum3A_301 = vector.broadcast %reduce_sum3A_300 : i1 to vector<16xi1>
        %reduce_sum3A_302 = tpu.scan <sum>, %add3A_288 masked %reduce_sum3A_301 : vector<16xf32>, vector<16xi1> -> vector<16xf32>
        %reduce_sum3A_303 = vector.extract %reduce_sum3A_302[15] : f32 from vector<16xf32>
        %broadcast_in_dim3A_304 = vector.broadcast %reduce_sum3A_303 : f32 to vector<16xf32>
        %select_n3A_305 = arith.select %eq3A_293, %broadcast_in_dim3A_304, %select_n3A_235 : vector<16xi1>, vector<16xf32>
        %reduce_sum3A_306 = arith.constant true
        %reduce_sum3A_307 = vector.broadcast %reduce_sum3A_306 : i1 to vector<16xi1>
        %reduce_sum3A_308 = tpu.scan <sum>, %add3A_290 masked %reduce_sum3A_307 : vector<16xf32>, vector<16xi1> -> vector<16xf32>
        %reduce_sum3A_309 = vector.extract %reduce_sum3A_308[15] : f32 from vector<16xf32>
        %broadcast_in_dim3A_310 = vector.broadcast %reduce_sum3A_309 : f32 to vector<16xf32>
        %select_n3A_311 = arith.select %eq3A_293, %broadcast_in_dim3A_310, %select_n3A_241 : vector<16xi1>, vector<16xf32>
        %mul3A_312 = arith.constant 16 : i32
        %mul3A_313 = arith.muli %scan3A_35, %mul3A_312 : i32
        %add3A_314 = arith.constant 4 : i32
        %add3A_315 = arith.addi %mul3A_313, %add3A_314 : i32
        %get3A_316 = arith.index_cast %add3A_315 : i32 to index
        %get3A_317 = arith.constant 0 : index
        %get3A_318 = tpu.vector_load %arg9[%get3A_316, %get3A_317] {strides = array<i32>} : memref<128x128xf32, #tpu.memory_space<vmem>>, vector<16xf32>,
        %get3A_319 = arith.index_cast %add3A_315 : i32 to index
        %get3A_320 = arith.constant 0 : index
        %get3A_321 = tpu.vector_load %arg10[%get3A_319, %get3A_320] {strides = array<i32>} : memref<128x128xf32, #tpu.memory_space<vmem>>, vector<16xf32>,
        %mul3A_322 = arith.mulf %get3A_318, %get3A_321 : vector<16xf32>
        %mul3A_323 = arith.mulf %get3A_318, %get3A_318 : vector<16xf32>
        %mul3A_324 = arith.mulf %get3A_321, %get3A_321 : vector<16xf32>
        %get3A_325 = arith.index_cast %add3A_315 : i32 to index
        %get3A_326 = arith.constant 16 : index
        %get3A_327 = tpu.vector_load %arg9[%get3A_325, %get3A_326] {strides = array<i32>} : memref<128x128xf32, #tpu.memory_space<vmem>>, vector<16xf32>,
        %get3A_328 = arith.index_cast %add3A_315 : i32 to index
        %get3A_329 = arith.constant 16 : index
        %get3A_330 = tpu.vector_load %arg10[%get3A_328, %get3A_329] {strides = array<i32>} : memref<128x128xf32, #tpu.memory_space<vmem>>, vector<16xf32>,
        %mul3A_331 = arith.mulf %get3A_327, %get3A_330 : vector<16xf32>
        %add3A_332 = arith.addf %mul3A_322, %mul3A_331 : vector<16xf32>
        %mul3A_333 = arith.mulf %get3A_327, %get3A_327 : vector<16xf32>
        %add3A_334 = arith.addf %mul3A_323, %mul3A_333 : vector<16xf32>
        %mul3A_335 = arith.mulf %get3A_330, %get3A_330 : vector<16xf32>
        %add3A_336 = arith.addf %mul3A_324, %mul3A_335 : vector<16xf32>
        %get3A_337 = arith.index_cast %add3A_315 : i32 to index
        %get3A_338 = arith.constant 32 : index
        %get3A_339 = tpu.vector_load %arg9[%get3A_337, %get3A_338] {strides = array<i32>} : memref<128x128xf32, #tpu.memory_space<vmem>>, vector<16xf32>,
        %get3A_340 = arith.index_cast %add3A_315 : i32 to index
        %get3A_341 = arith.constant 32 : index
        %get3A_342 = tpu.vector_load %arg10[%get3A_340, %get3A_341] {strides = array<i32>} : memref<128x128xf32, #tpu.memory_space<vmem>>, vector<16xf32>,
        %mul3A_343 = arith.mulf %get3A_339, %get3A_342 : vector<16xf32>
        %add3A_344 = arith.addf %add3A_332, %mul3A_343 : vector<16xf32>
        %mul3A_345 = arith.mulf %get3A_339, %get3A_339 : vector<16xf32>
        %add3A_346 = arith.addf %add3A_334, %mul3A_345 : vector<16xf32>
        %mul3A_347 = arith.mulf %get3A_342, %get3A_342 : vector<16xf32>
        %add3A_348 = arith.addf %add3A_336, %mul3A_347 : vector<16xf32>
        %get3A_349 = arith.index_cast %add3A_315 : i32 to index
        %get3A_350 = arith.constant 48 : index
        %get3A_351 = tpu.vector_load %arg9[%get3A_349, %get3A_350] {strides = array<i32>} : memref<128x128xf32, #tpu.memory_space<vmem>>, vector<16xf32>,
        %get3A_352 = arith.index_cast %add3A_315 : i32 to index
        %get3A_353 = arith.constant 48 : index
        %get3A_354 = tpu.vector_load %arg10[%get3A_352, %get3A_353] {strides = array<i32>} : memref<128x128xf32, #tpu.memory_space<vmem>>, vector<16xf32>,
        %mul3A_355 = arith.mulf %get3A_351, %get3A_354 : vector<16xf32>
        %add3A_356 = arith.addf %add3A_344, %mul3A_355 : vector<16xf32>
        %mul3A_357 = arith.mulf %get3A_351, %get3A_351 : vector<16xf32>
        %add3A_358 = arith.addf %add3A_346, %mul3A_357 : vector<16xf32>
        %mul3A_359 = arith.mulf %get3A_354, %get3A_354 : vector<16xf32>
        %add3A_360 = arith.addf %add3A_348, %mul3A_359 : vector<16xf32>
        %eq3A_361 = arith.constant 4 : i32
        %eq3A_362 = vector.broadcast %eq3A_361 : i32 to vector<16xi32>
        %eq3A_363 = arith.cmpi eq, %iota3A, %eq3A_362 : vector<16xi32>
        %reduce_sum3A_364 = arith.constant true
        %reduce_sum3A_365 = vector.broadcast %reduce_sum3A_364 : i1 to vector<16xi1>
        %reduce_sum3A_366 = tpu.scan <sum>, %add3A_356 masked %reduce_sum3A_365 : vector<16xf32>, vector<16xi1> -> vector<16xf32>
        %reduce_sum3A_367 = vector.extract %reduce_sum3A_366[15] : f32 from vector<16xf32>
        %broadcast_in_dim3A_368 = vector.broadcast %reduce_sum3A_367 : f32 to vector<16xf32>
        %select_n3A_369 = arith.select %eq3A_363, %broadcast_in_dim3A_368, %select_n3A_299 : vector<16xi1>, vector<16xf32>
        %reduce_sum3A_370 = arith.constant true
        %reduce_sum3A_371 = vector.broadcast %reduce_sum3A_370 : i1 to vector<16xi1>
        %reduce_sum3A_372 = tpu.scan <sum>, %add3A_358 masked %reduce_sum3A_371 : vector<16xf32>, vector<16xi1> -> vector<16xf32>
        %reduce_sum3A_373 = vector.extract %reduce_sum3A_372[15] : f32 from vector<16xf32>
        %broadcast_in_dim3A_374 = vector.broadcast %reduce_sum3A_373 : f32 to vector<16xf32>
        %select_n3A_375 = arith.select %eq3A_363, %broadcast_in_dim3A_374, %select_n3A_305 : vector<16xi1>, vector<16xf32>
        %reduce_sum3A_376 = arith.constant true
        %reduce_sum3A_377 = vector.broadcast %reduce_sum3A_376 : i1 to vector<16xi1>
        %reduce_sum3A_378 = tpu.scan <sum>, %add3A_360 masked %reduce_sum3A_377 : vector<16xf32>, vector<16xi1> -> vector<16xf32>
        %reduce_sum3A_379 = vector.extract %reduce_sum3A_378[15] : f32 from vector<16xf32>
        %broadcast_in_dim3A_380 = vector.broadcast %reduce_sum3A_379 : f32 to vector<16xf32>
        %select_n3A_381 = arith.select %eq3A_363, %broadcast_in_dim3A_380, %select_n3A_311 : vector<16xi1>, vector<16xf32>
        %mul3A_382 = arith.constant 16 : i32
        %mul3A_383 = arith.muli %scan3A_35, %mul3A_382 : i32
        %add3A_384 = arith.constant 5 : i32
        %add3A_385 = arith.addi %mul3A_383, %add3A_384 : i32
        %get3A_386 = arith.index_cast %add3A_385 : i32 to index
        %get3A_387 = arith.constant 0 : index
        %get3A_388 = tpu.vector_load %arg9[%get3A_386, %get3A_387] {strides = array<i32>} : memref<128x128xf32, #tpu.memory_space<vmem>>, vector<16xf32>,
        %get3A_389 = arith.index_cast %add3A_385 : i32 to index
        %get3A_390 = arith.constant 0 : index
        %get3A_391 = tpu.vector_load %arg10[%get3A_389, %get3A_390] {strides = array<i32>} : memref<128x128xf32, #tpu.memory_space<vmem>>, vector<16xf32>,
        %mul3A_392 = arith.mulf %get3A_388, %get3A_391 : vector<16xf32>
        %mul3A_393 = arith.mulf %get3A_388, %get3A_388 : vector<16xf32>
        %mul3A_394 = arith.mulf %get3A_391, %get3A_391 : vector<16xf32>
        %get3A_395 = arith.index_cast %add3A_385 : i32 to index
        %get3A_396 = arith.constant 16 : index
        %get3A_397 = tpu.vector_load %arg9[%get3A_395, %get3A_396] {strides = array<i32>} : memref<128x128xf32, #tpu.memory_space<vmem>>, vector<16xf32>,
        %get3A_398 = arith.index_cast %add3A_385 : i32 to index
        %get3A_399 = arith.constant 16 : index
        %get3A_400 = tpu.vector_load %arg10[%get3A_398, %get3A_399] {strides = array<i32>} : memref<128x128xf32, #tpu.memory_space<vmem>>, vector<16xf32>,
        %mul3A_401 = arith.mulf %get3A_397, %get3A_400 : vector<16xf32>
        %add3A_402 = arith.addf %mul3A_392, %mul3A_401 : vector<16xf32>
        %mul3A_403 = arith.mulf %get3A_397, %get3A_397 : vector<16xf32>
        %add3A_404 = arith.addf %mul3A_393, %mul3A_403 : vector<16xf32>
        %mul3A_405 = arith.mulf %get3A_400, %get3A_400 : vector<16xf32>
        %add3A_406 = arith.addf %mul3A_394, %mul3A_405 : vector<16xf32>
        %get3A_407 = arith.index_cast %add3A_385 : i32 to index
        %get3A_408 = arith.constant 32 : index
        %get3A_409 = tpu.vector_load %arg9[%get3A_407, %get3A_408] {strides = array<i32>} : memref<128x128xf32, #tpu.memory_space<vmem>>, vector<16xf32>,
        %get3A_410 = arith.index_cast %add3A_385 : i32 to index
        %get3A_411 = arith.constant 32 : index
        %get3A_412 = tpu.vector_load %arg10[%get3A_410, %get3A_411] {strides = array<i32>} : memref<128x128xf32, #tpu.memory_space<vmem>>, vector<16xf32>,
        %mul3A_413 = arith.mulf %get3A_409, %get3A_412 : vector<16xf32>
        %add3A_414 = arith.addf %add3A_402, %mul3A_413 : vector<16xf32>
        %mul3A_415 = arith.mulf %get3A_409, %get3A_409 : vector<16xf32>
        %add3A_416 = arith.addf %add3A_404, %mul3A_415 : vector<16xf32>
        %mul3A_417 = arith.mulf %get3A_412, %get3A_412 : vector<16xf32>
        %add3A_418 = arith.addf %add3A_406, %mul3A_417 : vector<16xf32>
        %get3A_419 = arith.index_cast %add3A_385 : i32 to index
        %get3A_420 = arith.constant 48 : index
        %get3A_421 = tpu.vector_load %arg9[%get3A_419, %get3A_420] {strides = array<i32>} : memref<128x128xf32, #tpu.memory_space<vmem>>, vector<16xf32>,
        %get3A_422 = arith.index_cast %add3A_385 : i32 to index
        %get3A_423 = arith.constant 48 : index
        %get3A_424 = tpu.vector_load %arg10[%get3A_422, %get3A_423] {strides = array<i32>} : memref<128x128xf32, #tpu.memory_space<vmem>>, vector<16xf32>,
        %mul3A_425 = arith.mulf %get3A_421, %get3A_424 : vector<16xf32>
        %add3A_426 = arith.addf %add3A_414, %mul3A_425 : vector<16xf32>
        %mul3A_427 = arith.mulf %get3A_421, %get3A_421 : vector<16xf32>
        %add3A_428 = arith.addf %add3A_416, %mul3A_427 : vector<16xf32>
        %mul3A_429 = arith.mulf %get3A_424, %get3A_424 : vector<16xf32>
        %add3A_430 = arith.addf %add3A_418, %mul3A_429 : vector<16xf32>
        %eq3A_431 = arith.constant 5 : i32
        %eq3A_432 = vector.broadcast %eq3A_431 : i32 to vector<16xi32>
        %eq3A_433 = arith.cmpi eq, %iota3A, %eq3A_432 : vector<16xi32>
        %reduce_sum3A_434 = arith.constant true
        %reduce_sum3A_435 = vector.broadcast %reduce_sum3A_434 : i1 to vector<16xi1>
        %reduce_sum3A_436 = tpu.scan <sum>, %add3A_426 masked %reduce_sum3A_435 : vector<16xf32>, vector<16xi1> -> vector<16xf32>
        %reduce_sum3A_437 = vector.extract %reduce_sum3A_436[15] : f32 from vector<16xf32>
        %broadcast_in_dim3A_438 = vector.broadcast %reduce_sum3A_437 : f32 to vector<16xf32>
        %select_n3A_439 = arith.select %eq3A_433, %broadcast_in_dim3A_438, %select_n3A_369 : vector<16xi1>, vector<16xf32>
        %reduce_sum3A_440 = arith.constant true
        %reduce_sum3A_441 = vector.broadcast %reduce_sum3A_440 : i1 to vector<16xi1>
        %reduce_sum3A_442 = tpu.scan <sum>, %add3A_428 masked %reduce_sum3A_441 : vector<16xf32>, vector<16xi1> -> vector<16xf32>
        %reduce_sum3A_443 = vector.extract %reduce_sum3A_442[15] : f32 from vector<16xf32>
        %broadcast_in_dim3A_444 = vector.broadcast %reduce_sum3A_443 : f32 to vector<16xf32>
        %select_n3A_445 = arith.select %eq3A_433, %broadcast_in_dim3A_444, %select_n3A_375 : vector<16xi1>, vector<16xf32>
        %reduce_sum3A_446 = arith.constant true
        %reduce_sum3A_447 = vector.broadcast %reduce_sum3A_446 : i1 to vector<16xi1>
        %reduce_sum3A_448 = tpu.scan <sum>, %add3A_430 masked %reduce_sum3A_447 : vector<16xf32>, vector<16xi1> -> vector<16xf32>
        %reduce_sum3A_449 = vector.extract %reduce_sum3A_448[15] : f32 from vector<16xf32>
        %broadcast_in_dim3A_450 = vector.broadcast %reduce_sum3A_449 : f32 to vector<16xf32>
        %select_n3A_451 = arith.select %eq3A_433, %broadcast_in_dim3A_450, %select_n3A_381 : vector<16xi1>, vector<16xf32>
        %mul3A_452 = arith.constant 16 : i32
        %mul3A_453 = arith.muli %scan3A_35, %mul3A_452 : i32
        %add3A_454 = arith.constant 6 : i32
        %add3A_455 = arith.addi %mul3A_453, %add3A_454 : i32
        %get3A_456 = arith.index_cast %add3A_455 : i32 to index
        %get3A_457 = arith.constant 0 : index
        %get3A_458 = tpu.vector_load %arg9[%get3A_456, %get3A_457] {strides = array<i32>} : memref<128x128xf32, #tpu.memory_space<vmem>>, vector<16xf32>,
        %get3A_459 = arith.index_cast %add3A_455 : i32 to index
        %get3A_460 = arith.constant 0 : index
        %get3A_461 = tpu.vector_load %arg10[%get3A_459, %get3A_460] {strides = array<i32>} : memref<128x128xf32, #tpu.memory_space<vmem>>, vector<16xf32>,
        %mul3A_462 = arith.mulf %get3A_458, %get3A_461 : vector<16xf32>
        %mul3A_463 = arith.mulf %get3A_458, %get3A_458 : vector<16xf32>
        %mul3A_464 = arith.mulf %get3A_461, %get3A_461 : vector<16xf32>
        %get3A_465 = arith.index_cast %add3A_455 : i32 to index
        %get3A_466 = arith.constant 16 : index
        %get3A_467 = tpu.vector_load %arg9[%get3A_465, %get3A_466] {strides = array<i32>} : memref<128x128xf32, #tpu.memory_space<vmem>>, vector<16xf32>,
        %get3A_468 = arith.index_cast %add3A_455 : i32 to index
        %get3A_469 = arith.constant 16 : index
        %get3A_470 = tpu.vector_load %arg10[%get3A_468, %get3A_469] {strides = array<i32>} : memref<128x128xf32, #tpu.memory_space<vmem>>, vector<16xf32>,
        %mul3A_471 = arith.mulf %get3A_467, %get3A_470 : vector<16xf32>
        %add3A_472 = arith.addf %mul3A_462, %mul3A_471 : vector<16xf32>
        %mul3A_473 = arith.mulf %get3A_467, %get3A_467 : vector<16xf32>
        %add3A_474 = arith.addf %mul3A_463, %mul3A_473 : vector<16xf32>
        %mul3A_475 = arith.mulf %get3A_470, %get3A_470 : vector<16xf32>
        %add3A_476 = arith.addf %mul3A_464, %mul3A_475 : vector<16xf32>
        %get3A_477 = arith.index_cast %add3A_455 : i32 to index
        %get3A_478 = arith.constant 32 : index
        %get3A_479 = tpu.vector_load %arg9[%get3A_477, %get3A_478] {strides = array<i32>} : memref<128x128xf32, #tpu.memory_space<vmem>>, vector<16xf32>,
        %get3A_480 = arith.index_cast %add3A_455 : i32 to index
        %get3A_481 = arith.constant 32 : index
        %get3A_482 = tpu.vector_load %arg10[%get3A_480, %get3A_481] {strides = array<i32>} : memref<128x128xf32, #tpu.memory_space<vmem>>, vector<16xf32>,
        %mul3A_483 = arith.mulf %get3A_479, %get3A_482 : vector<16xf32>
        %add3A_484 = arith.addf %add3A_472, %mul3A_483 : vector<16xf32>
        %mul3A_485 = arith.mulf %get3A_479, %get3A_479 : vector<16xf32>
        %add3A_486 = arith.addf %add3A_474, %mul3A_485 : vector<16xf32>
        %mul3A_487 = arith.mulf %get3A_482, %get3A_482 : vector<16xf32>
        %add3A_488 = arith.addf %add3A_476, %mul3A_487 : vector<16xf32>
        %get3A_489 = arith.index_cast %add3A_455 : i32 to index
        %get3A_490 = arith.constant 48 : index
        %get3A_491 = tpu.vector_load %arg9[%get3A_489, %get3A_490] {strides = array<i32>} : memref<128x128xf32, #tpu.memory_space<vmem>>, vector<16xf32>,
        %get3A_492 = arith.index_cast %add3A_455 : i32 to index
        %get3A_493 = arith.constant 48 : index
        %get3A_494 = tpu.vector_load %arg10[%get3A_492, %get3A_493] {strides = array<i32>} : memref<128x128xf32, #tpu.memory_space<vmem>>, vector<16xf32>,
        %mul3A_495 = arith.mulf %get3A_491, %get3A_494 : vector<16xf32>
        %add3A_496 = arith.addf %add3A_484, %mul3A_495 : vector<16xf32>
        %mul3A_497 = arith.mulf %get3A_491, %get3A_491 : vector<16xf32>
        %add3A_498 = arith.addf %add3A_486, %mul3A_497 : vector<16xf32>
        %mul3A_499 = arith.mulf %get3A_494, %get3A_494 : vector<16xf32>
        %add3A_500 = arith.addf %add3A_488, %mul3A_499 : vector<16xf32>
        %eq3A_501 = arith.constant 6 : i32
        %eq3A_502 = vector.broadcast %eq3A_501 : i32 to vector<16xi32>
        %eq3A_503 = arith.cmpi eq, %iota3A, %eq3A_502 : vector<16xi32>
        %reduce_sum3A_504 = arith.constant true
        %reduce_sum3A_505 = vector.broadcast %reduce_sum3A_504 : i1 to vector<16xi1>
        %reduce_sum3A_506 = tpu.scan <sum>, %add3A_496 masked %reduce_sum3A_505 : vector<16xf32>, vector<16xi1> -> vector<16xf32>
        %reduce_sum3A_507 = vector.extract %reduce_sum3A_506[15] : f32 from vector<16xf32>
        %broadcast_in_dim3A_508 = vector.broadcast %reduce_sum3A_507 : f32 to vector<16xf32>
        %select_n3A_509 = arith.select %eq3A_503, %broadcast_in_dim3A_508, %select_n3A_439 : vector<16xi1>, vector<16xf32>
        %reduce_sum3A_510 = arith.constant true
        %reduce_sum3A_511 = vector.broadcast %reduce_sum3A_510 : i1 to vector<16xi1>
        %reduce_sum3A_512 = tpu.scan <sum>, %add3A_498 masked %reduce_sum3A_511 : vector<16xf32>, vector<16xi1> -> vector<16xf32>
        %reduce_sum3A_513 = vector.extract %reduce_sum3A_512[15] : f32 from vector<16xf32>
        %broadcast_in_dim3A_514 = vector.broadcast %reduce_sum3A_513 : f32 to vector<16xf32>
        %select_n3A_515 = arith.select %eq3A_503, %broadcast_in_dim3A_514, %select_n3A_445 : vector<16xi1>, vector<16xf32>
        %reduce_sum3A_516 = arith.constant true
        %reduce_sum3A_517 = vector.broadcast %reduce_sum3A_516 : i1 to vector<16xi1>
        %reduce_sum3A_518 = tpu.scan <sum>, %add3A_500 masked %reduce_sum3A_517 : vector<16xf32>, vector<16xi1> -> vector<16xf32>
        %reduce_sum3A_519 = vector.extract %reduce_sum3A_518[15] : f32 from vector<16xf32>
        %broadcast_in_dim3A_520 = vector.broadcast %reduce_sum3A_519 : f32 to vector<16xf32>
        %select_n3A_521 = arith.select %eq3A_503, %broadcast_in_dim3A_520, %select_n3A_451 : vector<16xi1>, vector<16xf32>
        %mul3A_522 = arith.constant 16 : i32
        %mul3A_523 = arith.muli %scan3A_35, %mul3A_522 : i32
        %add3A_524 = arith.constant 7 : i32
        %add3A_525 = arith.addi %mul3A_523, %add3A_524 : i32
        %get3A_526 = arith.index_cast %add3A_525 : i32 to index
        %get3A_527 = arith.constant 0 : index
        %get3A_528 = tpu.vector_load %arg9[%get3A_526, %get3A_527] {strides = array<i32>} : memref<128x128xf32, #tpu.memory_space<vmem>>, vector<16xf32>,
        %get3A_529 = arith.index_cast %add3A_525 : i32 to index
        %get3A_530 = arith.constant 0 : index
        %get3A_531 = tpu.vector_load %arg10[%get3A_529, %get3A_530] {strides = array<i32>} : memref<128x128xf32, #tpu.memory_space<vmem>>, vector<16xf32>,
        %mul3A_532 = arith.mulf %get3A_528, %get3A_531 : vector<16xf32>
        %mul3A_533 = arith.mulf %get3A_528, %get3A_528 : vector<16xf32>
        %mul3A_534 = arith.mulf %get3A_531, %get3A_531 : vector<16xf32>
        %get3A_535 = arith.index_cast %add3A_525 : i32 to index
        %get3A_536 = arith.constant 16 : index
        %get3A_537 = tpu.vector_load %arg9[%get3A_535, %get3A_536] {strides = array<i32>} : memref<128x128xf32, #tpu.memory_space<vmem>>, vector<16xf32>,
        %get3A_538 = arith.index_cast %add3A_525 : i32 to index
        %get3A_539 = arith.constant 16 : index
        %get3A_540 = tpu.vector_load %arg10[%get3A_538, %get3A_539] {strides = array<i32>} : memref<128x128xf32, #tpu.memory_space<vmem>>, vector<16xf32>,
        %mul3A_541 = arith.mulf %get3A_537, %get3A_540 : vector<16xf32>
        %add3A_542 = arith.addf %mul3A_532, %mul3A_541 : vector<16xf32>
        %mul3A_543 = arith.mulf %get3A_537, %get3A_537 : vector<16xf32>
        %add3A_544 = arith.addf %mul3A_533, %mul3A_543 : vector<16xf32>
        %mul3A_545 = arith.mulf %get3A_540, %get3A_540 : vector<16xf32>
        %add3A_546 = arith.addf %mul3A_534, %mul3A_545 : vector<16xf32>
        %get3A_547 = arith.index_cast %add3A_525 : i32 to index
        %get3A_548 = arith.constant 32 : index
        %get3A_549 = tpu.vector_load %arg9[%get3A_547, %get3A_548] {strides = array<i32>} : memref<128x128xf32, #tpu.memory_space<vmem>>, vector<16xf32>,
        %get3A_550 = arith.index_cast %add3A_525 : i32 to index
        %get3A_551 = arith.constant 32 : index
        %get3A_552 = tpu.vector_load %arg10[%get3A_550, %get3A_551] {strides = array<i32>} : memref<128x128xf32, #tpu.memory_space<vmem>>, vector<16xf32>,
        %mul3A_553 = arith.mulf %get3A_549, %get3A_552 : vector<16xf32>
        %add3A_554 = arith.addf %add3A_542, %mul3A_553 : vector<16xf32>
        %mul3A_555 = arith.mulf %get3A_549, %get3A_549 : vector<16xf32>
        %add3A_556 = arith.addf %add3A_544, %mul3A_555 : vector<16xf32>
        %mul3A_557 = arith.mulf %get3A_552, %get3A_552 : vector<16xf32>
        %add3A_558 = arith.addf %add3A_546, %mul3A_557 : vector<16xf32>
        %get3A_559 = arith.index_cast %add3A_525 : i32 to index
        %get3A_560 = arith.constant 48 : index
        %get3A_561 = tpu.vector_load %arg9[%get3A_559, %get3A_560] {strides = array<i32>} : memref<128x128xf32, #tpu.memory_space<vmem>>, vector<16xf32>,
        %get3A_562 = arith.index_cast %add3A_525 : i32 to index
        %get3A_563 = arith.constant 48 : index
        %get3A_564 = tpu.vector_load %arg10[%get3A_562, %get3A_563] {strides = array<i32>} : memref<128x128xf32, #tpu.memory_space<vmem>>, vector<16xf32>,
        %mul3A_565 = arith.mulf %get3A_561, %get3A_564 : vector<16xf32>
        %add3A_566 = arith.addf %add3A_554, %mul3A_565 : vector<16xf32>
        %mul3A_567 = arith.mulf %get3A_561, %get3A_561 : vector<16xf32>
        %add3A_568 = arith.addf %add3A_556, %mul3A_567 : vector<16xf32>
        %mul3A_569 = arith.mulf %get3A_564, %get3A_564 : vector<16xf32>
        %add3A_570 = arith.addf %add3A_558, %mul3A_569 : vector<16xf32>
        %eq3A_571 = arith.constant 7 : i32
        %eq3A_572 = vector.broadcast %eq3A_571 : i32 to vector<16xi32>
        %eq3A_573 = arith.cmpi eq, %iota3A, %eq3A_572 : vector<16xi32>
        %reduce_sum3A_574 = arith.constant true
        %reduce_sum3A_575 = vector.broadcast %reduce_sum3A_574 : i1 to vector<16xi1>
        %reduce_sum3A_576 = tpu.scan <sum>, %add3A_566 masked %reduce_sum3A_575 : vector<16xf32>, vector<16xi1> -> vector<16xf32>
        %reduce_sum3A_577 = vector.extract %reduce_sum3A_576[15] : f32 from vector<16xf32>
        %broadcast_in_dim3A_578 = vector.broadcast %reduce_sum3A_577 : f32 to vector<16xf32>
        %select_n3A_579 = arith.select %eq3A_573, %broadcast_in_dim3A_578, %select_n3A_509 : vector<16xi1>, vector<16xf32>
        %reduce_sum3A_580 = arith.constant true
        %reduce_sum3A_581 = vector.broadcast %reduce_sum3A_580 : i1 to vector<16xi1>
        %reduce_sum3A_582 = tpu.scan <sum>, %add3A_568 masked %reduce_sum3A_581 : vector<16xf32>, vector<16xi1> -> vector<16xf32>
        %reduce_sum3A_583 = vector.extract %reduce_sum3A_582[15] : f32 from vector<16xf32>
        %broadcast_in_dim3A_584 = vector.broadcast %reduce_sum3A_583 : f32 to vector<16xf32>
        %select_n3A_585 = arith.select %eq3A_573, %broadcast_in_dim3A_584, %select_n3A_515 : vector<16xi1>, vector<16xf32>
        %reduce_sum3A_586 = arith.constant true
        %reduce_sum3A_587 = vector.broadcast %reduce_sum3A_586 : i1 to vector<16xi1>
        %reduce_sum3A_588 = tpu.scan <sum>, %add3A_570 masked %reduce_sum3A_587 : vector<16xf32>, vector<16xi1> -> vector<16xf32>
        %reduce_sum3A_589 = vector.extract %reduce_sum3A_588[15] : f32 from vector<16xf32>
        %broadcast_in_dim3A_590 = vector.broadcast %reduce_sum3A_589 : f32 to vector<16xf32>
        %select_n3A_591 = arith.select %eq3A_573, %broadcast_in_dim3A_590, %select_n3A_521 : vector<16xi1>, vector<16xf32>
        %mul3A_592 = arith.constant 16 : i32
        %mul3A_593 = arith.muli %scan3A_35, %mul3A_592 : i32
        %add3A_594 = arith.constant 8 : i32
        %add3A_595 = arith.addi %mul3A_593, %add3A_594 : i32
        %get3A_596 = arith.index_cast %add3A_595 : i32 to index
        %get3A_597 = arith.constant 0 : index
        %get3A_598 = tpu.vector_load %arg9[%get3A_596, %get3A_597] {strides = array<i32>} : memref<128x128xf32, #tpu.memory_space<vmem>>, vector<16xf32>,
        %get3A_599 = arith.index_cast %add3A_595 : i32 to index
        %get3A_600 = arith.constant 0 : index
        %get3A_601 = tpu.vector_load %arg10[%get3A_599, %get3A_600] {strides = array<i32>} : memref<128x128xf32, #tpu.memory_space<vmem>>, vector<16xf32>,
        %mul3A_602 = arith.mulf %get3A_598, %get3A_601 : vector<16xf32>
        %mul3A_603 = arith.mulf %get3A_598, %get3A_598 : vector<16xf32>
        %mul3A_604 = arith.mulf %get3A_601, %get3A_601 : vector<16xf32>
        %get3A_605 = arith.index_cast %add3A_595 : i32 to index
        %get3A_606 = arith.constant 16 : index
        %get3A_607 = tpu.vector_load %arg9[%get3A_605, %get3A_606] {strides = array<i32>} : memref<128x128xf32, #tpu.memory_space<vmem>>, vector<16xf32>,
        %get3A_608 = arith.index_cast %add3A_595 : i32 to index
        %get3A_609 = arith.constant 16 : index
        %get3A_610 = tpu.vector_load %arg10[%get3A_608, %get3A_609] {strides = array<i32>} : memref<128x128xf32, #tpu.memory_space<vmem>>, vector<16xf32>,
        %mul3A_611 = arith.mulf %get3A_607, %get3A_610 : vector<16xf32>
        %add3A_612 = arith.addf %mul3A_602, %mul3A_611 : vector<16xf32>
        %mul3A_613 = arith.mulf %get3A_607, %get3A_607 : vector<16xf32>
        %add3A_614 = arith.addf %mul3A_603, %mul3A_613 : vector<16xf32>
        %mul3A_615 = arith.mulf %get3A_610, %get3A_610 : vector<16xf32>
        %add3A_616 = arith.addf %mul3A_604, %mul3A_615 : vector<16xf32>
        %get3A_617 = arith.index_cast %add3A_595 : i32 to index
        %get3A_618 = arith.constant 32 : index
        %get3A_619 = tpu.vector_load %arg9[%get3A_617, %get3A_618] {strides = array<i32>} : memref<128x128xf32, #tpu.memory_space<vmem>>, vector<16xf32>,
        %get3A_620 = arith.index_cast %add3A_595 : i32 to index
        %get3A_621 = arith.constant 32 : index
        %get3A_622 = tpu.vector_load %arg10[%get3A_620, %get3A_621] {strides = array<i32>} : memref<128x128xf32, #tpu.memory_space<vmem>>, vector<16xf32>,
        %mul3A_623 = arith.mulf %get3A_619, %get3A_622 : vector<16xf32>
        %add3A_624 = arith.addf %add3A_612, %mul3A_623 : vector<16xf32>
        %mul3A_625 = arith.mulf %get3A_619, %get3A_619 : vector<16xf32>
        %add3A_626 = arith.addf %add3A_614, %mul3A_625 : vector<16xf32>
        %mul3A_627 = arith.mulf %get3A_622, %get3A_622 : vector<16xf32>
        %add3A_628 = arith.addf %add3A_616, %mul3A_627 : vector<16xf32>
        %get3A_629 = arith.index_cast %add3A_595 : i32 to index
        %get3A_630 = arith.constant 48 : index
        %get3A_631 = tpu.vector_load %arg9[%get3A_629, %get3A_630] {strides = array<i32>} : memref<128x128xf32, #tpu.memory_space<vmem>>, vector<16xf32>,
        %get3A_632 = arith.index_cast %add3A_595 : i32 to index
        %get3A_633 = arith.constant 48 : index
        %get3A_634 = tpu.vector_load %arg10[%get3A_632, %get3A_633] {strides = array<i32>} : memref<128x128xf32, #tpu.memory_space<vmem>>, vector<16xf32>,
        %mul3A_635 = arith.mulf %get3A_631, %get3A_634 : vector<16xf32>
        %add3A_636 = arith.addf %add3A_624, %mul3A_635 : vector<16xf32>
        %mul3A_637 = arith.mulf %get3A_631, %get3A_631 : vector<16xf32>
        %add3A_638 = arith.addf %add3A_626, %mul3A_637 : vector<16xf32>
        %mul3A_639 = arith.mulf %get3A_634, %get3A_634 : vector<16xf32>
        %add3A_640 = arith.addf %add3A_628, %mul3A_639 : vector<16xf32>
        %eq3A_641 = arith.constant 8 : i32
        %eq3A_642 = vector.broadcast %eq3A_641 : i32 to vector<16xi32>
        %eq3A_643 = arith.cmpi eq, %iota3A, %eq3A_642 : vector<16xi32>
        %reduce_sum3A_644 = arith.constant true
        %reduce_sum3A_645 = vector.broadcast %reduce_sum3A_644 : i1 to vector<16xi1>
        %reduce_sum3A_646 = tpu.scan <sum>, %add3A_636 masked %reduce_sum3A_645 : vector<16xf32>, vector<16xi1> -> vector<16xf32>
        %reduce_sum3A_647 = vector.extract %reduce_sum3A_646[15] : f32 from vector<16xf32>
        %broadcast_in_dim3A_648 = vector.broadcast %reduce_sum3A_647 : f32 to vector<16xf32>
        %select_n3A_649 = arith.select %eq3A_643, %broadcast_in_dim3A_648, %select_n3A_579 : vector<16xi1>, vector<16xf32>
        %reduce_sum3A_650 = arith.constant true
        %reduce_sum3A_651 = vector.broadcast %reduce_sum3A_650 : i1 to vector<16xi1>
        %reduce_sum3A_652 = tpu.scan <sum>, %add3A_638 masked %reduce_sum3A_651 : vector<16xf32>, vector<16xi1> -> vector<16xf32>
        %reduce_sum3A_653 = vector.extract %reduce_sum3A_652[15] : f32 from vector<16xf32>
        %broadcast_in_dim3A_654 = vector.broadcast %reduce_sum3A_653 : f32 to vector<16xf32>
        %select_n3A_655 = arith.select %eq3A_643, %broadcast_in_dim3A_654, %select_n3A_585 : vector<16xi1>, vector<16xf32>
        %reduce_sum3A_656 = arith.constant true
        %reduce_sum3A_657 = vector.broadcast %reduce_sum3A_656 : i1 to vector<16xi1>
        %reduce_sum3A_658 = tpu.scan <sum>, %add3A_640 masked %reduce_sum3A_657 : vector<16xf32>, vector<16xi1> -> vector<16xf32>
        %reduce_sum3A_659 = vector.extract %reduce_sum3A_658[15] : f32 from vector<16xf32>
        %broadcast_in_dim3A_660 = vector.broadcast %reduce_sum3A_659 : f32 to vector<16xf32>
        %select_n3A_661 = arith.select %eq3A_643, %broadcast_in_dim3A_660, %select_n3A_591 : vector<16xi1>, vector<16xf32>
        %mul3A_662 = arith.constant 16 : i32
        %mul3A_663 = arith.muli %scan3A_35, %mul3A_662 : i32
        %add3A_664 = arith.constant 9 : i32
        %add3A_665 = arith.addi %mul3A_663, %add3A_664 : i32
        %get3A_666 = arith.index_cast %add3A_665 : i32 to index
        %get3A_667 = arith.constant 0 : index
        %get3A_668 = tpu.vector_load %arg9[%get3A_666, %get3A_667] {strides = array<i32>} : memref<128x128xf32, #tpu.memory_space<vmem>>, vector<16xf32>,
        %get3A_669 = arith.index_cast %add3A_665 : i32 to index
        %get3A_670 = arith.constant 0 : index
        %get3A_671 = tpu.vector_load %arg10[%get3A_669, %get3A_670] {strides = array<i32>} : memref<128x128xf32, #tpu.memory_space<vmem>>, vector<16xf32>,
        %mul3A_672 = arith.mulf %get3A_668, %get3A_671 : vector<16xf32>
        %mul3A_673 = arith.mulf %get3A_668, %get3A_668 : vector<16xf32>
        %mul3A_674 = arith.mulf %get3A_671, %get3A_671 : vector<16xf32>
        %get3A_675 = arith.index_cast %add3A_665 : i32 to index
        %get3A_676 = arith.constant 16 : index
        %get3A_677 = tpu.vector_load %arg9[%get3A_675, %get3A_676] {strides = array<i32>} : memref<128x128xf32, #tpu.memory_space<vmem>>, vector<16xf32>,
        %get3A_678 = arith.index_cast %add3A_665 : i32 to index
        %get3A_679 = arith.constant 16 : index
        %get3A_680 = tpu.vector_load %arg10[%get3A_678, %get3A_679] {strides = array<i32>} : memref<128x128xf32, #tpu.memory_space<vmem>>, vector<16xf32>,
        %mul3A_681 = arith.mulf %get3A_677, %get3A_680 : vector<16xf32>
        %add3A_682 = arith.addf %mul3A_672, %mul3A_681 : vector<16xf32>
        %mul3A_683 = arith.mulf %get3A_677, %get3A_677 : vector<16xf32>
        %add3A_684 = arith.addf %mul3A_673, %mul3A_683 : vector<16xf32>
        %mul3A_685 = arith.mulf %get3A_680, %get3A_680 : vector<16xf32>
        %add3A_686 = arith.addf %mul3A_674, %mul3A_685 : vector<16xf32>
        %get3A_687 = arith.index_cast %add3A_665 : i32 to index
        %get3A_688 = arith.constant 32 : index
        %get3A_689 = tpu.vector_load %arg9[%get3A_687, %get3A_688] {strides = array<i32>} : memref<128x128xf32, #tpu.memory_space<vmem>>, vector<16xf32>,
        %get3A_690 = arith.index_cast %add3A_665 : i32 to index
        %get3A_691 = arith.constant 32 : index
        %get3A_692 = tpu.vector_load %arg10[%get3A_690, %get3A_691] {strides = array<i32>} : memref<128x128xf32, #tpu.memory_space<vmem>>, vector<16xf32>,
        %mul3A_693 = arith.mulf %get3A_689, %get3A_692 : vector<16xf32>
        %add3A_694 = arith.addf %add3A_682, %mul3A_693 : vector<16xf32>
        %mul3A_695 = arith.mulf %get3A_689, %get3A_689 : vector<16xf32>
        %add3A_696 = arith.addf %add3A_684, %mul3A_695 : vector<16xf32>
        %mul3A_697 = arith.mulf %get3A_692, %get3A_692 : vector<16xf32>
        %add3A_698 = arith.addf %add3A_686, %mul3A_697 : vector<16xf32>
        %get3A_699 = arith.index_cast %add3A_665 : i32 to index
        %get3A_700 = arith.constant 48 : index
        %get3A_701 = tpu.vector_load %arg9[%get3A_699, %get3A_700] {strides = array<i32>} : memref<128x128xf32, #tpu.memory_space<vmem>>, vector<16xf32>,
        %get3A_702 = arith.index_cast %add3A_665 : i32 to index
        %get3A_703 = arith.constant 48 : index
        %get3A_704 = tpu.vector_load %arg10[%get3A_702, %get3A_703] {strides = array<i32>} : memref<128x128xf32, #tpu.memory_space<vmem>>, vector<16xf32>,
        %mul3A_705 = arith.mulf %get3A_701, %get3A_704 : vector<16xf32>
        %add3A_706 = arith.addf %add3A_694, %mul3A_705 : vector<16xf32>
        %mul3A_707 = arith.mulf %get3A_701, %get3A_701 : vector<16xf32>
        %add3A_708 = arith.addf %add3A_696, %mul3A_707 : vector<16xf32>
        %mul3A_709 = arith.mulf %get3A_704, %get3A_704 : vector<16xf32>
        %add3A_710 = arith.addf %add3A_698, %mul3A_709 : vector<16xf32>
        %eq3A_711 = arith.constant 9 : i32
        %eq3A_712 = vector.broadcast %eq3A_711 : i32 to vector<16xi32>
        %eq3A_713 = arith.cmpi eq, %iota3A, %eq3A_712 : vector<16xi32>
        %reduce_sum3A_714 = arith.constant true
        %reduce_sum3A_715 = vector.broadcast %reduce_sum3A_714 : i1 to vector<16xi1>
        %reduce_sum3A_716 = tpu.scan <sum>, %add3A_706 masked %reduce_sum3A_715 : vector<16xf32>, vector<16xi1> -> vector<16xf32>
        %reduce_sum3A_717 = vector.extract %reduce_sum3A_716[15] : f32 from vector<16xf32>
        %broadcast_in_dim3A_718 = vector.broadcast %reduce_sum3A_717 : f32 to vector<16xf32>
        %select_n3A_719 = arith.select %eq3A_713, %broadcast_in_dim3A_718, %select_n3A_649 : vector<16xi1>, vector<16xf32>
        %reduce_sum3A_720 = arith.constant true
        %reduce_sum3A_721 = vector.broadcast %reduce_sum3A_720 : i1 to vector<16xi1>
        %reduce_sum3A_722 = tpu.scan <sum>, %add3A_708 masked %reduce_sum3A_721 : vector<16xf32>, vector<16xi1> -> vector<16xf32>
        %reduce_sum3A_723 = vector.extract %reduce_sum3A_722[15] : f32 from vector<16xf32>
        %broadcast_in_dim3A_724 = vector.broadcast %reduce_sum3A_723 : f32 to vector<16xf32>
        %select_n3A_725 = arith.select %eq3A_713, %broadcast_in_dim3A_724, %select_n3A_655 : vector<16xi1>, vector<16xf32>
        %reduce_sum3A_726 = arith.constant true
        %reduce_sum3A_727 = vector.broadcast %reduce_sum3A_726 : i1 to vector<16xi1>
        %reduce_sum3A_728 = tpu.scan <sum>, %add3A_710 masked %reduce_sum3A_727 : vector<16xf32>, vector<16xi1> -> vector<16xf32>
        %reduce_sum3A_729 = vector.extract %reduce_sum3A_728[15] : f32 from vector<16xf32>
        %broadcast_in_dim3A_730 = vector.broadcast %reduce_sum3A_729 : f32 to vector<16xf32>
        %select_n3A_731 = arith.select %eq3A_713, %broadcast_in_dim3A_730, %select_n3A_661 : vector<16xi1>, vector<16xf32>
        %mul3A_732 = arith.constant 16 : i32
        %mul3A_733 = arith.muli %scan3A_35, %mul3A_732 : i32
        %add3A_734 = arith.constant 10 : i32
        %add3A_735 = arith.addi %mul3A_733, %add3A_734 : i32
        %get3A_736 = arith.index_cast %add3A_735 : i32 to index
        %get3A_737 = arith.constant 0 : index
        %get3A_738 = tpu.vector_load %arg9[%get3A_736, %get3A_737] {strides = array<i32>} : memref<128x128xf32, #tpu.memory_space<vmem>>, vector<16xf32>,
        %get3A_739 = arith.index_cast %add3A_735 : i32 to index
        %get3A_740 = arith.constant 0 : index
        %get3A_741 = tpu.vector_load %arg10[%get3A_739, %get3A_740] {strides = array<i32>} : memref<128x128xf32, #tpu.memory_space<vmem>>, vector<16xf32>,
        %mul3A_742 = arith.mulf %get3A_738, %get3A_741 : vector<16xf32>
        %mul3A_743 = arith.mulf %get3A_738, %get3A_738 : vector<16xf32>
        %mul3A_744 = arith.mulf %get3A_741, %get3A_741 : vector<16xf32>
        %get3A_745 = arith.index_cast %add3A_735 : i32 to index
        %get3A_746 = arith.constant 16 : index
        %get3A_747 = tpu.vector_load %arg9[%get3A_745, %get3A_746] {strides = array<i32>} : memref<128x128xf32, #tpu.memory_space<vmem>>, vector<16xf32>,
        %get3A_748 = arith.index_cast %add3A_735 : i32 to index
        %get3A_749 = arith.constant 16 : index
        %get3A_750 = tpu.vector_load %arg10[%get3A_748, %get3A_749] {strides = array<i32>} : memref<128x128xf32, #tpu.memory_space<vmem>>, vector<16xf32>,
        %mul3A_751 = arith.mulf %get3A_747, %get3A_750 : vector<16xf32>
        %add3A_752 = arith.addf %mul3A_742, %mul3A_751 : vector<16xf32>
        %mul3A_753 = arith.mulf %get3A_747, %get3A_747 : vector<16xf32>
        %add3A_754 = arith.addf %mul3A_743, %mul3A_753 : vector<16xf32>
        %mul3A_755 = arith.mulf %get3A_750, %get3A_750 : vector<16xf32>
        %add3A_756 = arith.addf %mul3A_744, %mul3A_755 : vector<16xf32>
        %get3A_757 = arith.index_cast %add3A_735 : i32 to index
        %get3A_758 = arith.constant 32 : index
        %get3A_759 = tpu.vector_load %arg9[%get3A_757, %get3A_758] {strides = array<i32>} : memref<128x128xf32, #tpu.memory_space<vmem>>, vector<16xf32>,
        %get3A_760 = arith.index_cast %add3A_735 : i32 to index
        %get3A_761 = arith.constant 32 : index
        %get3A_762 = tpu.vector_load %arg10[%get3A_760, %get3A_761] {strides = array<i32>} : memref<128x128xf32, #tpu.memory_space<vmem>>, vector<16xf32>,
        %mul3A_763 = arith.mulf %get3A_759, %get3A_762 : vector<16xf32>
        %add3A_764 = arith.addf %add3A_752, %mul3A_763 : vector<16xf32>
        %mul3A_765 = arith.mulf %get3A_759, %get3A_759 : vector<16xf32>
        %add3A_766 = arith.addf %add3A_754, %mul3A_765 : vector<16xf32>
        %mul3A_767 = arith.mulf %get3A_762, %get3A_762 : vector<16xf32>
        %add3A_768 = arith.addf %add3A_756, %mul3A_767 : vector<16xf32>
        %get3A_769 = arith.index_cast %add3A_735 : i32 to index
        %get3A_770 = arith.constant 48 : index
        %get3A_771 = tpu.vector_load %arg9[%get3A_769, %get3A_770] {strides = array<i32>} : memref<128x128xf32, #tpu.memory_space<vmem>>, vector<16xf32>,
        %get3A_772 = arith.index_cast %add3A_735 : i32 to index
        %get3A_773 = arith.constant 48 : index
        %get3A_774 = tpu.vector_load %arg10[%get3A_772, %get3A_773] {strides = array<i32>} : memref<128x128xf32, #tpu.memory_space<vmem>>, vector<16xf32>,
        %mul3A_775 = arith.mulf %get3A_771, %get3A_774 : vector<16xf32>
        %add3A_776 = arith.addf %add3A_764, %mul3A_775 : vector<16xf32>
        %mul3A_777 = arith.mulf %get3A_771, %get3A_771 : vector<16xf32>
        %add3A_778 = arith.addf %add3A_766, %mul3A_777 : vector<16xf32>
        %mul3A_779 = arith.mulf %get3A_774, %get3A_774 : vector<16xf32>
        %add3A_780 = arith.addf %add3A_768, %mul3A_779 : vector<16xf32>
        %eq3A_781 = arith.constant 10 : i32
        %eq3A_782 = vector.broadcast %eq3A_781 : i32 to vector<16xi32>
        %eq3A_783 = arith.cmpi eq, %iota3A, %eq3A_782 : vector<16xi32>
        %reduce_sum3A_784 = arith.constant true
        %reduce_sum3A_785 = vector.broadcast %reduce_sum3A_784 : i1 to vector<16xi1>
        %reduce_sum3A_786 = tpu.scan <sum>, %add3A_776 masked %reduce_sum3A_785 : vector<16xf32>, vector<16xi1> -> vector<16xf32>
        %reduce_sum3A_787 = vector.extract %reduce_sum3A_786[15] : f32 from vector<16xf32>
        %broadcast_in_dim3A_788 = vector.broadcast %reduce_sum3A_787 : f32 to vector<16xf32>
        %select_n3A_789 = arith.select %eq3A_783, %broadcast_in_dim3A_788, %select_n3A_719 : vector<16xi1>, vector<16xf32>
        %reduce_sum3A_790 = arith.constant true
        %reduce_sum3A_791 = vector.broadcast %reduce_sum3A_790 : i1 to vector<16xi1>
        %reduce_sum3A_792 = tpu.scan <sum>, %add3A_778 masked %reduce_sum3A_791 : vector<16xf32>, vector<16xi1> -> vector<16xf32>
        %reduce_sum3A_793 = vector.extract %reduce_sum3A_792[15] : f32 from vector<16xf32>
        %broadcast_in_dim3A_794 = vector.broadcast %reduce_sum3A_793 : f32 to vector<16xf32>
        %select_n3A_795 = arith.select %eq3A_783, %broadcast_in_dim3A_794, %select_n3A_725 : vector<16xi1>, vector<16xf32>
        %reduce_sum3A_796 = arith.constant true
        %reduce_sum3A_797 = vector.broadcast %reduce_sum3A_796 : i1 to vector<16xi1>
        %reduce_sum3A_798 = tpu.scan <sum>, %add3A_780 masked %reduce_sum3A_797 : vector<16xf32>, vector<16xi1> -> vector<16xf32>
        %reduce_sum3A_799 = vector.extract %reduce_sum3A_798[15] : f32 from vector<16xf32>
        %broadcast_in_dim3A_800 = vector.broadcast %reduce_sum3A_799 : f32 to vector<16xf32>
        %select_n3A_801 = arith.select %eq3A_783, %broadcast_in_dim3A_800, %select_n3A_731 : vector<16xi1>, vector<16xf32>
        %mul3A_802 = arith.constant 16 : i32
        %mul3A_803 = arith.muli %scan3A_35, %mul3A_802 : i32
        %add3A_804 = arith.constant 11 : i32
        %add3A_805 = arith.addi %mul3A_803, %add3A_804 : i32
        %get3A_806 = arith.index_cast %add3A_805 : i32 to index
        %get3A_807 = arith.constant 0 : index
        %get3A_808 = tpu.vector_load %arg9[%get3A_806, %get3A_807] {strides = array<i32>} : memref<128x128xf32, #tpu.memory_space<vmem>>, vector<16xf32>,
        %get3A_809 = arith.index_cast %add3A_805 : i32 to index
        %get3A_810 = arith.constant 0 : index
        %get3A_811 = tpu.vector_load %arg10[%get3A_809, %get3A_810] {strides = array<i32>} : memref<128x128xf32, #tpu.memory_space<vmem>>, vector<16xf32>,
        %mul3A_812 = arith.mulf %get3A_808, %get3A_811 : vector<16xf32>
        %mul3A_813 = arith.mulf %get3A_808, %get3A_808 : vector<16xf32>
        %mul3A_814 = arith.mulf %get3A_811, %get3A_811 : vector<16xf32>
        %get3A_815 = arith.index_cast %add3A_805 : i32 to index
        %get3A_816 = arith.constant 16 : index
        %get3A_817 = tpu.vector_load %arg9[%get3A_815, %get3A_816] {strides = array<i32>} : memref<128x128xf32, #tpu.memory_space<vmem>>, vector<16xf32>,
        %get3A_818 = arith.index_cast %add3A_805 : i32 to index
        %get3A_819 = arith.constant 16 : index
        %get3A_820 = tpu.vector_load %arg10[%get3A_818, %get3A_819] {strides = array<i32>} : memref<128x128xf32, #tpu.memory_space<vmem>>, vector<16xf32>,
        %mul3A_821 = arith.mulf %get3A_817, %get3A_820 : vector<16xf32>
        %add3A_822 = arith.addf %mul3A_812, %mul3A_821 : vector<16xf32>
        %mul3A_823 = arith.mulf %get3A_817, %get3A_817 : vector<16xf32>
        %add3A_824 = arith.addf %mul3A_813, %mul3A_823 : vector<16xf32>
        %mul3A_825 = arith.mulf %get3A_820, %get3A_820 : vector<16xf32>
        %add3A_826 = arith.addf %mul3A_814, %mul3A_825 : vector<16xf32>
        %get3A_827 = arith.index_cast %add3A_805 : i32 to index
        %get3A_828 = arith.constant 32 : index
        %get3A_829 = tpu.vector_load %arg9[%get3A_827, %get3A_828] {strides = array<i32>} : memref<128x128xf32, #tpu.memory_space<vmem>>, vector<16xf32>,
        %get3A_830 = arith.index_cast %add3A_805 : i32 to index
        %get3A_831 = arith.constant 32 : index
        %get3A_832 = tpu.vector_load %arg10[%get3A_830, %get3A_831] {strides = array<i32>} : memref<128x128xf32, #tpu.memory_space<vmem>>, vector<16xf32>,
        %mul3A_833 = arith.mulf %get3A_829, %get3A_832 : vector<16xf32>
        %add3A_834 = arith.addf %add3A_822, %mul3A_833 : vector<16xf32>
        %mul3A_835 = arith.mulf %get3A_829, %get3A_829 : vector<16xf32>
        %add3A_836 = arith.addf %add3A_824, %mul3A_835 : vector<16xf32>
        %mul3A_837 = arith.mulf %get3A_832, %get3A_832 : vector<16xf32>
        %add3A_838 = arith.addf %add3A_826, %mul3A_837 : vector<16xf32>
        %get3A_839 = arith.index_cast %add3A_805 : i32 to index
        %get3A_840 = arith.constant 48 : index
        %get3A_841 = tpu.vector_load %arg9[%get3A_839, %get3A_840] {strides = array<i32>} : memref<128x128xf32, #tpu.memory_space<vmem>>, vector<16xf32>,
        %get3A_842 = arith.index_cast %add3A_805 : i32 to index
        %get3A_843 = arith.constant 48 : index
        %get3A_844 = tpu.vector_load %arg10[%get3A_842, %get3A_843] {strides = array<i32>} : memref<128x128xf32, #tpu.memory_space<vmem>>, vector<16xf32>,
        %mul3A_845 = arith.mulf %get3A_841, %get3A_844 : vector<16xf32>
        %add3A_846 = arith.addf %add3A_834, %mul3A_845 : vector<16xf32>
        %mul3A_847 = arith.mulf %get3A_841, %get3A_841 : vector<16xf32>
        %add3A_848 = arith.addf %add3A_836, %mul3A_847 : vector<16xf32>
        %mul3A_849 = arith.mulf %get3A_844, %get3A_844 : vector<16xf32>
        %add3A_850 = arith.addf %add3A_838, %mul3A_849 : vector<16xf32>
        %eq3A_851 = arith.constant 11 : i32
        %eq3A_852 = vector.broadcast %eq3A_851 : i32 to vector<16xi32>
        %eq3A_853 = arith.cmpi eq, %iota3A, %eq3A_852 : vector<16xi32>
        %reduce_sum3A_854 = arith.constant true
        %reduce_sum3A_855 = vector.broadcast %reduce_sum3A_854 : i1 to vector<16xi1>
        %reduce_sum3A_856 = tpu.scan <sum>, %add3A_846 masked %reduce_sum3A_855 : vector<16xf32>, vector<16xi1> -> vector<16xf32>
        %reduce_sum3A_857 = vector.extract %reduce_sum3A_856[15] : f32 from vector<16xf32>
        %broadcast_in_dim3A_858 = vector.broadcast %reduce_sum3A_857 : f32 to vector<16xf32>
        %select_n3A_859 = arith.select %eq3A_853, %broadcast_in_dim3A_858, %select_n3A_789 : vector<16xi1>, vector<16xf32>
        %reduce_sum3A_860 = arith.constant true
        %reduce_sum3A_861 = vector.broadcast %reduce_sum3A_860 : i1 to vector<16xi1>
        %reduce_sum3A_862 = tpu.scan <sum>, %add3A_848 masked %reduce_sum3A_861 : vector<16xf32>, vector<16xi1> -> vector<16xf32>
        %reduce_sum3A_863 = vector.extract %reduce_sum3A_862[15] : f32 from vector<16xf32>
        %broadcast_in_dim3A_864 = vector.broadcast %reduce_sum3A_863 : f32 to vector<16xf32>
        %select_n3A_865 = arith.select %eq3A_853, %broadcast_in_dim3A_864, %select_n3A_795 : vector<16xi1>, vector<16xf32>
        %reduce_sum3A_866 = arith.constant true
        %reduce_sum3A_867 = vector.broadcast %reduce_sum3A_866 : i1 to vector<16xi1>
        %reduce_sum3A_868 = tpu.scan <sum>, %add3A_850 masked %reduce_sum3A_867 : vector<16xf32>, vector<16xi1> -> vector<16xf32>
        %reduce_sum3A_869 = vector.extract %reduce_sum3A_868[15] : f32 from vector<16xf32>
        %broadcast_in_dim3A_870 = vector.broadcast %reduce_sum3A_869 : f32 to vector<16xf32>
        %select_n3A_871 = arith.select %eq3A_853, %broadcast_in_dim3A_870, %select_n3A_801 : vector<16xi1>, vector<16xf32>
        %mul3A_872 = arith.constant 16 : i32
        %mul3A_873 = arith.muli %scan3A_35, %mul3A_872 : i32
        %add3A_874 = arith.constant 12 : i32
        %add3A_875 = arith.addi %mul3A_873, %add3A_874 : i32
        %get3A_876 = arith.index_cast %add3A_875 : i32 to index
        %get3A_877 = arith.constant 0 : index
        %get3A_878 = tpu.vector_load %arg9[%get3A_876, %get3A_877] {strides = array<i32>} : memref<128x128xf32, #tpu.memory_space<vmem>>, vector<16xf32>,
        %get3A_879 = arith.index_cast %add3A_875 : i32 to index
        %get3A_880 = arith.constant 0 : index
        %get3A_881 = tpu.vector_load %arg10[%get3A_879, %get3A_880] {strides = array<i32>} : memref<128x128xf32, #tpu.memory_space<vmem>>, vector<16xf32>,
        %mul3A_882 = arith.mulf %get3A_878, %get3A_881 : vector<16xf32>
        %mul3A_883 = arith.mulf %get3A_878, %get3A_878 : vector<16xf32>
        %mul3A_884 = arith.mulf %get3A_881, %get3A_881 : vector<16xf32>
        %get3A_885 = arith.index_cast %add3A_875 : i32 to index
        %get3A_886 = arith.constant 16 : index
        %get3A_887 = tpu.vector_load %arg9[%get3A_885, %get3A_886] {strides = array<i32>} : memref<128x128xf32, #tpu.memory_space<vmem>>, vector<16xf32>,
        %get3A_888 = arith.index_cast %add3A_875 : i32 to index
        %get3A_889 = arith.constant 16 : index
        %get3A_890 = tpu.vector_load %arg10[%get3A_888, %get3A_889] {strides = array<i32>} : memref<128x128xf32, #tpu.memory_space<vmem>>, vector<16xf32>,
        %mul3A_891 = arith.mulf %get3A_887, %get3A_890 : vector<16xf32>
        %add3A_892 = arith.addf %mul3A_882, %mul3A_891 : vector<16xf32>
        %mul3A_893 = arith.mulf %get3A_887, %get3A_887 : vector<16xf32>
        %add3A_894 = arith.addf %mul3A_883, %mul3A_893 : vector<16xf32>
        %mul3A_895 = arith.mulf %get3A_890, %get3A_890 : vector<16xf32>
        %add3A_896 = arith.addf %mul3A_884, %mul3A_895 : vector<16xf32>
        %get3A_897 = arith.index_cast %add3A_875 : i32 to index
        %get3A_898 = arith.constant 32 : index
        %get3A_899 = tpu.vector_load %arg9[%get3A_897, %get3A_898] {strides = array<i32>} : memref<128x128xf32, #tpu.memory_space<vmem>>, vector<16xf32>,
        %get3A_900 = arith.index_cast %add3A_875 : i32 to index
        %get3A_901 = arith.constant 32 : index
        %get3A_902 = tpu.vector_load %arg10[%get3A_900, %get3A_901] {strides = array<i32>} : memref<128x128xf32, #tpu.memory_space<vmem>>, vector<16xf32>,
        %mul3A_903 = arith.mulf %get3A_899, %get3A_902 : vector<16xf32>
        %add3A_904 = arith.addf %add3A_892, %mul3A_903 : vector<16xf32>
        %mul3A_905 = arith.mulf %get3A_899, %get3A_899 : vector<16xf32>
        %add3A_906 = arith.addf %add3A_894, %mul3A_905 : vector<16xf32>
        %mul3A_907 = arith.mulf %get3A_902, %get3A_902 : vector<16xf32>
        %add3A_908 = arith.addf %add3A_896, %mul3A_907 : vector<16xf32>
        %get3A_909 = arith.index_cast %add3A_875 : i32 to index
        %get3A_910 = arith.constant 48 : index
        %get3A_911 = tpu.vector_load %arg9[%get3A_909, %get3A_910] {strides = array<i32>} : memref<128x128xf32, #tpu.memory_space<vmem>>, vector<16xf32>,
        %get3A_912 = arith.index_cast %add3A_875 : i32 to index
        %get3A_913 = arith.constant 48 : index
        %get3A_914 = tpu.vector_load %arg10[%get3A_912, %get3A_913] {strides = array<i32>} : memref<128x128xf32, #tpu.memory_space<vmem>>, vector<16xf32>,
        %mul3A_915 = arith.mulf %get3A_911, %get3A_914 : vector<16xf32>
        %add3A_916 = arith.addf %add3A_904, %mul3A_915 : vector<16xf32>
        %mul3A_917 = arith.mulf %get3A_911, %get3A_911 : vector<16xf32>
        %add3A_918 = arith.addf %add3A_906, %mul3A_917 : vector<16xf32>
        %mul3A_919 = arith.mulf %get3A_914, %get3A_914 : vector<16xf32>
        %add3A_920 = arith.addf %add3A_908, %mul3A_919 : vector<16xf32>
        %eq3A_921 = arith.constant 12 : i32
        %eq3A_922 = vector.broadcast %eq3A_921 : i32 to vector<16xi32>
        %eq3A_923 = arith.cmpi eq, %iota3A, %eq3A_922 : vector<16xi32>
        %reduce_sum3A_924 = arith.constant true
        %reduce_sum3A_925 = vector.broadcast %reduce_sum3A_924 : i1 to vector<16xi1>
        %reduce_sum3A_926 = tpu.scan <sum>, %add3A_916 masked %reduce_sum3A_925 : vector<16xf32>, vector<16xi1> -> vector<16xf32>
        %reduce_sum3A_927 = vector.extract %reduce_sum3A_926[15] : f32 from vector<16xf32>
        %broadcast_in_dim3A_928 = vector.broadcast %reduce_sum3A_927 : f32 to vector<16xf32>
        %select_n3A_929 = arith.select %eq3A_923, %broadcast_in_dim3A_928, %select_n3A_859 : vector<16xi1>, vector<16xf32>
        %reduce_sum3A_930 = arith.constant true
        %reduce_sum3A_931 = vector.broadcast %reduce_sum3A_930 : i1 to vector<16xi1>
        %reduce_sum3A_932 = tpu.scan <sum>, %add3A_918 masked %reduce_sum3A_931 : vector<16xf32>, vector<16xi1> -> vector<16xf32>
        %reduce_sum3A_933 = vector.extract %reduce_sum3A_932[15] : f32 from vector<16xf32>
        %broadcast_in_dim3A_934 = vector.broadcast %reduce_sum3A_933 : f32 to vector<16xf32>
        %select_n3A_935 = arith.select %eq3A_923, %broadcast_in_dim3A_934, %select_n3A_865 : vector<16xi1>, vector<16xf32>
        %reduce_sum3A_936 = arith.constant true
        %reduce_sum3A_937 = vector.broadcast %reduce_sum3A_936 : i1 to vector<16xi1>
        %reduce_sum3A_938 = tpu.scan <sum>, %add3A_920 masked %reduce_sum3A_937 : vector<16xf32>, vector<16xi1> -> vector<16xf32>
        %reduce_sum3A_939 = vector.extract %reduce_sum3A_938[15] : f32 from vector<16xf32>
        %broadcast_in_dim3A_940 = vector.broadcast %reduce_sum3A_939 : f32 to vector<16xf32>
        %select_n3A_941 = arith.select %eq3A_923, %broadcast_in_dim3A_940, %select_n3A_871 : vector<16xi1>, vector<16xf32>
        %mul3A_942 = arith.constant 16 : i32
        %mul3A_943 = arith.muli %scan3A_35, %mul3A_942 : i32
        %add3A_944 = arith.constant 13 : i32
        %add3A_945 = arith.addi %mul3A_943, %add3A_944 : i32
        %get3A_946 = arith.index_cast %add3A_945 : i32 to index
        %get3A_947 = arith.constant 0 : index
        %get3A_948 = tpu.vector_load %arg9[%get3A_946, %get3A_947] {strides = array<i32>} : memref<128x128xf32, #tpu.memory_space<vmem>>, vector<16xf32>,
        %get3A_949 = arith.index_cast %add3A_945 : i32 to index
        %get3A_950 = arith.constant 0 : index
        %get3A_951 = tpu.vector_load %arg10[%get3A_949, %get3A_950] {strides = array<i32>} : memref<128x128xf32, #tpu.memory_space<vmem>>, vector<16xf32>,
        %mul3A_952 = arith.mulf %get3A_948, %get3A_951 : vector<16xf32>
        %mul3A_953 = arith.mulf %get3A_948, %get3A_948 : vector<16xf32>
        %mul3A_954 = arith.mulf %get3A_951, %get3A_951 : vector<16xf32>
        %get3A_955 = arith.index_cast %add3A_945 : i32 to index
        %get3A_956 = arith.constant 16 : index
        %get3A_957 = tpu.vector_load %arg9[%get3A_955, %get3A_956] {strides = array<i32>} : memref<128x128xf32, #tpu.memory_space<vmem>>, vector<16xf32>,
        %get3A_958 = arith.index_cast %add3A_945 : i32 to index
        %get3A_959 = arith.constant 16 : index
        %get3A_960 = tpu.vector_load %arg10[%get3A_958, %get3A_959] {strides = array<i32>} : memref<128x128xf32, #tpu.memory_space<vmem>>, vector<16xf32>,
        %mul3A_961 = arith.mulf %get3A_957, %get3A_960 : vector<16xf32>
        %add3A_962 = arith.addf %mul3A_952, %mul3A_961 : vector<16xf32>
        %mul3A_963 = arith.mulf %get3A_957, %get3A_957 : vector<16xf32>
        %add3A_964 = arith.addf %mul3A_953, %mul3A_963 : vector<16xf32>
        %mul3A_965 = arith.mulf %get3A_960, %get3A_960 : vector<16xf32>
        %add3A_966 = arith.addf %mul3A_954, %mul3A_965 : vector<16xf32>
        %get3A_967 = arith.index_cast %add3A_945 : i32 to index
        %get3A_968 = arith.constant 32 : index
        %get3A_969 = tpu.vector_load %arg9[%get3A_967, %get3A_968] {strides = array<i32>} : memref<128x128xf32, #tpu.memory_space<vmem>>, vector<16xf32>,
        %get3A_970 = arith.index_cast %add3A_945 : i32 to index
        %get3A_971 = arith.constant 32 : index
        %get3A_972 = tpu.vector_load %arg10[%get3A_970, %get3A_971] {strides = array<i32>} : memref<128x128xf32, #tpu.memory_space<vmem>>, vector<16xf32>,
        %mul3A_973 = arith.mulf %get3A_969, %get3A_972 : vector<16xf32>
        %add3A_974 = arith.addf %add3A_962, %mul3A_973 : vector<16xf32>
        %mul3A_975 = arith.mulf %get3A_969, %get3A_969 : vector<16xf32>
        %add3A_976 = arith.addf %add3A_964, %mul3A_975 : vector<16xf32>
        %mul3A_977 = arith.mulf %get3A_972, %get3A_972 : vector<16xf32>
        %add3A_978 = arith.addf %add3A_966, %mul3A_977 : vector<16xf32>
        %get3A_979 = arith.index_cast %add3A_945 : i32 to index
        %get3A_980 = arith.constant 48 : index
        %get3A_981 = tpu.vector_load %arg9[%get3A_979, %get3A_980] {strides = array<i32>} : memref<128x128xf32, #tpu.memory_space<vmem>>, vector<16xf32>,
        %get3A_982 = arith.index_cast %add3A_945 : i32 to index
        %get3A_983 = arith.constant 48 : index
        %get3A_984 = tpu.vector_load %arg10[%get3A_982, %get3A_983] {strides = array<i32>} : memref<128x128xf32, #tpu.memory_space<vmem>>, vector<16xf32>,
        %mul3A_985 = arith.mulf %get3A_981, %get3A_984 : vector<16xf32>
        %add3A_986 = arith.addf %add3A_974, %mul3A_985 : vector<16xf32>
        %mul3A_987 = arith.mulf %get3A_981, %get3A_981 : vector<16xf32>
        %add3A_988 = arith.addf %add3A_976, %mul3A_987 : vector<16xf32>
        %mul3A_989 = arith.mulf %get3A_984, %get3A_984 : vector<16xf32>
        %add3A_990 = arith.addf %add3A_978, %mul3A_989 : vector<16xf32>
        %eq3A_991 = arith.constant 13 : i32
        %eq3A_992 = vector.broadcast %eq3A_991 : i32 to vector<16xi32>
        %eq3A_993 = arith.cmpi eq, %iota3A, %eq3A_992 : vector<16xi32>
        %reduce_sum3A_994 = arith.constant true
        %reduce_sum3A_995 = vector.broadcast %reduce_sum3A_994 : i1 to vector<16xi1>
        %reduce_sum3A_996 = tpu.scan <sum>, %add3A_986 masked %reduce_sum3A_995 : vector<16xf32>, vector<16xi1> -> vector<16xf32>
        %reduce_sum3A_997 = vector.extract %reduce_sum3A_996[15] : f32 from vector<16xf32>
        %broadcast_in_dim3A_998 = vector.broadcast %reduce_sum3A_997 : f32 to vector<16xf32>
        %select_n3A_999 = arith.select %eq3A_993, %broadcast_in_dim3A_998, %select_n3A_929 : vector<16xi1>, vector<16xf32>
        %reduce_sum3A_1000 = arith.constant true
        %reduce_sum3A_1001 = vector.broadcast %reduce_sum3A_1000 : i1 to vector<16xi1>
        %reduce_sum3A_1002 = tpu.scan <sum>, %add3A_988 masked %reduce_sum3A_1001 : vector<16xf32>, vector<16xi1> -> vector<16xf32>
        %reduce_sum3A_1003 = vector.extract %reduce_sum3A_1002[15] : f32 from vector<16xf32>
        %broadcast_in_dim3A_1004 = vector.broadcast %reduce_sum3A_1003 : f32 to vector<16xf32>
        %select_n3A_1005 = arith.select %eq3A_993, %broadcast_in_dim3A_1004, %select_n3A_935 : vector<16xi1>, vector<16xf32>
        %reduce_sum3A_1006 = arith.constant true
        %reduce_sum3A_1007 = vector.broadcast %reduce_sum3A_1006 : i1 to vector<16xi1>
        %reduce_sum3A_1008 = tpu.scan <sum>, %add3A_990 masked %reduce_sum3A_1007 : vector<16xf32>, vector<16xi1> -> vector<16xf32>
        %reduce_sum3A_1009 = vector.extract %reduce_sum3A_1008[15] : f32 from vector<16xf32>
        %broadcast_in_dim3A_1010 = vector.broadcast %reduce_sum3A_1009 : f32 to vector<16xf32>
        %select_n3A_1011 = arith.select %eq3A_993, %broadcast_in_dim3A_1010, %select_n3A_941 : vector<16xi1>, vector<16xf32>
        %mul3A_1012 = arith.constant 16 : i32
        %mul3A_1013 = arith.muli %scan3A_35, %mul3A_1012 : i32
        %add3A_1014 = arith.constant 14 : i32
        %add3A_1015 = arith.addi %mul3A_1013, %add3A_1014 : i32
        %get3A_1016 = arith.index_cast %add3A_1015 : i32 to index
        %get3A_1017 = arith.constant 0 : index
        %get3A_1018 = tpu.vector_load %arg9[%get3A_1016, %get3A_1017] {strides = array<i32>} : memref<128x128xf32, #tpu.memory_space<vmem>>, vector<16xf32>,
        %get3A_1019 = arith.index_cast %add3A_1015 : i32 to index
        %get3A_1020 = arith.constant 0 : index
        %get3A_1021 = tpu.vector_load %arg10[%get3A_1019, %get3A_1020] {strides = array<i32>} : memref<128x128xf32, #tpu.memory_space<vmem>>, vector<16xf32>,
        %mul3A_1022 = arith.mulf %get3A_1018, %get3A_1021 : vector<16xf32>
        %mul3A_1023 = arith.mulf %get3A_1018, %get3A_1018 : vector<16xf32>
        %mul3A_1024 = arith.mulf %get3A_1021, %get3A_1021 : vector<16xf32>
        %get3A_1025 = arith.index_cast %add3A_1015 : i32 to index
        %get3A_1026 = arith.constant 16 : index
        %get3A_1027 = tpu.vector_load %arg9[%get3A_1025, %get3A_1026] {strides = array<i32>} : memref<128x128xf32, #tpu.memory_space<vmem>>, vector<16xf32>,
        %get3A_1028 = arith.index_cast %add3A_1015 : i32 to index
        %get3A_1029 = arith.constant 16 : index
        %get3A_1030 = tpu.vector_load %arg10[%get3A_1028, %get3A_1029] {strides = array<i32>} : memref<128x128xf32, #tpu.memory_space<vmem>>, vector<16xf32>,
        %mul3A_1031 = arith.mulf %get3A_1027, %get3A_1030 : vector<16xf32>
        %add3A_1032 = arith.addf %mul3A_1022, %mul3A_1031 : vector<16xf32>
        %mul3A_1033 = arith.mulf %get3A_1027, %get3A_1027 : vector<16xf32>
        %add3A_1034 = arith.addf %mul3A_1023, %mul3A_1033 : vector<16xf32>
        %mul3A_1035 = arith.mulf %get3A_1030, %get3A_1030 : vector<16xf32>
        %add3A_1036 = arith.addf %mul3A_1024, %mul3A_1035 : vector<16xf32>
        %get3A_1037 = arith.index_cast %add3A_1015 : i32 to index
        %get3A_1038 = arith.constant 32 : index
        %get3A_1039 = tpu.vector_load %arg9[%get3A_1037, %get3A_1038] {strides = array<i32>} : memref<128x128xf32, #tpu.memory_space<vmem>>, vector<16xf32>,
        %get3A_1040 = arith.index_cast %add3A_1015 : i32 to index
        %get3A_1041 = arith.constant 32 : index
        %get3A_1042 = tpu.vector_load %arg10[%get3A_1040, %get3A_1041] {strides = array<i32>} : memref<128x128xf32, #tpu.memory_space<vmem>>, vector<16xf32>,
        %mul3A_1043 = arith.mulf %get3A_1039, %get3A_1042 : vector<16xf32>
        %add3A_1044 = arith.addf %add3A_1032, %mul3A_1043 : vector<16xf32>
        %mul3A_1045 = arith.mulf %get3A_1039, %get3A_1039 : vector<16xf32>
        %add3A_1046 = arith.addf %add3A_1034, %mul3A_1045 : vector<16xf32>
        %mul3A_1047 = arith.mulf %get3A_1042, %get3A_1042 : vector<16xf32>
        %add3A_1048 = arith.addf %add3A_1036, %mul3A_1047 : vector<16xf32>
        %get3A_1049 = arith.index_cast %add3A_1015 : i32 to index
        %get3A_1050 = arith.constant 48 : index
        %get3A_1051 = tpu.vector_load %arg9[%get3A_1049, %get3A_1050] {strides = array<i32>} : memref<128x128xf32, #tpu.memory_space<vmem>>, vector<16xf32>,
        %get3A_1052 = arith.index_cast %add3A_1015 : i32 to index
        %get3A_1053 = arith.constant 48 : index
        %get3A_1054 = tpu.vector_load %arg10[%get3A_1052, %get3A_1053] {strides = array<i32>} : memref<128x128xf32, #tpu.memory_space<vmem>>, vector<16xf32>,
        %mul3A_1055 = arith.mulf %get3A_1051, %get3A_1054 : vector<16xf32>
        %add3A_1056 = arith.addf %add3A_1044, %mul3A_1055 : vector<16xf32>
        %mul3A_1057 = arith.mulf %get3A_1051, %get3A_1051 : vector<16xf32>
        %add3A_1058 = arith.addf %add3A_1046, %mul3A_1057 : vector<16xf32>
        %mul3A_1059 = arith.mulf %get3A_1054, %get3A_1054 : vector<16xf32>
        %add3A_1060 = arith.addf %add3A_1048, %mul3A_1059 : vector<16xf32>
        %eq3A_1061 = arith.constant 14 : i32
        %eq3A_1062 = vector.broadcast %eq3A_1061 : i32 to vector<16xi32>
        %eq3A_1063 = arith.cmpi eq, %iota3A, %eq3A_1062 : vector<16xi32>
        %reduce_sum3A_1064 = arith.constant true
        %reduce_sum3A_1065 = vector.broadcast %reduce_sum3A_1064 : i1 to vector<16xi1>
        %reduce_sum3A_1066 = tpu.scan <sum>, %add3A_1056 masked %reduce_sum3A_1065 : vector<16xf32>, vector<16xi1> -> vector<16xf32>
        %reduce_sum3A_1067 = vector.extract %reduce_sum3A_1066[15] : f32 from vector<16xf32>
        %broadcast_in_dim3A_1068 = vector.broadcast %reduce_sum3A_1067 : f32 to vector<16xf32>
        %select_n3A_1069 = arith.select %eq3A_1063, %broadcast_in_dim3A_1068, %select_n3A_999 : vector<16xi1>, vector<16xf32>
        %reduce_sum3A_1070 = arith.constant true
        %reduce_sum3A_1071 = vector.broadcast %reduce_sum3A_1070 : i1 to vector<16xi1>
        %reduce_sum3A_1072 = tpu.scan <sum>, %add3A_1058 masked %reduce_sum3A_1071 : vector<16xf32>, vector<16xi1> -> vector<16xf32>
        %reduce_sum3A_1073 = vector.extract %reduce_sum3A_1072[15] : f32 from vector<16xf32>
        %broadcast_in_dim3A_1074 = vector.broadcast %reduce_sum3A_1073 : f32 to vector<16xf32>
        %select_n3A_1075 = arith.select %eq3A_1063, %broadcast_in_dim3A_1074, %select_n3A_1005 : vector<16xi1>, vector<16xf32>
        %reduce_sum3A_1076 = arith.constant true
        %reduce_sum3A_1077 = vector.broadcast %reduce_sum3A_1076 : i1 to vector<16xi1>
        %reduce_sum3A_1078 = tpu.scan <sum>, %add3A_1060 masked %reduce_sum3A_1077 : vector<16xf32>, vector<16xi1> -> vector<16xf32>
        %reduce_sum3A_1079 = vector.extract %reduce_sum3A_1078[15] : f32 from vector<16xf32>
        %broadcast_in_dim3A_1080 = vector.broadcast %reduce_sum3A_1079 : f32 to vector<16xf32>
        %select_n3A_1081 = arith.select %eq3A_1063, %broadcast_in_dim3A_1080, %select_n3A_1011 : vector<16xi1>, vector<16xf32>
        %mul3A_1082 = arith.constant 16 : i32
        %mul3A_1083 = arith.muli %scan3A_35, %mul3A_1082 : i32
        %add3A_1084 = arith.constant 15 : i32
        %add3A_1085 = arith.addi %mul3A_1083, %add3A_1084 : i32
        %get3A_1086 = arith.index_cast %add3A_1085 : i32 to index
        %get3A_1087 = arith.constant 0 : index
        %get3A_1088 = tpu.vector_load %arg9[%get3A_1086, %get3A_1087] {strides = array<i32>} : memref<128x128xf32, #tpu.memory_space<vmem>>, vector<16xf32>,
        %get3A_1089 = arith.index_cast %add3A_1085 : i32 to index
        %get3A_1090 = arith.constant 0 : index
        %get3A_1091 = tpu.vector_load %arg10[%get3A_1089, %get3A_1090] {strides = array<i32>} : memref<128x128xf32, #tpu.memory_space<vmem>>, vector<16xf32>,
        %mul3A_1092 = arith.mulf %get3A_1088, %get3A_1091 : vector<16xf32>
        %mul3A_1093 = arith.mulf %get3A_1088, %get3A_1088 : vector<16xf32>
        %mul3A_1094 = arith.mulf %get3A_1091, %get3A_1091 : vector<16xf32>
        %get3A_1095 = arith.index_cast %add3A_1085 : i32 to index
        %get3A_1096 = arith.constant 16 : index
        %get3A_1097 = tpu.vector_load %arg9[%get3A_1095, %get3A_1096] {strides = array<i32>} : memref<128x128xf32, #tpu.memory_space<vmem>>, vector<16xf32>,
        %get3A_1098 = arith.index_cast %add3A_1085 : i32 to index
        %get3A_1099 = arith.constant 16 : index
        %get3A_1100 = tpu.vector_load %arg10[%get3A_1098, %get3A_1099] {strides = array<i32>} : memref<128x128xf32, #tpu.memory_space<vmem>>, vector<16xf32>,
        %mul3A_1101 = arith.mulf %get3A_1097, %get3A_1100 : vector<16xf32>
        %add3A_1102 = arith.addf %mul3A_1092, %mul3A_1101 : vector<16xf32>
        %mul3A_1103 = arith.mulf %get3A_1097, %get3A_1097 : vector<16xf32>
        %add3A_1104 = arith.addf %mul3A_1093, %mul3A_1103 : vector<16xf32>
        %mul3A_1105 = arith.mulf %get3A_1100, %get3A_1100 : vector<16xf32>
        %add3A_1106 = arith.addf %mul3A_1094, %mul3A_1105 : vector<16xf32>
        %get3A_1107 = arith.index_cast %add3A_1085 : i32 to index
        %get3A_1108 = arith.constant 32 : index
        %get3A_1109 = tpu.vector_load %arg9[%get3A_1107, %get3A_1108] {strides = array<i32>} : memref<128x128xf32, #tpu.memory_space<vmem>>, vector<16xf32>,
        %get3A_1110 = arith.index_cast %add3A_1085 : i32 to index
        %get3A_1111 = arith.constant 32 : index
        %get3A_1112 = tpu.vector_load %arg10[%get3A_1110, %get3A_1111] {strides = array<i32>} : memref<128x128xf32, #tpu.memory_space<vmem>>, vector<16xf32>,
        %mul3A_1113 = arith.mulf %get3A_1109, %get3A_1112 : vector<16xf32>
        %add3A_1114 = arith.addf %add3A_1102, %mul3A_1113 : vector<16xf32>
        %mul3A_1115 = arith.mulf %get3A_1109, %get3A_1109 : vector<16xf32>
        %add3A_1116 = arith.addf %add3A_1104, %mul3A_1115 : vector<16xf32>
        %mul3A_1117 = arith.mulf %get3A_1112, %get3A_1112 : vector<16xf32>
        %add3A_1118 = arith.addf %add3A_1106, %mul3A_1117 : vector<16xf32>
        %get3A_1119 = arith.index_cast %add3A_1085 : i32 to index
        %get3A_1120 = arith.constant 48 : index
        %get3A_1121 = tpu.vector_load %arg9[%get3A_1119, %get3A_1120] {strides = array<i32>} : memref<128x128xf32, #tpu.memory_space<vmem>>, vector<16xf32>,
        %get3A_1122 = arith.index_cast %add3A_1085 : i32 to index
        %get3A_1123 = arith.constant 48 : index
        %get3A_1124 = tpu.vector_load %arg10[%get3A_1122, %get3A_1123] {strides = array<i32>} : memref<128x128xf32, #tpu.memory_space<vmem>>, vector<16xf32>,
        %mul3A_1125 = arith.mulf %get3A_1121, %get3A_1124 : vector<16xf32>
        %add3A_1126 = arith.addf %add3A_1114, %mul3A_1125 : vector<16xf32>
        %mul3A_1127 = arith.mulf %get3A_1121, %get3A_1121 : vector<16xf32>
        %add3A_1128 = arith.addf %add3A_1116, %mul3A_1127 : vector<16xf32>
        %mul3A_1129 = arith.mulf %get3A_1124, %get3A_1124 : vector<16xf32>
        %add3A_1130 = arith.addf %add3A_1118, %mul3A_1129 : vector<16xf32>
        %eq3A_1131 = arith.constant 15 : i32
        %eq3A_1132 = vector.broadcast %eq3A_1131 : i32 to vector<16xi32>
        %eq3A_1133 = arith.cmpi eq, %iota3A, %eq3A_1132 : vector<16xi32>
        %reduce_sum3A_1134 = arith.constant true
        %reduce_sum3A_1135 = vector.broadcast %reduce_sum3A_1134 : i1 to vector<16xi1>
        %reduce_sum3A_1136 = tpu.scan <sum>, %add3A_1126 masked %reduce_sum3A_1135 : vector<16xf32>, vector<16xi1> -> vector<16xf32>
        %reduce_sum3A_1137 = vector.extract %reduce_sum3A_1136[15] : f32 from vector<16xf32>
        %broadcast_in_dim3A_1138 = vector.broadcast %reduce_sum3A_1137 : f32 to vector<16xf32>
        %select_n3A_1139 = arith.select %eq3A_1133, %broadcast_in_dim3A_1138, %select_n3A_1069 : vector<16xi1>, vector<16xf32>
        %reduce_sum3A_1140 = arith.constant true
        %reduce_sum3A_1141 = vector.broadcast %reduce_sum3A_1140 : i1 to vector<16xi1>
        %reduce_sum3A_1142 = tpu.scan <sum>, %add3A_1128 masked %reduce_sum3A_1141 : vector<16xf32>, vector<16xi1> -> vector<16xf32>
        %reduce_sum3A_1143 = vector.extract %reduce_sum3A_1142[15] : f32 from vector<16xf32>
        %broadcast_in_dim3A_1144 = vector.broadcast %reduce_sum3A_1143 : f32 to vector<16xf32>
        %select_n3A_1145 = arith.select %eq3A_1133, %broadcast_in_dim3A_1144, %select_n3A_1075 : vector<16xi1>, vector<16xf32>
        %reduce_sum3A_1146 = arith.constant true
        %reduce_sum3A_1147 = vector.broadcast %reduce_sum3A_1146 : i1 to vector<16xi1>
        %reduce_sum3A_1148 = tpu.scan <sum>, %add3A_1130 masked %reduce_sum3A_1147 : vector<16xf32>, vector<16xi1> -> vector<16xf32>
        %reduce_sum3A_1149 = vector.extract %reduce_sum3A_1148[15] : f32 from vector<16xf32>
        %broadcast_in_dim3A_1150 = vector.broadcast %reduce_sum3A_1149 : f32 to vector<16xf32>
        %select_n3A_1151 = arith.select %eq3A_1133, %broadcast_in_dim3A_1150, %select_n3A_1081 : vector<16xi1>, vector<16xf32>
        %bitcast3A = vector.bitcast %select_n3A_1145 : vector<16xf32> to vector<16xi32>
        %shift_right_arithmetic3A = arith.constant 1 : i32
        %shift_right_arithmetic3A_1152 = vector.broadcast %shift_right_arithmetic3A : i32 to vector<16xi32>
        %shift_right_arithmetic3A_1153 = arith.shrsi %bitcast3A, %shift_right_arithmetic3A_1152 : vector<16xi32>
        %sub3A = arith.constant 1597463007 : i32
        %sub3A_1154 = vector.broadcast %sub3A : i32 to vector<16xi32>
        %sub3A_1155 = arith.subi %sub3A_1154, %shift_right_arithmetic3A_1153 : vector<16xi32>
        %bitcast3A_1156 = vector.bitcast %sub3A_1155 : vector<16xi32> to vector<16xf32>
        %mul3A_1157 = arith.constant 5.000000e-01 : f32
        %mul3A_1158 = vector.broadcast %mul3A_1157 : f32 to vector<16xf32>
        %mul3A_1159 = arith.mulf %select_n3A_1145, %mul3A_1158 : vector<16xf32>
        %mul3A_1160 = arith.mulf %mul3A_1159, %bitcast3A_1156 : vector<16xf32>
        %mul3A_1161 = arith.mulf %mul3A_1160, %bitcast3A_1156 : vector<16xf32>
        %sub3A_1162 = arith.constant 1.500000e+00 : f32
        %sub3A_1163 = vector.broadcast %sub3A_1162 : f32 to vector<16xf32>
        %sub3A_1164 = arith.subf %sub3A_1163, %mul3A_1161 : vector<16xf32>
        %mul3A_1165 = arith.mulf %bitcast3A_1156, %sub3A_1164 : vector<16xf32>
        %mul3A_1166 = arith.mulf %mul3A_1159, %mul3A_1165 : vector<16xf32>
        %mul3A_1167 = arith.mulf %mul3A_1166, %mul3A_1165 : vector<16xf32>
        %sub3A_1168 = arith.constant 1.500000e+00 : f32
        %sub3A_1169 = vector.broadcast %sub3A_1168 : f32 to vector<16xf32>
        %sub3A_1170 = arith.subf %sub3A_1169, %mul3A_1167 : vector<16xf32>
        %mul3A_1171 = arith.mulf %mul3A_1165, %sub3A_1170 : vector<16xf32>
        %mul3A_1172 = arith.mulf %mul3A_1159, %mul3A_1171 : vector<16xf32>
        %mul3A_1173 = arith.mulf %mul3A_1172, %mul3A_1171 : vector<16xf32>
        %sub3A_1174 = arith.constant 1.500000e+00 : f32
        %sub3A_1175 = vector.broadcast %sub3A_1174 : f32 to vector<16xf32>
        %sub3A_1176 = arith.subf %sub3A_1175, %mul3A_1173 : vector<16xf32>
        %mul3A_1177 = arith.mulf %mul3A_1171, %sub3A_1176 : vector<16xf32>
        %mul3A_1178 = arith.mulf %select_n3A_1145, %mul3A_1177 : vector<16xf32>
        %bitcast3A_1179 = vector.bitcast %select_n3A_1151 : vector<16xf32> to vector<16xi32>
        %shift_right_arithmetic3A_1180 = arith.constant 1 : i32
        %shift_right_arithmetic3A_1181 = vector.broadcast %shift_right_arithmetic3A_1180 : i32 to vector<16xi32>
        %shift_right_arithmetic3A_1182 = arith.shrsi %bitcast3A_1179, %shift_right_arithmetic3A_1181 : vector<16xi32>
        %sub3A_1183 = arith.constant 1597463007 : i32
        %sub3A_1184 = vector.broadcast %sub3A_1183 : i32 to vector<16xi32>
        %sub3A_1185 = arith.subi %sub3A_1184, %shift_right_arithmetic3A_1182 : vector<16xi32>
        %bitcast3A_1186 = vector.bitcast %sub3A_1185 : vector<16xi32> to vector<16xf32>
        %mul3A_1187 = arith.constant 5.000000e-01 : f32
        %mul3A_1188 = vector.broadcast %mul3A_1187 : f32 to vector<16xf32>
        %mul3A_1189 = arith.mulf %select_n3A_1151, %mul3A_1188 : vector<16xf32>
        %mul3A_1190 = arith.mulf %mul3A_1189, %bitcast3A_1186 : vector<16xf32>
        %mul3A_1191 = arith.mulf %mul3A_1190, %bitcast3A_1186 : vector<16xf32>
        %sub3A_1192 = arith.constant 1.500000e+00 : f32
        %sub3A_1193 = vector.broadcast %sub3A_1192 : f32 to vector<16xf32>
        %sub3A_1194 = arith.subf %sub3A_1193, %mul3A_1191 : vector<16xf32>
        %mul3A_1195 = arith.mulf %bitcast3A_1186, %sub3A_1194 : vector<16xf32>
        %mul3A_1196 = arith.mulf %mul3A_1189, %mul3A_1195 : vector<16xf32>
        %mul3A_1197 = arith.mulf %mul3A_1196, %mul3A_1195 : vector<16xf32>
        %sub3A_1198 = arith.constant 1.500000e+00 : f32
        %sub3A_1199 = vector.broadcast %sub3A_1198 : f32 to vector<16xf32>
        %sub3A_1200 = arith.subf %sub3A_1199, %mul3A_1197 : vector<16xf32>
        %mul3A_1201 = arith.mulf %mul3A_1195, %sub3A_1200 : vector<16xf32>
        %mul3A_1202 = arith.mulf %mul3A_1189, %mul3A_1201 : vector<16xf32>
        %mul3A_1203 = arith.mulf %mul3A_1202, %mul3A_1201 : vector<16xf32>
        %sub3A_1204 = arith.constant 1.500000e+00 : f32
        %sub3A_1205 = vector.broadcast %sub3A_1204 : f32 to vector<16xf32>
        %sub3A_1206 = arith.subf %sub3A_1205, %mul3A_1203 : vector<16xf32>
        %mul3A_1207 = arith.mulf %mul3A_1201, %sub3A_1206 : vector<16xf32>
        %mul3A_1208 = arith.mulf %select_n3A_1151, %mul3A_1207 : vector<16xf32>
        %max3A = vector.broadcast %scan3A : f32 to vector<16xf32>
        %max3A_1209 = arith.maximumf %mul3A_1178, %max3A : vector<16xf32>
        %max3A_1210 = vector.broadcast %scan3A : f32 to vector<16xf32>
        %max3A_1211 = arith.maximumf %mul3A_1208, %max3A_1210 : vector<16xf32>
        %mul3A_1212 = arith.mulf %max3A_1209, %max3A_1211 : vector<16xf32>
        %div3A = arith.divf %select_n3A_1139, %mul3A_1212 : vector<16xf32>
        %mul3A_1213 = arith.constant 5.000000e-01 : f32
        %mul3A_1214 = vector.broadcast %mul3A_1213 : f32 to vector<16xf32>
        %mul3A_1215 = arith.mulf %div3A, %mul3A_1214 : vector<16xf32>
        %add3A_1216 = arith.constant 5.000000e-01 : f32
        %add3A_1217 = vector.broadcast %add3A_1216 : f32 to vector<16xf32>
        %add3A_1218 = arith.addf %mul3A_1215, %add3A_1217 : vector<16xf32>
        %mul3A_1219 = arith.constant 128 : i32
        %mul3A_1220 = arith.muli %scan3A_13, %mul3A_1219 : i32
        %mul3A_1221 = arith.constant 16 : i32
        %mul3A_1222 = arith.muli %scan3A_35, %mul3A_1221 : i32
        %add3A_1223 = arith.addi %mul3A_1220, %mul3A_1222 : i32
        %swap3A = arith.index_cast %add3A_1223 : i32 to index
        %swap3A_1224 = tpu.vector_load %arg11[%swap3A] {strides = array<i32>} : memref<512xf32, #tpu.memory_space<vmem>>, vector<16xf32>,
        tpu.vector_store %arg11[%swap3A], %add3A_1218 {strides = array<i32>} : memref<512xf32, #tpu.memory_space<vmem>>, vector<16xf32>,
      }
      %scan3A_34 = arith.constant 8 : i32
    }
    %scan3A_12 = arith.constant 4 : i32
    "tpu.region"() ({
      %run_scoped3A = tpu.sem_alloc : memref<!tpu.dma_semaphore, #tpu.memory_space<semaphore_mem>>
      %dma_start3A = tpu.memref_slice %arg6[%mul3A_2] : memref<16384xf32, #tpu.memory_space<hbm>> -> memref<512xf32, #tpu.memory_space<hbm>>
      %dma_start3A_13 = tpu.memref_slice %arg6[%mul3A_2] : memref<16384xf32, #tpu.memory_space<hbm>> -> memref<512xf32, #tpu.memory_space<hbm>>
      tpu.enqueue_dma source(%arg11 : memref<512xf32, #tpu.memory_space<vmem>>) target(%dma_start3A_13 : memref<512xf32, #tpu.memory_space<hbm>>) target_semaphore(%run_scoped3A : memref<!tpu.dma_semaphore, #tpu.memory_space<semaphore_mem>>)
      %dma_wait3A = tpu.memref_slice %arg6[%mul3A_2] : memref<16384xf32, #tpu.memory_space<hbm>> -> memref<512xf32, #tpu.memory_space<hbm>>
      %dma_wait3A_14 = tpu.memref_slice %arg6[%mul3A_2] : memref<16384xf32, #tpu.memory_space<hbm>> -> memref<512xf32, #tpu.memory_space<hbm>>
      tpu.wait_dma2 semaphore(%run_scoped3A : memref<!tpu.dma_semaphore, #tpu.memory_space<semaphore_mem>>) src(%arg11 : memref<512xf32, #tpu.memory_space<vmem>>) dst(%dma_wait3A_14 : memref<512xf32, #tpu.memory_space<hbm>>)
      tpu.yield
    }) : () -> ()
    return
  }
}

</mosaic_0001>

<sc_bundles>
// kernel: kernel.3.cloned.1.call-start
scs
__scs_entry_jumppad:
0x0: {  	(pc) =	sbr.rel $0x88, $3  }
0x1: {  	(tag) =	ssettag $0x0;
	lr =	simm.s32 $0x1  }
0x2: {  	[smem:$0x3F9E] =	sst lr;
	_ =	strace $0xD0000000  }
0x3: {  	_ = 	snop  }
0x4: {  	_ = 	snop  }
0x5: {  	_ = 	snop  }
0x6: {  	_ = 	snop  }
0x7: {  	_ = 	snop  }
__scs_overlays_trampoline_lowered:
0x8: {  	[smem:$0x3FAD] =	sst s0  }
0x9: {  	[smem:$0x3FAE] =	sst s1  }
0xa: {  	[smem:$0x3FAF] =	sst s2  }
0xb: {  	[smem:$0x3FB0] =	sst s3  }
0xc: {  	[smem:$0x3FB1] =	sst s4  }
0xd: {  	[smem:$0x3FB2] =	sst s5  }
0xe: {  	[smem:$0x3FB3] =	sst s6  }
0xf: {  	[smem:$0x3FB4] =	sst s7  }
0x10: {  	[smem:$0x3FB5] =	sst s8  }
0x11: {  	[smem:$0x3FB6] =	sst s9;
	s0 =	simm.s32 @!p0 $0x0  }
0x12: {  	s1 =	sld [smem:$0x3F9C];
	s0 =	simm.s32 @p0 $0x1  }
0x13: {  	[smem:$0x3FB7] =	sst s0;
	s0 =	simm.s32 @!p1 $0x0  }
0x14: {  	s2 =	sld [smem:$0x3F9B];
	s0 =	simm.s32 @p1 $0x1  }
0x15: {  	[smem:$0x3FB8] =	sst s0;
	s0 =	simm.s32 @!p2 $0x0  }
0x16: {  	s3 =	sld [smem:$0x3FDB];
	s0 =	simm.s32 @p2 $0x1  }
0x17: {  	s4 =	simm.s32 $0x1BF5;
	[smem:$0x3FBA] =	sst s0  }
0x18: {  	s0 =	sld [smem:$0x3F9D];
	_ =	swait.ge [sflag:s4], $0x0  }
0x19: {  	s7 =	sld [smem:$0x3F9E]  }
0x1a: {  	s8 =	sadd.s32 $0xFFFFE003, lr  }
0x1b: {  	s9 =	sadd.s32 $0xFFFFFEF7, lr;
	s5 =	simm.s32 $0xFFFFFFFF;
	p2 =	slt.u32 s8, $0xFFFFF086  }
0x1c: {  	p1 =	slt.u32 s9, $0xF7A;
	s5 =	simm.s32 @!p2 $0x0  }
0x1d: {  	s5 =	simm.s32 @p1 $0x1;
	p0 =	seq.s32 s7, s2  }
0x1e: {  	s7 =	smul.u32 @!p0 $0xF7A, s2;
	p2 =	seq.s32 @!p0 s5, $0x0  }
0x1f: {  	s9 =	smul.u32 $0xF7A, s1;
	s8 =	simm.s32 @!p0 $0x1BF5;
	p2 =	por !p2, p0  }
0x20: {  	[sflag:s8] =	ssyncset.s32 @!p0 $0xFFFFF086;
	s6 =	sadd.s32 @!p0 s3, s7;
	s7 =	simm.s32 @!p0 $0x108  }
0x21: {  	s3 =	sadd.s32 s3, s9;
	s6 =	sadd.s32 @!p0 $0x88, s6;
	s7 =	simm.s32 @p2 $0x1082  }
0x22: {  	[simem:s7], [sflag:s8] =	dma.local @!p0 [hbm:s6], $0xF7A  }
0x23: {  	s9 =	sor.u32 $0xD0000000, s2;
	s6 =	simm.s32 $0x108;
	_ =	swait.ge @!p0 [sflag:s8], $0x0  }
0x24: {  	s3 =	sadd.s32 $0x88, s3;
	s6 =	simm.s32 @!p1 $0x1082;
	[sflag:s4] =	ssyncset.s32 $0xFFFFF086  }
0x25: {  	[simem:s6], [sflag:s4] =	dma.local [hbm:s3], $0xF7A  }
0x26: {  	[smem:$0x3F9E] =	sst s1;
	(tag) =	ssettag s2;
	_ =	strace s9  }
0x27: {  	s1 =	sld [smem:$0x3FAE]  }
0x28: {  	s2 =	sld [smem:$0x3FAF]  }
0x29: {  	s4 =	sld [smem:$0x3FB1]  }
0x2a: {  	p0 =	seq.s32 s5, $0x0;
	s5 =	sld [smem:$0x3FB2]  }
0x2b: {  	s6 =	sld [smem:$0x3FB3]  }
0x2c: {  	s7 =	sld [smem:$0x3FB4]  }
0x2d: {  	s3 =	simm.s32 $0x108;
	s8 =	sld [smem:$0x3FB5]  }
0x2e: {  	s3 =	simm.s32 @!p0 $0x1082;
	s9 =	sld [smem:$0x3FB6]  }
0x2f: {  	lr =	sadd.s32 s0, s3;
	s0 =	sld [smem:$0x3FAD]  }
0x30: {  	s3 =	sld [smem:$0x3FB0]  }
0x31: {  	[smem:$0x3FB9] =	sst s10  }
0x32: {  	s10 =	sld [smem:$0x3FB7];
	_ =	sdelay $0x3  }
0x33: {  	p0 =	seq.s32 s10, $0x1;
	s10 =	sld [smem:$0x3FB9];
	_ =	sdelay $0x3  }
0x34: {  	[smem:$0x3FB9] =	sst s10  }
0x35: {  	s10 =	sld [smem:$0x3FB8];
	_ =	sdelay $0x3  }
0x36: {  	p1 =	seq.s32 s10, $0x1;
	s10 =	sld [smem:$0x3FB9];
	_ =	sdelay $0x3  }
0x37: {  	[smem:$0x3FB9] =	sst s10  }
0x38: {  	s10 =	sld [smem:$0x3FBA]  }
0x39: {  	_ = 	snop;
	(pc) =	sbr.ind lr, $3  }
0x3a: {  	_ = 	snop  }
0x3b: {  	_ = 	snop  }
0x3c: {  	p2 =	seq.s32 s10, $0x1;
	s10 =	sld [smem:$0x3FB9]  }
0x3d: {  	_ =	shalt  }
0x3e: {  	_ =	shalt  }
0x3f: {  	_ =	shalt  }
0x40: {  	_ =	shalt  }
0x41: {  	_ =	shalt  }
0x42: {  	_ =	shalt  }
0x43: {  	_ =	shalt  }
0x44: {  	_ =	shalt  }
0x45: {  	_ =	shalt  }
0x46: {  	_ =	shalt  }
0x47: {  	_ =	shalt  }
0x48: {  	_ =	shalt  }
0x49: {  	_ =	shalt  }
0x4a: {  	_ =	shalt  }
0x4b: {  	_ =	shalt  }
0x4c: {  	_ =	shalt  }
0x4d: {  	_ =	shalt  }
0x4e: {  	_ =	shalt  }
0x4f: {  	_ =	shalt  }
0x50: {  	_ =	shalt  }
0x51: {  	_ =	shalt  }
0x52: {  	_ =	shalt  }
0x53: {  	_ =	shalt  }
0x54: {  	_ =	shalt  }
0x55: {  	_ =	shalt  }
0x56: {  	_ =	shalt  }
0x57: {  	_ =	shalt  }
0x58: {  	_ =	shalt  }
0x59: {  	_ =	shalt  }
0x5a: {  	_ =	shalt  }
0x5b: {  	_ =	shalt  }
0x5c: {  	_ =	shalt  }
0x5d: {  	_ =	shalt  }
0x5e: {  	_ =	shalt  }
0x5f: {  	_ =	shalt  }
0x60: {  	_ =	shalt  }
0x61: {  	_ =	shalt  }
0x62: {  	_ =	shalt  }
0x63: {  	_ =	shalt  }
0x64: {  	_ =	shalt  }
0x65: {  	_ =	shalt  }
0x66: {  	_ =	shalt  }
0x67: {  	_ =	shalt  }
0x68: {  	_ =	shalt  }
0x69: {  	_ =	shalt  }
0x6a: {  	_ =	shalt  }
0x6b: {  	_ =	shalt  }
0x6c: {  	_ =	shalt  }
0x6d: {  	_ =	shalt  }
0x6e: {  	_ =	shalt  }
0x6f: {  	_ =	shalt  }
0x70: {  	_ =	shalt  }
0x71: {  	_ =	shalt  }
0x72: {  	_ =	shalt  }
0x73: {  	_ =	shalt  }
0x74: {  	_ =	shalt  }
0x75: {  	_ =	shalt  }
0x76: {  	_ =	shalt  }
0x77: {  	_ =	shalt  }
0x78: {  	_ =	shalt  }
0x79: {  	_ =	shalt  }
0x7a: {  	_ =	shalt  }
0x7b: {  	_ =	shalt  }
0x7c: {  	_ =	shalt  }
0x7d: {  	_ =	shalt  }
0x7e: {  	_ =	shalt  }
0x7f: {  	_ =	shalt  }
0x80: {  	_ =	shalt  }
0x81: {  	_ =	shalt  }
0x82: {  	_ =	shalt  }
0x83: {  	_ =	shalt  }
0x84: {  	_ =	shalt  }
0x85: {  	_ =	shalt  }
0x86: {  	_ =	shalt  }
0x87: {  	_ =	shalt  }
.Lfunc_end0:
.L_simem_size_0:
called_computation_lowered:
.L_overlay_start_0:
0x88: {  	s2 =	sld [smem:$0x3FD9]  }
0x89: {  	s3 =	sld [smem:$0x3FFE];
	_ =	sdelay $0x1  }
0x8a: {  	s1 =	srdreg.scid  }
0x8b: {  	s0 =	sand.u32 $0x1, s1  }
0x8c: {  	s17 =	sshll.u32 s0, $0xA;
	s2 =	sadd.s32 s3, s2  }
0x8d: {  	s2 =	sadd.s32 s2, s17  }
0x8e: {  	[smem:$0x3FC5] =	sst s2  }
0x8f: {  	_ = 	snop  }
0x90: {  	s2 =	sld [smem:$0x3FC9]  }
0x91: {  	s18 =	sld [smem:$0x3FC8]  }
0x92: {  	s4 =	sld [smem:$0x3FD0];
	(tm) =	ssettm $0x1  }
0x93: {  	s5 =	sld [smem:$0x3FFB];
	_ =	sdelay $0x3  }
0x94: {  	_ =	strace s5  }
0x95: {  	s5 =	sld [smem:$0x3FFC];
	_ =	sdelay $0x3  }
0x96: {  	_ =	strace s5  }
0x97: {  	s5 =	sld [smem:$0x3FFD];
	_ =	sdelay $0x3  }
0x98: {  	_ =	strace s5  }
0x99: {  	_ =	strace $0x8FFFFFFF  }
0x9a: {  	s19 =	sld [smem:$0x3FDB];
	_ =	sdelay $0x1  }
0x9b: {  	s6 =	simm.s32 $_scs_section_size  }
0x9c: {  	s7 =	simm.s32 $_size__tile_overlayer_lowered;
	s8 =	simm.s32 $_tile_overlayer_lowered  }
0x9d: {  	s22 =	simm.s32 $0x1BFF;
	s21 =	sshll.u32 s8, $0x1;
	s5 =	sadd.s32 s6, s19  }
0x9e: {  	s9 =	simm.s32 $0x0;
	s20 =	sshll.u32 s7, $0x1;
	s7 =	sadd.s32 s21, s5  }
0x9f: {  	[timem:s9], [sflag:s22] =	dma.local [hbm:s7], s20  }
0xa0: {  	_ =	swait.ge [sflag:s22], s20  }
0xa1: {  	s6 =	ssub.s32 $0x0, s20;
	[sflag:s22] =	ssyncset.done $0x0  }
0xa2: {  	[sflag:s22] =	ssyncadd.s32 s6;
	_ =	sdelay $0x1  }
0xa3: {  	s23 =	simm.s32 $0x1B8B  }
0xa4: {  	_ =	swait.ge [sflag:s23], $0x1  }
0xa5: {  	[sflag:s23] =	ssyncset.done $0x0  }
0xa6: {  	s25 =	simm.s32 $0x1B8E;
	s24 =	sld [smem:$0x3FFE];
	[sflag:s23] =	ssyncadd.s32 $0xFFFFFFFF  }
0xa7: {  	s26 =	simm.s32 $execute0_lowered;
	[smem:$0x3FD2] =	sst s25  }
0xa8: {  	s7 =	sshll.u32 s26, $0x1;
	_ =	strace $0x80000046;
	[dreg:$0x1] =	wrdreg $0xFFFFFFFF  }
0xa9: {  	s28 =	simm.s32 $_size_execute0_lowered;
	s5 =	sadd.s32 s5, s7;
	[dreg:$0x0] =	wrdreg $0x0  }
0xaa: {  	s7 =	sshll.u32 s28, $0x1;
	[dreg:$0x2] =	wrdreg s5  }
0xab: {  	[dreg:$0x3] =	wrdreg s7  }
0xac: {  	[dreg:$0x4] =	wrdreg $0xC0  }
0xad: {  	_ =	task [dreg:s9], $0x5FFFF  }
0xae: {  	[dreg:$0x1] =	wrdreg $0xFFFFFFFF  }
0xaf: {  	[dreg:$0x0] =	wrdreg $0x60  }
0xb0: {  	[dreg:$0x2] =	wrdreg s2  }
0xb1: {  	[dreg:$0x3] =	wrdreg s18  }
0xb2: {  	[dreg:$0x4] =	wrdreg s24  }
0xb3: {  	[dreg:$0x5] =	wrdreg s4  }
0xb4: {  	[dreg:$0x6] =	wrdreg $0x9  }
0xb5: {  	_ =	task.clear_ibuf [dreg:s9], $0x7FFFF;
	_ =	strace $0x90000046  }
0xb6: {  	s29 =	simm.s32 $0x9;
	_ =	strace $0x80000048  }
0xb7: {  	_ =	swait.ge [sflag:s29], $0x1  }
0xb8: {  	[sflag:s29] =	ssyncadd.s32 $0xFFFFFFFF  }
0xb9: {  	_ =	strace $0x90000048  }
0xba: {  	_ =	sfence  }
0xbb: {  	s30 =	sld [smem:$0x0];
	_ =	sdelay $0x2  }
0xbc: {  	s31 =	sshll.u32 s1, $0xD;
	s1 =	sshrl.u32 s1, $0x2  }
0xbd: {  	s3 =	sand.u32 $0x4000, s31;
	s1 =	sadd.s32 s1, s30  }
0xbe: {  	s0 =	sor.u32 s3, s0;
	s1 =	sshll.u32 s1, $0x11  }
0xbf: {  	s0 =	sor.u32 s1, s0  }
0xc0: {  	s0 =	sadd.s32 $0x8F2B, s0  }
0xc1: {  	[sflag:s0] =	ssyncadd.remote.s32 $0x1  }
0xc2: {  	_ =	sfence.sel $0xFFFF  }
0xc3: {  	[dreg:$0x0] =	wrdreg $0xFFFFFFFF;
	(pc) =	sbr.abs _section_cstart, $3  }
0xc4: {  	[dreg:$0x1] =	wrdreg $0xFFFFFFFF  }
0xc5: {  	_ =	task.clear_ibuf [dreg:s9], $0x2FFFF;
	_ =	strace $0x9FFFFFFF  }
0xc6: {  	(tm) =	ssettm $0x7FFFFFFF  }
0xc7: {  	_ =	shalt  }
tec
execute0_lowered:
.L_overlay_start_1:
0x0: {  	(tag) =	ssettag $0x1  }
0x1: {  	s0 =	rddreg [dreg:$0x0]  }
0x2: {  	s1 =	rddreg [dreg:$0x1]  }
0x3: {  	s3 =	rddreg [dreg:$0x2]  }
0x4: {  	s4 =	rddreg [dreg:$0x3]  }
0x5: {  	s2 =	simm.s32 $0x0;
	s5 =	srdreg.scid;
	s7 =	stileid.u32  }
0x6: {  	s10 =	simm.s32 $0x400;
	s11 =	simm.s32 $0x1;
	s5 =	sand.u32 $0x1, s5  }
0x7: {  	s7 =	sshll.u32 s7, $0x7;
	s6 =	ssub.s32 $0x2, s5;
	s5 =	sshll.u32 s5, $0x6  }
0x8: {  	[smem:$0x7FF] =	sst s2;
	s3 =	sadd.s32 $0x400, s3;
	s9 =	sor.u32 s5, s7  }
0x9: {  	vm0 =	vmmov $0x1;
	vm1 =	vmmov $0x3;
	vm2 =	vmmov $0x7;
	_ =	strace $0x80000047;
	s8 =	sshrl.u32 s6, $0x1;
	s0 =	sadd.s32 s0, s9  }
0xa: {  	vm3 =	vmmov $0xf;
	vm4 =	vmmov $0x1f;
	vm5 =	vmmov $0x3f;
	s30 =	sadd.s32 s4, s5;
	s1 =	sadd.s32 s1, s9;
	[dreg:$0x5] =	wrdreg s0  }
0xb: {  	vm6 =	vmmov $0x7f;
	vm7 =	vmmov $0xff;
	vm8 =	vmmov $0x1ff;
	s6 =	ssub.s32 s6, s8;
	[dreg:$0x6] =	wrdreg s1;
	s0 =	sadd.s32 s7, s30  }
0xc: {  	vm9 =	vmmov $0x3ff;
	vm10 =	vmmov $0x7ff;
	vm11 =	vmmov $0xfff;
	s4 =	simm.s32 $0x0;
	s31 =	smax.u32 s6, $0x1;
	[dreg:$0x7] =	wrdreg s0  }
0xd: {  	vm12 =	vmmov $0x1fff;
	vm13 =	vmmov $0x3fff;
	vm14 =	vmmov $0x7fff;
	s9 =	simm.s32 $0x80;
	s1 =	simm.s32 $0x2;
	[dreg:$0x8] =	wrdreg s31  }
.LBB2_1:
0xe: {  	[dreg:$0x9] =	wrdreg s4  }
0xf: {  	s0 =	rddreg [dreg:$0x5]  }
0x10: {  	[tilespmem:s2], [sflag:$0x2] =	stream.linear.gather [hbm4b:s0+s2], $0x200, $0x38;
	[tilespmem:$0x8600] =	vst v63  }
0x11: {  	_ =	swait.ge [sflag:s1], $0x200  }
0x12: {  	[sflag:s1] =	ssyncset.done $0x0  }
0x13: {  	s14 =	simm.s32 $0x200;
	s31 =	rddreg [dreg:$0x6];
	[sflag:s1] =	ssyncadd.s32 $0xFFFFFE00  }
0x14: {  	[tilespmem:s14], [sflag:$0x2] =	stream.linear.gather [hbm4b:s31+s2], $0x200, $0x38;
	[tilespmem:$0x8600] =	vst v63  }
0x15: {  	_ =	swait.ge [sflag:s1], $0x200  }
0x16: {  	s15 =	simm.s32 $0x8400;
	[sflag:s1] =	ssyncset.done $0x0  }
0x17: {  	s16 =	simm.s32 $0x0;
	s17 =	simm.s32 $0x0;
	[sflag:s1] =	ssyncadd.s32 $0xFFFFFE00  }
.LBB2_2:
0x18: {  	v0 =	vld [tilespmem:s16+$0x0];
	_ =	sdelay $0x3  }
0x19: {  	v2 =	vld [tilespmem:s14+$0x0]  }
0x1a: {  	v1 =	vshll.u32 v0, $0x4  }
0x1b: {  	(v2sf) =	vpush v1, $0x0  }
0x1c: {  	(v2sf) =	vpush v1, $0x1  }
0x1d: {  	(v2sf) =	vpush v1, $0x2  }
0x1e: {  	v63 =	vshll.u32 v2, $0x4  }
0x1f: {  	(v2sf) =	vpush v63, $0x0;
	_ =	sdelay $0x6  }
0x20: {  	(v2sf) =	vpush v63, $0x1;
	_ =	sdelay $0x3  }
0x21: {  	s0 =	spop (v2sf)  }
0x22: {  	s0 =	sand.u32 $0x1FFFFFF0, s0;
	s1 =	spop (v2sf)  }
0x23: {  	s4 =	simm.s32 $0x400;
	s0 =	sadd.s32 s3, s0;
	s5 =	spop (v2sf)  }
0x24: {  	[tilespmem:s4], [sflag:$0x1] =	stream.strided.gather [hbm4b:s0+s9], $0x0, s10, s9, $0x38;
	[tilespmem:$0x8600] =	vst v63  }
0x25: {  	(v2sf) =	vpush v63, $0x2;
	s6 =	spop (v2sf)  }
0x26: {  	s28 =	sand.u32 $0x1FFFFFF0, s6  }
0x27: {  	[tilespmem:s4], [sflag:$0x1] =	stream.linear.gather [hbm4b:s0+s2], $0x40, $0x38;
	[tilespmem:$0x8600] =	vst v63  }
0x28: {  	s29 =	simm.s32 $0x4400;
	s0 =	sadd.s32 s3, s28  }
0x29: {  	(v2sf) =	vpush v1, $0x3;
	[tilespmem:s29], [sflag:$0x1] =	stream.strided.gather [hbm4b:s0+s9], $0x0, s10, s9, $0x38;
	[tilespmem:$0x8600] =	vst v63  }
0x2a: {  	s1 =	sand.u32 $0x1FFFFFF0, s1  }
0x2b: {  	[tilespmem:s29], [sflag:$0x1] =	stream.linear.gather [hbm4b:s0+s2], $0x40, $0x38;
	[tilespmem:$0x8600] =	vst v63  }
0x2c: {  	s31 =	simm.s32 $0x480;
	s1 =	sadd.s32 s3, s1;
	s30 =	spop (v2sf)  }
0x2d: {  	(v2sf) =	vpush v63, $0x3;
	[tilespmem:s31], [sflag:$0x1] =	stream.strided.gather [hbm4b:s1+s9], $0x0, s10, s9, $0x38;
	[tilespmem:$0x8600] =	vst v63  }
0x2e: {  	s0 =	sand.u32 $0x1FFFFFF0, s30  }
0x2f: {  	[tilespmem:s31], [sflag:$0x1] =	stream.linear.gather [hbm4b:s1+s2], $0x40, $0x38;
	[tilespmem:$0x8600] =	vst v63  }
0x30: {  	s6 =	simm.s32 $0x4480;
	s0 =	sadd.s32 s3, s0  }
0x31: {  	(v2sf) =	vpush v1, $0x4;
	[tilespmem:s6], [sflag:$0x1] =	stream.strided.gather [hbm4b:s0+s9], $0x0, s10, s9, $0x38;
	[tilespmem:$0x8600] =	vst v63  }
0x32: {  	s7 =	sand.u32 $0x1FFFFFF0, s5  }
0x33: {  	[tilespmem:s6], [sflag:$0x1] =	stream.linear.gather [hbm4b:s0+s2], $0x40, $0x38;
	[tilespmem:$0x8600] =	vst v63  }
0x34: {  	s12 =	simm.s32 $0x500;
	s4 =	sadd.s32 s3, s7;
	s8 =	spop (v2sf)  }
0x35: {  	(v2sf) =	vpush v63, $0x4;
	[tilespmem:s12], [sflag:$0x1] =	stream.strided.gather [hbm4b:s4+s9], $0x0, s10, s9, $0x38;
	[tilespmem:$0x8600] =	vst v63  }
0x36: {  	s0 =	sand.u32 $0x1FFFFFF0, s8  }
0x37: {  	[tilespmem:s12], [sflag:$0x1] =	stream.linear.gather [hbm4b:s4+s2], $0x40, $0x38;
	[tilespmem:$0x8600] =	vst v63  }
0x38: {  	s18 =	simm.s32 $0x4500;
	s13 =	spop (v2sf);
	s0 =	sadd.s32 s3, s0  }
0x39: {  	(v2sf) =	vpush v1, $0x5;
	[tilespmem:s18], [sflag:$0x1] =	stream.strided.gather [hbm4b:s0+s9], $0x0, s10, s9, $0x38;
	[tilespmem:$0x8600] =	vst v63  }
0x3a: {  	s1 =	sand.u32 $0x1FFFFFF0, s13  }
0x3b: {  	[tilespmem:s18], [sflag:$0x1] =	stream.linear.gather [hbm4b:s0+s2], $0x40, $0x38;
	[tilespmem:$0x8600] =	vst v63  }
0x3c: {  	s20 =	simm.s32 $0x580;
	s19 =	spop (v2sf);
	s1 =	sadd.s32 s3, s1  }
0x3d: {  	(v2sf) =	vpush v63, $0x5;
	[tilespmem:s20], [sflag:$0x1] =	stream.strided.gather [hbm4b:s1+s9], $0x0, s10, s9, $0x38;
	[tilespmem:$0x8600] =	vst v63  }
0x3e: {  	s0 =	sand.u32 $0x1FFFFFF0, s19  }
0x3f: {  	[tilespmem:s20], [sflag:$0x1] =	stream.linear.gather [hbm4b:s1+s2], $0x40, $0x38;
	[tilespmem:$0x8600] =	vst v63  }
0x40: {  	s22 =	simm.s32 $0x4580;
	s21 =	spop (v2sf);
	s0 =	sadd.s32 s3, s0  }
0x41: {  	(v2sf) =	vpush v1, $0x6;
	[tilespmem:s22], [sflag:$0x1] =	stream.strided.gather [hbm4b:s0+s9], $0x0, s10, s9, $0x38;
	[tilespmem:$0x8600] =	vst v63  }
0x42: {  	s1 =	sand.u32 $0x1FFFFFF0, s21  }
0x43: {  	[tilespmem:s22], [sflag:$0x1] =	stream.linear.gather [hbm4b:s0+s2], $0x40, $0x38;
	[tilespmem:$0x8600] =	vst v63  }
0x44: {  	s24 =	simm.s32 $0x600;
	s23 =	spop (v2sf);
	s1 =	sadd.s32 s3, s1  }
0x45: {  	(v2sf) =	vpush v63, $0x6;
	[tilespmem:s24], [sflag:$0x1] =	stream.strided.gather [hbm4b:s1+s9], $0x0, s10, s9, $0x38;
	[tilespmem:$0x8600] =	vst v63  }
0x46: {  	s0 =	sand.u32 $0x1FFFFFF0, s23  }
0x47: {  	[tilespmem:s24], [sflag:$0x1] =	stream.linear.gather [hbm4b:s1+s2], $0x40, $0x38;
	[tilespmem:$0x8600] =	vst v63  }
0x48: {  	s26 =	simm.s32 $0x4600;
	s25 =	spop (v2sf);
	s0 =	sadd.s32 s3, s0  }
0x49: {  	(v2sf) =	vpush v1, $0x7;
	[tilespmem:s26], [sflag:$0x1] =	stream.strided.gather [hbm4b:s0+s9], $0x0, s10, s9, $0x38;
	[tilespmem:$0x8600] =	vst v63  }
0x4a: {  	s1 =	sand.u32 $0x1FFFFFF0, s25  }
0x4b: {  	[tilespmem:s26], [sflag:$0x1] =	stream.linear.gather [hbm4b:s0+s2], $0x40, $0x38;
	[tilespmem:$0x8600] =	vst v63  }
0x4c: {  	s29 =	simm.s32 $0x680;
	s28 =	spop (v2sf);
	s1 =	sadd.s32 s3, s1  }
0x4d: {  	(v2sf) =	vpush v63, $0x7;
	[tilespmem:s29], [sflag:$0x1] =	stream.strided.gather [hbm4b:s1+s9], $0x0, s10, s9, $0x38;
	[tilespmem:$0x8600] =	vst v63  }
0x4e: {  	s0 =	sand.u32 $0x1FFFFFF0, s28  }
0x4f: {  	[tilespmem:s29], [sflag:$0x1] =	stream.linear.gather [hbm4b:s1+s2], $0x40, $0x38;
	[tilespmem:$0x8600] =	vst v63  }
0x50: {  	s31 =	simm.s32 $0x4680;
	s30 =	spop (v2sf);
	s0 =	sadd.s32 s3, s0  }
0x51: {  	(v2sf) =	vpush v1, $0x8;
	[tilespmem:s31], [sflag:$0x1] =	stream.strided.gather [hbm4b:s0+s9], $0x0, s10, s9, $0x38;
	[tilespmem:$0x8600] =	vst v63  }
0x52: {  	s1 =	sand.u32 $0x1FFFFFF0, s30  }
0x53: {  	[tilespmem:s31], [sflag:$0x1] =	stream.linear.gather [hbm4b:s0+s2], $0x40, $0x38;
	[tilespmem:$0x8600] =	vst v63  }
0x54: {  	s5 =	simm.s32 $0x700;
	s4 =	spop (v2sf);
	s1 =	sadd.s32 s3, s1  }
0x55: {  	(v2sf) =	vpush v63, $0x8;
	[tilespmem:s5], [sflag:$0x1] =	stream.strided.gather [hbm4b:s1+s9], $0x0, s10, s9, $0x38;
	[tilespmem:$0x8600] =	vst v63  }
0x56: {  	s0 =	sand.u32 $0x1FFFFFF0, s4  }
0x57: {  	[tilespmem:s5], [sflag:$0x1] =	stream.linear.gather [hbm4b:s1+s2], $0x40, $0x38;
	[tilespmem:$0x8600] =	vst v63  }
0x58: {  	s7 =	simm.s32 $0x4700;
	s6 =	spop (v2sf);
	s0 =	sadd.s32 s3, s0  }
0x59: {  	(v2sf) =	vpush v1, $0x9;
	[tilespmem:s7], [sflag:$0x1] =	stream.strided.gather [hbm4b:s0+s9], $0x0, s10, s9, $0x38;
	[tilespmem:$0x8600] =	vst v63  }
0x5a: {  	s1 =	sand.u32 $0x1FFFFFF0, s6  }
0x5b: {  	[tilespmem:s7], [sflag:$0x1] =	stream.linear.gather [hbm4b:s0+s2], $0x40, $0x38;
	[tilespmem:$0x8600] =	vst v63  }
0x5c: {  	s12 =	simm.s32 $0x780;
	s8 =	spop (v2sf);
	s1 =	sadd.s32 s3, s1  }
0x5d: {  	(v2sf) =	vpush v63, $0x9;
	[tilespmem:s12], [sflag:$0x1] =	stream.strided.gather [hbm4b:s1+s9], $0x0, s10, s9, $0x38;
	[tilespmem:$0x8600] =	vst v63  }
0x5e: {  	s0 =	sand.u32 $0x1FFFFFF0, s8  }
0x5f: {  	[tilespmem:s12], [sflag:$0x1] =	stream.linear.gather [hbm4b:s1+s2], $0x40, $0x38;
	[tilespmem:$0x8600] =	vst v63  }
0x60: {  	s18 =	simm.s32 $0x4780;
	s13 =	spop (v2sf);
	s0 =	sadd.s32 s3, s0  }
0x61: {  	(v2sf) =	vpush v1, $0xA;
	[tilespmem:s18], [sflag:$0x1] =	stream.strided.gather [hbm4b:s0+s9], $0x0, s10, s9, $0x38;
	[tilespmem:$0x8600] =	vst v63  }
0x62: {  	s1 =	sand.u32 $0x1FFFFFF0, s13  }
0x63: {  	[tilespmem:s18], [sflag:$0x1] =	stream.linear.gather [hbm4b:s0+s2], $0x40, $0x38;
	[tilespmem:$0x8600] =	vst v63  }
0x64: {  	s20 =	simm.s32 $0x800;
	s19 =	spop (v2sf);
	s1 =	sadd.s32 s3, s1  }
0x65: {  	(v2sf) =	vpush v63, $0xA;
	[tilespmem:s20], [sflag:$0x1] =	stream.strided.gather [hbm4b:s1+s9], $0x0, s10, s9, $0x38;
	[tilespmem:$0x8600] =	vst v63  }
0x66: {  	s0 =	sand.u32 $0x1FFFFFF0, s19  }
0x67: {  	[tilespmem:s20], [sflag:$0x1] =	stream.linear.gather [hbm4b:s1+s2], $0x40, $0x38;
	[tilespmem:$0x8600] =	vst v63  }
0x68: {  	s22 =	simm.s32 $0x4800;
	s21 =	spop (v2sf);
	s0 =	sadd.s32 s3, s0  }
0x69: {  	(v2sf) =	vpush v1, $0xB;
	[tilespmem:s22], [sflag:$0x1] =	stream.strided.gather [hbm4b:s0+s9], $0x0, s10, s9, $0x38;
	[tilespmem:$0x8600] =	vst v63  }
0x6a: {  	s1 =	sand.u32 $0x1FFFFFF0, s21  }
0x6b: {  	[tilespmem:s22], [sflag:$0x1] =	stream.linear.gather [hbm4b:s0+s2], $0x40, $0x38;
	[tilespmem:$0x8600] =	vst v63  }
0x6c: {  	s24 =	simm.s32 $0x880;
	s23 =	spop (v2sf);
	s1 =	sadd.s32 s3, s1  }
0x6d: {  	(v2sf) =	vpush v63, $0xB;
	[tilespmem:s24], [sflag:$0x1] =	stream.strided.gather [hbm4b:s1+s9], $0x0, s10, s9, $0x38;
	[tilespmem:$0x8600] =	vst v63  }
0x6e: {  	s0 =	sand.u32 $0x1FFFFFF0, s23  }
0x6f: {  	[tilespmem:s24], [sflag:$0x1] =	stream.linear.gather [hbm4b:s1+s2], $0x40, $0x38;
	[tilespmem:$0x8600] =	vst v63  }
0x70: {  	s26 =	simm.s32 $0x4880;
	s25 =	spop (v2sf);
	s0 =	sadd.s32 s3, s0  }
0x71: {  	(v2sf) =	vpush v1, $0xC;
	[tilespmem:s26], [sflag:$0x1] =	stream.strided.gather [hbm4b:s0+s9], $0x0, s10, s9, $0x38;
	[tilespmem:$0x8600] =	vst v63  }
0x72: {  	s1 =	sand.u32 $0x1FFFFFF0, s25  }
0x73: {  	[tilespmem:s26], [sflag:$0x1] =	stream.linear.gather [hbm4b:s0+s2], $0x40, $0x38;
	[tilespmem:$0x8600] =	vst v63  }
0x74: {  	s29 =	simm.s32 $0x900;
	s28 =	spop (v2sf);
	s1 =	sadd.s32 s3, s1  }
0x75: {  	(v2sf) =	vpush v63, $0xC;
	[tilespmem:s29], [sflag:$0x1] =	stream.strided.gather [hbm4b:s1+s9], $0x0, s10, s9, $0x38;
	[tilespmem:$0x8600] =	vst v63  }
0x76: {  	s0 =	sand.u32 $0x1FFFFFF0, s28  }
0x77: {  	[tilespmem:s29], [sflag:$0x1] =	stream.linear.gather [hbm4b:s1+s2], $0x40, $0x38;
	[tilespmem:$0x8600] =	vst v63  }
0x78: {  	s31 =	simm.s32 $0x4900;
	s30 =	spop (v2sf);
	s0 =	sadd.s32 s3, s0  }
0x79: {  	(v2sf) =	vpush v1, $0xD;
	[tilespmem:s31], [sflag:$0x1] =	stream.strided.gather [hbm4b:s0+s9], $0x0, s10, s9, $0x38;
	[tilespmem:$0x8600] =	vst v63  }
0x7a: {  	s1 =	sand.u32 $0x1FFFFFF0, s30  }
0x7b: {  	[tilespmem:s31], [sflag:$0x1] =	stream.linear.gather [hbm4b:s0+s2], $0x40, $0x38;
	[tilespmem:$0x8600] =	vst v63  }
0x7c: {  	s6 =	simm.s32 $0x980;
	s5 =	spop (v2sf);
	s1 =	sadd.s32 s3, s1  }
0x7d: {  	(v2sf) =	vpush v63, $0xD;
	[tilespmem:s6], [sflag:$0x1] =	stream.strided.gather [hbm4b:s1+s9], $0x0, s10, s9, $0x38;
	[tilespmem:$0x8600] =	vst v63  }
0x7e: {  	s0 =	sand.u32 $0x1FFFFFF0, s5  }
0x7f: {  	[tilespmem:s6], [sflag:$0x1] =	stream.linear.gather [hbm4b:s1+s2], $0x40, $0x38;
	[tilespmem:$0x8600] =	vst v63  }
0x80: {  	s8 =	simm.s32 $0x4980;
	s7 =	spop (v2sf);
	s0 =	sadd.s32 s3, s0  }
0x81: {  	(v2sf) =	vpush v1, $0xE;
	[tilespmem:s8], [sflag:$0x1] =	stream.strided.gather [hbm4b:s0+s9], $0x0, s10, s9, $0x38;
	[tilespmem:$0x8600] =	vst v63  }
0x82: {  	s1 =	sand.u32 $0x1FFFFFF0, s7  }
0x83: {  	[tilespmem:s8], [sflag:$0x1] =	stream.linear.gather [hbm4b:s0+s2], $0x40, $0x38;
	[tilespmem:$0x8600] =	vst v63  }
0x84: {  	s13 =	simm.s32 $0xA00;
	s12 =	spop (v2sf);
	s1 =	sadd.s32 s3, s1  }
0x85: {  	(v2sf) =	vpush v63, $0xE;
	[tilespmem:s13], [sflag:$0x1] =	stream.strided.gather [hbm4b:s1+s9], $0x0, s10, s9, $0x38;
	[tilespmem:$0x8600] =	vst v63  }
0x86: {  	s0 =	sand.u32 $0x1FFFFFF0, s12  }
0x87: {  	[tilespmem:s13], [sflag:$0x1] =	stream.linear.gather [hbm4b:s1+s2], $0x40, $0x38;
	[tilespmem:$0x8600] =	vst v63  }
0x88: {  	s19 =	simm.s32 $0x4A00;
	s18 =	spop (v2sf);
	s0 =	sadd.s32 s3, s0  }
0x89: {  	(v2sf) =	vpush v1, $0xF;
	[tilespmem:s19], [sflag:$0x1] =	stream.strided.gather [hbm4b:s0+s9], $0x0, s10, s9, $0x38;
	[tilespmem:$0x8600] =	vst v63  }
0x8a: {  	s1 =	sand.u32 $0x1FFFFFF0, s18  }
0x8b: {  	[tilespmem:s19], [sflag:$0x1] =	stream.linear.gather [hbm4b:s0+s2], $0x40, $0x38;
	[tilespmem:$0x8600] =	vst v63  }
0x8c: {  	s21 =	simm.s32 $0xA80;
	s20 =	spop (v2sf);
	s1 =	sadd.s32 s3, s1  }
0x8d: {  	(v2sf) =	vpush v63, $0xF;
	[tilespmem:s21], [sflag:$0x1] =	stream.strided.gather [hbm4b:s1+s9], $0x0, s10, s9, $0x38;
	[tilespmem:$0x8600] =	vst v63  }
0x8e: {  	s0 =	sand.u32 $0x1FFFFFF0, s20  }
0x8f: {  	[tilespmem:s21], [sflag:$0x1] =	stream.linear.gather [hbm4b:s1+s2], $0x40, $0x38;
	[tilespmem:$0x8600] =	vst v63  }
0x90: {  	s23 =	simm.s32 $0x4A80;
	s22 =	spop (v2sf);
	s0 =	sadd.s32 s3, s0  }
0x91: {  	[tilespmem:s23], [sflag:$0x1] =	stream.strided.gather [hbm4b:s0+s9], $0x0, s10, s9, $0x38;
	[tilespmem:$0x8600] =	vst v63  }
0x92: {  	s1 =	sand.u32 $0x1FFFFFF0, s22  }
0x93: {  	[tilespmem:s23], [sflag:$0x1] =	stream.linear.gather [hbm4b:s0+s2], $0x40, $0x38;
	[tilespmem:$0x8600] =	vst v63  }
0x94: {  	s25 =	simm.s32 $0xB00;
	s24 =	spop (v2sf);
	s1 =	sadd.s32 s3, s1  }
0x95: {  	[tilespmem:s25], [sflag:$0x1] =	stream.strided.gather [hbm4b:s1+s9], $0x0, s10, s9, $0x38;
	[tilespmem:$0x8600] =	vst v63  }
0x96: {  	s0 =	sand.u32 $0x1FFFFFF0, s24  }
0x97: {  	[tilespmem:s25], [sflag:$0x1] =	stream.linear.gather [hbm4b:s1+s2], $0x40, $0x38;
	[tilespmem:$0x8600] =	vst v63  }
0x98: {  	s28 =	simm.s32 $0x4B00;
	s26 =	spop (v2sf);
	s0 =	sadd.s32 s3, s0  }
0x99: {  	[tilespmem:s28], [sflag:$0x1] =	stream.strided.gather [hbm4b:s0+s9], $0x0, s10, s9, $0x38;
	[tilespmem:$0x8600] =	vst v63  }
0x9a: {  	s1 =	sand.u32 $0x1FFFFFF0, s26  }
0x9b: {  	[tilespmem:s28], [sflag:$0x1] =	stream.linear.gather [hbm4b:s0+s2], $0x40, $0x38;
	[tilespmem:$0x8600] =	vst v63  }
0x9c: {  	s30 =	simm.s32 $0xB80;
	s29 =	spop (v2sf);
	s1 =	sadd.s32 s3, s1  }
0x9d: {  	[tilespmem:s30], [sflag:$0x1] =	stream.strided.gather [hbm4b:s1+s9], $0x0, s10, s9, $0x38;
	[tilespmem:$0x8600] =	vst v63  }
0x9e: {  	s18 =	simm.s32 $0x2000;
	s19 =	smov.u32 s14;
	s31 =	sand.u32 $0x1FFFFFF0, s29  }
0x9f: {  	[tilespmem:s30], [sflag:$0x1] =	stream.linear.gather [hbm4b:s1+s2], $0x40, $0x38;
	[tilespmem:$0x8600] =	vst v63  }
0xa0: {  	s20 =	smov.u32 s16;
	s0 =	simm.s32 $0x4B80;
	s1 =	sadd.s32 s3, s31  }
0xa1: {  	[tilespmem:s0], [sflag:$0x1] =	stream.strided.gather [hbm4b:s1+s9], $0x0, s10, s9, $0x38;
	[tilespmem:$0x8600] =	vst v63  }
.LBB2_3:
0xa2: {  	p0 =	sne.s32 s18, $0xE000;
	s19 =	sadd.s32 $0x10, s19;
	s20 =	sadd.s32 $0x10, s20  }
0xa3: {  	[tilespmem:s0], [sflag:$0x1] =	stream.linear.gather [hbm4b:s1+s2], $0x40, $0x38;
	[tilespmem:$0x8600] =	vst v63  }
0xa4: {  	s0 =	smov.u32 s18;
	s18 =	sadd.s32 $0x2000, s18;
	v0 =	vld [tilespmem:s20+$0x0];
	_ =	sdelay $0x3  }
0xa5: {  	v1 =	vld [tilespmem:s19+$0x0]  }
0xa6: {  	v0 =	vshll.u32 v0, $0x4  }
0xa7: {  	(v2sf) =	vpush v0, $0x0  }
0xa8: {  	(v2sf) =	vpush v0, $0x1  }
0xa9: {  	(v2sf) =	vpush v0, $0x2  }
0xaa: {  	v1 =	vshll.u32 v1, $0x4  }
0xab: {  	(v2sf) =	vpush v1, $0x0;
	_ =	sdelay $0x1  }
0xac: {  	(v2sf) =	vpush v1, $0x1  }
0xad: {  	(v2sf) =	vpush v1, $0x2;
	_ =	sdelay $0x3  }
0xae: {  	(v2sf) =	vpush v0, $0x3;
	_ =	sdelay $0x3  }
0xaf: {  	s1 =	spop (v2sf);
	(v2sf) =	vpush v1, $0x3  }
0xb0: {  	s21 =	sshra.s32 s0, $0x2;
	s0 =	sand.u32 $0x1FFFFFF0, s1;
	s1 =	spop (v2sf)  }
0xb1: {  	s4 =	sadd.s32 $0x400, s21;
	s0 =	sadd.s32 s3, s0;
	s5 =	spop (v2sf)  }
0xb2: {  	[tilespmem:s4], [sflag:$0x1] =	stream.strided.gather [hbm4b:s0+s9], $0x0, s10, s9, $0x38;
	[tilespmem:$0x8600] =	vst v63  }
0xb3: {  	s1 =	sand.u32 $0x1FFFFFF0, s1;
	s5 =	sand.u32 $0x1FFFFFF0, s5;
	s6 =	spop (v2sf);
	(v2sf) =	vpush v0, $0x4  }
0xb4: {  	[tilespmem:s4], [sflag:$0x1] =	stream.linear.gather [hbm4b:s0+s2], $0x40, $0x38;
	[tilespmem:$0x8600] =	vst v63  }
0xb5: {  	s0 =	sadd.s32 $0x4400, s21;
	s4 =	sand.u32 $0x1FFFFFF0, s6;
	s6 =	spop (v2sf);
	(v2sf) =	vpush v1, $0x4  }
0xb6: {  	s4 =	sadd.s32 s3, s4;
	s6 =	sand.u32 $0x1FFFFFF0, s6;
	s12 =	spop (v2sf)  }
0xb7: {  	[tilespmem:s0], [sflag:$0x1] =	stream.strided.gather [hbm4b:s4+s9], $0x0, s10, s9, $0x38;
	(v2sf) =	vpush v0, $0x5;
	[tilespmem:$0x8600] =	vst v63  }
0xb8: {  	s22 =	sadd.s32 $0x480, s21;
	s1 =	sadd.s32 s3, s1;
	s12 =	sand.u32 $0x1FFFFFF0, s12  }
0xb9: {  	[tilespmem:s0], [sflag:$0x1] =	stream.linear.gather [hbm4b:s4+s2], $0x40, $0x38;
	(v2sf) =	vpush v1, $0x5;
	[tilespmem:$0x8600] =	vst v63  }
0xba: {  	s0 =	spop (v2sf)  }
0xbb: {  	[tilespmem:s22], [sflag:$0x1] =	stream.strided.gather [hbm4b:s1+s9], $0x0, s10, s9, $0x38;
	(v2sf) =	vpush v0, $0x6;
	[tilespmem:$0x8600] =	vst v63  }
0xbc: {  	s6 =	sadd.s32 s3, s6;
	s4 =	sadd.s32 $0x4480, s21;
	s0 =	sand.u32 $0x1FFFFFF0, s0  }
0xbd: {  	[tilespmem:s22], [sflag:$0x1] =	stream.linear.gather [hbm4b:s1+s2], $0x40, $0x38;
	(v2sf) =	vpush v1, $0x6;
	[tilespmem:$0x8600] =	vst v63  }
0xbe: {  	s1 =	spop (v2sf)  }
0xbf: {  	[tilespmem:s4], [sflag:$0x1] =	stream.strided.gather [hbm4b:s6+s9], $0x0, s10, s9, $0x38;
	(v2sf) =	vpush v0, $0x7;
	[tilespmem:$0x8600] =	vst v63  }
0xc0: {  	s5 =	sadd.s32 s3, s5;
	s22 =	sadd.s32 $0x500, s21;
	s1 =	sand.u32 $0x1FFFFFF0, s1  }
0xc1: {  	[tilespmem:s4], [sflag:$0x1] =	stream.linear.gather [hbm4b:s6+s2], $0x40, $0x38;
	(v2sf) =	vpush v1, $0x7;
	[tilespmem:$0x8600] =	vst v63  }
0xc2: {  	s4 =	spop (v2sf)  }
0xc3: {  	[tilespmem:s22], [sflag:$0x1] =	stream.strided.gather [hbm4b:s5+s9], $0x0, s10, s9, $0x38;
	(v2sf) =	vpush v0, $0x8;
	[tilespmem:$0x8600] =	vst v63  }
0xc4: {  	s12 =	sadd.s32 s3, s12;
	s6 =	sadd.s32 $0x4500, s21;
	s23 =	spop (v2sf)  }
0xc5: {  	[tilespmem:s22], [sflag:$0x1] =	stream.linear.gather [hbm4b:s5+s2], $0x40, $0x38;
	(v2sf) =	vpush v1, $0x8;
	[tilespmem:$0x8600] =	vst v63  }
0xc6: {  	s5 =	sand.u32 $0x1FFFFFF0, s4;
	s23 =	sand.u32 $0x1FFFFFF0, s23;
	s4 =	spop (v2sf)  }
0xc7: {  	[tilespmem:s6], [sflag:$0x1] =	stream.strided.gather [hbm4b:s12+s9], $0x0, s10, s9, $0x38;
	(v2sf) =	vpush v0, $0x9;
	[tilespmem:$0x8600] =	vst v63  }
0xc8: {  	s0 =	sadd.s32 s3, s0;
	s22 =	sadd.s32 $0x580, s21;
	s24 =	spop (v2sf)  }
0xc9: {  	[tilespmem:s6], [sflag:$0x1] =	stream.linear.gather [hbm4b:s12+s2], $0x40, $0x38;
	(v2sf) =	vpush v1, $0x9;
	[tilespmem:$0x8600] =	vst v63  }
0xca: {  	s6 =	sand.u32 $0x1FFFFFF0, s4;
	s4 =	sand.u32 $0x1FFFFFF0, s24;
	s12 =	spop (v2sf)  }
0xcb: {  	[tilespmem:s22], [sflag:$0x1] =	stream.strided.gather [hbm4b:s0+s9], $0x0, s10, s9, $0x38;
	(v2sf) =	vpush v0, $0xA;
	[tilespmem:$0x8600] =	vst v63  }
0xcc: {  	s1 =	sadd.s32 s3, s1;
	s24 =	sadd.s32 $0x4580, s21;
	s26 =	spop (v2sf)  }
0xcd: {  	[tilespmem:s22], [sflag:$0x1] =	stream.linear.gather [hbm4b:s0+s2], $0x40, $0x38;
	(v2sf) =	vpush v1, $0xA;
	[tilespmem:$0x8600] =	vst v63  }
0xce: {  	s25 =	sand.u32 $0x1FFFFFF0, s12;
	s0 =	sand.u32 $0x1FFFFFF0, s26;
	s12 =	spop (v2sf)  }
0xcf: {  	[tilespmem:s24], [sflag:$0x1] =	stream.strided.gather [hbm4b:s1+s9], $0x0, s10, s9, $0x38;
	(v2sf) =	vpush v0, $0xB;
	[tilespmem:$0x8600] =	vst v63  }
0xd0: {  	s5 =	sadd.s32 s3, s5;
	s26 =	sadd.s32 $0x600, s21;
	s22 =	spop (v2sf)  }
0xd1: {  	[tilespmem:s24], [sflag:$0x1] =	stream.linear.gather [hbm4b:s1+s2], $0x40, $0x38;
	(v2sf) =	vpush v1, $0xB;
	[tilespmem:$0x8600] =	vst v63  }
0xd2: {  	s24 =	sand.u32 $0x1FFFFFF0, s12;
	s22 =	sand.u32 $0x1FFFFFF0, s22;
	s1 =	spop (v2sf)  }
0xd3: {  	[tilespmem:s26], [sflag:$0x1] =	stream.strided.gather [hbm4b:s5+s9], $0x0, s10, s9, $0x38;
	(v2sf) =	vpush v0, $0xC;
	[tilespmem:$0x8600] =	vst v63  }
0xd4: {  	s28 =	sadd.s32 $0x4600, s21;
	s29 =	sadd.s32 s3, s23;
	s12 =	spop (v2sf)  }
0xd5: {  	[tilespmem:s26], [sflag:$0x1] =	stream.linear.gather [hbm4b:s5+s2], $0x40, $0x38;
	(v2sf) =	vpush v1, $0xC;
	[tilespmem:$0x8600] =	vst v63  }
0xd6: {  	s23 =	sand.u32 $0x1FFFFFF0, s1;
	s12 =	sand.u32 $0x1FFFFFF0, s12;
	s1 =	spop (v2sf)  }
0xd7: {  	[tilespmem:s28], [sflag:$0x1] =	stream.strided.gather [hbm4b:s29+s9], $0x0, s10, s9, $0x38;
	(v2sf) =	vpush v0, $0xD;
	[tilespmem:$0x8600] =	vst v63  }
0xd8: {  	s5 =	sadd.s32 $0x680, s21;
	s26 =	sadd.s32 s3, s6;
	s30 =	spop (v2sf)  }
0xd9: {  	[tilespmem:s28], [sflag:$0x1] =	stream.linear.gather [hbm4b:s29+s2], $0x40, $0x38;
	(v2sf) =	vpush v1, $0xD;
	[tilespmem:$0x8600] =	vst v63  }
0xda: {  	s6 =	sand.u32 $0x1FFFFFF0, s1;
	s1 =	sand.u32 $0x1FFFFFF0, s30;
	s28 =	spop (v2sf)  }
0xdb: {  	[tilespmem:s5], [sflag:$0x1] =	stream.strided.gather [hbm4b:s26+s9], $0x0, s10, s9, $0x38;
	(v2sf) =	vpush v0, $0xE;
	[tilespmem:$0x8600] =	vst v63  }
0xdc: {  	s4 =	sadd.s32 s3, s4;
	s29 =	sadd.s32 $0x4680, s21;
	s30 =	spop (v2sf)  }
0xdd: {  	[tilespmem:s5], [sflag:$0x1] =	stream.linear.gather [hbm4b:s26+s2], $0x40, $0x38;
	[tilespmem:$0x8600] =	vst v63  }
0xde: {  	s5 =	sand.u32 $0x1FFFFFF0, s28;
	s31 =	sand.u32 $0x1FFFFFF0, s30;
	s26 =	spop (v2sf)  }
0xdf: {  	[tilespmem:s29], [sflag:$0x1] =	stream.strided.gather [hbm4b:s4+s9], $0x0, s10, s9, $0x38;
	(v2sf) =	vpush v1, $0xE;
	[tilespmem:$0x8600] =	vst v63  }
0xe0: {  	s25 =	sadd.s32 s3, s25;
	s28 =	sadd.s32 $0x700, s21;
	s30 =	spop (v2sf)  }
0xe1: {  	[tilespmem:s29], [sflag:$0x1] =	stream.linear.gather [hbm4b:s4+s2], $0x40, $0x38;
	(v2sf) =	vpush v0, $0xF;
	[tilespmem:$0x8600] =	vst v63  }
0xe2: {  	s4 =	sand.u32 $0x1FFFFFF0, s26;
	s29 =	sand.u32 $0x1FFFFFF0, s30;
	s26 =	spop (v2sf)  }
0xe3: {  	[tilespmem:s28], [sflag:$0x1] =	stream.strided.gather [hbm4b:s25+s9], $0x0, s10, s9, $0x38;
	(v2sf) =	vpush v1, $0xF;
	[tilespmem:$0x8600] =	vst v63  }
0xe4: {  	s7 =	sadd.s32 s3, s0;
	s30 =	sadd.s32 $0x4700, s21;
	s8 =	spop (v2sf)  }
0xe5: {  	[tilespmem:s28], [sflag:$0x1] =	stream.linear.gather [hbm4b:s25+s2], $0x40, $0x38;
	[tilespmem:$0x8600] =	vst v63  }
0xe6: {  	s0 =	sand.u32 $0x1FFFFFF0, s26;
	s28 =	sand.u32 $0x1FFFFFF0, s8;
	s8 =	spop (v2sf)  }
0xe7: {  	[tilespmem:s30], [sflag:$0x1] =	stream.strided.gather [hbm4b:s7+s9], $0x0, s10, s9, $0x38;
	[tilespmem:$0x8600] =	vst v63  }
0xe8: {  	s13 =	sadd.s32 s3, s24;
	s25 =	sadd.s32 $0x780, s21;
	s24 =	spop (v2sf)  }
0xe9: {  	[tilespmem:s30], [sflag:$0x1] =	stream.linear.gather [hbm4b:s7+s2], $0x40, $0x38;
	[tilespmem:$0x8600] =	vst v63  }
0xea: {  	s30 =	sand.u32 $0x1FFFFFF0, s8;
	s26 =	sand.u32 $0x1FFFFFF0, s24;
	s7 =	spop (v2sf)  }
0xeb: {  	[tilespmem:s25], [sflag:$0x1] =	stream.strided.gather [hbm4b:s13+s9], $0x0, s10, s9, $0x38;
	[tilespmem:$0x8600] =	vst v63  }
0xec: {  	s22 =	sadd.s32 s3, s22;
	s8 =	sadd.s32 $0x4780, s21;
	s24 =	sand.u32 $0x1FFFFFF0, s7  }
0xed: {  	[tilespmem:s25], [sflag:$0x1] =	stream.linear.gather [hbm4b:s13+s2], $0x40, $0x38;
	[tilespmem:$0x8600] =	vst v63  }
0xee: {  	s25 =	spop (v2sf)  }
0xef: {  	[tilespmem:s8], [sflag:$0x1] =	stream.strided.gather [hbm4b:s22+s9], $0x0, s10, s9, $0x38;
	[tilespmem:$0x8600] =	vst v63  }
0xf0: {  	s7 =	sadd.s32 $0x800, s21;
	s13 =	sadd.s32 s3, s23;
	s23 =	spop (v2sf)  }
0xf1: {  	[tilespmem:s8], [sflag:$0x1] =	stream.linear.gather [hbm4b:s22+s2], $0x40, $0x38;
	[tilespmem:$0x8600] =	vst v63  }
0xf2: {  	s23 =	sand.u32 $0x1FFFFFF0, s23;
	s22 =	spop (v2sf)  }
0xf3: {  	[tilespmem:s7], [sflag:$0x1] =	stream.strided.gather [hbm4b:s13+s9], $0x0, s10, s9, $0x38;
	[tilespmem:$0x8600] =	vst v63  }
0xf4: {  	s12 =	sadd.s32 s3, s12;
	s8 =	sadd.s32 $0x4800, s21  }
0xf5: {  	[tilespmem:s7], [sflag:$0x1] =	stream.linear.gather [hbm4b:s13+s2], $0x40, $0x38;
	[tilespmem:$0x8600] =	vst v63  }
0xf6: {  	_ = 	snop  }
0xf7: {  	[tilespmem:s8], [sflag:$0x1] =	stream.strided.gather [hbm4b:s12+s9], $0x0, s10, s9, $0x38;
	[tilespmem:$0x8600] =	vst v63  }
0xf8: {  	s6 =	sadd.s32 s3, s6;
	s7 =	sadd.s32 $0x880, s21  }
0xf9: {  	[tilespmem:s8], [sflag:$0x1] =	stream.linear.gather [hbm4b:s12+s2], $0x40, $0x38;
	[tilespmem:$0x8600] =	vst v63  }
0xfa: {  	_ = 	snop  }
0xfb: {  	[tilespmem:s7], [sflag:$0x1] =	stream.strided.gather [hbm4b:s6+s9], $0x0, s10, s9, $0x38;
	[tilespmem:$0x8600] =	vst v63  }
0xfc: {  	s1 =	sadd.s32 s3, s1;
	s8 =	sadd.s32 $0x4880, s21  }
0xfd: {  	[tilespmem:s7], [sflag:$0x1] =	stream.linear.gather [hbm4b:s6+s2], $0x40, $0x38;
	[tilespmem:$0x8600] =	vst v63  }
0xfe: {  	_ = 	snop  }
0xff: {  	[tilespmem:s8], [sflag:$0x1] =	stream.strided.gather [hbm4b:s1+s9], $0x0, s10, s9, $0x38;
	[tilespmem:$0x8600] =	vst v63  }
0x100: {  	s5 =	sadd.s32 s3, s5;
	s6 =	sadd.s32 $0x900, s21  }
0x101: {  	[tilespmem:s8], [sflag:$0x1] =	stream.linear.gather [hbm4b:s1+s2], $0x40, $0x38;
	[tilespmem:$0x8600] =	vst v63  }
0x102: {  	_ = 	snop  }
0x103: {  	[tilespmem:s6], [sflag:$0x1] =	stream.strided.gather [hbm4b:s5+s9], $0x0, s10, s9, $0x38;
	[tilespmem:$0x8600] =	vst v63  }
0x104: {  	s7 =	sadd.s32 s3, s31;
	s1 =	sadd.s32 $0x4900, s21  }
0x105: {  	[tilespmem:s6], [sflag:$0x1] =	stream.linear.gather [hbm4b:s5+s2], $0x40, $0x38;
	[tilespmem:$0x8600] =	vst v63  }
0x106: {  	_ = 	snop  }
0x107: {  	[tilespmem:s1], [sflag:$0x1] =	stream.strided.gather [hbm4b:s7+s9], $0x0, s10, s9, $0x38;
	[tilespmem:$0x8600] =	vst v63  }
0x108: {  	s4 =	sadd.s32 s3, s4;
	s5 =	sadd.s32 $0x980, s21  }
0x109: {  	[tilespmem:s1], [sflag:$0x1] =	stream.linear.gather [hbm4b:s7+s2], $0x40, $0x38;
	[tilespmem:$0x8600] =	vst v63  }
0x10a: {  	_ = 	snop  }
0x10b: {  	[tilespmem:s5], [sflag:$0x1] =	stream.strided.gather [hbm4b:s4+s9], $0x0, s10, s9, $0x38;
	[tilespmem:$0x8600] =	vst v63  }
0x10c: {  	s6 =	sadd.s32 s3, s29;
	s1 =	sadd.s32 $0x4980, s21  }
0x10d: {  	[tilespmem:s5], [sflag:$0x1] =	stream.linear.gather [hbm4b:s4+s2], $0x40, $0x38;
	[tilespmem:$0x8600] =	vst v63  }
0x10e: {  	_ = 	snop  }
0x10f: {  	[tilespmem:s1], [sflag:$0x1] =	stream.strided.gather [hbm4b:s6+s9], $0x0, s10, s9, $0x38;
	[tilespmem:$0x8600] =	vst v63  }
0x110: {  	s0 =	sadd.s32 s3, s0;
	s4 =	sadd.s32 $0xA00, s21  }
0x111: {  	[tilespmem:s1], [sflag:$0x1] =	stream.linear.gather [hbm4b:s6+s2], $0x40, $0x38;
	[tilespmem:$0x8600] =	vst v63  }
0x112: {  	_ = 	snop  }
0x113: {  	[tilespmem:s4], [sflag:$0x1] =	stream.strided.gather [hbm4b:s0+s9], $0x0, s10, s9, $0x38;
	[tilespmem:$0x8600] =	vst v63  }
0x114: {  	s5 =	sadd.s32 s3, s28;
	s1 =	sadd.s32 $0x4A00, s21  }
0x115: {  	[tilespmem:s4], [sflag:$0x1] =	stream.linear.gather [hbm4b:s0+s2], $0x40, $0x38;
	[tilespmem:$0x8600] =	vst v63  }
0x116: {  	_ = 	snop  }
0x117: {  	[tilespmem:s1], [sflag:$0x1] =	stream.strided.gather [hbm4b:s5+s9], $0x0, s10, s9, $0x38;
	[tilespmem:$0x8600] =	vst v63  }
0x118: {  	s0 =	sadd.s32 $0xA80, s21;
	s4 =	sadd.s32 s3, s30  }
0x119: {  	[tilespmem:s1], [sflag:$0x1] =	stream.linear.gather [hbm4b:s5+s2], $0x40, $0x38;
	[tilespmem:$0x8600] =	vst v63  }
0x11a: {  	_ = 	snop  }
0x11b: {  	[tilespmem:s0], [sflag:$0x1] =	stream.strided.gather [hbm4b:s4+s9], $0x0, s10, s9, $0x38;
	[tilespmem:$0x8600] =	vst v63  }
0x11c: {  	s1 =	sadd.s32 $0x4A80, s21;
	s5 =	sadd.s32 s3, s26  }
0x11d: {  	[tilespmem:s0], [sflag:$0x1] =	stream.linear.gather [hbm4b:s4+s2], $0x40, $0x38;
	[tilespmem:$0x8600] =	vst v63  }
0x11e: {  	_ = 	snop  }
0x11f: {  	[tilespmem:s1], [sflag:$0x1] =	stream.strided.gather [hbm4b:s5+s9], $0x0, s10, s9, $0x38;
	[tilespmem:$0x8600] =	vst v63  }
0x120: {  	s0 =	sadd.s32 $0xB00, s21;
	s4 =	sadd.s32 s3, s24  }
0x121: {  	[tilespmem:s1], [sflag:$0x1] =	stream.linear.gather [hbm4b:s5+s2], $0x40, $0x38;
	[tilespmem:$0x8600] =	vst v63  }
0x122: {  	s1 =	sand.u32 $0x1FFFFFF0, s25  }
0x123: {  	[tilespmem:s0], [sflag:$0x1] =	stream.strided.gather [hbm4b:s4+s9], $0x0, s10, s9, $0x38;
	[tilespmem:$0x8600] =	vst v63  }
0x124: {  	s5 =	sadd.s32 $0x4B00, s21;
	s1 =	sadd.s32 s3, s1  }
0x125: {  	[tilespmem:s0], [sflag:$0x1] =	stream.linear.gather [hbm4b:s4+s2], $0x40, $0x38;
	[tilespmem:$0x8600] =	vst v63  }
0x126: {  	_ = 	snop  }
0x127: {  	[tilespmem:s5], [sflag:$0x1] =	stream.strided.gather [hbm4b:s1+s9], $0x0, s10, s9, $0x38;
	[tilespmem:$0x8600] =	vst v63  }
0x128: {  	s6 =	sadd.s32 s3, s23;
	s4 =	sadd.s32 $0xB80, s21  }
0x129: {  	[tilespmem:s5], [sflag:$0x1] =	stream.linear.gather [hbm4b:s1+s2], $0x40, $0x38;
	[tilespmem:$0x8600] =	vst v63  }
0x12a: {  	s1 =	sand.u32 $0x1FFFFFF0, s22  }
0x12b: {  	[tilespmem:s4], [sflag:$0x1] =	stream.strided.gather [hbm4b:s6+s9], $0x0, s10, s9, $0x38;
	[tilespmem:$0x8600] =	vst v63  }
.Ltmp0:
0x12c: {  	_ = 	snop;
	(pc) =	sbr.rel @p0 .LBB2_3-.Ltmp0, $4  }
0x12d: {  	s0 =	sadd.s32 $0x4B80, s21;
	s1 =	sadd.s32 s3, s1  }
0x12e: {  	[tilespmem:s4], [sflag:$0x1] =	stream.linear.gather [hbm4b:s6+s2], $0x40, $0x38;
	[tilespmem:$0x8600] =	vst v63  }
0x12f: {  	_ = 	snop  }
0x130: {  	[tilespmem:s0], [sflag:$0x1] =	stream.strided.gather [hbm4b:s1+s9], $0x0, s10, s9, $0x38;
	[tilespmem:$0x8600] =	vst v63  }
0x131: {  	[tilespmem:s0], [sflag:$0x1] =	stream.linear.gather [hbm4b:s1+s2], $0x40, $0x38;
	[tilespmem:$0x8600] =	vst v63  }
0x132: {  	_ =	swait.ge [sflag:s11], $0x2000  }
0x133: {  	[sflag:s11] =	ssyncset.done $0x0  }
0x134: {  	[sflag:s11] =	ssyncadd.s32 $0xFFFFE000  }
0x135: {  	_ =	swait.ge [sflag:s11], $0x2000  }
0x136: {  	[sflag:s11] =	ssyncset.done $0x0  }
0x137: {  	s18 =	simm.s32 $0x0;
	[sflag:s11] =	ssyncadd.s32 $0xFFFFE000  }
0x138: {  	v0 =	vld [tilespmem:s18+$0x4BB0]  }
0x139: {  	v12 =	vld [tilespmem:s18+$0xBB0]  }
0x13a: {  	v14 =	vld [tilespmem:s18+$0x4BA0]  }
0x13b: {  	v32 =	vld [tilespmem:s18+$0xBA0]  }
0x13c: {  	v33 =	vld [tilespmem:s18+$0x4B30]  }
0x13d: {  	v34 =	vld [tilespmem:s18+$0xB30]  }
0x13e: {  	v22 =	vld [tilespmem:s18+$0x4B80]  }
0x13f: {  	v23 =	vld [tilespmem:s18+$0xB80]  }
0x140: {  	v24 =	vld [tilespmem:s18+$0x4B90]  }
0x141: {  	v27 =	vld [tilespmem:s18+$0xB90]  }
0x142: {  	v18 =	vld [tilespmem:s18+$0x4AB0]  }
0x143: {  	v41 =	vld [tilespmem:s18+$0xAB0]  }
0x144: {  	v20 =	vld [tilespmem:s18+$0x4B20]  }
0x145: {  	v21 =	vld [tilespmem:s18+$0xB20]  }
0x146: {  	v38 =	vld [tilespmem:s18+$0x4AA0]  }
0x147: {  	v42 =	vld [tilespmem:s18+$0xAA0]  }
0x148: {  	v29 =	vld [tilespmem:s18+$0x4B00]  }
0x149: {  	v30 =	vld [tilespmem:s18+$0xB00]  }
0x14a: {  	v25 =	vld [tilespmem:s18+$0x4B10]  }
0x14b: {  	v28 =	vld [tilespmem:s18+$0xB10]  }
0x14c: {  	v62 =	vld [tilespmem:s18+$0x4A80];
	[tilespmem:$0x1FAE0] =	vst v0  }
0x14d: {  	v43 =	vld [tilespmem:s18+$0x4A90];
	[tilespmem:$0x1FAF0] =	vst v12  }
0x14e: {  	v46 =	vld [tilespmem:s18+$0xA90];
	[tilespmem:$0x1FAB0] =	vst v18  }
0x14f: {  	v44 =	vld [tilespmem:s18+$0x4930];
	[tilespmem:$0x1FAC0] =	vst v41  }
0x150: {  	v45 =	vld [tilespmem:s18+$0x930];
	[tilespmem:$0x1FA70] =	vst v38  }
0x151: {  	v8 =	vld [tilespmem:s18+$0x49A0];
	[tilespmem:$0x1FA80] =	vst v42  }
0x152: {  	v6 =	vld [tilespmem:s18+$0x4A00];
	[tilespmem:$0x1FA20] =	vst v43  }
0x153: {  	v39 =	vld [tilespmem:s18+$0xA00];
	[tilespmem:$0x1FA30] =	vst v46  }
0x154: {  	v3 =	vld [tilespmem:s18+$0x4A10];
	[tilespmem:$0x1FA40] =	vst v44  }
0x155: {  	v40 =	vld [tilespmem:s18+$0xA10];
	[tilespmem:$0x1FA50] =	vst v45  }
0x156: {  	v63 =	vld [tilespmem:s18+$0x48B0];
	[tilespmem:$0x1F580] =	vst v8  }
0x157: {  	v15 =	vld [tilespmem:s18+$0x8B0];
	[tilespmem:$0x1F510] =	vst v6  }
0x158: {  	v47 =	vld [tilespmem:s18+$0x4920];
	[tilespmem:$0x1F520] =	vst v39  }
0x159: {  	v48 =	vld [tilespmem:s18+$0x920];
	[tilespmem:$0x1F530] =	vst v3  }
0x15a: {  	v7 =	vld [tilespmem:s18+$0x4980];
	[tilespmem:$0x1F540] =	vst v40  }
0x15b: {  	v1 =	vld [tilespmem:s18+$0x980];
	[tilespmem:$0x1F630] =	vst v63  }
0x15c: {  	v2 =	vld [tilespmem:s18+$0x4990];
	[tilespmem:$0x1F640] =	vst v15  }
0x15d: {  	v4 =	vld [tilespmem:s18+$0x990];
	[tilespmem:$0x1FA00] =	vst v47  }
0x15e: {  	v57 =	vld [tilespmem:s18+$0x4830];
	[tilespmem:$0x1FA10] =	vst v48  }
0x15f: {  	v59 =	vld [tilespmem:s18+$0x830];
	[tilespmem:$0x1F5B0] =	vst v7  }
0x160: {  	v56 =	vld [tilespmem:s18+$0x48A0];
	[tilespmem:$0x1F5C0] =	vst v1  }
0x161: {  	v60 =	vld [tilespmem:s18+$0x8A0];
	[tilespmem:$0x1F5F0] =	vst v2  }
0x162: {  	v61 =	vld [tilespmem:s18+$0x4900];
	[tilespmem:$0x1F600] =	vst v4  }
0x163: {  	v9 =	vld [tilespmem:s18+$0x900];
	[tilespmem:$0x1F650] =	vst v57  }
0x164: {  	v51 =	vld [tilespmem:s18+$0x4910];
	[tilespmem:$0x1F660] =	vst v59  }
0x165: {  	v53 =	vld [tilespmem:s18+$0x47B0];
	[tilespmem:$0x1F670] =	vst v56;
	v13 =	vmul.f32 v22, v22;
	v17 =	vmul.f32 v24, v24  }
0x166: {  	v54 =	vld [tilespmem:s18+$0x7B0];
	[tilespmem:$0x1F680] =	vst v60;
	v26 =	vmul.f32 v29, v29;
	v31 =	vmul.f32 v25, v25  }
0x167: {  	v11 =	vld [tilespmem:s18+$0x820];
	[tilespmem:$0x1F690] =	vst v61;
	v13 =	vadd.f32 v17, v13;
	v17 =	vmul.f32 v14, v14  }
0x168: {  	v16 =	vld [tilespmem:s18+$0x4A30];
	[tilespmem:$0x1F6A0] =	vst v9;
	v35 =	vmul.f32 v0, v0;
	v26 =	vadd.f32 v31, v26;
	v31 =	vmul.f32 v20, v20  }
0x169: {  	[tilespmem:$0x1F9C0] =	vst v51;
	v0 =	vld [tilespmem:s18+$0x910];
	v36 =	vmul.f32 v28, v28;
	v13 =	vadd.f32 v17, v13;
	v17 =	vmul.f32 v30, v30  }
0x16a: {  	v58 =	vld [tilespmem:s18+$0xA80];
	[tilespmem:$0x1F9E0] =	vst v53;
	v22 =	vmul.f32 v22, v23;
	v26 =	vadd.f32 v31, v26  }
0x16b: {  	[tilespmem:$0x1F9F0] =	vst v54;
	v31 =	vld [tilespmem:s18+$0x4820];
	v5 =	vadd.f32 v35, v13;
	v13 =	vadd.f32 v36, v17;
	v17 =	vmul.f32 v21, v21  }
0x16c: {  	v19 =	vld [tilespmem:s18+$0xA30];
	v43 =	vmul.f32 v43, v43;
	[tilespmem:$0x1F750] =	vst v11;
	v35 =	vmul.f32 v62, v62  }
0x16d: {  	v55 =	vld [tilespmem:s18+$0x4A20];
	v37 =	vmul.f32 v33, v33;
	[tilespmem:$0x1FA90] =	vst v22;
	v13 =	vadd.f32 v17, v13  }
0x16e: {  	[tilespmem:$0x1F9D0] =	vst v0;
	v17 =	vmul.f32 v34, v34;
	v35 =	vadd.f32 v43, v35;
	v43 =	vmul.f32 v46, v46;
	v46 =	vld [tilespmem:s18+$0x880]  }
0x16f: {  	[tilespmem:$0x1F550] =	vst v5;
	v5 =	vadd.f32 v37, v26;
	v26 =	vmul.f32 v38, v38;
	v38 =	vmul.f32 v3, v3;
	v3 =	vld [tilespmem:s18+$0x4890]  }
0x170: {  	v36 =	vmul.f32 v58, v58;
	v37 =	vmul.f32 v42, v42;
	v42 =	vld [tilespmem:s18+$0x47A0];
	[tilespmem:$0x1F740] =	vst v31;
	v13 =	vadd.f32 v17, v13  }
0x171: {  	v52 =	vld [tilespmem:s18+$0xA20];
	[tilespmem:$0x1F560] =	vst v5  }
0x172: {  	v5 =	vld [tilespmem:s18+$0x4880];
	v26 =	vadd.f32 v26, v35;
	v35 =	vadd.f32 v43, v36;
	v43 =	vmul.f32 v18, v18;
	[tilespmem:$0x1F570] =	vst v13  }
0x173: {  	v18 =	vld [tilespmem:s18+$0x4730];
	[tilespmem:$0x1F6D0] =	vst v46  }
0x174: {  	v36 =	vmul.f32 v40, v40;
	v40 =	vld [tilespmem:s18+$0x730];
	v17 =	vadd.f32 v43, v26;
	[tilespmem:$0x1F6E0] =	vst v3  }
0x175: {  	v49 =	vld [tilespmem:s18+$0x9B0];
	v47 =	vmul.f32 v47, v47;
	[tilespmem:$0x1F9A0] =	vst v42  }
0x176: {  	v13 =	vmul.f32 v6, v6;
	v6 =	vld [tilespmem:s18+$0x890];
	v35 =	vadd.f32 v37, v35;
	v37 =	vmul.f32 v41, v41;
	[tilespmem:$0x1F590] =	vst v17  }
0x177: {  	v29 =	vmul.f32 v29, v30;
	v26 =	vmul.f32 v39, v39;
	v41 =	vld [tilespmem:s18+$0x4800];
	[tilespmem:$0x1F6C0] =	vst v5  }
0x178: {  	v39 =	vmul.f32 v52, v52;
	v43 =	vmul.f32 v8, v8;
	v8 =	vld [tilespmem:s18+$0x4780];
	v17 =	vadd.f32 v37, v35;
	[tilespmem:$0x1F760] =	vst v18  }
0x179: {  	v13 =	vadd.f32 v38, v13;
	v38 =	vmul.f32 v55, v55;
	v36 =	vadd.f32 v36, v26;
	v26 =	vld [tilespmem:s18+$0x7A0];
	[tilespmem:$0x1F770] =	vst v40  }
0x17a: {  	v50 =	vld [tilespmem:s18+$0x49B0];
	v35 =	vmul.f32 v7, v7;
	v37 =	vmul.f32 v2, v2;
	[tilespmem:$0x1F5A0] =	vst v17  }
0x17b: {  	v10 =	vld [tilespmem:s18+$0x9A0];
	v25 =	vmul.f32 v25, v28;
	v13 =	vadd.f32 v38, v13;
	v38 =	vmul.f32 v16, v16;
	[tilespmem:$0x1F6F0] =	vst v6  }
0x17c: {  	v22 =	vmul.f32 v49, v49;
	v36 =	vadd.f32 v39, v36;
	v39 =	vld [tilespmem:s18+$0x800];
	v35 =	vadd.f32 v37, v35;
	[tilespmem:$0x1F700] =	vst v41  }
0x17d: {  	v37 =	vmul.f32 v33, v34;
	v34 =	vmul.f32 v1, v1;
	v17 =	vld [tilespmem:s18+$0x46B0];
	[tilespmem:$0x1F7F0] =	vst v8;
	v2 =	vadd.f32 v38, v13  }
0x17e: {  	v1 =	vld [tilespmem:s18+$0x6B0];
	v38 =	vmul.f32 v19, v19;
	v13 =	vmul.f32 v14, v32;
	[tilespmem:$0x1F9B0] =	vst v26  }
0x17f: {  	v30 =	vmul.f32 v6, v6;
	v33 =	vadd.f32 v43, v35;
	v35 =	vmul.f32 v23, v23;
	[tilespmem:$0x1F5E0] =	vst v2  }
0x180: {  	v43 =	vmul.f32 v27, v27;
	v7 =	vadd.f32 v38, v36;
	v36 =	vmul.f32 v4, v4;
	[tilespmem:$0x1FAD0] =	vst v13  }
0x181: {  	v6 =	vld [tilespmem:s18+$0x4620];
	v14 =	vmul.f32 v50, v50;
	v32 =	vmul.f32 v32, v32;
	[tilespmem:$0x1F710] =	vst v39  }
0x182: {  	v38 =	vmul.f32 v51, v51;
	[tilespmem:$0x1F780] =	vst v17;
	v34 =	vadd.f32 v36, v34;
	v36 =	vmul.f32 v10, v10  }
0x183: {  	v2 =	vld [tilespmem:s18+$0x4810];
	v35 =	vadd.f32 v43, v35;
	v51 =	vmul.f32 v0, v0;
	v0 =	vmul.f32 v24, v27;
	[tilespmem:$0x1F5D0] =	vst v1  }
0x184: {  	v4 =	vld [tilespmem:s18+$0x810];
	v1 =	vadd.f32 v14, v33;
	v14 =	vmul.f32 v61, v61;
	[tilespmem:$0x1F610] =	vst v7;
	v34 =	vadd.f32 v36, v34  }
0x185: {  	v28 =	vmul.f32 v56, v56;
	v13 =	vld [tilespmem:s18+$0x720];
	v24 =	vmul.f32 v12, v12;
	v23 =	vadd.f32 v32, v35;
	[tilespmem:$0x1FAA0] =	vst v0  }
0x186: {  	v56 =	vld [tilespmem:s18+$0x4680];
	[tilespmem:$0x1F960] =	vst v6;
	v14 =	vadd.f32 v38, v14;
	v61 =	vadd.f32 v22, v34;
	v22 =	vmul.f32 v9, v9  }
0x187: {  	v7 =	vld [tilespmem:s18+$0x4720];
	[tilespmem:$0x1F620] =	vst v1;
	v0 =	vadd.f32 v24, v23;
	v23 =	vmul.f32 v5, v5;
	v24 =	vmul.f32 v3, v3  }
0x188: {  	v27 =	vmul.f32 v48, v48;
	v43 =	vmov v10;
	v10 =	vld [tilespmem:s18+$0x780];
	[tilespmem:$0x1F720] =	vst v2;
	v22 =	vadd.f32 v51, v22  }
0x189: {  	v32 =	vld [tilespmem:s18+$0x4630];
	[tilespmem:$0x1F730] =	vst v4;
	v14 =	vadd.f32 v47, v14;
	v23 =	vadd.f32 v24, v23  }
0x18a: {  	v1 =	vld [tilespmem:s18+$0x790];
	[tilespmem:$0x1F7A0] =	vst v13;
	v24 =	vmul.f32 v45, v45;
	v22 =	vadd.f32 v27, v22;
	v27 =	vmul.f32 v44, v44  }
0x18b: {  	v20 =	vmul.f32 v20, v21;
	v38 =	vld [tilespmem:s18+$0x5A0];
	[tilespmem:$0x1F870] =	vst v0  }
0x18c: {  	v5 =	vld [tilespmem:s18+$0x4700];
	[tilespmem:$0x1F790] =	vst v7;
	v33 =	vadd.f32 v27, v14;
	v14 =	vmul.f32 v46, v46;
	v36 =	vadd.f32 v24, v22  }
0x18d: {  	v34 =	vld [tilespmem:s18+$0x4790];
	[tilespmem:$0x1F800] =	vst v10;
	v22 =	vadd.f32 v28, v23;
	v24 =	vadd.f32 v25, v29;
	v25 =	vmul.f32 v41, v41  }
0x18e: {  	v0 =	vld [tilespmem:s18+$0x46A0];
	[tilespmem:$0x1F990] =	vst v32;
	v28 =	vmul.f32 v2, v2;
	v21 =	vadd.f32 v30, v14;
	v14 =	vmul.f32 v63, v63  }
0x18f: {  	v9 =	vld [tilespmem:s18+$0x4710];
	[tilespmem:$0x1F980] =	vst v1;
	v23 =	vmul.f32 v60, v60  }
0x190: {  	[tilespmem:$0x1F840] =	vst v38;
	v44 =	vld [tilespmem:s18+$0x6A0];
	v29 =	vmul.f32 v16, v19;
	v19 =	vadd.f32 v28, v25;
	v30 =	vadd.f32 v14, v22  }
0x191: {  	v48 =	vld [tilespmem:s18+$0x680];
	[tilespmem:$0x1F7B0] =	vst v5;
	v21 =	vadd.f32 v23, v21;
	v22 =	vmul.f32 v15, v15;
	v23 =	vmul.f32 v31, v31  }
0x192: {  	[tilespmem:$0x1F970] =	vst v34;
	v27 =	vld [tilespmem:s18+$0x700];
	v20 =	vadd.f32 v20, v24;
	v24 =	vmul.f32 v39, v39;
	v25 =	vmul.f32 v4, v4  }
0x193: {  	[tilespmem:$0x1F810] =	vst v0;
	v63 =	vld [tilespmem:s18+$0x710];
	v28 =	vadd.f32 v22, v21;
	v19 =	vadd.f32 v23, v19;
	v21 =	vmul.f32 v57, v57  }
0x194: {  	v47 =	vld [tilespmem:s18+$0x4690];
	[tilespmem:$0x1F7D0] =	vst v9;
	v2 =	vadd.f32 v37, v20;
	v22 =	vadd.f32 v25, v24;
	v23 =	vmul.f32 v11, v11  }
0x195: {  	[tilespmem:$0x1F820] =	vst v44;
	v24 =	vld [tilespmem:s18+$0x45A0];
	v35 =	vadd.f32 v21, v19;
	v19 =	vmul.f32 v8, v8;
	v21 =	vmul.f32 v34, v34  }
0x196: {  	v45 =	vld [tilespmem:s18+$0x5B0];
	v15 =	vmul.f32 v59, v59;
	[tilespmem:$0x1F910] =	vst v2;
	v2 =	vmul.f32 v50, v49;
	v22 =	vadd.f32 v23, v22  }
0x197: {  	v41 =	vld [tilespmem:s18+$0x45B0];
	[tilespmem:$0x1F7C0] =	vst v27;
	v16 =	vadd.f32 v21, v19;
	v19 =	vmul.f32 v10, v10;
	v21 =	vmul.f32 v1, v1  }
0x198: {  	v12 =	vmul.f32 v42, v42;
	v46 =	vld [tilespmem:s18+$0x690];
	[tilespmem:$0x1F7E0] =	vst v63;
	v3 =	vadd.f32 v15, v22  }
0x199: {  	v31 =	vld [tilespmem:s18+$0x4530];
	[tilespmem:$0x1F6B0] =	vst v2;
	v22 =	vmul.f32 v9, v9;
	v9 =	vmul.f32 v62, v58;
	v15 =	vadd.f32 v21, v19  }
0x19a: {  	v34 =	vld [tilespmem:s18+$0x530];
	[tilespmem:$0x1F830] =	vst v24;
	v21 =	vmul.f32 v26, v26;
	v12 =	vadd.f32 v12, v16;
	v16 =	vmul.f32 v5, v5  }
0x19b: {  	v23 =	vld [tilespmem:s18+$0x4600]  }
0x19c: {  	[tilespmem:$0x1FA60] =	vst v9;
	v9 =	vadd.f32 v21, v15;
	v15 =	vadd.f32 v22, v16;
	v22 =	vmul.f32 v0, v0;
	v0 =	vld [tilespmem:$0x1F550];
	_ =	sdelay $0x4  }
0x19d: {  	(xrf2) =	vadd.scan.msk.f32 $0xffff, v0;
	v0 =	vld [tilespmem:$0x1F560];
	_ =	sdelay $0x4  }
0x19e: {  	(xrf2) =	vadd.scan.msk.f32 $0xffff, v0;
	v0 =	vld [tilespmem:$0x1F570];
	_ =	sdelay $0x1  }
0x19f: {  	v1 =	vld [tilespmem:$0x1F510]  }
0x1a0: {  	v4 =	vld [tilespmem:$0x1F520];
	_ =	sdelay $0x1  }
0x1a1: {  	(xrf2) =	vadd.scan.msk.f32 $0xffff, v0;
	v0 =	vld [tilespmem:$0x1F580];
	_ =	sdelay $0x2  }
0x1a2: {  	v16 =	vmul.f32 v7, v7;
	v7 =	vmul.f32 v1, v4;
	v1 =	vld [tilespmem:$0x1F530]  }
0x1a3: {  	v4 =	vld [tilespmem:$0x1F540]  }
0x1a4: {  	v43 =	vmul.f32 v0, v43;
	v0 =	vld [tilespmem:$0x1F590];
	_ =	sdelay $0x3  }
0x1a5: {  	v5 =	vmul.f32 v1, v4  }
0x1a6: {  	(xrf2) =	vadd.scan.msk.f32 $0xffff, v0;
	v0 =	vld [tilespmem:$0x1F5A0]  }
0x1a7: {  	v11 =	vmul.f32 v55, v52;
	v2 =	vld [tilespmem:s18+$0x4610];
	v5 =	vadd.f32 v5, v7;
	_ =	sdelay $0x1  }
0x1a8: {  	v4 =	vadd.f32 v11, v5;
	_ =	sdelay $0x1  }
0x1a9: {  	v19 =	vmul.f32 v53, v53;
	(xrf2) =	vadd.scan.msk.f32 $0xffff, v0;
	v0 =	vadd.f32 v29, v4  }
0x1aa: {  	v10 =	vmul.f32 v54, v54;
	[tilespmem:$0x1F950] =	vst v2;
	v11 =	vmul.f32 v2, v2;
	v2 =	vld [tilespmem:$0x1F5C0]  }
0x1ab: {  	v53 =	vadd.f32 v19, v12;
	[tilespmem:$0x1F920] =	vst v0;
	v0 =	vld [tilespmem:$0x1F5B0]  }
0x1ac: {  	v19 =	vmul.f32 v63, v63;
	v14 =	vadd.f32 v10, v9;
	v10 =	vmul.f32 v27, v27  }
0x1ad: {  	v15 =	vadd.f32 v16, v15  }
0x1ae: {  	v16 =	vmul.f32 v56, v56;
	v10 =	vadd.f32 v19, v10;
	v19 =	vmul.f32 v47, v47;
	_ =	sdelay $0x1  }
0x1af: {  	v16 =	vadd.f32 v19, v16;
	v50 =	vmul.f32 v0, v2;
	v0 =	vld [tilespmem:$0x1F5E0];
	_ =	sdelay $0x1  }
0x1b0: {  	v7 =	vadd.f32 v22, v16;
	v16 =	vmul.f32 v17, v17;
	_ =	sdelay $0x1  }
0x1b1: {  	v1 =	vadd.f32 v16, v7;
	v7 =	vld [tilespmem:$0x1F600]  }
0x1b2: {  	(xrf2) =	vadd.scan.msk.f32 $0xffff, v0;
	v0 =	vld [tilespmem:$0x1F5F0]  }
0x1b3: {  	v8 =	vmul.f32 v18, v18;
	_ =	sdelay $0x1  }
0x1b4: {  	v60 =	vld [tilespmem:s18+$0x4580];
	v9 =	vadd.f32 v8, v15;
	v15 =	vmul.f32 v13, v13  }
0x1b5: {  	v25 =	vmul.f32 v46, v46;
	v54 =	vld [tilespmem:s18+$0x580];
	v19 =	vmul.f32 v40, v40  }
0x1b6: {  	v10 =	vadd.f32 v15, v10;
	v15 =	vmul.f32 v48, v48;
	v40 =	vmul.f32 v0, v7;
	v0 =	vld [tilespmem:$0x1F610]  }
0x1b7: {  	v21 =	vld [tilespmem:s18+$0x4590]  }
0x1b8: {  	v27 =	vadd.f32 v19, v10;
	v10 =	vadd.f32 v25, v15;
	v15 =	vmul.f32 v44, v44;
	v16 =	vld [tilespmem:$0x1F5D0]  }
0x1b9: {  	v63 =	vld [tilespmem:s18+$0x4510]  }
0x1ba: {  	v8 =	vld [tilespmem:s18+$0x4500];
	v5 =	vadd.f32 v15, v10;
	v10 =	vmul.f32 v23, v23  }
0x1bb: {  	(xrf2) =	vadd.scan.msk.f32 $0xffff, v0;
	v0 =	vld [tilespmem:$0x1F620]  }
0x1bc: {  	v6 =	vmul.f32 v6, v6;
	v51 =	vld [tilespmem:s18+$0x4520];
	v4 =	vadd.f32 v11, v10  }
0x1bd: {  	v55 =	vld [tilespmem:s18+$0x590];
	v2 =	vmul.f32 v16, v16  }
0x1be: {  	v4 =	vadd.f32 v6, v4;
	v6 =	vmul.f32 v32, v32  }
0x1bf: {  	v52 =	vld [tilespmem:s18+$0x500];
	v11 =	vmul.f32 v21, v21;
	v12 =	vadd.f32 v2, v5;
	v5 =	vmul.f32 v60, v60  }
0x1c0: {  	v42 =	vld [tilespmem:s18+$0x410];
	v10 =	vadd.f32 v6, v4;
	v4 =	vmul.f32 v8, v8;
	v6 =	vmul.f32 v63, v63;
	(xrf2) =	vadd.scan.msk.f32 $0xffff, v0  }
0x1c1: {  	v49 =	vld [tilespmem:s18+$0x510];
	v58 =	vmul.f32 v51, v51;
	v13 =	vmul.f32 v24, v24;
	v5 =	vadd.f32 v11, v5;
	(xrf2) =	vadd.scan.msk.f32 $0xffff, v61  }
0x1c2: {  	v37 =	vld [tilespmem:s18+$0x520];
	v15 =	vmul.f32 v55, v55;
	v4 =	vadd.f32 v6, v4;
	v11 =	vmul.f32 v54, v54;
	(xrf2) =	vadd.scan.msk.f32 $0xffff, v33  }
0x1c3: {  	v62 =	vld [tilespmem:s18+$0x4400];
	[tilespmem:$0x1F890] =	vst v8;
	v5 =	vadd.f32 v13, v5;
	v13 =	vmul.f32 v41, v41;
	(xrf2) =	vadd.scan.msk.f32 $0xffff, v36  }
0x1c4: {  	v59 =	vld [tilespmem:s18+$0x4410];
	v6 =	vmul.f32 v38, v38;
	v4 =	vadd.f32 v58, v4;
	v11 =	vadd.f32 v15, v11;
	v0, _, _ =	vpop (xrf2);
	(xrf2) =	vadd.scan.msk.f32 $0xffff, v30  }
0x1c5: {  	v58 =	vmul.f32 v42, v42;
	v8 =	vadd.f32 v13, v5;
	[tilespmem:$0x1F900] =	vst v0;
	v0, _, _ =	vpop (xrf2);
	(xrf2) =	vadd.scan.msk.f32 $0xffff, v28  }
0x1c6: {  	v44 =	vld [tilespmem:s18+$0x400];
	v6 =	vadd.f32 v6, v11;
	v11 =	vmul.f32 v45, v45;
	[tilespmem:$0x1F8D0] =	vst v0;
	v0, _, _ =	vpop (xrf2);
	(xrf2) =	vadd.scan.msk.f32 $0xffff, v35  }
0x1c7: {  	v26 =	vld [tilespmem:s18+$0x600];
	v5 =	vmul.f32 v52, v52;
	v13 =	vmul.f32 v49, v49;
	[tilespmem:$0x1F8F0] =	vst v0;
	v0, _, _ =	vpop (xrf2);
	(xrf2) =	vadd.scan.msk.f32 $0xffff, v3  }
0x1c8: {  	v57 =	vld [tilespmem:s18+$0x4420];
	v7 =	vadd.f32 v11, v6;
	v11 =	vmul.f32 v62, v62;
	[tilespmem:$0x1F8B0] =	vst v0;
	v0, _, _ =	vpop (xrf2);
	(xrf2) =	vadd.scan.msk.f32 $0xffff, v53  }
0x1c9: {  	v38 =	vld [tilespmem:s18+$0x420];
	v61 =	vmul.f32 v37, v37;
	v30 =	vmul.f32 v59, v59;
	[tilespmem:$0x1F8E0] =	vst v0;
	v0, _, _ =	vpop (xrf2);
	(xrf2) =	vadd.scan.msk.f32 $0xffff, v14  }
0x1ca: {  	v20 =	vld [tilespmem:s18+$0x4430];
	[tilespmem:$0x1F8A0] =	vst v0;
	v0, _, _ =	vpop (xrf2);
	v3 =	vadd.f32 v13, v5;
	v5 =	vmul.f32 v31, v31;
	(xrf2) =	vadd.scan.msk.f32 $0xffff, v9  }
0x1cb: {  	v18 =	vld [tilespmem:s18+$0x430];
	[tilespmem:$0x1F8C0] =	vst v0;
	v9 =	vadd.f32 v30, v11;
	v0, _, _ =	vpop (xrf2);
	v30 =	vmul.f32 v44, v44;
	(xrf2) =	vadd.scan.msk.f32 $0xffff, v27  }
0x1cc: {  	v39 =	vld [tilespmem:s18+$0x4480];
	v14 =	vadd.f32 v5, v4;
	v3 =	vadd.f32 v61, v3;
	v4 =	vmul.f32 v34, v34;
	v33, _, _ =	vpop (xrf2);
	(xrf2) =	vadd.scan.msk.f32 $0xffff, v1  }
0x1cd: {  	v24 =	vld [tilespmem:s18+$0x490];
	[tilespmem:$0x1F880] =	vst v0;
	v0 =	vmul.f32 v57, v57;
	v53 =	vadd.f32 v58, v30;
	v32, _, _ =	vpop (xrf2);
	(xrf2) =	vadd.scan.msk.f32 $0xffff, v12  }
0x1ce: {  	[tilespmem:$0x1F850] =	vst v21;
	v35 =	vld [tilespmem:s18+$0x4490];
	v1 =	vmul.f32 v38, v38;
	v27, _, _ =	vpop (xrf2);
	(xrf2) =	vadd.scan.msk.f32 $0xffff, v10  }
0x1cf: {  	v25 =	vld [tilespmem:s18+$0x480];
	v6 =	vadd.f32 v4, v3;
	v4 =	vmul.f32 v20, v20;
	v3 =	vadd.f32 v0, v9;
	v21, _, _ =	vpop (xrf2);
	(xrf2) =	vadd.scan.msk.f32 $0xffff, v8  }
0x1d0: {  	v36 =	vld [tilespmem:s18+$0x44A0];
	v58 =	vmul.f32 v18, v18;
	v1 =	vadd.f32 v1, v53;
	v19, _, _ =	vpop (xrf2);
	(xrf2) =	vadd.scan.msk.f32 $0xffff, v7  }
0x1d1: {  	[tilespmem:$0x1F860] =	vst v23;
	v23 =	vld [tilespmem:s18+$0x4A0];
	v4 =	vadd.f32 v4, v3;
	v53, _, _ =	vpop (xrf2);
	(xrf2) =	vadd.scan.msk.f32 $0xffff, v14  }
0x1d2: {  	v29 =	vld [tilespmem:s18+$0x44B0];
	v3 =	vadd.f32 v58, v1;
	v17, _, _ =	vpop (xrf2);
	(xrf2) =	vadd.scan.msk.f32 $0xffff, v6  }
0x1d3: {  	v5 =	vmul.f32 v39, v39;
	v2 =	vmul.f32 v35, v35;
	v15, _, _ =	vpop (xrf2);
	(xrf2) =	vadd.scan.msk.f32 $0xffff, v4;
	v4 =	vld [tilespmem:$0x1F660]  }
0x1d4: {  	v13, _, _ =	vpop (xrf2);
	(xrf2) =	vadd.scan.msk.f32 $0xffff, v3;
	v3 =	vld [tilespmem:$0x1F650]  }
0x1d5: {  	v22 =	vld [tilespmem:s18+$0x4B0];
	v2 =	vadd.f32 v2, v5;
	v8 =	vmul.f32 v36, v36  }
0x1d6: {  	v61 =	vmul.f32 v25, v25;
	v30 =	vld [tilespmem:s18+$0x610];
	v0 =	vmul.f32 v24, v24  }
0x1d7: {  	v40 =	vadd.f32 v40, v50;
	v2 =	vadd.f32 v8, v2;
	v14 =	vmul.f32 v29, v29  }
0x1d8: {  	[tilespmem:$0x1F930] =	vst v20;
	v20 =	vld [tilespmem:s18+$0x620];
	v7 =	vadd.f32 v0, v61;
	v61 =	vmul.f32 v23, v23  }
0x1d9: {  	v2 =	vadd.f32 v14, v2;
	v14 =	vadd.f32 v43, v40;
	v40 =	vmul.f32 v3, v4;
	v3 =	vld [tilespmem:$0x1F670]  }
0x1da: {  	v1 =	vmul.f32 v26, v26;
	v4 =	vld [tilespmem:$0x1F680]  }
0x1db: {  	v0 =	vmul.f32 v22, v22;
	v6 =	vadd.f32 v61, v7;
	v61 =	vmul.f32 v30, v30;
	_ =	sdelay $0x1  }
0x1dc: {  	v1 =	vadd.f32 v61, v1;
	v0 =	vadd.f32 v0, v6;
	v6 =	vmul.f32 v20, v20  }
0x1dd: {  	v12, _, _ =	vpop (xrf2);
	(xrf2) =	vadd.scan.msk.f32 $0xffff, v2;
	v2 =	vld [tilespmem:$0x1F690]  }
0x1de: {  	v61 =	vmul.f32 v3, v4;
	v4 =	vadd.f32 v6, v1;
	v1 =	vld [tilespmem:$0x1F6B0]  }
0x1df: {  	v3 =	vld [tilespmem:$0x1F6A0];
	_ =	sdelay $0x3  }
0x1e0: {  	v28 =	vadd.f32 v1, v14;
	v1 =	vld [tilespmem:$0x1F6C0]  }
0x1e1: {  	v43 =	vmul.f32 v2, v3;
	v2 =	vld [tilespmem:$0x1F6D0];
	_ =	sdelay $0x4  }
0x1e2: {  	v14 =	vmul.f32 v1, v2;
	v1 =	vld [tilespmem:$0x1F6E0]  }
0x1e3: {  	v2 =	vld [tilespmem:$0x1F6F0];
	_ =	sdelay $0x1  }
0x1e4: {  	v5 =	vld [tilespmem:$0x1F630]  }
0x1e5: {  	v7 =	vld [tilespmem:$0x1F640]  }
0x1e6: {  	v3 =	vld [tilespmem:$0x1F710]  }
0x1e7: {  	v1 =	vmul.f32 v1, v2;
	v2 =	vld [tilespmem:$0x1F700];
	_ =	sdelay $0x1  }
0x1e8: {  	[tilespmem:$0x1F940] =	vst v18;
	v18 =	vld [tilespmem:s18+$0x630];
	_ =	sdelay $0x1  }
0x1e9: {  	v9 =	vmul.f32 v5, v7;
	v5 =	vld [tilespmem:$0x1F730]  }
0x1ea: {  	v3 =	vmul.f32 v2, v3;
	v2 =	vld [tilespmem:$0x1F720];
	_ =	sdelay $0x1  }
0x1eb: {  	v58, _, _ =	vpop (xrf2);
	(xrf2) =	vadd.scan.msk.f32 $0xffff, v0;
	v0 =	vmul.f32 v18, v18;
	_ =	sdelay $0x1  }
0x1ec: {  	v11, _, _ =	vpop (xrf2);
	v0 =	vadd.f32 v0, v4;
	v4 =	vld [tilespmem:$0x1F740]  }
0x1ed: {  	v10, _, _ =	vpop (xrf2);
	v2 =	vmul.f32 v2, v5;
	v5 =	vld [tilespmem:$0x1F750]  }
0x1ee: {  	v8, _, _ =	vpop (xrf2);
	v6 =	vld [tilespmem:$0x1F770];
	v1 =	vadd.f32 v1, v14  }
0x1ef: {  	v7, _, _ =	vpop (xrf2);
	(xrf2) =	vadd.scan.msk.f32 $0xffff, v0;
	v0 =	vld [tilespmem:$0x1F7B0]  }
0x1f0: {  	v50 =	vadd.f32 v61, v1;
	v1 =	vld [tilespmem:$0x1F7C0]  }
0x1f1: {  	v2 =	vadd.f32 v2, v3;
	v3 =	vld [tilespmem:$0x1F780]  }
0x1f2: {  	v4 =	vmul.f32 v4, v5;
	v5 =	vld [tilespmem:$0x1F760];
	_ =	sdelay $0x3  }
0x1f3: {  	v1 =	vmul.f32 v0, v1;
	v0 =	vld [tilespmem:$0x1F7D0]  }
0x1f4: {  	v14 =	vmul.f32 v5, v6;
	v5 =	vmul.f32 v3, v16;
	v16 =	vld [tilespmem:$0x1F7E0]  }
0x1f5: {  	v3 =	vld [tilespmem:$0x1F790]  }
0x1f6: {  	v6 =	vld [tilespmem:$0x1F7A0];
	_ =	sdelay $0x1  }
0x1f7: {  	v4 =	vadd.f32 v4, v2;
	v2 =	vld [tilespmem:$0x1F7F0]  }
0x1f8: {  	v61 =	vmul.f32 v0, v16;
	v16 =	vld [tilespmem:$0x1F800];
	_ =	sdelay $0x1  }
0x1f9: {  	v48 =	vmul.f32 v56, v48;
	v3 =	vmul.f32 v3, v6;
	v6, _, _ =	vpop (xrf2)  }
0x1fa: {  	v0, _, _ =	vpop (xrf2)  }
0x1fb: {  	v46 =	vmul.f32 v47, v46;
	v56 =	vld [tilespmem:$0x1F820];
	v47, _, _ =	vpop (xrf2)  }
0x1fc: {  	v1 =	vadd.f32 v61, v1;
	v61, _, _ =	vpop (xrf2);
	v2 =	vmul.f32 v2, v16;
	v16 =	vld [tilespmem:$0x1F810]  }
0x1fd: {  	v46 =	vadd.f32 v46, v48;
	v48, _, _ =	vpop (xrf2)  }
0x1fe: {  	v1 =	vadd.f32 v3, v1;
	v3, _, _ =	vpop (xrf2)  }
0x1ff: {  	v4 =	vadd.f32 v40, v4;
	v61 =	vbroadcast v61, $0xF;
	v3 =	vbroadcast v3, $0xF  }
0x200: {  	v0 =	vbroadcast v0, $0xF;
	v1 =	vadd.f32 v14, v1;
	v14 =	vbroadcast v48, $0xF  }
0x201: {  	v3 =	vsel vm0, v61, v3;
	v40 =	vmul.f32 v16, v56;
	v56 =	vmul.f32 v41, v45;
	v41, _, _ =	vpop (xrf2)  }
0x202: {  	v0 =	vsel vm1, v3, v0;
	v3 =	vbroadcast v7, $0xF;
	v45 =	vbroadcast v41, $0xF  }
0x203: {  	v8 =	vbroadcast v8, $0xF;
	v9 =	vadd.f32 v9, v50;
	v50 =	vbroadcast v47, $0xF  }
0x204: {  	v6 =	vbroadcast v6, $0xF;
	v0 =	vsel vm2, v0, v3;
	v14 =	vsel vm0, v14, v45  }
0x205: {  	v0 =	vsel vm3, v0, v8;
	v8 =	vld [tilespmem:$0x1F830];
	v7 =	vsel vm1, v14, v50  }
0x206: {  	v6 =	vsel vm2, v7, v6;
	v7 =	vbroadcast v11, $0xF;
	v11 =	vld [tilespmem:$0x1F840];
	_ =	sdelay $0x2  }
0x207: {  	v14, _, _ =	vpop (xrf2)  }
0x208: {  	v14 =	vbroadcast v14, $0xF  }
0x209: {  	v8 =	vmul.f32 v8, v11;
	v11 =	vbroadcast v12, $0xF  }
0x20a: {  	v10 =	vbroadcast v10, $0xF;
	v0 =	vsel vm4, v0, v7  }
0x20b: {  	v6 =	vsel vm3, v6, v14;
	v0 =	vsel vm5, v0, v11;
	v11 =	vld [tilespmem:$0x1F850]  }
0x20c: {  	v6 =	vsel vm4, v6, v10;
	v10 =	vbroadcast v15, $0xF;
	v12 =	vbroadcast v58, $0xF  }
0x20d: {  	v13 =	vbroadcast v13, $0xF;
	v14 =	vld [tilespmem:$0x1F870]  }
0x20e: {  	v6 =	vsel vm5, v6, v12;
	v0 =	vsel vm6, v0, v10;
	v10 =	vbroadcast v53, $0xF  }
0x20f: {  	v6 =	vsel vm6, v6, v13;
	v13 =	vbroadcast v17, $0xF  }
0x210: {  	v7 =	vmul.f32 v60, v54;
	v0 =	vsel vm7, v0, v10;
	v11 =	vmul.f32 v11, v55  }
0x211: {  	v10 =	vbroadcast v21, $0xF;
	v6 =	vsel vm7, v6, v13;
	v13 =	vbroadcast v19, $0xF  }
0x212: {  	v16 =	vld [tilespmem:$0x1F8C0];
	(xrf2) =	vadd.scan.msk.f32 $0xffff, v14;
	v14 =	vbroadcast v27, $0xF;
	v7 =	vadd.f32 v11, v7;
	v11 =	vbroadcast v32, $0xF  }
0x213: {  	v15 =	vld [tilespmem:$0x1F8A0];
	v0 =	vsel vm8, v0, v10;
	v6 =	vsel vm8, v6, v13  }
0x214: {  	v6 =	vsel vm9, v6, v14;
	v14 =	vbroadcast v33, $0xF;
	v0 =	vsel vm9, v0, v11;
	v11 =	vld [tilespmem:$0x1F880]  }
0x215: {  	v17 =	vld [tilespmem:$0x1F8E0]  }
0x216: {  	v6 =	vsel vm10, v6, v14;
	v14 =	vld [tilespmem:$0x1F8B0];
	_ =	sdelay $0x1  }
0x217: {  	v13 =	vld [tilespmem:$0x1F890]  }
0x218: {  	v16 =	vbroadcast v16, $0xF;
	v27 =	vld [tilespmem:$0x1F910];
	v11 =	vbroadcast v11, $0xF  }
0x219: {  	v15 =	vbroadcast v15, $0xF;
	v19 =	vbroadcast v17, $0xF;
	v17 =	vld [tilespmem:$0x1F920]  }
0x21a: {  	v21 =	vmul.f32 v59, v42;
	v14 =	vbroadcast v14, $0xF;
	v0 =	vsel vm10, v0, v11  }
0x21b: {  	v6 =	vsel vm11, v6, v16;
	v16 =	vmul.f32 v62, v44;
	v0 =	vsel vm11, v0, v15;
	v15 =	vld [tilespmem:$0x1F8D0]  }
0x21c: {  	v13 =	vmul.f32 v13, v52;
	v11 =	vmul.f32 v63, v49;
	v0 =	vsel vm12, v0, v14;
	v14 =	vld [tilespmem:$0x1F8F0]  }
0x21d: {  	(xrf2) =	vadd.scan.msk.f32 $0xffff, v27;
	v7 =	vadd.f32 v8, v7  }
0x21e: {  	v27 =	vmul.f32 v57, v38;
	(xrf2) =	vadd.scan.msk.f32 $0xffff, v17;
	v16 =	vadd.f32 v21, v16;
	v8 =	vadd.f32 v11, v13;
	v11 =	vld [tilespmem:$0x1F900]  }
0x21f: {  	v17 =	vld [tilespmem:$0x1F940];
	(xrf2) =	vadd.scan.msk.f32 $0xffff, v28  }
0x220: {  	(xrf2) =	vadd.scan.msk.f32 $0xffff, v9;
	v9 =	vadd.f32 v27, v16;
	v16 =	vld [tilespmem:$0x1F930];
	v15 =	vbroadcast v15, $0xF  }
0x221: {  	v14 =	vbroadcast v14, $0xF  }
0x222: {  	v6 =	vsel vm12, v6, v19;
	v0 =	vsel vm13, v0, v15  }
0x223: {  	v6 =	vsel vm13, v6, v14;
	v0 =	vsel vm14, v0, v11;
	v11, _, _ =	vpop (xrf2)  }
0x224: {  	v10 =	vmul.f32 v51, v37;
	v6 =	vsel vm14, v6, v11  }
0x225: {  	v16 =	vmul.f32 v16, v17;
	v14 =	vshra.s32 v6, $0x1;
	v15 =	vmul.f32 $5.000000000e-01, v6  }
0x226: {  	v3 =	vmul.f32 v31, v34;
	v12 =	vld [tilespmem:$0x1F860];
	(xrf2) =	vadd.scan.msk.f32 $0xffff, v4;
	v14 =	vsub.s32 $0x5F3759DF, v14  }
0x227: {  	(xrf2) =	vadd.scan.msk.f32 $0xffff, v1;
	v8 =	vadd.f32 v10, v8;
	v1 =	vadd.f32 v16, v9;
	v9 =	vld [tilespmem:$0x1F950];
	v10 =	vmul.f32 v14, v15  }
0x228: {  	v40 =	vadd.f32 v40, v46;
	v21 =	vmul.f32 v35, v24  }
0x229: {  	v3 =	vadd.f32 v3, v8;
	v8 =	vmul.f32 v14, v10;
	v10 =	vmul.f32 v39, v25;
	_ =	sdelay $0x1  }
0x22a: {  	v5 =	vadd.f32 v5, v40;
	v4 =	vadd.f32 v21, v10;
	v10 =	vmul.f32 v36, v23  }
0x22b: {  	v12 =	vmul.f32 v12, v26;
	v7 =	vadd.f32 v56, v7;
	v9 =	vmul.f32 v9, v30  }
0x22c: {  	(xrf2) =	vadd.scan.msk.f32 $0xffff, v5;
	v5 =	vmul.f32 v29, v22;
	v4 =	vadd.f32 v10, v4  }
0x22d: {  	(xrf2) =	vadd.scan.msk.f32 $0xffff, v7;
	v7 =	vadd.f32 v9, v12;
	v9 =	vld [tilespmem:$0x1F960]  }
0x22e: {  	(xrf2) =	vadd.scan.msk.f32 $0xffff, v3;
	v3 =	vadd.f32 v5, v4;
	v4 =	vld [tilespmem:$0x1F970]  }
0x22f: {  	v8 =	vsub.f32 $1.500000000e+00, v8;
	v5 =	vld [tilespmem:$0x1F980];
	_ =	sdelay $0x1  }
0x230: {  	v8 =	vmul.f32 v14, v8;
	_ =	sdelay $0x1  }
0x231: {  	v9 =	vmul.f32 v9, v20;
	v12 =	vmul.f32 v8, v15  }
0x232: {  	v4 =	vmul.f32 v4, v5  }
0x233: {  	(xrf2) =	vadd.scan.msk.f32 $0xffff, v1;
	v1 =	vadd.f32 v9, v7;
	v9 =	vmul.f32 v12, v8;
	v12 =	vld [tilespmem:$0x1F9B0]  }
0x234: {  	v2 =	vadd.f32 v4, v2;
	v4 =	vld [tilespmem:$0x1F9A0];
	_ =	sdelay $0x1  }
0x235: {  	v7 =	vld [tilespmem:$0x1F990];
	_ =	sdelay $0x2  }
0x236: {  	v4 =	vmul.f32 v4, v12  }
0x237: {  	v14 =	vld [tilespmem:$0x1F9F0]  }
0x238: {  	v7 =	vmul.f32 v7, v18;
	v2 =	vadd.f32 v4, v2;
	v4 =	vld [tilespmem:$0x1F9E0]  }
0x239: {  	v11 =	vshra.s32 v0, $0x1;
	v13 =	vmul.f32 $5.000000000e-01, v0  }
0x23a: {  	v11 =	vsub.s32 $0x5F3759DF, v11;
	v1 =	vadd.f32 v7, v1;
	v7 =	vld [tilespmem:$0x1F9C0]  }
0x23b: {  	v19 =	vmul.f32 v11, v13;
	v12 =	vld [tilespmem:$0x1F9D0]  }
0x23c: {  	v16 =	vld [tilespmem:$0x1FA10];
	v9 =	vsub.f32 $1.500000000e+00, v9  }
0x23d: {  	v19 =	vmul.f32 v11, v19;
	v4 =	vmul.f32 v4, v14;
	v14 =	vld [tilespmem:$0x1FA00]  }
0x23e: {  	v8 =	vmul.f32 v9, v8;
	v9 =	vld [tilespmem:$0x1FA30]  }
0x23f: {  	v19 =	vsub.f32 $1.500000000e+00, v19;
	v2 =	vadd.f32 v4, v2;
	v4 =	vld [tilespmem:$0x1FA20]  }
0x240: {  	v7 =	vmul.f32 v7, v12  }
0x241: {  	v17 =	vld [tilespmem:$0x1FA60];
	v11 =	vmul.f32 v11, v19  }
0x242: {  	v7 =	vadd.f32 v7, v43;
	v14 =	vmul.f32 v14, v16  }
0x243: {  	v10 =	vmul.f32 v11, v13;
	v16 =	vld [tilespmem:$0x1FA50]  }
0x244: {  	v4 =	vmul.f32 v4, v9;
	v7 =	vadd.f32 v14, v7;
	v14 =	vld [tilespmem:$0x1FA40]  }
0x245: {  	v18 =	vld [tilespmem:$0x1FA80];
	v5 =	vmul.f32 v10, v11  }
0x246: {  	v4 =	vadd.f32 v4, v17;
	v17 =	vld [tilespmem:$0x1FA70]  }
0x247: {  	v5 =	vsub.f32 $1.500000000e+00, v5;
	_ =	sdelay $0x1  }
0x248: {  	(xrf2) =	vadd.scan.msk.f32 $0xffff, v3;
	v10, _, _ =	vpop (xrf2);
	v5 =	vmul.f32 v5, v11;
	v14 =	vmul.f32 v14, v16  }
0x249: {  	v19 =	vld [tilespmem:$0x1FAC0];
	v3, _, _ =	vpop (xrf2)  }
0x24a: {  	v12, _, _ =	vpop (xrf2);
	v9 =	vmul.f32 v5, v13;
	v17 =	vmul.f32 v17, v18;
	v7 =	vadd.f32 v14, v7;
	v14 =	vld [tilespmem:$0x1FA90]  }
0x24b: {  	v11, _, _ =	vpop (xrf2);
	v18 =	vld [tilespmem:$0x1FAA0]  }
0x24c: {  	v15 =	vmul.f32 v8, v15;
	(xrf2) =	vadd.scan.msk.f32 $0xffff, v1;
	v1, _, _ =	vpop (xrf2);
	v9 =	vmul.f32 v9, v5;
	v4 =	vadd.f32 v17, v4;
	v17 =	vld [tilespmem:$0x1FAB0]  }
0x24d: {  	v13, _, _ =	vpop (xrf2)  }
0x24e: {  	v15 =	vmul.f32 v15, v8;
	v9 =	vsub.f32 $1.500000000e+00, v9;
	v16, _, _ =	vpop (xrf2)  }
0x24f: {  	(xrf2) =	vadd.scan.msk.f32 $0xffff, v2;
	v2, _, _ =	vpop (xrf2)  }
0x250: {  	v20 =	vld [tilespmem:$0x1FAD0];
	v15 =	vsub.f32 $1.500000000e+00, v15;
	v14 =	vadd.f32 v18, v14;
	v18, _, _ =	vpop (xrf2)  }
0x251: {  	v17 =	vmul.f32 v17, v19;
	v19, _, _ =	vpop (xrf2)  }
0x252: {  	v8 =	vmul.f32 v15, v8;
	v5 =	vmul.f32 v9, v5;
	v9, _, _ =	vpop (xrf2)  }
0x253: {  	(xrf2) =	vadd.scan.msk.f32 $0xffff, v7;
	v7 =	vbroadcast v19, $0xF;
	v4 =	vadd.f32 v17, v4;
	v9 =	vbroadcast v9, $0xF  }
0x254: {  	v21 =	vld [tilespmem:$0x1FAF0];
	v6 =	vmul.f32 v8, v6;
	v15 =	vbroadcast v18, $0xF  }
0x255: {  	v2 =	vbroadcast v2, $0xF;
	v14 =	vadd.f32 v20, v14;
	v20 =	vld [tilespmem:$0x1FAE0];
	(xrf2) =	vadd.scan.msk.f32 $0xffff, v4;
	v4 =	vsel vm0, v7, v9  }
0x256: {  	v4 =	vsel vm1, v4, v15  }
0x257: {  	v0 =	vmul.f32 v5, v0;
	v2 =	vsel vm2, v4, v2;
	v4 =	vmax.f32 v6, $9.999999930e-09  }
0x258: {  	v5, _, _ =	vpop (xrf2)  }
0x259: {  	v0 =	vmax.f32 v0, $9.999999930e-09;
	v5 =	vbroadcast v5, $0xF  }
0x25a: {  	v20 =	vmul.f32 v20, v21;
	v0 =	vmul.f32 v0, v4;
	v4, _, _ =	vpop (xrf2)  }
0x25b: {  	v7 =	vbroadcast v16, $0xF;
	v4 =	vbroadcast v4, $0xF  }
0x25c: {  	v14 =	vadd.f32 v20, v14;
	v2 =	vsel vm3, v2, v5;
	v5 =	vbroadcast v13, $0xF  }
0x25d: {  	v2 =	vsel vm4, v2, v7  }
0x25e: {  	v1 =	vbroadcast v1, $0xF;
	(xrf2) =	vadd.scan.msk.f32 $0xffff, v14;
	v2 =	vsel vm5, v2, v5  }
0x25f: {  	(erf) = vrcp.f32 v0;
	v0 =	vsel vm6, v2, v4;
	v2 =	vbroadcast v11, $0xF;
	v4, _, _ =	vpop (xrf2)  }
0x260: {  	v0 =	vsel vm7, v0, v1;
	v1 =	vbroadcast v4, $0xF  }
0x261: {  	v0 =	vsel vm8, v0, v2;
	v2 =	vbroadcast v12, $0xF  }
0x262: {  	v0 =	vsel vm9, v0, v1;
	v1 =	vbroadcast v3, $0xF  }
0x263: {  	v0 =	vsel vm10, v0, v2  }
0x264: {  	v3, _, _ =	vpop (xrf2);
	v0 =	vsel vm11, v0, v1;
	v1 =	vbroadcast v10, $0xF  }
0x265: {  	v2 =	vbroadcast v3, $0xF;
	_ =	sdelay $0x1  }
0x266: {  	v0 =	vsel vm12, v0, v2  }
0x267: {  	v0 =	vsel vm13, v0, v1;
	v1, _, _ =	vpop (xrf2)  }
0x268: {  	v0 =	vsel vm14, v0, v1;
	v1 =	vpop (erf)  }
0x269: {  	v0 =	vmul.f32 v1, v0;
	_ =	sdelay $0x1  }
0x26a: {  	v0 =	vmul.f32 $5.000000000e-01, v0;
	_ =	sdelay $0x1  }
0x26b: {  	v0 =	vadd.f32 $5.000000000e-01, v0;
	_ =	sdelay $0x1  }
0x26c: {  	s19 =	simm.s32 $0x800;
	[tilespmem:s15+$0x0] =	vst v0  }
0x26d: {  	v0 =	vld [tilespmem:s19+$0x4BB0]  }
0x26e: {  	v10 =	vld [tilespmem:s19+$0xBB0]  }
0x26f: {  	v39 =	vld [tilespmem:s19+$0x4BA0]  }
0x270: {  	v40 =	vld [tilespmem:s19+$0xBA0]  }
0x271: {  	v41 =	vld [tilespmem:s19+$0x4B30]  }
0x272: {  	v44 =	vld [tilespmem:s19+$0xB30]  }
0x273: {  	v42 =	vld [tilespmem:s19+$0x4B80]  }
0x274: {  	v43 =	vld [tilespmem:s19+$0xB80]  }
0x275: {  	v36 =	vld [tilespmem:s19+$0x4B90]  }
0x276: {  	v37 =	vld [tilespmem:s19+$0xB90]  }
0x277: {  	v12 =	vld [tilespmem:s19+$0x4AB0]  }
0x278: {  	v4 =	vld [tilespmem:s19+$0xAB0]  }
0x279: {  	v24 =	vld [tilespmem:s19+$0x4B20]  }
0x27a: {  	v25 =	vld [tilespmem:s19+$0xB20]  }
0x27b: {  	v13 =	vld [tilespmem:s19+$0x4A30]  }
0x27c: {  	v18 =	vld [tilespmem:s19+$0xA30]  }
0x27d: {  	v47 =	vld [tilespmem:s19+$0x4AA0]  }
0x27e: {  	v48 =	vld [tilespmem:s19+$0xAA0]  }
0x27f: {  	v33 =	vld [tilespmem:s19+$0x4B00]  }
0x280: {  	v35 =	vld [tilespmem:s19+$0xB00]  }
0x281: {  	v29 =	vld [tilespmem:s19+$0x4B10]  }
0x282: {  	v31 =	vld [tilespmem:s19+$0xB10]  }
0x283: {  	v60 =	vld [tilespmem:s19+$0x49B0]  }
0x284: {  	v17 =	vld [tilespmem:s19+$0x9B0]  }
0x285: {  	v14 =	vld [tilespmem:s19+$0x4A20]  }
0x286: {  	v11 =	vld [tilespmem:s19+$0xA20]  }
0x287: {  	v22 =	vld [tilespmem:s19+$0x4A80]  }
0x288: {  	v20 =	vld [tilespmem:s19+$0xA80]  }
0x289: {  	v46 =	vld [tilespmem:s19+$0x4A90]  }
0x28a: {  	v49 =	vld [tilespmem:s19+$0xA90]  }
0x28b: {  	v9 =	vld [tilespmem:s19+$0x4930]  }
0x28c: {  	v62 =	vld [tilespmem:s19+$0x930]  }
0x28d: {  	v5 =	vld [tilespmem:s19+$0x49A0]  }
0x28e: {  	v6 =	vld [tilespmem:s19+$0x9A0]  }
0x28f: {  	v57 =	vld [tilespmem:s19+$0x4A00]  }
0x290: {  	v23 =	vld [tilespmem:s19+$0xA00]  }
0x291: {  	v51 =	vld [tilespmem:s19+$0x4A10]  }
0x292: {  	v52 =	vld [tilespmem:s19+$0xA10]  }
0x293: {  	v15 =	vld [tilespmem:s19+$0x48B0];
	v2 =	vmul.f32 v42, v42;
	v16 =	vmul.f32 v36, v36  }
0x294: {  	v1 =	vld [tilespmem:s19+$0x8B0];
	[tilespmem:$0x1FE40] =	vst v5;
	v19 =	vmul.f32 v33, v33;
	v21 =	vmul.f32 v29, v29  }
0x295: {  	v53 =	vld [tilespmem:s19+$0x4920];
	[tilespmem:$0x1FDB0] =	vst v57;
	v27 =	vmul.f32 v35, v35;
	v28 =	vmul.f32 v31, v31  }
0x296: {  	v8 =	vld [tilespmem:s19+$0x4980];
	[tilespmem:$0x1FE00] =	vst v51;
	v30 =	vmul.f32 v0, v0;
	v56 =	vmul.f32 v24, v24  }
0x297: {  	v50 =	vld [tilespmem:s19+$0x980];
	[tilespmem:$0x1FE10] =	vst v52;
	v58 =	vmul.f32 v41, v41;
	v55 =	vmul.f32 v25, v25  }
0x298: {  	v54 =	vld [tilespmem:s19+$0x920];
	[tilespmem:$0x1FB10] =	vst v46;
	v46 =	vmul.f32 v46, v46;
	v38 =	vmul.f32 v20, v20  }
0x299: {  	v63 =	vld [tilespmem:s19+$0x48A0];
	[tilespmem:$0x1FB50] =	vst v49;
	v61 =	vmul.f32 v49, v49;
	v49 =	vmul.f32 v57, v57  }
0x29a: {  	v59 =	vld [tilespmem:s19+$0x990];
	[tilespmem:$0x1FCA0] =	vst v1;
	v51 =	vmul.f32 v51, v51;
	v34 =	vmul.f32 v14, v14  }
0x29b: {  	v7 =	vld [tilespmem:s19+$0x8A0];
	[tilespmem:$0x1FED0] =	vst v8;
	v45 =	vmul.f32 v23, v23;
	v52 =	vmul.f32 v52, v52  }
0x29c: {  	v3 =	vld [tilespmem:s19+$0x900];
	[tilespmem:$0x1FEE0] =	vst v50;
	v36 =	vmul.f32 v36, v37;
	v33 =	vmul.f32 v33, v35  }
0x29d: {  	v1 =	vld [tilespmem:s19+$0x4990];
	[tilespmem:$0x1FC50] =	vst v62;
	v62 =	vmul.f32 v62, v62;
	v2 =	vadd.f32 v16, v2;
	v16 =	vmul.f32 v39, v39  }
0x29e: {  	[tilespmem:$0x1FB00] =	vst v0;
	v0 =	vld [tilespmem:s19+$0x4900];
	v29 =	vmul.f32 v29, v31;
	v31 =	vmul.f32 v63, v63;
	v21 =	vadd.f32 v21, v19  }
0x29f: {  	[tilespmem:$0x1FF10] =	vst v59;
	v57 =	vld [tilespmem:s19+$0x47B0];
	v24 =	vmul.f32 v24, v25;
	v28 =	vadd.f32 v28, v27;
	v26 =	vadd.f32 v16, v2  }
0x2a0: {  	[tilespmem:$0x1FF80] =	vst v63;
	v25 =	vmul.f32 v15, v15;
	v19 =	vld [tilespmem:s19+$0x830];
	v32 =	vadd.f32 v56, v21;
	v56 =	vmul.f32 v22, v22  }
0x2a1: {  	[tilespmem:$0x1FB30] =	vst v47;
	v16 =	vld [tilespmem:s19+$0x4830];
	v28 =	vadd.f32 v55, v28;
	v27 =	vadd.f32 v30, v26;
	v30 =	vmul.f32 v44, v44  }
0x2a2: {  	[tilespmem:$0x1FB40] =	vst v3;
	v55 =	vld [tilespmem:s19+$0x4910];
	v26 =	vadd.f32 v58, v32;
	v32 =	vadd.f32 v46, v56;
	v58 =	vmul.f32 v47, v47  }
0x2a3: {  	[tilespmem:$0x1FB60] =	vst v12;
	v38 =	vadd.f32 v61, v38;
	v61 =	vmul.f32 v48, v48;
	v2 =	vld [tilespmem:s19+$0x890];
	v28 =	vadd.f32 v30, v28  }
0x2a4: {  	[tilespmem:$0x1FB70] =	vst v48;
	v56 =	vld [tilespmem:s19+$0x910];
	v46 =	vmul.f32 v12, v12;
	v30 =	vadd.f32 v58, v32;
	v32 =	vadd.f32 v51, v49  }
0x2a5: {  	[tilespmem:$0x1FB80] =	vst v4;
	v39 =	vmul.f32 v39, v40;
	v38 =	vadd.f32 v61, v38;
	v47 =	vmul.f32 v4, v4;
	v4 =	vld [tilespmem:s19+$0x4820]  }
0x2a6: {  	[tilespmem:$0x1FBC0] =	vst v10;
	v12 =	vld [tilespmem:s19+$0x820];
	v61 =	vadd.f32 v46, v30;
	v30 =	vadd.f32 v34, v32;
	v46 =	vmul.f32 v13, v13  }
0x2a7: {  	[tilespmem:$0x1FBD0] =	vst v53;
	v58 =	vld [tilespmem:s19+$0x7B0];
	v49 =	vmul.f32 v11, v11;
	v32 =	vadd.f32 v47, v38;
	v38 =	vadd.f32 v52, v45  }
0x2a8: {  	[tilespmem:$0x1FC00] =	vst v9;
	v51 =	vld [tilespmem:s19+$0x4880];
	v34 =	vmul.f32 v1, v1;
	v30 =	vadd.f32 v46, v30;
	v46 =	vmul.f32 v8, v8  }
0x2a9: {  	v48 =	vmul.f32 v43, v43;
	[tilespmem:$0x1FBA0] =	vst v39;
	v52 =	vld [tilespmem:s19+$0x880];
	v45 =	vmul.f32 v18, v18;
	v38 =	vadd.f32 v49, v38  }
0x2aa: {  	v39 =	vmul.f32 v40, v40;
	[tilespmem:$0x1FF00] =	vst v1;
	v1 =	vld [tilespmem:s19+$0x4890];
	v49 =	vmul.f32 v37, v37;
	v46 =	vadd.f32 v34, v46  }
0x2ab: {  	[tilespmem:$0x1FC20] =	vst v54;
	v8 =	vld [tilespmem:s19+$0x4730];
	v38 =	vadd.f32 v45, v38;
	v45 =	vmul.f32 v50, v50;
	v50 =	vmul.f32 v59, v59  }
0x2ac: {  	v21 =	vmovc v6;
	v34 =	vmul.f32 v5, v5;
	v47 =	vadd.f32 v49, v48;
	v48 =	vmul.f32 v6, v6;
	v5 =	vld [tilespmem:s19+$0x800]  }
0x2ad: {  	[tilespmem:$0x1FB90] =	vst v55;
	v49 =	vmul.f32 v55, v55;
	v55 =	vmul.f32 v42, v43;
	v6 =	vld [tilespmem:s19+$0x680];
	v45 =	vadd.f32 v50, v45  }
0x2ae: {  	[tilespmem:$0x1FBF0] =	vst v36;
	v44 =	vmul.f32 v41, v44;
	v59 =	vmul.f32 v60, v60;
	v46 =	vadd.f32 v34, v46;
	v34 =	vld [tilespmem:s19+$0x730]  }
0x2af: {  	v50 =	vld [tilespmem:s19+$0x47A0];
	[tilespmem:$0x1FBB0] =	vst v55;
	v55 =	vmul.f32 v17, v17;
	v39 =	vadd.f32 v39, v47;
	v45 =	vadd.f32 v48, v45  }
0x2b0: {  	[tilespmem:$0x1FC30] =	vst v51;
	v47 =	vmul.f32 v51, v51;
	v51 =	vld [tilespmem:s19+$0x720];
	v41 =	vadd.f32 v59, v46;
	v46 =	vmul.f32 v0, v0  }
0x2b1: {  	[tilespmem:$0x1FBE0] =	vst v56;
	v56 =	vmul.f32 v56, v56;
	v59 =	vld [tilespmem:s19+$0x7A0];
	v42 =	vadd.f32 v55, v45;
	v55 =	vmul.f32 v3, v3  }
0x2b2: {  	v36 =	vmul.f32 v9, v9;
	[tilespmem:$0x1FB20] =	vst v0;
	v43 =	vmul.f32 v10, v10;
	v40 =	vadd.f32 v49, v46;
	v49 =	vld [tilespmem:s19+$0x4810]  }
0x2b3: {  	[tilespmem:$0x1FD30] =	vst v57;
	v48 =	vld [tilespmem:s19+$0x4800];
	v45 =	vmul.f32 v54, v54;
	v37 =	vadd.f32 v56, v55;
	v56 =	vmul.f32 v1, v1  }
0x2b4: {  	v29 =	vadd.f32 v29, v33;
	[tilespmem:$0x1FCD0] =	vst v12;
	v0 =	vadd.f32 v43, v39;
	v46 =	vmul.f32 v53, v53;
	v53 =	vld [tilespmem:s19+$0x810]  }
0x2b5: {  	v12 =	vmul.f32 v12, v12;
	[tilespmem:$0x1FC60] =	vst v52;
	v54 =	vld [tilespmem:s19+$0x4720];
	v37 =	vadd.f32 v45, v37;
	v45 =	vadd.f32 v56, v47  }
0x2b6: {  	(xrf2) =	vadd.scan.msk.f32 $0xffff, v27;
	[tilespmem:$0x1FC10] =	vst v0;
	v3 =	vld [tilespmem:s19+$0x4780];
	v47 =	vmul.f32 v52, v52;
	v52 =	vmul.f32 v2, v2  }
0x2b7: {  	v0 =	vld [tilespmem:s19+$0x4790];
	v40 =	vadd.f32 v46, v40;
	[tilespmem:$0x1FC90] =	vst v49;
	v49 =	vmul.f32 v49, v49;
	v31 =	vadd.f32 v31, v45  }
0x2b8: {  	[tilespmem:$0x1FC70] =	vst v2;
	v46 =	vld [tilespmem:s19+$0x46B0];
	v35 =	vadd.f32 v62, v37;
	v37 =	vadd.f32 v52, v47;
	v47 =	vmul.f32 v13, v18  }
0x2b9: {  	[tilespmem:$0x1FC40] =	vst v1;
	v1 =	vld [tilespmem:s19+$0x790];
	v13 =	vadd.f32 v24, v29;
	v25 =	vadd.f32 v25, v31;
	v31 =	vmul.f32 v48, v48  }
0x2ba: {  	v43 =	vmul.f32 v7, v7;
	v36 =	vadd.f32 v36, v40;
	v40 =	vmul.f32 v4, v4;
	v62 =	vmovc v15;
	v15 =	vld [tilespmem:$0x1FCA0]  }
0x2bb: {  	(xrf2) =	vadd.scan.msk.f32 $0xffff, v26;
	v56 =	vld [tilespmem:s19+$0x780];
	v52 =	vmul.f32 v5, v5;
	v13 =	vadd.f32 v44, v13;
	v31 =	vadd.f32 v49, v31  }
0x2bc: {  	(xrf2) =	vadd.scan.msk.f32 $0xffff, v28;
	[tilespmem:$0x1FDC0] =	vst v58;
	v18 =	vld [tilespmem:s19+$0x4700];
	v24 =	vmul.f32 v60, v17;
	v49 =	vmul.f32 v53, v53  }
0x2bd: {  	v17 =	vmul.f32 v0, v0;
	[tilespmem:$0x1FCC0] =	vst v13;
	v13 =	vmul.f32 v3, v3;
	v31 =	vadd.f32 v40, v31;
	v40 =	vld [tilespmem:s19+$0x4710]  }
0x2be: {  	v55 =	vld [tilespmem:s19+$0x6B0];
	[tilespmem:$0x1FCF0] =	vst v0;
	v0 =	vmul.f32 v22, v20;
	v33 =	vadd.f32 v43, v37;
	v52 =	vadd.f32 v49, v52  }
0x2bf: {  	[tilespmem:$0x1FE30] =	vst v6;
	v2 =	vld [tilespmem:s19+$0x46A0];
	v37 =	vmul.f32 v15, v15;
	v10 =	vadd.f32 v17, v13;
	v13 =	vmul.f32 v50, v50  }
0x2c0: {  	[tilespmem:$0x1FCE0] =	vst v3;
	v44 =	vld [tilespmem:s19+$0x710];
	v3 =	vmul.f32 v19, v19;
	v17 =	vmul.f32 v56, v56;
	v12 =	vadd.f32 v12, v52  }
0x2c1: {  	v43 =	vld [tilespmem:s19+$0x700];
	[tilespmem:$0x1FD60] =	vst v0;
	v29 =	vadd.f32 v37, v33;
	v10 =	vadd.f32 v13, v10;
	v13 =	vmul.f32 v18, v18  }
0x2c2: {  	v0 =	vld [tilespmem:s19+$0x4690];
	v37 =	vadd.f32 v3, v12;
	v12 =	vmul.f32 v1, v1;
	[tilespmem:$0x1FD50] =	vst v40;
	v40 =	vmul.f32 v40, v40  }
0x2c3: {  	(xrf2) =	vadd.scan.msk.f32 $0xffff, v61;
	v27 =	vmul.f32 v54, v54;
	[tilespmem:$0x1FD20] =	vst v1;
	v1 =	vld [tilespmem:s19+$0x4680]  }
0x2c4: {  	[tilespmem:$0x1FD80] =	vst v54;
	v54 =	vld [tilespmem:s19+$0x530];
	v12 =	vadd.f32 v12, v17;
	v17 =	vmul.f32 v59, v59;
	v13 =	vadd.f32 v40, v13  }
0x2c5: {  	(xrf2) =	vadd.scan.msk.f32 $0xffff, v32;
	[tilespmem:$0x1FD00] =	vst v50;
	v61 =	vmov v2;
	v2 =	vld [tilespmem:$0x1FDB0];
	v28 =	vmul.f32 v44, v44  }
0x2c6: {  	[tilespmem:$0x1FDD0] =	vst v51;
	v45 =	vld [tilespmem:s19+$0x4630];
	v12 =	vadd.f32 v17, v12;
	v13 =	vadd.f32 v27, v13;
	v27 =	vmul.f32 v58, v58  }
0x2c7: {  	(xrf2) =	vadd.scan.msk.f32 $0xffff, v30;
	[tilespmem:$0x1FDF0] =	vst v0;
	v30 =	vmul.f32 v0, v0;
	v0 =	vld [tilespmem:$0x1FE00];
	v17 =	vmul.f32 v43, v43  }
0x2c8: {  	(xrf2) =	vadd.scan.msk.f32 $0xffff, v38;
	[tilespmem:$0x1FDE0] =	vst v1;
	v27 =	vadd.f32 v27, v12;
	v12 =	vmul.f32 v1, v1;
	v1 =	vld [tilespmem:$0x1FE10]  }
0x2c9: {  	[tilespmem:$0x1FC80] =	vst v48;
	v48 =	vld [tilespmem:s19+$0x6A0];
	v40 =	vmul.f32 v51, v51;
	v17 =	vadd.f32 v28, v17;
	v28 =	vmul.f32 v8, v8  }
0x2ca: {  	(xrf2) =	vadd.scan.msk.f32 $0xffff, v41;
	[tilespmem:$0x1FE20] =	vst v34;
	v33 =	vmul.f32 v14, v11;
	v11 =	vld [tilespmem:s19+$0x45A0];
	v9 =	vmul.f32 v2, v23  }
0x2cb: {  	[tilespmem:$0x1FD70] =	vst v59;
	v14 =	vld [tilespmem:s19+$0x4580];
	v2 =	vmul.f32 v34, v34;
	v28 =	vadd.f32 v28, v13;
	v13 =	vadd.f32 v40, v17  }
0x2cc: {  	(xrf2) =	vadd.scan.msk.f32 $0xffff, v42;
	[tilespmem:$0x1FCB0] =	vst v53;
	v59 =	vmov v4;
	v4 =	vld [tilespmem:s19+$0x4600]  }
0x2cd: {  	(xrf2) =	vadd.scan.msk.f32 $0xffff, v36;
	[tilespmem:$0x1FD10] =	vst v56;
	v36 =	vadd.f32 v2, v13;
	v2 =	vld [tilespmem:s19+$0x4590];
	v0 =	vmul.f32 v0, v1  }
0x2ce: {  	v60 =	vmul.f32 v57, v57;
	[tilespmem:$0x1FD90] =	vst v43;
	v1 =	vld [tilespmem:s19+$0x4610]  }
0x2cf: {  	[tilespmem:$0x1FDA0] =	vst v44;
	v3 =	vld [tilespmem:s19+$0x4620];
	v9 =	vadd.f32 v0, v9  }
0x2d0: {  	[tilespmem:$0x1FE60] =	vst v48;
	v26 =	vadd.f32 v60, v10;
	v10 =	vld [tilespmem:s19+$0x690]  }
0x2d1: {  	v44 =	vmul.f32 v48, v48;
	[tilespmem:$0x1FE70] =	vst v4;
	v0 =	vld [tilespmem:$0x1FE40];
	v9 =	vadd.f32 v33, v9  }
0x2d2: {  	v63 =	vmovc v7;
	v7 =	vmov v46;
	v43 =	vmul.f32 v46, v46;
	v46 =	vmul.f32 v4, v4;
	v4 =	vld [tilespmem:$0x1FF00];
	[tilespmem:$0x1FEC0] =	vst v2  }
0x2d3: {  	v57 =	vmul.f32 v2, v2;
	v2 =	vld [tilespmem:$0x1FEE0];
	[tilespmem:$0x1FE80] =	vst v1;
	v48 =	vmul.f32 v1, v1;
	v1 =	vadd.f32 v47, v9  }
0x2d4: {  	[tilespmem:$0x1FD40] =	vst v18;
	v9 =	vld [tilespmem:$0x1FF10]  }
0x2d5: {  	v41 =	vmul.f32 v6, v6;
	(xrf2) =	vadd.scan.msk.f32 $0xffff, v35;
	[tilespmem:$0x1FE90] =	vst v1;
	v1 =	vld [tilespmem:$0x1FED0]  }
0x2d6: {  	v53 =	vmul.f32 v16, v16;
	[tilespmem:$0x1FEF0] =	vst v45;
	v49 =	vld [tilespmem:s19+$0x45B0];
	v58 =	vmov v8;
	v8 =	vmul.f32 v0, v21;
	v0, _, _ =	vpop (xrf2)  }
0x2d7: {  	v6 =	vmovc v55;
	(xrf2) =	vadd.scan.msk.f32 $0xffff, v25;
	v12 =	vadd.f32 v30, v12;
	v30 =	vmul.f32 v61, v61;
	[tilespmem:$0x1FE50] =	vst v0;
	v0 =	vld [tilespmem:s19+$0x5A0]  }
0x2d8: {  	v50 =	vld [tilespmem:s19+$0x4530];
	v31 =	vadd.f32 v53, v31;
	[tilespmem:$0x1FEB0] =	vst v14;
	v20 =	vmul.f32 v11, v11;
	v42 =	vmul.f32 v10, v10  }
0x2d9: {  	v56 =	vld [tilespmem:s19+$0x600];
	v51 =	vmul.f32 v55, v55;
	v55 =	vmul.f32 v14, v14;
	[tilespmem:$0x1FEA0] =	vst v3;
	v13 =	vadd.f32 v30, v12  }
0x2da: {  	v30 =	vadd.f32 v42, v41;
	v12 =	vld [tilespmem:s19+$0x580];
	(xrf2) =	vadd.scan.msk.f32 $0xffff, v29;
	v25, _, _ =	vpop (xrf2);
	v23 =	vmul.f32 v4, v9;
	v22 =	vmul.f32 v1, v2  }
0x2db: {  	v53 =	vmul.f32 v3, v3;
	v29 =	vadd.f32 v43, v13;
	v13 =	vld [tilespmem:s19+$0x590];
	(xrf2) =	vadd.scan.msk.f32 $0xffff, v31;
	v31 =	vadd.f32 v48, v46;
	v38, _, _ =	vpop (xrf2)  }
0x2dc: {  	(xrf2) =	vadd.scan.msk.f32 $0xffff, v37;
	v33, _, _ =	vpop (xrf2);
	[tilespmem:$0x1FF50] =	vst v0;
	v22 =	vadd.f32 v23, v22;
	v23 =	vmul.f32 v0, v0;
	v0 =	vld [tilespmem:$0x1FF80]  }
0x2dd: {  	v3 =	vld [tilespmem:s19+$0x4500];
	v30 =	vadd.f32 v44, v30;
	(xrf2) =	vadd.scan.msk.f32 $0xffff, v26;
	v26 =	vadd.f32 v53, v31;
	v31 =	vmul.f32 v45, v45;
	v35, _, _ =	vpop (xrf2)  }
0x2de: {  	v14 =	vmul.f32 v49, v49;
	v42 =	vmul.f32 v62, v15;
	(xrf2) =	vadd.scan.msk.f32 $0xffff, v27;
	v27 =	vadd.f32 v57, v55;
	v1, _, _ =	vpop (xrf2);
	v2 =	vld [tilespmem:s19+$0x4510]  }
0x2df: {  	v52 =	vld [tilespmem:s19+$0x5B0];
	v30 =	vadd.f32 v51, v30;
	v45 =	vmul.f32 v16, v19;
	v26 =	vadd.f32 v31, v26;
	(xrf2) =	vadd.scan.msk.f32 $0xffff, v28;
	v60, _, _ =	vpop (xrf2)  }
0x2e0: {  	v31 =	vmul.f32 v12, v12;
	v37 =	vmul.f32 v13, v13;
	v39 =	vadd.f32 v20, v27;
	v20 =	vld [tilespmem:s19+$0x4520];
	v28, _, _ =	vpop (xrf2);
	(xrf2) =	vadd.scan.msk.f32 $0xffff, v36  }
0x2e1: {  	[tilespmem:$0x1FF20] =	vst v11;
	v27 =	vld [tilespmem:s19+$0x500];
	v44, _, _ =	vpop (xrf2);
	(xrf2) =	vadd.scan.msk.f32 $0xffff, v29;
	v51 =	vmul.f32 v0, v63;
	v0 =	vbroadcast v25, $0xF  }
0x2e2: {  	v15 =	vadd.f32 v37, v31;
	v46 =	vadd.f32 v14, v39;
	v14 =	vmul.f32 v3, v3;
	v29, _, _ =	vpop (xrf2);
	(xrf2) =	vadd.scan.msk.f32 $0xffff, v30;
	v30 =	vld [tilespmem:s19+$0x510]  }
0x2e3: {  	v53 =	vld [tilespmem:s19+$0x520];
	v41 =	vmul.f32 v2, v2;
	[tilespmem:$0x1FF90] =	vst v0;
	v0 =	vbroadcast v38, $0xF  }
0x2e4: {  	v16 =	vmul.f32 v52, v52;
	v19 =	vld [tilespmem:s19+$0x4410];
	v15 =	vadd.f32 v23, v15;
	v31, _, _ =	vpop (xrf2);
	[tilespmem:$0x1FF70] =	vst v2;
	(xrf2) =	vadd.scan.msk.f32 $0xffff, v26  }
0x2e5: {  	v4 =	vld [tilespmem:s19+$0x4430];
	v21 =	vmul.f32 v20, v20;
	v32, _, _ =	vpop (xrf2);
	v2 =	vadd.f32 v41, v14;
	[tilespmem:$0x1FFA0] =	vst v0;
	v0 =	vbroadcast v33, $0xF  }
0x2e6: {  	[tilespmem:$0x1FF60] =	vst v3;
	v8 =	vadd.f32 v8, v22;
	v22 =	vld [tilespmem:s19+$0x400];
	v26 =	vadd.f32 v16, v15;
	v15 =	vmul.f32 v27, v27;
	v34, _, _ =	vpop (xrf2)  }
0x2e7: {  	v16 =	vld [tilespmem:s19+$0x4420];
	v37, _, _ =	vpop (xrf2);
	v2 =	vadd.f32 v21, v2;
	v21 =	vmul.f32 v30, v30;
	[tilespmem:$0x1FFB0] =	vst v0;
	v0 =	vbroadcast v35, $0xF  }
0x2e8: {  	v11 =	vmov v49;
	[tilespmem:$0x1FF30] =	vst v12;
	v57 =	vmul.f32 v53, v53;
	v14 =	vld [tilespmem:s19+$0x4400];
	v40, _, _ =	vpop (xrf2)  }
0x2e9: {  	v62 =	vmul.f32 v19, v19;
	v25 =	vld [tilespmem:s19+$0x410];
	v41, _, _ =	vpop (xrf2);
	v15 =	vadd.f32 v21, v15;
	[tilespmem:$0x1FFC0] =	vst v0;
	v0 =	vadd.f32 v24, v8  }
0x2ea: {  	v17 =	vmov v52;
	v55 =	vld [tilespmem:s19+$0x430];
	[tilespmem:$0x1FF40] =	vst v13;
	v18 =	vbroadcast v28, $0xF;
	v35, _, _ =	vpop (xrf2);
	v8 =	vmul.f32 v50, v50  }
0x2eb: {  	v13 =	vmov v54;
	v28 =	vld [tilespmem:s19+$0x4490];
	v63 =	vmul.f32 v54, v54;
	v43, _, _ =	vpop (xrf2);
	[tilespmem:$0x1FFD0] =	vst v0;
	v0 =	vbroadcast v1, $0xF  }
0x2ec: {  	v23 =	vld [tilespmem:s19+$0x420];
	(xrf2) =	vadd.scan.msk.f32 $0xffff, v46;
	v54 =	vbroadcast v44, $0xF;
	v49 =	vmul.f32 v22, v22;
	v8 =	vadd.f32 v8, v2;
	v2, _, _ =	vpop (xrf2)  }
0x2ed: {  	v38 =	vld [tilespmem:s19+$0x44A0];
	v33 =	vadd.f32 v57, v15;
	v15, _, _ =	vpop (xrf2);
	[tilespmem:$0x1FFE0] =	vst v0;
	v0 =	vbroadcast v60, $0xF;
	v60 =	vmul.f32 v14, v14  }
0x2ee: {  	v12 =	vmov v50;
	(xrf2) =	vadd.scan.msk.f32 $0xffff, v26;
	v48 =	vmul.f32 v16, v16;
	v52 =	vmul.f32 v25, v25;
	v24 =	vld [tilespmem:s19+$0x4480];
	v44, _, _ =	vpop (xrf2)  }
0x2ef: {  	s20 =	simm.s32 $0x4000;
	s18 =	smov.u32 s15;
	v26 =	vadd.f32 v63, v33;
	v33 =	vld [tilespmem:s19+$0x480];
	(xrf2) =	vadd.scan.msk.f32 $0xffff, v8;
	v50, _, _ =	vpop (xrf2);
	[tilespmem:$0x1FFF0] =	vst v0;
	v46 =	vadd.f32 v62, v60  }
.LBB2_5:
0x2f0: {  	v0 =	vld [tilespmem:$0x1FB20]  }
0x2f1: {  	v1 =	vld [tilespmem:$0x1FB40];
	_ =	sdelay $0x4  }
0x2f2: {  	v47 =	vld [tilespmem:s19+$0x490];
	v0 =	vmul.f32 v0, v1  }
0x2f3: {  	v49 =	vadd.f32 v52, v49;
	v52 =	vbroadcast v29, $0xF;
	v29 =	vld [tilespmem:s19+$0x4A0];
	v60 =	vmul.f32 v23, v23  }
0x2f4: {  	v36 =	vmov v55;
	[tilespmem:$0x1F4B0] =	vst v0;
	v0 =	vld [tilespmem:$0x1FCD0]  }
0x2f5: {  	v63 =	vmul.f32 v36, v36;
	v49 =	vadd.f32 v60, v49  }
0x2f6: {  	(xrf2) =	vadd.scan.msk.f32 $0xffff, v26;
	v26 =	vbroadcast v31, $0xF;
	v31 =	vld [tilespmem:s19+$0x4B0]  }
0x2f7: {  	v60 =	vmul.f32 v47, v47;
	v55 =	vadd.f32 v63, v49;
	v49 =	vmul.f32 v33, v33  }
0x2f8: {  	v1 =	vld [tilespmem:$0x1FC60]  }
0x2f9: {  	v21 =	vmul.f32 v29, v29;
	v60 =	vadd.f32 v60, v49;
	v59 =	vmul.f32 v59, v0;
	v0 =	vld [tilespmem:$0x1FC30]  }
0x2fa: {  	v8 =	vadd.f32 v48, v46;
	v57 =	vmul.f32 v4, v4  }
0x2fb: {  	v46 =	vld [tilespmem:s19+$0x44B0];
	v21 =	vadd.f32 v21, v60;
	v60 =	vmul.f32 v31, v31  }
0x2fc: {  	v62 =	vmul.f32 v24, v24;
	v8 =	vadd.f32 v57, v8;
	v57 =	vmul.f32 v28, v28  }
0x2fd: {  	v21 =	vadd.f32 v60, v21;
	v60 =	vld [tilespmem:$0x1FC80]  }
0x2fe: {  	v39 =	vmovc v56;
	v56 =	vadd.f32 v57, v62;
	v57 =	vmul.f32 v38, v38;
	v62 =	vmul.f32 v0, v1;
	v0 =	vld [tilespmem:$0x1FC40]  }
0x2ff: {  	v1 =	vld [tilespmem:$0x1FC70]  }
0x300: {  	v56 =	vadd.f32 v57, v56;
	v57 =	vmul.f32 v46, v46  }
0x301: {  	v3 =	vmov v58;
	v58, _, _ =	vpop (xrf2);
	(xrf2) =	vadd.scan.msk.f32 $0xffff, v8  }
0x302: {  	v9, _, _ =	vpop (xrf2);
	(xrf2) =	vadd.scan.msk.f32 $0xffff, v55;
	v55 =	vadd.f32 v57, v56  }
0x303: {  	v48 =	vld [tilespmem:s19+$0x610]  }
0x304: {  	v63 =	vmul.f32 v0, v1;
	v0, _, _ =	vpop (xrf2);
	(xrf2) =	vadd.scan.msk.f32 $0xffff, v55;
	v55 =	vmul.f32 v60, v5;
	v5 =	vld [tilespmem:$0x1FC90]  }
0x305: {  	v60 =	vld [tilespmem:$0x1FCB0]  }
0x306: {  	[tilespmem:$0x1F4A0] =	vst v4;
	v4 =	vld [tilespmem:$0x1FE20]  }
0x307: {  	v8 =	vld [tilespmem:s19+$0x620];
	_ =	sdelay $0x1  }
0x308: {  	v49 =	vld [tilespmem:s19+$0x630];
	v56 =	vmul.f32 v39, v39;
	v57 =	vmul.f32 v48, v48  }
0x309: {  	v1 =	vbroadcast v32, $0xF;
	v5 =	vmul.f32 v5, v60  }
0x30a: {  	v32 =	vadd.f32 v57, v56;
	v57 =	vadd.f32 v63, v62;
	v63 =	vmul.f32 v3, v4;
	v3 =	vld [tilespmem:$0x1FD80]  }
0x30b: {  	v56 =	vmul.f32 v8, v8;
	v55 =	vadd.f32 v5, v55;
	v5 =	vld [tilespmem:$0x1FDD0];
	_ =	sdelay $0x1  }
0x30c: {  	v32 =	vadd.f32 v56, v32;
	v56 =	vmul.f32 v49, v49;
	_ =	sdelay $0x1  }
0x30d: {  	v62, _, _ =	vpop (xrf2);
	(xrf2) =	vadd.scan.msk.f32 $0xffff, v21;
	v21 =	vadd.f32 v56, v32;
	v56 =	vmul.f32 v7, v6;
	v6 =	vld [tilespmem:$0x1FD10]  }
0x30e: {  	v3 =	vmul.f32 v3, v5;
	v5 =	vld [tilespmem:$0x1FCE0];
	_ =	sdelay $0x4  }
0x30f: {  	v32 =	vmul.f32 v5, v6;
	v5 =	vld [tilespmem:$0x1FD40]  }
0x310: {  	v6 =	vld [tilespmem:$0x1FD90];
	_ =	sdelay $0x4  }
0x311: {  	v60, _, _ =	vpop (xrf2);
	(xrf2) =	vadd.scan.msk.f32 $0xffff, v21;
	v21 =	vmul.f32 v5, v6;
	v5 =	vld [tilespmem:$0x1FD50]  }
0x312: {  	v6 =	vld [tilespmem:$0x1FDA0];
	_ =	sdelay $0x4  }
0x313: {  	v4 =	vadd.f32 v51, v57;
	v57 =	vmul.f32 v5, v6;
	v5 =	vld [tilespmem:$0x1FDE0]  }
0x314: {  	v6 =	vld [tilespmem:$0x1FE30];
	_ =	sdelay $0x4  }
0x315: {  	v6 =	vmul.f32 v5, v6;
	v5 =	vld [tilespmem:$0x1FDF0];
	_ =	sdelay $0x3  }
0x316: {  	v21 =	vadd.f32 v57, v21  }
0x317: {  	v42 =	vadd.f32 v42, v4;
	v4 =	vmul.f32 v5, v10  }
0x318: {  	v3 =	vadd.f32 v3, v21;
	v21 =	vld [tilespmem:$0x1FC10]  }
0x319: {  	v6 =	vadd.f32 v4, v6;
	v4 =	vld [tilespmem:$0x1FCC0];
	_ =	sdelay $0x1  }
0x31a: {  	v5 =	vld [tilespmem:$0x1FE60]  }
0x31b: {  	v51, _, _ =	vpop (xrf2)  }
0x31c: {  	v7, _, _ =	vpop (xrf2);
	(xrf2) =	vadd.scan.msk.f32 $0xffff, v21  }
0x31d: {  	v55 =	vadd.f32 v59, v55;
	v59 =	vbroadcast v60, $0xF;
	v60, _, _ =	vpop (xrf2);
	(xrf2) =	vadd.scan.msk.f32 $0xffff, v4;
	v4 =	vld [tilespmem:$0x1FE90]  }
0x31e: {  	v21 =	vbroadcast v50, $0xF;
	v50 =	vbroadcast v60, $0xF  }
0x31f: {  	v61 =	vmul.f32 v61, v5;
	v5 =	vbroadcast v51, $0xF;
	_ =	sdelay $0x1  }
0x320: {  	v50 =	vsel vm0, v5, v50;
	v5 =	vld [tilespmem:$0x1FF50]  }
0x321: {  	v3 =	vadd.f32 v63, v3;
	v63, _, _ =	vpop (xrf2);
	(xrf2) =	vadd.scan.msk.f32 $0xffff, v4;
	v4 =	vld [tilespmem:$0x1FF20]  }
0x322: {  	v7 =	vbroadcast v7, $0xF  }
0x323: {  	v0 =	vbroadcast v0, $0xF  }
0x324: {  	v7 =	vsel vm0, v59, v7  }
0x325: {  	v0 =	vsel vm1, v7, v0;
	v7 =	vbroadcast v9, $0xF;
	v9 =	vld [tilespmem:$0x1FF30]  }
0x326: {  	v4 =	vmul.f32 v4, v5;
	v5 =	vld [tilespmem:$0x1FEB0];
	_ =	sdelay $0x4  }
0x327: {  	v5 =	vmul.f32 v5, v9;
	v9 =	vld [tilespmem:$0x1FFD0];
	_ =	sdelay $0x3  }
0x328: {  	v10 =	vadd.f32 v45, v55;
	v55 =	vmul.f32 v11, v17;
	v11 =	vld [tilespmem:$0x1FF40]  }
0x329: {  	v37 =	vbroadcast v37, $0xF;
	v41 =	vbroadcast v41, $0xF;
	(xrf2) =	vadd.scan.msk.f32 $0xffff, v9;
	v9 =	vld [tilespmem:$0x1FEC0]  }
0x32a: {  	v43 =	vbroadcast v43, $0xF;
	v44 =	vbroadcast v44, $0xF  }
0x32b: {  	v6 =	vadd.f32 v61, v6;
	v61 =	vbroadcast v62, $0xF;
	v62 =	vbroadcast v58, $0xF  }
0x32c: {  	v15 =	vbroadcast v15, $0xF;
	v57 =	vbroadcast v63, $0xF  }
0x32d: {  	v58 =	vmul.f32 v12, v13;
	v45 =	vsel vm1, v50, v61;
	v0 =	vsel vm2, v0, v62  }
0x32e: {  	v7 =	vsel vm2, v45, v7;
	v0 =	vsel vm3, v0, v21;
	v12 =	vmul.f32 v9, v11;
	v9 =	vld [tilespmem:$0x1FE70]  }
0x32f: {  	v2 =	vbroadcast v2, $0xF;
	v17 =	vsel vm3, v7, v57;
	v0 =	vsel vm4, v0, v15  }
0x330: {  	v35 =	vbroadcast v35, $0xF;
	v13 =	vsel vm4, v17, v44;
	v0 =	vsel vm5, v0, v43  }
0x331: {  	v40 =	vbroadcast v40, $0xF;
	v2 =	vsel vm5, v13, v2;
	v0 =	vsel vm6, v0, v41  }
0x332: {  	v34 =	vbroadcast v34, $0xF;
	v2 =	vsel vm6, v2, v35;
	v11 =	vsel vm7, v0, v37  }
0x333: {  	v2 =	vsel vm7, v2, v40;
	v13 =	vmul.f32 v9, v39;
	v9 =	vsel vm8, v11, v1  }
0x334: {  	v1 =	vsel vm8, v2, v34;
	v2 =	vsel vm9, v9, v52;
	v9 =	vld [tilespmem:$0x1FFE0];
	_ =	sdelay $0x1  }
0x335: {  	v7, _, _ =	vpop (xrf2);
	(xrf2) =	vadd.scan.msk.f32 $0xffff, v42;
	v5 =	vadd.f32 v12, v5  }
0x336: {  	v0, _, _ =	vpop (xrf2);
	(xrf2) =	vadd.scan.msk.f32 $0xffff, v10;
	v10 =	vld [tilespmem:$0x1FFF0]  }
0x337: {  	v4 =	vadd.f32 v4, v5;
	v5 =	vld [tilespmem:$0x1FF60];
	v2 =	vsel vm10, v2, v18  }
0x338: {  	v2 =	vsel vm11, v2, v9;
	v9 =	vld [tilespmem:$0x1FF70]  }
0x339: {  	v1 =	vsel vm9, v1, v26;
	v11 =	vadd.f32 v55, v4;
	v4 =	vld [tilespmem:$0x1FFC0]  }
0x33a: {  	v1 =	vsel vm10, v1, v54  }
0x33b: {  	v10 =	vsel vm11, v1, v10;
	v1 =	vld [tilespmem:$0x1FFB0];
	_ =	sdelay $0x1  }
0x33c: {  	v5 =	vmul.f32 v5, v27;
	v9 =	vmul.f32 v9, v30  }
0x33d: {  	v4 =	vsel vm12, v10, v4;
	v10 =	vld [tilespmem:$0x1FF90]  }
0x33e: {  	v5 =	vadd.f32 v9, v5;
	v9 =	vld [tilespmem:$0x1FFA0]  }
0x33f: {  	v2 =	vsel vm12, v2, v1  }
0x340: {  	v6 =	vadd.f32 v56, v6  }
0x341: {  	v1, _, _ =	vpop (xrf2);
	(xrf2) =	vadd.scan.msk.f32 $0xffff, v3  }
0x342: {  	v14 =	vmul.f32 v14, v22;
	v10 =	vsel vm13, v2, v10;
	v2, _, _ =	vpop (xrf2);
	(xrf2) =	vadd.scan.msk.f32 $0xffff, v6;
	v6 =	vmul.f32 v19, v25  }
0x343: {  	v9 =	vsel vm13, v4, v9;
	v4 =	vld [tilespmem:$0x1FE50]  }
0x344: {  	v16 =	vmul.f32 v16, v23;
	v6 =	vadd.f32 v6, v14;
	_ =	sdelay $0x1  }
0x345: {  	v6 =	vadd.f32 v16, v6;
	v16 =	vld [tilespmem:$0x1F4A0]  }
0x346: {  	v12 =	vmul.f32 v20, v53  }
0x347: {  	v4 =	vsel vm14, v10, v4  }
0x348: {  	v5 =	vadd.f32 v12, v5;
	v3 =	vshra.s32 v4, $0x1;
	_ =	sdelay $0x1  }
0x349: {  	v5 =	vadd.f32 v58, v5;
	v16 =	vmul.f32 v16, v36  }
0x34a: {  	v7 =	vsel vm14, v9, v7;
	v17 =	vsub.s32 $0x5F3759DF, v3;
	v3, _, _ =	vpop (xrf2);
	(xrf2) =	vadd.scan.msk.f32 $0xffff, v11  }
0x34b: {  	v15 =	vmul.f32 $5.000000000e-01, v7;
	v10 =	vshra.s32 v7, $0x1;
	v19, _, _ =	vpop (xrf2);
	(xrf2) =	vadd.scan.msk.f32 $0xffff, v5;
	v5 =	vadd.f32 v16, v6;
	v6 =	vld [tilespmem:$0x1FE80]  }
0x34c: {  	v10 =	vsub.s32 $0x5F3759DF, v10  }
0x34d: {  	v9 =	vmul.f32 $5.000000000e-01, v4;
	v12 =	vmul.f32 v10, v15  }
0x34e: {  	v14 =	vmul.f32 v28, v47;
	v11 =	vmul.f32 v24, v33  }
0x34f: {  	v18 =	vmul.f32 v17, v9;
	v12 =	vmul.f32 v10, v12  }
0x350: {  	v11 =	vadd.f32 v14, v11;
	v14 =	vmul.f32 v38, v29;
	v6 =	vmul.f32 v6, v48  }
0x351: {  	v18 =	vmul.f32 v17, v18  }
0x352: {  	v11 =	vadd.f32 v14, v11;
	v14 =	vmul.f32 v46, v31;
	v6 =	vadd.f32 v6, v13;
	v13 =	vld [tilespmem:$0x1FEA0]  }
0x353: {  	v20 =	vsub.f32 $1.500000000e+00, v12  }
0x354: {  	v18 =	vsub.f32 $1.500000000e+00, v18;
	v12, _, _ =	vpop (xrf2);
	(xrf2) =	vadd.scan.msk.f32 $0xffff, v5;
	v5 =	vadd.f32 v14, v11;
	v11 =	vld [tilespmem:$0x1FCF0]  }
0x355: {  	v14 =	vld [tilespmem:$0x1FD20]  }
0x356: {  	v17 =	vmul.f32 v17, v18  }
0x357: {  	v8 =	vmul.f32 v13, v8  }
0x358: {  	v10 =	vmul.f32 v10, v20;
	v20 =	vld [tilespmem:$0x1FD70];
	v18 =	vmul.f32 v17, v9  }
0x359: {  	v6 =	vadd.f32 v8, v6;
	v8 =	vld [tilespmem:$0x1FEF0]  }
0x35a: {  	v11 =	vmul.f32 v11, v14;
	v14 =	vmul.f32 v18, v17;
	v18 =	vld [tilespmem:$0x1FD00];
	_ =	sdelay $0x3  }
0x35b: {  	v8 =	vmul.f32 v8, v49  }
0x35c: {  	v18 =	vmul.f32 v18, v20;
	v20 =	vld [tilespmem:$0x1FDC0]  }
0x35d: {  	v16, _, _ =	vpop (xrf2);
	(xrf2) =	vadd.scan.msk.f32 $0xffff, v5;
	v11 =	vadd.f32 v11, v32;
	v5 =	vadd.f32 v8, v6;
	v6 =	vld [tilespmem:$0x1FB90]  }
0x35e: {  	v14 =	vsub.f32 $1.500000000e+00, v14;
	v8 =	vld [tilespmem:$0x1FBE0]  }
0x35f: {  	v11 =	vadd.f32 v18, v11;
	v18 =	vld [tilespmem:$0x1FD30]  }
0x360: {  	v14 =	vmul.f32 v14, v17;
	v17 =	vld [tilespmem:$0x1F4B0];
	_ =	sdelay $0x2  }
0x361: {  	v6 =	vmul.f32 v6, v8  }
0x362: {  	v18 =	vmul.f32 v18, v20;
	v20 =	vld [tilespmem:$0x1FC20]  }
0x363: {  	v6 =	vadd.f32 v6, v17;
	v17 =	vld [tilespmem:$0x1FBD0];
	_ =	sdelay $0x1  }
0x364: {  	v13 =	vmul.f32 v10, v15;
	_ =	sdelay $0x2  }
0x365: {  	v17 =	vmul.f32 v17, v20  }
0x366: {  	v21 =	vmul.f32 v13, v10;
	v13, _, _ =	vpop (xrf2);
	(xrf2) =	vadd.scan.msk.f32 $0xffff, v5;
	v5 =	vadd.f32 v18, v11;
	v18 =	vld [tilespmem:$0x1FC50]  }
0x367: {  	v6 =	vadd.f32 v17, v6;
	v17 =	vld [tilespmem:$0x1FC00]  }
0x368: {  	v8 =	vsub.f32 $1.500000000e+00, v21  }
0x369: {  	v11 =	vld [tilespmem:$0x1FB50]  }
0x36a: {  	v8 =	vmul.f32 v8, v10;
	v10 =	vld [tilespmem:$0x1FB10];
	_ =	sdelay $0x1  }
0x36b: {  	v17 =	vmul.f32 v17, v18;
	v18 =	vld [tilespmem:$0x1FD60];
	_ =	sdelay $0x2  }
0x36c: {  	v10 =	vmul.f32 v10, v11  }
0x36d: {  	v20 =	vld [tilespmem:$0x1FB70]  }
0x36e: {  	v10 =	vadd.f32 v10, v18;
	v18 =	vld [tilespmem:$0x1FB30];
	_ =	sdelay $0x4  }
0x36f: {  	v18 =	vmul.f32 v18, v20  }
0x370: {  	v20 =	vld [tilespmem:$0x1FB60]  }
0x371: {  	v10 =	vadd.f32 v18, v10;
	v18 =	vld [tilespmem:$0x1FB80];
	_ =	sdelay $0x1  }
0x372: {  	v11, _, _ =	vpop (xrf2);
	(xrf2) =	vadd.scan.msk.f32 $0xffff, v5;
	v5 =	vadd.f32 v17, v6;
	v6 =	vld [tilespmem:$0x1FBB0]  }
0x373: {  	v17 =	vld [tilespmem:$0x1FBF0];
	_ =	sdelay $0x1  }
0x374: {  	v9 =	vmul.f32 v14, v9;
	v18 =	vmul.f32 v20, v18;
	v20 =	vld [tilespmem:$0x1FBA0];
	_ =	sdelay $0x1  }
0x375: {  	v9 =	vmul.f32 v9, v14;
	v15 =	vmul.f32 v8, v15  }
0x376: {  	v6 =	vadd.f32 v17, v6  }
0x377: {  	v9 =	vsub.f32 $1.500000000e+00, v9;
	v21 =	vld [tilespmem:$0x1FBC0];
	v15 =	vmul.f32 v15, v8  }
0x378: {  	v6 =	vadd.f32 v20, v6;
	v20 =	vld [tilespmem:$0x1FB00]  }
0x379: {  	v9 =	vmul.f32 v9, v14;
	v15 =	vsub.f32 $1.500000000e+00, v15  }
0x37a: {  	v13 =	vbroadcast v13, $0xF;
	v17, _, _ =	vpop (xrf2);
	(xrf2) =	vadd.scan.msk.f32 $0xffff, v5  }
0x37b: {  	v4 =	vmul.f32 v9, v4;
	v15 =	vmul.f32 v15, v8;
	v14, _, _ =	vpop (xrf2);
	v10 =	vadd.f32 v18, v10  }
0x37c: {  	v5 =	vbroadcast v17, $0xF;
	v14 =	vbroadcast v14, $0xF  }
0x37d: {  	v11 =	vbroadcast v11, $0xF;
	(xrf2) =	vadd.scan.msk.f32 $0xffff, v10;
	v20 =	vmul.f32 v20, v21  }
0x37e: {  	v9 =	vbroadcast v16, $0xF;
	v8, _, _ =	vpop (xrf2);
	v5 =	vsel vm0, v5, v14;
	v14 =	vmul.f32 v15, v7  }
0x37f: {  	v8 =	vbroadcast v8, $0xF;
	v5 =	vsel vm1, v5, v11;
	v6 =	vadd.f32 v20, v6  }
0x380: {  	v4 =	vmax.f32 v4, $9.999999930e-09;
	v5 =	vsel vm2, v5, v13;
	v10 =	vmax.f32 v14, $9.999999930e-09  }
0x381: {  	v7, _, _ =	vpop (xrf2);
	v5 =	vsel vm3, v5, v8;
	v8 =	vbroadcast v12, $0xF;
	v4 =	vmul.f32 v4, v10;
	(xrf2) =	vadd.scan.msk.f32 $0xffff, v6  }
0x382: {  	v9 =	vsel vm4, v5, v9;
	v6 =	vbroadcast v7, $0xF  }
0x383: {  	v8 =	vsel vm5, v9, v8;
	(erf) = vrcp.f32 v4;
	v7 =	vbroadcast v19, $0xF  }
0x384: {  	v3 =	vbroadcast v3, $0xF;
	v5, _, _ =	vpop (xrf2);
	v4 =	vsel vm6, v8, v6  }
0x385: {  	v5 =	vbroadcast v5, $0xF;
	v6 =	vsel vm7, v4, v7  }
0x386: {  	v2 =	vbroadcast v2, $0xF;
	v3 =	vsel vm8, v6, v3  }
0x387: {  	v1 =	vbroadcast v1, $0xF;
	v3 =	vsel vm9, v3, v5;
	v4, _, _ =	vpop (xrf2)  }
0x388: {  	v2 =	vsel vm10, v3, v2;
	v3 =	vbroadcast v4, $0xF  }
0x389: {  	v0 =	vbroadcast v0, $0xF;
	v4 =	vsel vm11, v2, v1  }
0x38a: {  	v2 =	vsel vm12, v4, v3  }
0x38b: {  	v0 =	vsel vm13, v2, v0;
	v1, _, _ =	vpop (xrf2)  }
0x38c: {  	v0 =	vsel vm14, v0, v1;
	v1 =	vpop (erf)  }
0x38d: {  	v0 =	vmul.f32 v1, v0;
	_ =	sdelay $0x1  }
0x38e: {  	v0 =	vmul.f32 $5.000000000e-01, v0;
	_ =	sdelay $0x1  }
0x38f: {  	v0 =	vadd.f32 $5.000000000e-01, v0  }
0x390: {  	s18 =	sadd.s32 $0x10, s18  }
0x391: {  	s19 =	sshra.s32 s20, $0x2;
	[tilespmem:s18+$0x0] =	vst v0  }
0x392: {  	v59 =	vld [tilespmem:s19+$0x4BB0]  }
0x393: {  	v4 =	vld [tilespmem:s19+$0xBB0]  }
0x394: {  	v34 =	vld [tilespmem:s19+$0x4BA0]  }
0x395: {  	v32 =	vld [tilespmem:s19+$0xBA0]  }
0x396: {  	v30 =	vld [tilespmem:s19+$0x4B30]  }
0x397: {  	v31 =	vld [tilespmem:s19+$0xB30]  }
0x398: {  	v28 =	vld [tilespmem:s19+$0x4B80]  }
0x399: {  	v29 =	vld [tilespmem:s19+$0xB80]  }
0x39a: {  	v18 =	vld [tilespmem:s19+$0x4B90]  }
0x39b: {  	v24 =	vld [tilespmem:s19+$0xB90]  }
0x39c: {  	v50 =	vld [tilespmem:s19+$0x4AB0]  }
0x39d: {  	v53 =	vld [tilespmem:s19+$0xAB0]  }
0x39e: {  	v15 =	vld [tilespmem:s19+$0x4B20]  }
0x39f: {  	v17 =	vld [tilespmem:s19+$0xB20]  }
0x3a0: {  	v10 =	vld [tilespmem:s19+$0x4A30]  }
0x3a1: {  	v13 =	vld [tilespmem:s19+$0xA30]  }
0x3a2: {  	v41 =	vld [tilespmem:s19+$0x4AA0]  }
0x3a3: {  	v42 =	vld [tilespmem:s19+$0xAA0]  }
0x3a4: {  	v25 =	vld [tilespmem:s19+$0x4B00]  }
0x3a5: {  	v27 =	vld [tilespmem:s19+$0xB00]  }
0x3a6: {  	v21 =	vld [tilespmem:s19+$0x4B10]  }
0x3a7: {  	v26 =	vld [tilespmem:s19+$0xB10]  }
0x3a8: {  	v3 =	vld [tilespmem:s19+$0x49B0]  }
0x3a9: {  	v7 =	vld [tilespmem:s19+$0x9B0]  }
0x3aa: {  	v1 =	vld [tilespmem:s19+$0x4A20]  }
0x3ab: {  	v6 =	vld [tilespmem:s19+$0xA20]  }
0x3ac: {  	v11 =	vld [tilespmem:s19+$0x4A80]  }
0x3ad: {  	v0 =	vld [tilespmem:s19+$0x8B0]  }
0x3ae: {  	v5 =	vld [tilespmem:s19+$0x4980]  }
0x3af: {  	v61 =	vld [tilespmem:s19+$0x980]  }
0x3b0: {  	v2 =	vld [tilespmem:s19+$0xA80]  }
0x3b1: {  	v43 =	vld [tilespmem:s19+$0x4A90]  }
0x3b2: {  	v44 =	vld [tilespmem:s19+$0xA90];
	[tilespmem:$0x1F4C0] =	vst v0;
	v19 =	vmul.f32 v28, v28  }
0x3b3: {  	v45 =	vld [tilespmem:s19+$0x4930];
	v20 =	vmul.f32 v18, v18;
	v23 =	vmul.f32 v34, v34;
	[tilespmem:$0x1F4D0] =	vst v5  }
0x3b4: {  	v46 =	vld [tilespmem:s19+$0x930];
	v56 =	vmul.f32 v25, v25;
	v57 =	vmul.f32 v21, v21;
	[tilespmem:$0x1F4E0] =	vst v61  }
0x3b5: {  	v54 =	vld [tilespmem:s19+$0x49A0];
	[tilespmem:$0x1FB00] =	vst v59;
	v37 =	vmul.f32 v59, v59;
	v59 =	vmul.f32 v15, v15  }
0x3b6: {  	v8 =	vld [tilespmem:s19+$0x9A0];
	v60 =	vmul.f32 v27, v27;
	v62 =	vmul.f32 v26, v26;
	[tilespmem:$0x1FB10] =	vst v43  }
0x3b7: {  	v16 =	vld [tilespmem:s19+$0x4A00];
	v63 =	vmul.f32 v30, v30;
	v51 =	vmul.f32 v17, v17;
	[tilespmem:$0x1FB30] =	vst v41  }
0x3b8: {  	v47 =	vld [tilespmem:s19+$0x4920];
	v52 =	vmul.f32 v11, v11;
	[tilespmem:$0x1FB50] =	vst v44;
	v55 =	vmul.f32 v44, v44  }
0x3b9: {  	v12 =	vld [tilespmem:s19+$0xA00];
	[tilespmem:$0x1FB60] =	vst v50;
	v40 =	vmul.f32 v1, v1;
	v34 =	vmul.f32 v34, v32  }
0x3ba: {  	v48 =	vld [tilespmem:s19+$0x920];
	[tilespmem:$0x1FB70] =	vst v42;
	v44 =	vmul.f32 v6, v6;
	v32 =	vmul.f32 v32, v32  }
0x3bb: {  	v38 =	vld [tilespmem:s19+$0x4A10];
	[tilespmem:$0x1FB80] =	vst v53;
	v28 =	vmul.f32 v28, v29;
	v18 =	vmul.f32 v18, v24  }
0x3bc: {  	v14 =	vld [tilespmem:s19+$0xA10];
	[tilespmem:$0x1FBC0] =	vst v4;
	v25 =	vmul.f32 v25, v27;
	v26 =	vmul.f32 v21, v26;
	v22 =	vadd.f32 v20, v19  }
0x3bd: {  	v9 =	vld [tilespmem:s19+$0x48B0];
	[tilespmem:$0x1FBD0] =	vst v47;
	v17 =	vmul.f32 v15, v17;
	v1 =	vmul.f32 v1, v6;
	v33 =	vadd.f32 v57, v56  }
0x3be: {  	v0 =	vld [tilespmem:s19+$0x48A0];
	[tilespmem:$0x1FC00] =	vst v45;
	v49 =	vadd.f32 v62, v60;
	v60 =	vmul.f32 v43, v43;
	v58 =	vadd.f32 v23, v22  }
0x3bf: {  	[tilespmem:$0x1FC20] =	vst v48;
	v20 =	vld [tilespmem:s19+$0x4990];
	v62 =	vmul.f32 v31, v31;
	v57 =	vmul.f32 v50, v50;
	v33 =	vadd.f32 v59, v33  }
0x3c0: {  	[tilespmem:$0x1FC50] =	vst v46;
	v19 =	vld [tilespmem:s19+$0x4830];
	v31 =	vmul.f32 v30, v31;
	v26 =	vadd.f32 v26, v25;
	v36 =	vadd.f32 v37, v58  }
0x3c1: {  	v56 =	vld [tilespmem:s19+$0x4900];
	[tilespmem:$0x1FBA0] =	vst v34;
	v25 =	vmul.f32 v10, v13;
	v35 =	vadd.f32 v63, v33;
	v37 =	vadd.f32 v51, v49  }
0x3c2: {  	v50 =	vld [tilespmem:s19+$0x910];
	v63 =	vmul.f32 v41, v41;
	v58 =	vmul.f32 v42, v42;
	(xrf2) =	vadd.scan.msk.f32 $0xffff, v36;
	v36 =	vadd.f32 v60, v52  }
0x3c3: {  	v23 =	vld [tilespmem:s19+$0x990];
	v52 =	vmul.f32 v2, v2;
	v37 =	vadd.f32 v62, v37;
	v60 =	vmul.f32 v16, v16;
	(xrf2) =	vadd.scan.msk.f32 $0xffff, v35  }
0x3c4: {  	[tilespmem:$0x1FBB0] =	vst v28;
	v22 =	vld [tilespmem:s19+$0x830];
	v62 =	vmul.f32 v38, v38;
	v36 =	vadd.f32 v63, v36;
	v63 =	vmul.f32 v53, v53  }
0x3c5: {  	[tilespmem:$0x1FBF0] =	vst v18;
	v59 =	vld [tilespmem:s19+$0x900];
	v35 =	vadd.f32 v55, v52;
	v53 =	vmul.f32 v12, v12;
	v55 =	vmul.f32 v14, v14  }
0x3c6: {  	v17 =	vadd.f32 v17, v26;
	[tilespmem:$0x1F500] =	vst v0;
	v49 =	vld [tilespmem:s19+$0x4910];
	v41 =	vmul.f32 v4, v4;
	v4 =	vmul.f32 v10, v10  }
0x3c7: {  	[tilespmem:$0x1F4F0] =	vst v20;
	(xrf2) =	vadd.scan.msk.f32 $0xffff, v37;
	v37 =	vadd.f32 v62, v60;
	v34 =	vadd.f32 v55, v53;
	v55 =	vld [tilespmem:s19+$0x890]  }
0x3c8: {  	v33 =	vld [tilespmem:s19+$0x8A0];
	v42 =	vmul.f32 v29, v29;
	v29 =	vmul.f32 v47, v47;
	[tilespmem:$0x1FB20] =	vst v56;
	v35 =	vadd.f32 v58, v35  }
0x3c9: {  	v51 =	vld [tilespmem:s19+$0x47B0];
	[tilespmem:$0x1FBE0] =	vst v50;
	v12 =	vmul.f32 v16, v12;
	v36 =	vadd.f32 v57, v36;
	v37 =	vadd.f32 v40, v37  }
0x3ca: {  	v47 =	vld [tilespmem:s19+$0x720];
	[tilespmem:$0x1FB40] =	vst v59;
	v40 =	vmul.f32 v20, v20;
	v53 =	vmul.f32 v13, v13;
	v35 =	vadd.f32 v63, v35  }
0x3cb: {  	v52 =	vld [tilespmem:s19+$0x7B0];
	(xrf2) =	vadd.scan.msk.f32 $0xffff, v36;
	v37 =	vadd.f32 v4, v37;
	v34 =	vadd.f32 v44, v34;
	v44 =	vmul.f32 v49, v49  }
0x3cc: {  	v60 =	vld [tilespmem:s19+$0x4880];
	[tilespmem:$0x1FC70] =	vst v55;
	v55 =	vmul.f32 v55, v55;
	v43, _, _ =	vpop (xrf2);
	(xrf2) =	vadd.scan.msk.f32 $0xffff, v35;
	v35 =	vmul.f32 v5, v5  }
0x3cd: {  	v62 =	vld [tilespmem:s19+$0x880];
	[tilespmem:$0x1FB90] =	vst v49;
	v39, _, _ =	vpop (xrf2);
	(xrf2) =	vadd.scan.msk.f32 $0xffff, v37;
	v37 =	vmul.f32 v61, v61;
	v61 =	vmul.f32 v23, v23  }
0x3ce: {  	v16 =	vld [tilespmem:s19+$0x580];
	v34 =	vadd.f32 v53, v34;
	[tilespmem:$0x1FE50] =	vst v43;
	v43 =	vmul.f32 v24, v24;
	v24 =	vmul.f32 v48, v48  }
0x3cf: {  	[tilespmem:$0x1FD30] =	vst v51;
	v63 =	vld [tilespmem:s19+$0x4890];
	v35 =	vadd.f32 v40, v35;
	v40 =	vmul.f32 v54, v54;
	v30 =	vadd.f32 v61, v37  }
0x3d0: {  	[tilespmem:$0x1FDD0] =	vst v47;
	v58 =	vld [tilespmem:s19+$0x4820];
	v37 =	vmul.f32 v8, v8;
	v42 =	vadd.f32 v43, v42;
	v43 =	vmul.f32 v56, v56  }
0x3d1: {  	v57 =	vld [tilespmem:s19+$0x820];
	v48 =	vmul.f32 v60, v60;
	v36, _, _ =	vpop (xrf2);
	(xrf2) =	vadd.scan.msk.f32 $0xffff, v34;
	v35 =	vadd.f32 v40, v35;
	v40 =	vmul.f32 v3, v3  }
0x3d2: {  	v20 =	vmovc v54;
	v4 =	vld [tilespmem:s19+$0x4730];
	v30 =	vadd.f32 v37, v30;
	v37 =	vmul.f32 v7, v7;
	v28 =	vadd.f32 v44, v43  }
0x3d3: {  	v49 =	vld [tilespmem:s19+$0x800];
	[tilespmem:$0x1FC30] =	vst v60;
	v35 =	vadd.f32 v40, v35;
	v40 =	vmul.f32 v59, v59;
	v59 =	vmul.f32 v50, v50  }
0x3d4: {  	[tilespmem:$0x1FC60] =	vst v62;
	v53 =	vld [tilespmem:s19+$0x47A0];
	v50 =	vmul.f32 v63, v63;
	v28 =	vadd.f32 v29, v28;
	v29 =	vmul.f32 v45, v45  }
0x3d5: {  	[tilespmem:$0x1FDC0] =	vst v52;
	v13 =	vmul.f32 v58, v58;
	v61 =	vld [tilespmem:s19+$0x4800];
	v37 =	vadd.f32 v37, v30;
	v18 =	vadd.f32 v59, v40  }
0x3d6: {  	[tilespmem:$0x1FC40] =	vst v63;
	v56 =	vld [tilespmem:s19+$0x4810];
	v34, _, _ =	vpop (xrf2);
	(xrf2) =	vadd.scan.msk.f32 $0xffff, v35;
	v27 =	vadd.f32 v50, v48;
	v28 =	vadd.f32 v29, v28  }
0x3d7: {  	v63 =	vld [tilespmem:$0x1F4C0];
	v29 =	vmul.f32 v0, v0;
	v35, _, _ =	vpop (xrf2);
	(xrf2) =	vadd.scan.msk.f32 $0xffff, v37;
	v18 =	vadd.f32 v24, v18;
	v24 =	vmul.f32 v46, v46  }
0x3d8: {  	v8 =	vmul.f32 v20, v8;
	v32 =	vadd.f32 v32, v42;
	v44 =	vld [tilespmem:s19+$0x810];
	v30, _, _ =	vpop (xrf2);
	(xrf2) =	vadd.scan.msk.f32 $0xffff, v28;
	v28 =	vmul.f32 v62, v62  }
0x3d9: {  	[tilespmem:$0x1FF30] =	vst v16;
	v6 =	vbroadcast v34, $0xF;
	v46 =	vld [tilespmem:s19+$0x4780];
	v18 =	vadd.f32 v24, v18;
	v24 =	vadd.f32 v29, v27  }
0x3da: {  	[tilespmem:$0x1FCD0] =	vst v57;
	v5 =	vld [tilespmem:s19+$0x730];
	v27 =	vmul.f32 v9, v9;
	v29 =	vmul.f32 v33, v33;
	v28 =	vadd.f32 v55, v28  }
0x3db: {  	v32 =	vadd.f32 v41, v32;
	v59 =	vmul.f32 v56, v56;
	v37 =	vld [tilespmem:s19+$0x4790];
	v21, _, _ =	vpop (xrf2);
	(xrf2) =	vadd.scan.msk.f32 $0xffff, v18;
	v18 =	vmul.f32 v61, v61  }
0x3dc: {  	v60 =	vmovc v9;
	v55 =	vld [tilespmem:s19+$0x4710];
	v0 =	vadd.f32 v27, v24;
	v27 =	vadd.f32 v29, v28;
	v28 =	vmul.f32 v63, v63  }
0x3dd: {  	v54 =	vld [tilespmem:s19+$0x7A0];
	[tilespmem:$0x1FD00] =	vst v53;
	v26 =	vmul.f32 v44, v44;
	v9 =	vadd.f32 v31, v17;
	v10 =	vadd.f32 v59, v18  }
0x3de: {  	v48 =	vld [tilespmem:s19+$0x780];
	[tilespmem:$0x1FC80] =	vst v61;
	v17 =	vmul.f32 v46, v46;
	v18 =	vmul.f32 v49, v49;
	v27 =	vadd.f32 v28, v27  }
0x3df: {  	v40 =	vld [tilespmem:s19+$0x790];
	[tilespmem:$0x1FC10] =	vst v32;
	v28 =	vbroadcast v39, $0xF;
	v10 =	vadd.f32 v13, v10;
	v13 =	vmul.f32 v19, v19  }
0x3e0: {  	v32 =	vld [tilespmem:s19+$0x4700];
	v15, _, _ =	vpop (xrf2);
	(xrf2) =	vadd.scan.msk.f32 $0xffff, v0;
	v18 =	vadd.f32 v26, v18;
	v26 =	vmul.f32 v57, v57;
	v0 =	vmul.f32 v11, v2  }
0x3e1: {  	v20 =	vld [tilespmem:s19+$0x4520];
	[tilespmem:$0x1FC90] =	vst v56;
	v2 =	vmul.f32 v55, v55;
	v24, _, _ =	vpop (xrf2);
	(xrf2) =	vadd.scan.msk.f32 $0xffff, v27;
	v27 =	vmul.f32 v37, v37  }
0x3e2: {  	v43 =	vld [tilespmem:s19+$0x46B0];
	[tilespmem:$0x1FCB0] =	vst v44;
	v10 =	vadd.f32 v13, v10;
	v13 =	vadd.f32 v26, v18;
	v26 =	vbroadcast v36, $0xF  }
0x3e3: {  	v41 =	vld [tilespmem:s19+$0x4720];
	[tilespmem:$0x1FF90] =	vst v28;
	v28 =	vmul.f32 v3, v7;
	v3 =	vmul.f32 v48, v48  }
0x3e4: {  	v56 =	vld [tilespmem:s19+$0x710];
	v18 =	vmul.f32 v22, v22;
	[tilespmem:$0x1FFA0] =	vst v26;
	v17 =	vadd.f32 v27, v17;
	v26 =	vmul.f32 v53, v53  }
0x3e5: {  	v44 =	vld [tilespmem:s19+$0x700];
	v7 =	vmul.f32 v40, v40;
	[tilespmem:$0x1FD60] =	vst v0;
	v0 =	vmul.f32 v32, v32;
	v29, _, _ =	vpop (xrf2);
	(xrf2) =	vadd.scan.msk.f32 $0xffff, v10  }
0x3e6: {  	[tilespmem:$0x1FFB0] =	vst v6;
	v61 =	vld [tilespmem:s19+$0x46A0];
	v10 =	vadd.f32 v18, v13;
	v13 =	vadd.f32 v26, v17;
	v17 =	vmul.f32 v51, v51  }
0x3e7: {  	v6 =	vbroadcast v35, $0xF;
	[tilespmem:$0x1FD20] =	vst v40;
	v40 =	vld [tilespmem:s19+$0x4680];
	v3 =	vadd.f32 v7, v3;
	v18 =	vmul.f32 v54, v54  }
0x3e8: {  	[tilespmem:$0x1FCC0] =	vst v9;
	v9 =	vmul.f32 v38, v14;
	v7 =	vld [tilespmem:s19+$0x4690];
	v0 =	vadd.f32 v2, v0;
	v13 =	vadd.f32 v17, v13  }
0x3e9: {  	v2 =	vmul.f32 v41, v41;
	v31, _, _ =	vpop (xrf2);
	(xrf2) =	vadd.scan.msk.f32 $0xffff, v10;
	v10 =	vld [tilespmem:s19+$0x690];
	v3 =	vadd.f32 v18, v3;
	v17 =	vmul.f32 v52, v52  }
0x3ea: {  	[tilespmem:$0x1FD40] =	vst v32;
	v26 =	vld [tilespmem:s19+$0x680];
	v18 =	vmul.f32 v56, v56;
	v32, _, _ =	vpop (xrf2);
	(xrf2) =	vadd.scan.msk.f32 $0xffff, v13;
	v13 =	vmul.f32 v44, v44  }
0x3eb: {  	[tilespmem:$0x1FE20] =	vst v5;
	v50 =	vld [tilespmem:s19+$0x6A0];
	v0 =	vadd.f32 v2, v0;
	v2 =	vmul.f32 v4, v4;
	v3 =	vadd.f32 v17, v3  }
0x3ec: {  	v42 =	vld [tilespmem:s19+$0x4630];
	[tilespmem:$0x1FFC0] =	vst v6;
	v9 =	vadd.f32 v9, v12;
	v17 =	vmul.f32 v47, v47;
	v13 =	vadd.f32 v18, v13  }
0x3ed: {  	v45 =	vld [tilespmem:s19+$0x6B0];
	v11 =	vmul.f32 v7, v7;
	v0 =	vadd.f32 v2, v0;
	v34, _, _ =	vpop (xrf2);
	(xrf2) =	vadd.scan.msk.f32 $0xffff, v3;
	v3 =	vmul.f32 v40, v40  }
0x3ee: {  	v6 =	vld [tilespmem:s19+$0x4600];
	[tilespmem:$0x1FCF0] =	vst v37;
	v12 =	vmul.f32 v10, v10;
	v2 =	vadd.f32 v17, v13;
	v13 =	vmul.f32 v5, v5  }
0x3ef: {  	v53 =	vld [tilespmem:s19+$0x4610];
	v37, _, _ =	vpop (xrf2);
	v3 =	vadd.f32 v11, v3;
	v11 =	vmul.f32 v61, v61;
	(xrf2) =	vadd.scan.msk.f32 $0xffff, v0;
	v0 =	vmul.f32 v26, v26  }
0x3f0: {  	v14 =	vld [tilespmem:s19+$0x4580];
	v1 =	vadd.f32 v1, v9;
	[tilespmem:$0x1FE30] =	vst v26;
	v26 =	vmul.f32 v50, v50;
	v2 =	vadd.f32 v13, v2  }
0x3f1: {  	[tilespmem:$0x1FD70] =	vst v54;
	v13 =	vld [tilespmem:s19+$0x4590];
	v3 =	vadd.f32 v11, v3;
	v11 =	vmul.f32 v43, v43;
	v0 =	vadd.f32 v12, v0  }
0x3f2: {  	[tilespmem:$0x1FEF0] =	vst v42;
	v38 =	vld [tilespmem:s19+$0x44A0];
	v1 =	vadd.f32 v25, v1  }
0x3f3: {  	[tilespmem:$0x1FCE0] =	vst v46;
	v46 =	vld [tilespmem:s19+$0x4530];
	v3 =	vadd.f32 v11, v3;
	v0 =	vadd.f32 v26, v0;
	v11 =	vmul.f32 v45, v45  }
0x3f4: {  	v39 =	vld [tilespmem:s19+$0x45B0];
	[tilespmem:$0x1FDE0] =	vst v40;
	v9 =	vmul.f32 v53, v53;
	v40, _, _ =	vpop (xrf2);
	(xrf2) =	vadd.scan.msk.f32 $0xffff, v2;
	v2 =	vmul.f32 v6, v6  }
0x3f5: {  	[tilespmem:$0x1FE90] =	vst v1;
	v0 =	vadd.f32 v11, v0;
	v11 =	vld [tilespmem:$0x1F4D0]  }
0x3f6: {  	v1 =	vadd.f32 v9, v2;
	v9 =	vbroadcast v21, $0xF;
	[tilespmem:$0x1FEC0] =	vst v13;
	v21 =	vmul.f32 v13, v13;
	v13 =	vld [tilespmem:$0x1F4E0]  }
0x3f7: {  	[tilespmem:$0x1FD80] =	vst v41;
	v27 =	vld [tilespmem:s19+$0x4620]  }
0x3f8: {  	[tilespmem:$0x1FD50] =	vst v55;
	v55 =	vld [tilespmem:s19+$0x430]  }
0x3f9: {  	[tilespmem:$0x1FD90] =	vst v44;
	v44 =	vld [tilespmem:s19+$0x45A0]  }
0x3fa: {  	[tilespmem:$0x1FD10] =	vst v48;
	v17 =	vld [tilespmem:s19+$0x590]  }
0x3fb: {  	v62 =	vmov v19;
	[tilespmem:$0x1FDA0] =	vst v56;
	v19 =	vmul.f32 v11, v13;
	v11 =	vld [tilespmem:$0x1F4F0]  }
0x3fc: {  	[tilespmem:$0x1FE60] =	vst v50;
	v36 =	vld [tilespmem:s19+$0x5B0];
	v2 =	vmul.f32 v27, v27  }
0x3fd: {  	[tilespmem:$0x1FE70] =	vst v6;
	v51 =	vld [tilespmem:s19+$0x5A0];
	v41, _, _ =	vpop (xrf2);
	(xrf2) =	vadd.scan.msk.f32 $0xffff, v3;
	v3 =	vmul.f32 v14, v14  }
0x3fe: {  	v12 =	vld [tilespmem:s19+$0x4510];
	[tilespmem:$0x1FFF0] =	vst v9;
	v1 =	vadd.f32 v2, v1;
	v2 =	vmul.f32 v42, v42  }
0x3ff: {  	v9 =	vld [tilespmem:s19+$0x4500];
	v35, _, _ =	vpop (xrf2);
	(xrf2) =	vadd.scan.msk.f32 $0xffff, v0;
	v0 =	vmul.f32 v16, v16;
	v3 =	vadd.f32 v21, v3;
	v21 =	vmul.f32 v44, v44  }
0x400: {  	v59 =	vmovc v58;
	v57 =	vmov v22;
	[tilespmem:$0x1FEA0] =	vst v27;
	v27 =	vld [tilespmem:s19+$0x500];
	v22 =	vmul.f32 v11, v23;
	v23 =	vmul.f32 v17, v17  }
0x401: {  	v58 =	vmovc v4;
	[tilespmem:$0x1FEB0] =	vst v14;
	v4 =	vbroadcast v30, $0xF;
	v30 =	vld [tilespmem:s19+$0x510];
	v13 =	vadd.f32 v21, v3;
	v3 =	vmul.f32 v39, v39  }
0x402: {  	[tilespmem:$0x1FDF0] =	vst v7;
	v14 =	vld [tilespmem:s19+$0x4400];
	v16 =	vmul.f32 v51, v51;
	v1 =	vadd.f32 v2, v1;
	v0 =	vadd.f32 v23, v0  }
0x403: {  	v54 =	vbroadcast v24, $0xF;
	v7 =	vmovc v43;
	[tilespmem:$0x1FFE0] =	vst v4;
	v3 =	vadd.f32 v3, v13;
	v21 =	vadd.f32 v22, v19;
	v19 =	vld [tilespmem:s19+$0x4410]  }
0x404: {  	v48 =	vld [tilespmem:s19+$0x530];
	v43, _, _ =	vpop (xrf2);
	(xrf2) =	vadd.scan.msk.f32 $0xffff, v1;
	v1 =	vmul.f32 v9, v9;
	v23 =	vmul.f32 v36, v36;
	v0 =	vadd.f32 v16, v0  }
0x405: {  	v25 =	vld [tilespmem:s19+$0x410];
	[tilespmem:$0x1FE80] =	vst v53;
	v2, _, _ =	vpop (xrf2);
	(xrf2) =	vadd.scan.msk.f32 $0xffff, v3;
	v3 =	vmul.f32 v27, v27;
	v22 =	vmul.f32 v12, v12  }
0x406: {  	v53 =	vld [tilespmem:s19+$0x520];
	[tilespmem:$0x1FF50] =	vst v51;
	v8 =	vadd.f32 v8, v21;
	v21 =	vmul.f32 v30, v30;
	v0 =	vadd.f32 v23, v0  }
0x407: {  	v24 =	vld [tilespmem:s19+$0x4480];
	v18 =	vbroadcast v15, $0xF;
	[tilespmem:$0x1FF20] =	vst v44;
	v26 =	vmul.f32 v20, v20;
	v1 =	vadd.f32 v22, v1  }
0x408: {  	v15, _, _ =	vpop (xrf2);
	v16 =	vld [tilespmem:s19+$0x4420];
	v3 =	vadd.f32 v21, v3;
	v21 =	vmul.f32 v19, v19;
	(xrf2) =	vadd.scan.msk.f32 $0xffff, v0;
	v0 =	vmul.f32 v14, v14  }
0x409: {  	[tilespmem:$0x1FF70] =	vst v12;
	v22 =	vld [tilespmem:s19+$0x400];
	v8 =	vadd.f32 v28, v8  }
0x40a: {  	p0 =	sne.s32 s20, $0xE000;
	v12 =	vmovc v46;
	v1 =	vadd.f32 v26, v1;
	v26 =	vmul.f32 v46, v46;
	v46 =	vadd.f32 v21, v0;
	v0 =	vld [tilespmem:$0x1F500]  }
.Ltmp1:
0x40b: {  	v56 =	vld [tilespmem:s19+$0x600];
	v52 =	vmul.f32 v25, v25;
	[tilespmem:$0x1FFD0] =	vst v8;
	v8 =	vmul.f32 v53, v53;
	(pc) =	sbr.rel @p0 .LBB2_5-.Ltmp1, $4  }
0x40c: {  	v4 =	vld [tilespmem:s19+$0x4430];
	v5 =	vmovc v49;
	v6 =	vmov v45;
	v45 =	vmul.f32 v62, v57;
	[tilespmem:$0x1FF40] =	vst v17;
	v42 =	vmul.f32 v60, v63  }
0x40d: {  	v13 =	vmovc v48;
	v23 =	vld [tilespmem:s19+$0x420];
	v1 =	vadd.f32 v26, v1;
	v3 =	vadd.f32 v8, v3;
	v8 =	vmul.f32 v48, v48  }
0x40e: {  	[tilespmem:$0x1FF60] =	vst v9;
	v11 =	vmov v39;
	v17 =	vmov v36;
	v44, _, _ =	vpop (xrf2);
	v28 =	vld [tilespmem:s19+$0x4490];
	v49 =	vmul.f32 v22, v22  }
0x40f: {  	s20 =	sadd.s32 $0x2000, s20;
	v50, _, _ =	vpop (xrf2);
	v48 =	vmul.f32 v16, v16;
	(xrf2) =	vadd.scan.msk.f32 $0xffff, v1;
	v26 =	vadd.f32 v8, v3;
	v51 =	vmul.f32 v0, v33;
	v33 =	vld [tilespmem:s19+$0x480]  }
0x410: {  	v8 =	vld [tilespmem:s19+$0x490];
	_ =	sdelay $0x1  }
0x411: {  	v36 =	vld [tilespmem:s19+$0x4A0]  }
0x412: {  	v21 =	vmul.f32 v24, v24;
	v0 =	vmul.f32 v4, v4  }
0x413: {  	v47 =	vld [tilespmem:s19+$0x610];
	v46 =	vadd.f32 v48, v46;
	v3 =	vmul.f32 v23, v23;
	v9 =	vmul.f32 v28, v28  }
0x414: {  	v62 =	vld [tilespmem:s19+$0x44B0];
	v1 =	vadd.f32 v52, v49;
	v57 =	vmul.f32 v33, v33;
	v60 =	vmul.f32 v8, v8  }
0x415: {  	v63 =	vmul.f32 v38, v38;
	v0 =	vadd.f32 v0, v46;
	v46 =	vld [tilespmem:s19+$0x620];
	v21 =	vadd.f32 v9, v21  }
0x416: {  	v1 =	vadd.f32 v3, v1;
	v9 =	vmul.f32 v36, v36;
	v3 =	vadd.f32 v60, v57  }
0x417: {  	v21 =	vadd.f32 v63, v21  }
0x418: {  	v48 =	vld [tilespmem:s19+$0x4B0];
	v63 =	vmul.f32 v56, v56;
	v3 =	vadd.f32 v9, v3;
	v9 =	vmul.f32 v47, v47  }
0x419: {  	v52 =	vld [tilespmem:$0x1FC70];
	v60 =	vmul.f32 v62, v62  }
0x41a: {  	v39 =	vmul.f32 v55, v55;
	[tilespmem:$0x1F490] =	vst v55;
	v55 =	vld [tilespmem:$0x1FC80];
	v63 =	vadd.f32 v9, v63;
	v9 =	vmul.f32 v46, v46  }
0x41b: {  	(xrf2) =	vadd.scan.msk.f32 $0xffff, v26;
	v60 =	vadd.f32 v60, v21;
	v21 =	vld [tilespmem:$0x1FC30]  }
0x41c: {  	(xrf2) =	vadd.scan.msk.f32 $0xffff, v0;
	v0 =	vadd.f32 v9, v63;
	v9 =	vld [tilespmem:$0x1FC60]  }
0x41d: {  	v26 =	vld [tilespmem:$0x1FC40];
	v1 =	vadd.f32 v39, v1;
	v57 =	vmul.f32 v48, v48  }
0x41e: {  	v39 =	vmov v56;
	v56 =	vld [tilespmem:$0x1FC90]  }
0x41f: {  	(xrf2) =	vadd.scan.msk.f32 $0xffff, v1;
	v3 =	vadd.f32 v57, v3;
	v57 =	vld [tilespmem:$0x1FCB0]  }
0x420: {  	(xrf2) =	vadd.scan.msk.f32 $0xffff, v60  }
0x421: {  	v49 =	vld [tilespmem:s19+$0x630];
	(xrf2) =	vadd.scan.msk.f32 $0xffff, v3;
	v3 =	vmul.f32 v21, v9  }
0x422: {  	v21 =	vmul.f32 v26, v52;
	v26 =	vmul.f32 v55, v5;
	v55 =	vld [tilespmem:$0x1FE20]  }
0x423: {  	v9 =	vld [tilespmem:$0x1FCD0]  }
0x424: {  	v63 =	vmul.f32 v56, v57;
	v56 =	vld [tilespmem:$0x1FD80]  }
0x425: {  	v57 =	vld [tilespmem:$0x1FDD0]  }
0x426: {  	v1 =	vmul.f32 v49, v49;
	v26 =	vadd.f32 v63, v26;
	v63 =	vld [tilespmem:$0x1FD50]  }
0x427: {  	v3 =	vadd.f32 v21, v3;
	v21 =	vmul.f32 v58, v55;
	v58 =	vld [tilespmem:$0x1FD40]  }
0x428: {  	v0 =	vadd.f32 v1, v0;
	v1 =	vmul.f32 v59, v9;
	v59 =	vld [tilespmem:$0x1FD90]  }
0x429: {  	v9 =	vld [tilespmem:$0x1FDA0];
	_ =	sdelay $0x3  }
0x42a: {  	v56 =	vmul.f32 v56, v57;
	v1 =	vadd.f32 v1, v26;
	v26 =	vld [tilespmem:$0x1FDE0]  }
0x42b: {  	v57 =	vmul.f32 v58, v59;
	v58 =	vmul.f32 v63, v9;
	v63 =	vld [tilespmem:$0x1FE30];
	_ =	sdelay $0x2  }
0x42c: {  	v52 =	vmul.f32 v7, v6;
	v7 =	vld [tilespmem:$0x1FDF0]  }
0x42d: {  	v9 =	vld [tilespmem:$0x1FCE0]  }
0x42e: {  	v6 =	vmul.f32 v26, v63;
	v26 =	vld [tilespmem:$0x1FD10]  }
0x42f: {  	v63 =	vld [tilespmem:$0x1FE60]  }
0x430: {  	v51 =	vadd.f32 v51, v3;
	v55, _, _ =	vpop (xrf2)  }
0x431: {  	(xrf2) =	vadd.scan.msk.f32 $0xffff, v0;
	v0, _, _ =	vpop (xrf2)  }
0x432: {  	v19 =	vmul.f32 v19, v25;
	v7 =	vmul.f32 v7, v10;
	v59, _, _ =	vpop (xrf2)  }
0x433: {  	v38 =	vmul.f32 v38, v36;
	v10, _, _ =	vpop (xrf2);
	v3 =	vmul.f32 v9, v26  }
0x434: {  	v25 =	vld [tilespmem:$0x1FCC0];
	v26 =	vadd.f32 v42, v51;
	v42 =	vadd.f32 v58, v57;
	v51, _, _ =	vpop (xrf2);
	v9 =	vmul.f32 v61, v63  }
0x435: {  	v36 =	vld [tilespmem:$0x1FB60];
	v6 =	vadd.f32 v7, v6;
	v57 =	vmul.f32 v11, v17;
	v63 =	vbroadcast v51, $0xF  }
0x436: {  	v7, _, _ =	vpop (xrf2);
	v51 =	vld [tilespmem:$0x1FEC0];
	v42 =	vadd.f32 v56, v42;
	v56 =	vbroadcast v59, $0xF;
	v59 =	vbroadcast v50, $0xF  }
0x437: {  	v61, _, _ =	vpop (xrf2);
	v50 =	vmul.f32 v12, v13;
	v12 =	vbroadcast v43, $0xF;
	v43 =	vld [tilespmem:$0x1FF30]  }
0x438: {  	v13 =	vbroadcast v44, $0xF;
	v44 =	vbroadcast v41, $0xF;
	v41 =	vld [tilespmem:$0x1FF60];
	v11, _, _ =	vpop (xrf2)  }
0x439: {  	v6 =	vadd.f32 v9, v6;
	v17 =	vbroadcast v11, $0xF;
	v11 =	vld [tilespmem:$0x1FF50]  }
0x43a: {  	v9 =	vbroadcast v61, $0xF;
	v21 =	vadd.f32 v21, v42;
	v42 =	vld [tilespmem:$0x1FFE0]  }
0x43b: {  	v1 =	vadd.f32 v45, v1;
	v7 =	vbroadcast v7, $0xF;
	v61, _, _ =	vpop (xrf2);
	v6 =	vadd.f32 v52, v6;
	v52 =	vld [tilespmem:$0x1FB20]  }
0x43c: {  	v45 =	vsel vm0, v63, v9;
	v63 =	vbroadcast v61, $0xF;
	v9 =	vld [tilespmem:$0x1FF20];
	v61 =	vbroadcast v37, $0xF  }
0x43d: {  	v37 =	vbroadcast v34, $0xF;
	v34 =	vmul.f32 v24, v33;
	v24 =	vld [tilespmem:$0x1FB10]  }
0x43e: {  	v55 =	vbroadcast v55, $0xF;
	v10 =	vbroadcast v10, $0xF;
	v7 =	vsel vm0, v7, v17;
	v17 =	vld [tilespmem:$0x1FEB0]  }
0x43f: {  	v0 =	vbroadcast v0, $0xF;
	v56 =	vsel vm1, v45, v56;
	v45 =	vld [tilespmem:$0x1FC10]  }
0x440: {  	v15 =	vbroadcast v15, $0xF;
	v7 =	vsel vm1, v7, v10;
	v58 =	vsel vm2, v56, v55;
	v55 =	vld [tilespmem:$0x1FF40]  }
0x441: {  	v0 =	vsel vm2, v7, v0;
	v10 =	vsel vm3, v58, v59;
	v58 =	vbroadcast v35, $0xF;
	v59 =	vld [tilespmem:$0x1FE70]  }
0x442: {  	v35 =	vbroadcast v29, $0xF;
	v29 =	vld [tilespmem:$0x1FE90];
	v0 =	vsel vm3, v0, v63;
	v63 =	vbroadcast v32, $0xF  }
0x443: {  	v10 =	vsel vm4, v10, v15;
	v32 =	vbroadcast v40, $0xF;
	v40 =	vmul.f32 v20, v53;
	v53 =	vld [tilespmem:$0x1FF90]  }
0x444: {  	v7 =	vsel vm5, v10, v12;
	v5 =	vmul.f32 v17, v43;
	v43 =	vld [tilespmem:$0x1FF70]  }
0x445: {  	v2 =	vbroadcast v2, $0xF;
	v7 =	vsel vm6, v7, v44;
	v44 =	vld [tilespmem:$0x1FFF0]  }
0x446: {  	v0 =	vsel vm4, v0, v13;
	(xrf2) =	vadd.scan.msk.f32 $0xffff, v45;
	v45 =	vld [tilespmem:$0x1FFB0]  }
0x447: {  	v0 =	vsel vm5, v0, v2;
	v56 =	vmul.f32 v51, v55;
	v51 =	vld [tilespmem:$0x1FFC0]  }
0x448: {  	v14 =	vmul.f32 v14, v22;
	v60 =	vmovc v4;
	v4 =	vmul.f32 v9, v11;
	v0 =	vsel vm6, v0, v58;
	v55 =	vld [tilespmem:$0x1FFA0]  }
0x449: {  	v7 =	vsel vm7, v7, v61;
	(xrf2) =	vadd.scan.msk.f32 $0xffff, v25;
	v25 =	vld [tilespmem:$0x1FB50];
	v10 =	vmul.f32 v59, v39;
	v0 =	vsel vm7, v0, v32  }
0x44a: {  	v2 =	vsel vm8, v7, v63;
	v39 =	vbroadcast v31, $0xF;
	v7 =	vmul.f32 v41, v27;
	v32 =	vld [tilespmem:$0x1FFD0]  }
0x44b: {  	v41 =	vmul.f32 v62, v48;
	v48 =	vld [tilespmem:$0x1FD20];
	v0 =	vsel vm8, v0, v37;
	v2 =	vsel vm9, v2, v35  }
0x44c: {  	v5 =	vadd.f32 v56, v5;
	v56 =	vld [tilespmem:$0x1FE50];
	v0 =	vsel vm9, v0, v39;
	v2 =	vsel vm10, v2, v18  }
0x44d: {  	v14 =	vadd.f32 v19, v14;
	v35 =	vld [tilespmem:$0x1F490];
	v0 =	vsel vm10, v0, v54;
	v2 =	vsel vm11, v2, v42  }
0x44e: {  	v9 =	vmul.f32 v43, v30;
	v4 =	vadd.f32 v4, v5;
	v0 =	vsel vm11, v0, v44;
	v44 =	vld [tilespmem:$0x1FEA0]  }
0x44f: {  	v30 =	vmul.f32 v16, v23;
	v2 =	vsel vm12, v2, v45;
	v0 =	vsel vm12, v0, v51;
	v51 =	vld [tilespmem:$0x1FEF0]  }
0x450: {  	v2 =	vsel vm13, v2, v53;
	v54 =	vadd.f32 v9, v7;
	v4 =	vadd.f32 v57, v4;
	v53 =	vld [tilespmem:$0x1FB40]  }
0x451: {  	v39 =	vadd.f32 v30, v14;
	v57 =	vld [tilespmem:$0x1FBE0];
	v0 =	vsel vm13, v0, v55;
	v2 =	vsel vm14, v2, v56;
	v58, _, _ =	vpop (xrf2)  }
0x452: {  	(xrf2) =	vadd.scan.msk.f32 $0xffff, v29;
	v30 =	vld [tilespmem:$0x1FD60];
	v59 =	vshra.s32 v2, $0x1;
	v9 =	vmul.f32 $5.000000000e-01, v2;
	v0 =	vsel vm14, v0, v58  }
0x453: {  	(xrf2) =	vadd.scan.msk.f32 $0xffff, v32;
	v32 =	vld [tilespmem:$0x1FB70];
	v7 =	vsub.s32 $0x5F3759DF, v59;
	v61 =	vshra.s32 v0, $0x1;
	v13 =	vmul.f32 $5.000000000e-01, v0  }
0x454: {  	v5 =	vadd.f32 v40, v54;
	v40 =	vld [tilespmem:$0x1FE80];
	v63 =	vmul.f32 v7, v9;
	v11 =	vsub.s32 $0x5F3759DF, v61  }
0x455: {  	v55 =	vld [tilespmem:$0x1FD70];
	v22 =	vmul.f32 v11, v13  }
0x456: {  	v8 =	vmul.f32 v28, v8;
	v56 =	vld [tilespmem:$0x1FB90];
	v27 =	vmul.f32 v7, v63  }
0x457: {  	v18 =	vmul.f32 v60, v35;
	v60 =	vld [tilespmem:$0x1FBD0];
	v31 =	vmul.f32 v11, v22  }
0x458: {  	v37 =	vadd.f32 v8, v34;
	(xrf2) =	vadd.scan.msk.f32 $0xffff, v26;
	v26 =	vld [tilespmem:$0x1FC00];
	v12 =	vsub.f32 $1.500000000e+00, v27  }
0x459: {  	v14 =	vmul.f32 v40, v47;
	v47 =	vld [tilespmem:$0x1FCF0];
	v16 =	vsub.f32 $1.500000000e+00, v31  }
0x45a: {  	v35 =	vld [tilespmem:$0x1FB80];
	(xrf2) =	vadd.scan.msk.f32 $0xffff, v1;
	v1 =	vadd.f32 v38, v37;
	v43 =	vadd.f32 v18, v39;
	v7 =	vmul.f32 v7, v12  }
0x45b: {  	v54 =	vld [tilespmem:$0x1FD00];
	(xrf2) =	vadd.scan.msk.f32 $0xffff, v21;
	v10 =	vadd.f32 v14, v10;
	v12 =	vmul.f32 v44, v46;
	v11 =	vmul.f32 v11, v16  }
0x45c: {  	v59 =	vld [tilespmem:$0x1FDC0];
	v5 =	vadd.f32 v50, v5;
	(xrf2) =	vadd.scan.msk.f32 $0xffff, v6;
	v1 =	vadd.f32 v41, v1;
	v42 =	vmul.f32 v7, v9  }
0x45d: {  	v58 =	vld [tilespmem:$0x1FD30];
	(xrf2) =	vadd.scan.msk.f32 $0xffff, v4;
	v50 =	vadd.f32 v12, v10;
	v10 =	vmul.f32 v51, v49;
	v45 =	vmul.f32 v11, v13  }
0x45e: {  	(xrf2) =	vadd.scan.msk.f32 $0xffff, v5;
	v61 =	vld [tilespmem:$0x1FC20];
	v4 =	vmul.f32 v47, v48;
	v46 =	vmul.f32 v42, v7  }
0x45f: {  	v38 =	vld [tilespmem:$0x1FBB0];
	(xrf2) =	vadd.scan.msk.f32 $0xffff, v43;
	v14 =	vmul.f32 v56, v57;
	v5 =	vmul.f32 v45, v11  }
0x460: {  	(xrf2) =	vadd.scan.msk.f32 $0xffff, v1;
	v1, _, _ =	vpop (xrf2);
	v27 =	vld [tilespmem:$0x1FC50];
	v3 =	vadd.f32 v4, v3;
	v4 =	vmul.f32 v54, v55;
	v6 =	vsub.f32 $1.500000000e+00, v46  }
0x461: {  	v31 =	vld [tilespmem:$0x1FB30];
	v12 =	vmul.f32 v52, v53;
	v8 =	vadd.f32 v10, v50;
	v10, _, _ =	vpop (xrf2);
	v5 =	vsub.f32 $1.500000000e+00, v5  }
0x462: {  	v39 =	vld [tilespmem:$0x1FBF0];
	v3 =	vadd.f32 v4, v3;
	v4 =	vmul.f32 v58, v59;
	v6 =	vmul.f32 v6, v7;
	v7, _, _ =	vpop (xrf2)  }
0x463: {  	v15 =	vmul.f32 v60, v61;
	v12 =	vadd.f32 v14, v12;
	(xrf2) =	vadd.scan.msk.f32 $0xffff, v8;
	v46 =	vld [tilespmem:$0x1FBC0];
	v62, _, _ =	vpop (xrf2);
	v5 =	vmul.f32 v5, v11  }
0x464: {  	v45 =	vld [tilespmem:$0x1FB00];
	v3 =	vadd.f32 v4, v3;
	v4 =	vmul.f32 v24, v25;
	v63, _, _ =	vpop (xrf2);
	v9 =	vmul.f32 v6, v9  }
0x465: {  	v12 =	vadd.f32 v15, v12;
	v11 =	vmul.f32 v26, v27;
	v28, _, _ =	vpop (xrf2);
	v13 =	vmul.f32 v5, v13  }
0x466: {  	v17 =	vmul.f32 v31, v32;
	v4 =	vadd.f32 v4, v30;
	(xrf2) =	vadd.scan.msk.f32 $0xffff, v3;
	v29, _, _ =	vpop (xrf2);
	v9 =	vmul.f32 v9, v6  }
0x467: {  	v43 =	vld [tilespmem:$0x1FBA0];
	v19 =	vadd.f32 v39, v38;
	v33, _, _ =	vpop (xrf2);
	v11 =	vadd.f32 v11, v12;
	v13 =	vmul.f32 v13, v5  }
0x468: {  	v4 =	vadd.f32 v17, v4;
	v17 =	vmul.f32 v36, v35;
	v34, _, _ =	vpop (xrf2);
	v9 =	vsub.f32 $1.500000000e+00, v9  }
0x469: {  	v12 =	vmul.f32 v45, v46;
	v51 =	vbroadcast v29, $0xF;
	v37, _, _ =	vpop (xrf2);
	(xrf2) =	vadd.scan.msk.f32 $0xffff, v11;
	v40 =	vsub.f32 $1.500000000e+00, v13  }
0x46a: {  	v4 =	vadd.f32 v17, v4;
	v6 =	vmul.f32 v9, v6;
	v41, _, _ =	vpop (xrf2);
	v42 =	vbroadcast v37, $0xF  }
0x46b: {  	v9 =	vbroadcast v41, $0xF;
	v5 =	vmul.f32 v40, v5  }
0x46c: {  	v17 =	vadd.f32 v43, v19;
	v3 =	vbroadcast v33, $0xF;
	v44 =	vbroadcast v34, $0xF;
	(xrf2) =	vadd.scan.msk.f32 $0xffff, v4  }
0x46d: {  	v48, _, _ =	vpop (xrf2);
	v2 =	vmul.f32 v6, v2;
	v47 =	vsel vm0, v42, v9;
	v0 =	vmul.f32 v5, v0  }
0x46e: {  	v49 =	vadd.f32 v12, v17;
	v50 =	vbroadcast v48, $0xF;
	v4 =	vsel vm1, v47, v44  }
0x46f: {  	v2 =	vmax.f32 v2, $9.999999930e-09;
	v3 =	vsel vm2, v4, v3;
	v0 =	vmax.f32 v0, $9.999999930e-09  }
0x470: {  	v52 =	vbroadcast v28, $0xF;
	(xrf2) =	vadd.scan.msk.f32 $0xffff, v49;
	v53, _, _ =	vpop (xrf2);
	v3 =	vsel vm3, v3, v50;
	v0 =	vmul.f32 v2, v0  }
0x471: {  	v4 =	vbroadcast v53, $0xF;
	v3 =	vsel vm4, v3, v51  }
0x472: {  	v54 =	vbroadcast v63, $0xF;
	v2 =	vsel vm5, v3, v52;
	(erf) = vrcp.f32 v0  }
0x473: {  	v55 =	vbroadcast v62, $0xF;
	v2 =	vsel vm6, v2, v4;
	v56, _, _ =	vpop (xrf2)  }
0x474: {  	v0 =	vsel vm7, v2, v54;
	v57 =	vbroadcast v56, $0xF  }
0x475: {  	v58 =	vbroadcast v7, $0xF;
	v0 =	vsel vm8, v0, v55  }
0x476: {  	v59 =	vbroadcast v10, $0xF;
	v60, _, _ =	vpop (xrf2);
	v0 =	vsel vm9, v0, v57  }
0x477: {  	v61 =	vbroadcast v60, $0xF;
	v0 =	vsel vm10, v0, v58  }
0x478: {  	v1 =	vbroadcast v1, $0xF;
	v0 =	vsel vm11, v0, v59  }
0x479: {  	v0 =	vsel vm12, v0, v61  }
0x47a: {  	v62, _, _ =	vpop (xrf2);
	v0 =	vsel vm13, v0, v1  }
0x47b: {  	v0 =	vsel vm14, v0, v62;
	v63 =	vpop (erf)  }
0x47c: {  	s17 =	sadd.s32 $0x1, s17;
	v0 =	vmul.f32 v63, v0  }
0x47d: {  	p0 =	sne.s32 s17, $0x4  }
.Ltmp2:
0x47e: {  	v0 =	vmul.f32 $5.000000000e-01, v0;
	(pc) =	sbr.rel @p0 .LBB2_2-.Ltmp2, $4  }
0x47f: {  	_ = 	snop  }
0x480: {  	v0 =	vadd.f32 $5.000000000e-01, v0  }
0x481: {  	s0 =	sadd.s32 $0x10, s18  }
0x482: {  	s14 =	sadd.s32 $0x80, s14;
	s16 =	sadd.s32 $0x80, s16;
	s15 =	sadd.s32 $0x80, s15;
	[tilespmem:s0+$0x0] =	vst v0  }
0x483: {  	s0 =	rddreg [dreg:$0x7];
	s1 =	simm.s32 $0x8400  }
0x484: {  	[hbm4b:s0+s2] =	stream.linear.scatter [tilespmem:s1], [sflag:$0x2], $0x200, $0x38;
	[tilespmem:$0x8600] =	vst v63  }
0x485: {  	s1 =	simm.s32 $0x2  }
0x486: {  	_ =	swait.ge [sflag:s1], $0x200  }
0x487: {  	s4 =	rddreg [dreg:$0x9]  }
0x488: {  	s31 =	rddreg [dreg:$0x8];
	s4 =	sadd.s32 $0x1, s4  }
0x489: {  	p0 =	sne.s32 s4, s31  }
.Ltmp3:
0x48a: {  	_ = 	snop;
	(pc) =	sbr.rel @p0 .LBB2_1-.Ltmp3, $3  }
0x48b: {  	_ =	sdelay $0x1  }
0x48c: {  	[sflag:s1] =	ssyncset.done $0x0  }
0x48d: {  	[sflag:s1] =	ssyncadd.s32 $0xFFFFFE00  }
0x48e: {  	_ =	sfence.sel $0x180000  }
0x48f: {  	[bflag:$0x0] =	sbarrier.arrive $0xFFFF  }
0x490: {  	_ =	strace $0x90000047  }
0x491: {  	s0 =	stileid.u32;
	[bflag:$0x2] =	sbarrier.arrive $0xFFFF  }
0x492: {  	p0 =	sne.s32 s0, $0x0;
	s0 =	rddreg [dreg:$0x4]  }
0x493: {  	s0 =	sadd.s32 @!p0 $0x100000, s0  }
0x494: {  	[sflag:s0] =	ssyncadd.tile.s32 @!p0 $0x1;
	_ =	shalt  }
.Lfunc_end2:
_tile_overlayer_lowered:
.L_overlay_start_2:
0x495: {  	(tag) =	ssettag $0x2  }
0x496: {  	s0 =	rddreg [dreg:$0x0];
	s2 =	stileid.u32  }
0x497: {  	s1 =	rddreg [dreg:$0x1];
	p0 =	sne.s32 s2, $0x0  }
0x498: {  	s3 =	rddreg [dreg:$0x2];
	[bflag:$0x3] =	sbarrier.arrive $0xFFFF;
	s2 =	simm.s32 @!p0 $0x1C02  }
0x499: {  	[timem:s3], [sflag:s2] =	dma.local @!p0 [hbm:s0], s1  }
0x49a: {  	s0 =	simm.s32 @!p0 $0x2  }
0x49b: {  	_ =	swait.ge @!p0 [sflag:s0], s1  }
0x49c: {  	s1 =	ssub.s32 @!p0 $0x0, s1;
	[sflag:s0] =	ssyncset.done @!p0 $0x0  }
0x49d: {  	[sflag:s0] =	ssyncadd.s32 @!p0 s1  }
0x49e: {  	[bflag:$0x3] =	sbarrier.arrive $0xFFFF  }
0x49f: {  	_ =	shalt  }

</sc_bundles>
